<compile_context>
chip_gen: v7x
topology: tpu7x:2x2x1
jax: 0.10.2.dev20260603
libtpu: 0.0.44.dev20260713+nightly
codegen_flags: <defaults>
</compile_context>

<pallas_src>
import functools
import jax
import jax.numpy as jnp
from jax import lax
from jax.experimental import pallas as pl
from jax.experimental.pallas import tpu as pltpu
from jax.experimental.pallas import tpu_sc as plsc

B_ = 16
PER_ = 625
NP_ = 640
N_ = B_ * PER_


def _row_valid(shape):
    return lax.broadcasted_iota(jnp.int32, shape, 0) < PER_


def _bcast_col(col, n):
    ones = jnp.ones((n, 1), jnp.float32)
    return lax.dot_general(col, ones, (((1,), (1,)), ((), ())),
                           preferred_element_type=jnp.float32)


def _bcast_row(col, n):
    ones = jnp.ones((n, 1), jnp.float32)
    return lax.dot_general(ones, col, (((1,), (1,)), ((), ())),
                           preferred_element_type=jnp.float32)


def _eye():
    n = NP_
    ri = lax.broadcasted_iota(jnp.int32, (n, n), 0)
    ci = lax.broadcasted_iota(jnp.int32, (n, n), 1)
    return jnp.where((ri == ci) & (ri < PER_), 1.0, 0.0)


def _attention_out(h, als, ald, C, ones_col):
    n = NP_
    M = _bcast_col(als, n) + _bcast_row(ald, n)
    M = jnp.maximum(M, 0.2 * M)
    W = C * jnp.exp(M)
    out_raw = lax.dot_general(W, h, (((0,), (0,)), ((), ())),
                              preferred_element_type=jnp.float32)
    den = lax.dot_general(W, ones_col, (((0,), (0,)), ((), ())),
                          preferred_element_type=jnp.float32)
    return out_raw * (1.0 / (den + 1e-16))


def _masked_stats(o):
    om = jnp.where(_row_valid(o.shape), o, 0.0)
    s1 = jnp.sum(om, axis=0, keepdims=True)
    s2 = jnp.sum(om * om, axis=0, keepdims=True)
    z = jnp.zeros((6, o.shape[1]), jnp.float32)
    return jnp.concatenate([s1, s2, z], axis=0)



def _k1_body(x_ref, adj_ref, w1_ref, as1_ref, ad1_ref, b1_ref,
             out_ref, st_ref):
    x = x_ref[0]
    C = adj_ref[0]
    h = jnp.dot(x, w1_ref[...], preferred_element_type=jnp.float32)
    hs = h * as1_ref[...]
    hd = h * ad1_ref[...]
    ones_col = jnp.ones((NP_, 1), jnp.float32)
    for k in range(4):
        sl = slice(k * 128, (k + 1) * 128)
        als = jnp.sum(hs[:, sl], axis=1, keepdims=True)
        ald = jnp.sum(hd[:, sl], axis=1, keepdims=True)
        out_ref[0, :, sl] = (_attention_out(h[:, sl], als, ald, C, ones_col)
                             + b1_ref[:, sl])
    st_ref[0] = _masked_stats(out_ref[0])



def _bn_gat_body(o_ref, st_ref, g_ref, b_ref, w_ref, adj_ref,
                 asv_ref, adv_ref, bias_ref, out_ref, sto_ref, *, nvalid):
    st = st_ref[...]
    s1 = jnp.sum(st[:, 0, :], axis=0, keepdims=True)
    s2 = jnp.sum(st[:, 1, :], axis=0, keepdims=True)
    mean = s1 / nvalid
    var = s2 / nvalid - mean * mean
    scale = g_ref[...] / jnp.sqrt(var + 1e-5)
    shift = b_ref[...] - mean * scale
    hb = jnp.maximum(o_ref[0] * scale + shift, 0.0)
    h = jnp.dot(hb, w_ref[...], preferred_element_type=jnp.float32)
    als = jnp.sum(h * asv_ref[...], axis=1, keepdims=True)
    ald = jnp.sum(h * adv_ref[...], axis=1, keepdims=True)
    C = adj_ref[0]
    ones_col = jnp.ones((NP_, 1), jnp.float32)
    out = _attention_out(h, als, ald, C, ones_col) + bias_ref[...]
    out_ref[0] = out
    sto_ref[0] = _masked_stats(out)



def _k6_body(o_ref, st_ref, g_ref, b_ref, adj_ref,
             wa1_ref, ba1_ref, wa2_ref, ba2_ref,
             we1_ref, bwe1_ref, we2_ref, bwe2_ref, p_ref, *, nvalid):
    st = st_ref[...]
    s1 = jnp.sum(st[:, 0, :], axis=0, keepdims=True)
    s2 = jnp.sum(st[:, 1, :], axis=0, keepdims=True)
    mean = s1 / nvalid
    var = s2 / nvalid - mean * mean
    scale = g_ref[...] / jnp.sqrt(var + 1e-5)
    shift = b_ref[...] - mean * scale
    xd = jnp.maximum(o_ref[0] * scale + shift, 0.0)
    rv = _row_valid((NP_, 1))
    xd = jnp.where(rv, xd, 0.0)

    sp = jnp.dot(jnp.maximum(jnp.dot(xd, wa1_ref[...],
                                     preferred_element_type=jnp.float32)
                             + ba1_ref[...], 0.0),
                 wa2_ref[...], preferred_element_type=jnp.float32) + ba2_ref[...]
    cmask = lax.broadcasted_iota(jnp.int32, sp.shape, 1) < 25
    spm = jnp.where(cmask, sp, -1e30)
    mx = jnp.max(spm, axis=1, keepdims=True)
    ex = jnp.where(cmask, jnp.exp(sp - mx), 0.0)
    den = jnp.sum(ex, axis=1, keepdims=True)
    s = ex / den
    s = jnp.where(rv, s, 0.0)

    z = jnp.dot(jnp.maximum(jnp.dot(xd, we1_ref[...],
                                    preferred_element_type=jnp.float32)
                            + bwe1_ref[...], 0.0),
                we2_ref[...], preferred_element_type=jnp.float32) + bwe2_ref[...]
    z = jnp.where(rv, z, 0.0)
    xg = jnp.sum(z, axis=0, keepdims=True)

    ssT = lax.dot_general(s, s, (((1,), (1,)), ((), ())),
                          preferred_element_type=jnp.float32)
    link = (adj_ref[0] - _eye()) - ssT
    ls = jnp.sum(jnp.sum(link * link, axis=0, keepdims=True),
                 axis=1, keepdims=True)
    ent = jnp.sum(jnp.sum(-s * jnp.log(s + 1e-15), axis=0, keepdims=True),
                  axis=1, keepdims=True)
    zpad = jnp.zeros((1, 127), jnp.float32)
    p_ref[0, 0:1, :] = xg
    p_ref[0, 1:2, :] = jnp.concatenate([ls, zpad], axis=1)
    p_ref[0, 2:3, :] = jnp.concatenate([ent, zpad], axis=1)
    p_ref[0, 3:8, :] = jnp.zeros((5, 128), jnp.float32)



def _k7_body(p_ref, wl1_ref, bl1_ref, wl2_ref, bl2_ref, out_ref, loss_ref):
    p = p_ref[...]
    xg = p[:, 0, :]
    xh = jnp.maximum(jnp.dot(xg, wl1_ref[...],
                             preferred_element_type=jnp.float32)
                     + bl1_ref[...], 0.0)
    out_ref[...] = jnp.dot(xh, wl2_ref[...],
                           preferred_element_type=jnp.float32) + bl2_ref[...]
    lt = jnp.sum(p[:, 1, :])
    et = jnp.sum(p[:, 2, :])
    link_loss = jnp.sqrt(lt) / (B_ * PER_ * PER_)
    ent_loss = et / N_
    col = lax.broadcasted_iota(jnp.int32, (1, 128), 1)
    loss_ref[...] = jnp.where(col == 0, link_loss,
                              jnp.where(col == 1, ent_loss, 0.0))


def _full(shape):
    nd = len(shape)
    return pl.BlockSpec(shape, lambda b, _n=nd: (0,) * _n)


def _per_b(shape):
    nd = len(shape)
    return pl.BlockSpec((1,) + shape, lambda b, _n=nd: (b,) + (0,) * _n)



E_ = 160000
EC_ = E_ // 16
ROWS_ = 80
GPP_ = 2
NPASS_ = B_ // (2 * GPP_)
SLABW_ = GPP_ * NP_ * NP_
TRASH_ = 2048
SHW_ = SLABW_ + TRASH_
ZSTRIPE_ = SHW_ // 16
ZCH_ = ZSTRIPE_ // 8
RSTRIPE_ = SLABW_ // 16


def _adj_body(srch, dsth, out, srcv, dstv, idx2d, idxd, onesv, zbuf, shared):
    c = lax.axis_index("c")
    s = lax.axis_index("s")
    i16 = lax.broadcasted_iota(jnp.int32, (16,), 0)

    for t in range(8):
        onesv[pl.ds(t * 16, 16)] = jnp.full((16,), 1.0, jnp.float32)

    def zfill(i, _):
        zbuf[pl.ds(i * 16, 16)] = jnp.zeros((16,), jnp.float32)
        return _
    lax.fori_loop(0, ZCH_ // 16, zfill, None)

    s40_v = jnp.full((16,), 1, jnp.int32) * (s * 40)
    for gl in range(GPP_):
        for t in range(8):
            j = t * 16 + i16
            i = s40_v + j
            okd = (j < 40) & (i < PER_)
            idx = gl * (NP_ * NP_) + i * (NP_ + 1)
            trd = SLABW_ + ((j + gl * 128) & (TRASH_ - 1))
            idxd[gl, pl.ds(t * 16, 16)] = jnp.where(okd, idx, trd)

    pltpu.sync_copy(srch.at[pl.ds(s * EC_, EC_)], srcv.at[pl.ds(0, EC_)])
    pltpu.sync_copy(dsth.at[pl.ds(s * EC_, EC_)], dstv.at[pl.ds(0, EC_)])

    for p in range(NPASS_):
        glo = p * 2 * GPP_ + c * GPP_
        glo_v = jnp.full((16,), 1, jnp.int32) * glo

        def zero(k, _):
            pltpu.sync_copy(zbuf, shared.at[pl.ds(s * ZSTRIPE_ + k * ZCH_,
                                                  ZCH_)])
            return _
        lax.fori_loop(0, 8, zero, None)
        plsc.subcore_barrier()

        def mkrow(j, basev):
            for t in range(8):
                pos0 = j * 128 + t * 16
                sv = srcv[pl.ds(pos0, 16)]
                dv = dstv[pl.ds(pos0, 16)]
                g = lax.shift_right_logical(sv * 6711, 22)
                fl = ((sv - g * PER_) * NP_ + (dv - g * PER_)
                      + (g - glo_v) * (NP_ * NP_))
                pos = basev + (t * 16) + i16
                ok = (g >= glo_v) & (g < glo_v + GPP_) & (pos < EC_)
                tr = SLABW_ + (pos & (TRASH_ - 1))
                idx2d[j, pl.ds(t * 16, 16)] = jnp.where(ok, fl, tr)
            return basev + 128
        lax.fori_loop(0, ROWS_, mkrow, jnp.zeros((16,), jnp.int32))

        def scat(j, _):
            pltpu.sync_copy(onesv, shared.at[idx2d.at[j]], add=True)
            return _
        lax.fori_loop(0, ROWS_, scat, None)
        for gl in range(GPP_):
            pltpu.sync_copy(onesv, shared.at[idxd.at[gl]], add=True)
        plsc.subcore_barrier()

        pltpu.sync_copy(
            shared.at[pl.ds(s * RSTRIPE_, RSTRIPE_)],
            out.at[pl.ds((p * 2 + c) * SLABW_ + s * RSTRIPE_, RSTRIPE_)])
        plsc.subcore_barrier()


_adj_call = pl.kernel(
    _adj_body,
    out_type=jax.ShapeDtypeStruct((B_ * NP_ * NP_,), jnp.float32),
    mesh=plsc.VectorSubcoreMesh(core_axis_name="c", subcore_axis_name="s"),
    scratch_types=[
        pltpu.VMEM((ROWS_ * 128,), jnp.int32),
        pltpu.VMEM((ROWS_ * 128,), jnp.int32),
        pltpu.VMEM((ROWS_, 128), jnp.int32),
        pltpu.VMEM((GPP_, 128), jnp.int32),
        pltpu.VMEM((128,), jnp.float32),
        pltpu.VMEM((ZCH_,), jnp.float32),
        pltpu.VMEM_SHARED((SHW_,), jnp.float32),
    ],
)


def _build_adj(edge_index):
    return _adj_call(edge_index[0], edge_index[1]).reshape(B_, NP_, NP_)


@jax.jit
def kernel(x, edge_index, batch, edge_attr, params):
    p = params
    adj = _build_adj(edge_index)

    xp = jnp.pad(x.reshape(B_, PER_, 4), ((0, 0), (0, NP_ - PER_), (0, 0)))

    row = lambda v: v.reshape(1, -1)
    f32 = jnp.float32

    out1, st1 = pl.pallas_call(
        _k1_body,
        grid=(B_,),
        in_specs=[_per_b((NP_, 4)), _per_b((NP_, NP_)), _full((4, 512)),
                  _full((1, 512)), _full((1, 512)), _full((1, 512))],
        out_specs=[_per_b((NP_, 512)), _per_b((8, 512))],
        out_shape=[jax.ShapeDtypeStruct((B_, NP_, 512), f32),
                   jax.ShapeDtypeStruct((B_, 8, 512), f32)],
    )(xp, adj, p['W1'], row(p['as1'].reshape(-1)), row(p['ad1'].reshape(-1)),
      row(p['b1']))

    out2, st2 = pl.pallas_call(
        functools.partial(_bn_gat_body, nvalid=float(N_)),
        grid=(B_,),
        in_specs=[_per_b((NP_, 512)), _full((B_, 8, 512)), _full((1, 512)),
                  _full((1, 512)), _full((512, 256)), _per_b((NP_, NP_)),
                  _full((1, 256)), _full((1, 256)), _full((1, 256))],
        out_specs=[_per_b((NP_, 256)), _per_b((8, 256))],
        out_shape=[jax.ShapeDtypeStruct((B_, NP_, 256), f32),
                   jax.ShapeDtypeStruct((B_, 8, 256), f32)],
    )(out1, st1, row(p['bn1_g']), row(p['bn1_b']), p['W2'], adj,
      row(p['as2'].reshape(-1)), row(p['ad2'].reshape(-1)), row(p['b2']))

    out3, st3 = pl.pallas_call(
        functools.partial(_bn_gat_body, nvalid=float(N_)),
        grid=(B_,),
        in_specs=[_per_b((NP_, 256)), _full((B_, 8, 256)), _full((1, 256)),
                  _full((1, 256)), _full((256, 256)), _per_b((NP_, NP_)),
                  _full((1, 256)), _full((1, 256)), _full((1, 256))],
        out_specs=[_per_b((NP_, 256)), _per_b((8, 256))],
        out_shape=[jax.ShapeDtypeStruct((B_, NP_, 256), f32),
                   jax.ShapeDtypeStruct((B_, 8, 256), f32)],
    )(out2, st2, row(p['bn2_g']), row(p['bn2_b']), p['W3'], adj,
      row(p['as3'].reshape(-1)), row(p['ad3'].reshape(-1)), row(p['b3']))

    wa2 = jnp.pad(p['Wa2'], ((0, 0), (0, 128 - 25)))
    ba2 = jnp.pad(p['ba2'], (0, 128 - 25))

    partials = pl.pallas_call(
        functools.partial(_k6_body, nvalid=float(N_)),
        grid=(B_,),
        in_specs=[_per_b((NP_, 256)), _full((B_, 8, 256)), _full((1, 256)),
                  _full((1, 256)), _per_b((NP_, NP_)),
                  _full((256, 128)), _full((1, 128)), _full((128, 128)),
                  _full((1, 128)),
                  _full((256, 128)), _full((1, 128)), _full((128, 128)),
                  _full((1, 128))],
        out_specs=[_per_b((8, 128))],
        out_shape=[jax.ShapeDtypeStruct((B_, 8, 128), f32)],
    )(out3, st3, row(p['bn3_g']), row(p['bn3_b']), adj,
      p['Wa1'], row(p['ba1']), wa2, row(ba2),
      p['We1'], row(p['bwe1']), p['We2'], row(p['bwe2']))[0]

    out, losses = pl.pallas_call(
        _k7_body,
        grid=(1,),
        in_specs=[_full((B_, 8, 128)), _full((128, 64)), _full((1, 64)),
                  _full((64, 10)), _full((1, 10))],
        out_specs=[_full((B_, 10)), _full((1, 128))],
        out_shape=[jax.ShapeDtypeStruct((B_, 10), f32),
                   jax.ShapeDtypeStruct((1, 128), f32)],
    )(partials, p['Wl1'], row(p['bl1']), p['Wl2'], row(p['bl2']))

    return out, losses[0, 0], losses[0, 1]

# --- scband reference (transcript-rebuilt; emitter-appended) ---
"""Pipeline reference for scband-gatsimple-72688026517909 (READ-ONLY COPY).

The authoritative reference and input builder live on the scoring server;
editing this copy changes nothing except your own understanding.
"""

import jax, jax.numpy as jnp
import numpy as np

N = 10000
B = 16
PER = N // B
E = 160000
NUM_CLASSES = 10


def _r(k, shape, s=0.1):
    return jax.random.normal(k, shape, jnp.float32) * s


def segment_softmax(e, seg, num_segments):
    m = jax.ops.segment_max(e, seg, num_segments=num_segments)
    m = jnp.where(jnp.isfinite(m), m, 0.0)
    ex = jnp.exp(e - m[seg])
    den = jax.ops.segment_sum(ex, seg, num_segments=num_segments)
    return ex / (den[seg] + 1e-16)


def gat_conv(x, edge_index, W, a_s, a_d, b, heads, out_ch):
    n = x.shape[0]
    ar = jnp.arange(n, dtype=edge_index.dtype)
    ei = jnp.concatenate([edge_index, jnp.stack([ar, ar])], axis=1)  # add_self_loops=True (PyG default)
    src, dst = ei[0], ei[1]
    h = (x @ W).reshape(n, heads, out_ch)
    als = (h * a_s[None, :, :]).sum(-1)
    ald = (h * a_d[None, :, :]).sum(-1)
    e = jax.nn.leaky_relu(als[src] + ald[dst], 0.2)
    alpha = segment_softmax(e, dst, n)
    out = jax.ops.segment_sum(alpha[:, :, None] * h[src], dst, num_segments=n)
    return out.reshape(n, heads * out_ch) + b


def batch_norm(x, g, b):
    mu = x.mean(0)
    var = x.var(0)
    return g * (x - mu) / jnp.sqrt(var + 1e-5) + b


def forward_fn(x, params, edge_index, batch):
    p = params
    h = gat_conv(x, edge_index, p['W1'], p['as1'], p['ad1'], p['b1'], 4, 128)
    h = jax.nn.relu(batch_norm(h, p['bn1_g'], p['bn1_b']))
    h = gat_conv(h, edge_index, p['W2'], p['as2'], p['ad2'], p['b2'], 1, 256)
    h = jax.nn.relu(batch_norm(h, p['bn2_g'], p['bn2_b']))
    h = gat_conv(h, edge_index, p['W3'], p['as3'], p['ad3'], p['b3'], 1, 256)
    h = jax.nn.relu(batch_norm(h, p['bn3_g'], p['bn3_b']))
    counts = jnp.bincount(batch, length=B)
    max_nodes = PER
    cum = jnp.concatenate([jnp.zeros((1,), counts.dtype), jnp.cumsum(counts)[:-1]])
    pos = jnp.arange(h.shape[0]) - cum[batch]
    x_dense = jnp.zeros((B, max_nodes, h.shape[1]), h.dtype).at[batch, pos].set(h)
    mask = jnp.zeros((B, max_nodes), dtype=bool).at[batch, pos].set(True)
    src, dst = edge_index[0], edge_index[1]
    adj = jnp.zeros((B, max_nodes, max_nodes), h.dtype).at[
        batch[src], src - cum[batch[src]], dst - cum[batch[dst]]].add(1.0)
    s = jax.nn.relu(x_dense @ params['Wa1'] + params['ba1'])
    s = s @ params['Wa2'] + params['ba2']
    z = jax.nn.relu(x_dense @ params['We1'] + params['bwe1'])
    z = z @ params['We2'] + params['bwe2']
    s = jax.nn.softmax(s, axis=-1)
    mf = mask[..., None].astype(h.dtype)
    z = z * mf
    s = s * mf
    x_pool = jnp.einsum('bnc,bnf->bcf', s, z)
    adj_pool = jnp.einsum('bnc,bnm,bmk->bck', s, adj, s)  # returned by dense_diff_pool, unused downstream
    link = adj - jnp.einsum('bnc,bmc->bnm', s, s)
    link_loss = jnp.sqrt(jnp.sum(link * link)) / adj.size
    ent_loss = (-s * jnp.log(s + 1e-15)).sum(-1).mean()
    xg = x_pool.sum(1)
    xg = jax.nn.relu(xg @ params['Wl1'] + params['bl1'])
    out = xg @ params['Wl2'] + params['bl2']
    return out, link_loss, ent_loss


def setup_inputs(seed: int = 0):
    key = jax.random.key(seed)
    ks = jax.random.split(key, 32)
    x = jax.random.normal(ks[0], (N, 4), jnp.float32)
    src = jax.random.randint(ks[1], (E,), 0, N, jnp.int32)
    g = src // PER
    dst = g * PER + jax.random.randint(ks[2], (E,), 0, PER, jnp.int32)
    edge_index = jnp.stack([src, dst])
    batch = (jnp.arange(N) // PER).astype(jnp.int32)
    edge_attr = jax.random.normal(ks[3], (E, 4), jnp.float32)
    params = {
        'W1': _r(ks[4], (4, 512)), 'as1': _r(ks[5], (4, 128)), 'ad1': _r(ks[6], (4, 128)), 'b1': jnp.zeros((512,), jnp.float32),
        'bn1_g': jnp.ones((512,), jnp.float32), 'bn1_b': jnp.zeros((512,), jnp.float32),
        'W2': _r(ks[7], (512, 256)), 'as2': _r(ks[8], (1, 256)), 'ad2': _r(ks[9], (1, 256)), 'b2': jnp.zeros((256,), jnp.float32),
        'bn2_g': jnp.ones((256,), jnp.float32), 'bn2_b': jnp.zeros((256,), jnp.float32),
        'W3': _r(ks[10], (256, 256)), 'as3': _r(ks[11], (1, 256)), 'ad3': _r(ks[12], (1, 256)), 'b3': jnp.zeros((256,), jnp.float32),
        'bn3_g': jnp.ones((256,), jnp.float32), 'bn3_b': jnp.zeros((256,), jnp.float32),
        'Wa1': _r(ks[13], (256, 128)), 'ba1': jnp.zeros((128,), jnp.float32),
        'Wa2': _r(ks[14], (128, 25)), 'ba2': jnp.zeros((25,), jnp.float32),
        'We1': _r(ks[15], (256, 128)), 'bwe1': jnp.zeros((128,), jnp.float32),
        'We2': _r(ks[16], (128, 128)), 'bwe2': jnp.zeros((128,), jnp.float32),
        'Wl1': _r(ks[17], (128, 64)), 'bl1': jnp.zeros((64,), jnp.float32),
        'Wl2': _r(ks[18], (64, NUM_CLASSES)), 'bl2': jnp.zeros((NUM_CLASSES,), jnp.float32),
    }
    return {'x': x, 'edge_index': edge_index, 'batch': batch, 'edge_attr': edge_attr, 'params': params}


def reference(x, edge_index, batch, edge_attr, params):
    # edge_attr is ignored: GATConv(edge_dim=None) does not use edge features
    return forward_fn(x, params, edge_index, batch)

if __name__ == "__main__":
    import jax
    _d = setup_inputs()
    print(jax.jit(kernel)(*tuple(_d.values())))

</pallas_src>

<mosaic_0001>
#map = affine_map<(d0, d1) -> (0)>
module attributes {stable_mosaic.version = 14 : i64} {
  func.func @_adj_body(%arg0: i32, %arg1: i32, %arg2: memref<160000xi32, #tpu.memory_space<hbm>>, %arg3: memref<160000xi32, #tpu.memory_space<hbm>>, %arg4: memref<6553600xf32, #tpu.memory_space<hbm>>, %arg5: memref<10240xi32, #tpu.memory_space<vmem>>, %arg6: memref<10240xi32, #tpu.memory_space<vmem>>, %arg7: memref<80x128xi32, #tpu.memory_space<vmem>>, %arg8: memref<2x128xi32, #tpu.memory_space<vmem>>, %arg9: memref<128xf32, #tpu.memory_space<vmem>>, %arg10: memref<6416xf32, #tpu.memory_space<vmem>>, %arg11: memref<821248xf32, #tpu.memory_space<vmem_shared>>) attributes {dimension_semantics = [#tpu.dimension_semantics<core_parallel>, #tpu.dimension_semantics<subcore_parallel>], iteration_bounds = array<i64: 2, 16>, scalar_prefetch = 0 : i64, scratch_operands = 7 : i64, tpu.core_type = #tpu.core_type<sc_vector_subcore>, window_params = [{transform_indices = #map}, {transform_indices = #map}, {transform_indices = #map}]} {
    %iota3A = tpu.iota {dimensions = array<i32: 0>} : vector<16xi32>
    %broadcast_in_dim3A = arith.constant 1.000000e+00 : f32
    %broadcast_in_dim3A_0 = vector.broadcast %broadcast_in_dim3A : f32 to vector<16xf32>
    %swap3A = arith.constant 0 : index
    %swap3A_1 = tpu.vector_load %arg9[%swap3A] {strides = array<i32>} : memref<128xf32, #tpu.memory_space<vmem>>, vector<16xf32>,
    %swap3A_2 = vector.shape_cast %swap3A_1 : vector<16xf32> to vector<16xf32>
    %swap3A_3 = vector.shape_cast %broadcast_in_dim3A_0 : vector<16xf32> to vector<16xf32>
    tpu.vector_store %arg9[%swap3A], %swap3A_3 {strides = array<i32>} : memref<128xf32, #tpu.memory_space<vmem>>, vector<16xf32>,
    %broadcast_in_dim3A_4 = arith.constant 1.000000e+00 : f32
    %broadcast_in_dim3A_5 = vector.broadcast %broadcast_in_dim3A_4 : f32 to vector<16xf32>
    %swap3A_6 = arith.constant 16 : index
    %swap3A_7 = tpu.vector_load %arg9[%swap3A_6] {strides = array<i32>} : memref<128xf32, #tpu.memory_space<vmem>>, vector<16xf32>,
    %swap3A_8 = vector.shape_cast %swap3A_7 : vector<16xf32> to vector<16xf32>
    %swap3A_9 = vector.shape_cast %broadcast_in_dim3A_5 : vector<16xf32> to vector<16xf32>
    tpu.vector_store %arg9[%swap3A_6], %swap3A_9 {strides = array<i32>} : memref<128xf32, #tpu.memory_space<vmem>>, vector<16xf32>,
    %broadcast_in_dim3A_10 = arith.constant 1.000000e+00 : f32
    %broadcast_in_dim3A_11 = vector.broadcast %broadcast_in_dim3A_10 : f32 to vector<16xf32>
    %swap3A_12 = arith.constant 32 : index
    %swap3A_13 = tpu.vector_load %arg9[%swap3A_12] {strides = array<i32>} : memref<128xf32, #tpu.memory_space<vmem>>, vector<16xf32>,
    %swap3A_14 = vector.shape_cast %swap3A_13 : vector<16xf32> to vector<16xf32>
    %swap3A_15 = vector.shape_cast %broadcast_in_dim3A_11 : vector<16xf32> to vector<16xf32>
    tpu.vector_store %arg9[%swap3A_12], %swap3A_15 {strides = array<i32>} : memref<128xf32, #tpu.memory_space<vmem>>, vector<16xf32>,
    %broadcast_in_dim3A_16 = arith.constant 1.000000e+00 : f32
    %broadcast_in_dim3A_17 = vector.broadcast %broadcast_in_dim3A_16 : f32 to vector<16xf32>
    %swap3A_18 = arith.constant 48 : index
    %swap3A_19 = tpu.vector_load %arg9[%swap3A_18] {strides = array<i32>} : memref<128xf32, #tpu.memory_space<vmem>>, vector<16xf32>,
    %swap3A_20 = vector.shape_cast %swap3A_19 : vector<16xf32> to vector<16xf32>
    %swap3A_21 = vector.shape_cast %broadcast_in_dim3A_17 : vector<16xf32> to vector<16xf32>
    tpu.vector_store %arg9[%swap3A_18], %swap3A_21 {strides = array<i32>} : memref<128xf32, #tpu.memory_space<vmem>>, vector<16xf32>,
    %broadcast_in_dim3A_22 = arith.constant 1.000000e+00 : f32
    %broadcast_in_dim3A_23 = vector.broadcast %broadcast_in_dim3A_22 : f32 to vector<16xf32>
    %swap3A_24 = arith.constant 64 : index
    %swap3A_25 = tpu.vector_load %arg9[%swap3A_24] {strides = array<i32>} : memref<128xf32, #tpu.memory_space<vmem>>, vector<16xf32>,
    %swap3A_26 = vector.shape_cast %swap3A_25 : vector<16xf32> to vector<16xf32>
    %swap3A_27 = vector.shape_cast %broadcast_in_dim3A_23 : vector<16xf32> to vector<16xf32>
    tpu.vector_store %arg9[%swap3A_24], %swap3A_27 {strides = array<i32>} : memref<128xf32, #tpu.memory_space<vmem>>, vector<16xf32>,
    %broadcast_in_dim3A_28 = arith.constant 1.000000e+00 : f32
    %broadcast_in_dim3A_29 = vector.broadcast %broadcast_in_dim3A_28 : f32 to vector<16xf32>
    %swap3A_30 = arith.constant 80 : index
    %swap3A_31 = tpu.vector_load %arg9[%swap3A_30] {strides = array<i32>} : memref<128xf32, #tpu.memory_space<vmem>>, vector<16xf32>,
    %swap3A_32 = vector.shape_cast %swap3A_31 : vector<16xf32> to vector<16xf32>
    %swap3A_33 = vector.shape_cast %broadcast_in_dim3A_29 : vector<16xf32> to vector<16xf32>
    tpu.vector_store %arg9[%swap3A_30], %swap3A_33 {strides = array<i32>} : memref<128xf32, #tpu.memory_space<vmem>>, vector<16xf32>,
    %broadcast_in_dim3A_34 = arith.constant 1.000000e+00 : f32
    %broadcast_in_dim3A_35 = vector.broadcast %broadcast_in_dim3A_34 : f32 to vector<16xf32>
    %swap3A_36 = arith.constant 96 : index
    %swap3A_37 = tpu.vector_load %arg9[%swap3A_36] {strides = array<i32>} : memref<128xf32, #tpu.memory_space<vmem>>, vector<16xf32>,
    %swap3A_38 = vector.shape_cast %swap3A_37 : vector<16xf32> to vector<16xf32>
    %swap3A_39 = vector.shape_cast %broadcast_in_dim3A_35 : vector<16xf32> to vector<16xf32>
    tpu.vector_store %arg9[%swap3A_36], %swap3A_39 {strides = array<i32>} : memref<128xf32, #tpu.memory_space<vmem>>, vector<16xf32>,
    %broadcast_in_dim3A_40 = arith.constant 1.000000e+00 : f32
    %broadcast_in_dim3A_41 = vector.broadcast %broadcast_in_dim3A_40 : f32 to vector<16xf32>
    %swap3A_42 = arith.constant 112 : index
    %swap3A_43 = tpu.vector_load %arg9[%swap3A_42] {strides = array<i32>} : memref<128xf32, #tpu.memory_space<vmem>>, vector<16xf32>,
    %swap3A_44 = vector.shape_cast %swap3A_43 : vector<16xf32> to vector<16xf32>
    %swap3A_45 = vector.shape_cast %broadcast_in_dim3A_41 : vector<16xf32> to vector<16xf32>
    tpu.vector_store %arg9[%swap3A_42], %swap3A_45 {strides = array<i32>} : memref<128xf32, #tpu.memory_space<vmem>>, vector<16xf32>,
    %scan3A = arith.constant 0 : i32
    %scan3A_46 = arith.constant 401 : i32
    %scan3A_47 = arith.addi %scan3A, %scan3A_46 : i32
    %scan3A_48 = arith.constant 1 : i32
    scf.for %scan3A_741 = %scan3A to %scan3A_47 step %scan3A_48  : i32 {
      %broadcast_in_dim3A_742 = arith.constant 0.000000e+00 : f32
      %broadcast_in_dim3A_743 = vector.broadcast %broadcast_in_dim3A_742 : f32 to vector<16xf32>
      %mul3A_744 = arith.constant 16 : i32
      %mul3A_745 = arith.muli %scan3A_741, %mul3A_744 : i32
      %swap3A_746 = arith.index_cast %mul3A_745 : i32 to index
      %swap3A_747 = tpu.vector_load %arg10[%swap3A_746] {strides = array<i32>} : memref<6416xf32, #tpu.memory_space<vmem>>, vector<16xf32>,
      %swap3A_748 = vector.shape_cast %swap3A_747 : vector<16xf32> to vector<16xf32>
      %swap3A_749 = vector.shape_cast %broadcast_in_dim3A_743 : vector<16xf32> to vector<16xf32>
      tpu.vector_store %arg10[%swap3A_746], %swap3A_749 {strides = array<i32>} : memref<6416xf32, #tpu.memory_space<vmem>>, vector<16xf32>,
    }
    %scan3A_49 = arith.constant 401 : i32
    %broadcast_in_dim3A_50 = arith.constant 1 : i32
    %broadcast_in_dim3A_51 = vector.broadcast %broadcast_in_dim3A_50 : i32 to vector<16xi32>
    %mul3A = arith.constant 40 : i32
    %mul3A_52 = arith.muli %arg1, %mul3A : i32
    %mul3A_53 = vector.broadcast %mul3A_52 : i32 to vector<16xi32>
    %mul3A_54 = arith.muli %broadcast_in_dim3A_51, %mul3A_53 : vector<16xi32>
    %add3A = arith.constant 0 : i32
    %add3A_55 = vector.broadcast %add3A : i32 to vector<16xi32>
    %add3A_56 = arith.addi %add3A_55, %iota3A : vector<16xi32>
    %add3A_57 = arith.addi %mul3A_54, %add3A_56 : vector<16xi32>
    %lt3A = arith.constant 40 : i32
    %lt3A_58 = vector.broadcast %lt3A : i32 to vector<16xi32>
    %lt3A_59 = arith.cmpi slt, %add3A_56, %lt3A_58 : vector<16xi32>
    %lt3A_60 = arith.constant 625 : i32
    %lt3A_61 = vector.broadcast %lt3A_60 : i32 to vector<16xi32>
    %lt3A_62 = arith.cmpi slt, %add3A_57, %lt3A_61 : vector<16xi32>
    %and3A = arith.andi %lt3A_59, %lt3A_62 : vector<16xi1>
    %mul3A_63 = arith.constant 641 : i32
    %mul3A_64 = vector.broadcast %mul3A_63 : i32 to vector<16xi32>
    %mul3A_65 = arith.muli %add3A_57, %mul3A_64 : vector<16xi32>
    %add3A_66 = arith.constant 0 : i32
    %add3A_67 = vector.broadcast %add3A_66 : i32 to vector<16xi32>
    %add3A_68 = arith.addi %add3A_67, %mul3A_65 : vector<16xi32>
    %add3A_69 = arith.constant 0 : i32
    %add3A_70 = vector.broadcast %add3A_69 : i32 to vector<16xi32>
    %add3A_71 = arith.addi %add3A_56, %add3A_70 : vector<16xi32>
    %and3A_72 = arith.constant 2047 : i32
    %and3A_73 = vector.broadcast %and3A_72 : i32 to vector<16xi32>
    %and3A_74 = arith.andi %add3A_71, %and3A_73 : vector<16xi32>
    %add3A_75 = arith.constant 819200 : i32
    %add3A_76 = vector.broadcast %add3A_75 : i32 to vector<16xi32>
    %add3A_77 = arith.addi %add3A_76, %and3A_74 : vector<16xi32>
    %select_n3A = arith.select %and3A, %add3A_68, %add3A_77 : vector<16xi1>, vector<16xi32>
    %swap3A_78 = arith.constant 0 : i32
    %swap3A_79 = arith.index_cast %swap3A_78 : i32 to index
    %swap3A_80 = arith.constant 0 : index
    %swap3A_81 = tpu.vector_load %arg8[%swap3A_79, %swap3A_80] {strides = array<i32>} : memref<2x128xi32, #tpu.memory_space<vmem>>, vector<1x16xi32>,
    %swap3A_82 = vector.shape_cast %swap3A_81 : vector<1x16xi32> to vector<16xi32>
    %swap3A_83 = vector.shape_cast %select_n3A : vector<16xi32> to vector<1x16xi32>
    tpu.vector_store %arg8[%swap3A_79, %swap3A_80], %swap3A_83 {strides = array<i32>} : memref<2x128xi32, #tpu.memory_space<vmem>>, vector<1x16xi32>,
    %add3A_84 = arith.constant 16 : i32
    %add3A_85 = vector.broadcast %add3A_84 : i32 to vector<16xi32>
    %add3A_86 = arith.addi %add3A_85, %iota3A : vector<16xi32>
    %add3A_87 = arith.addi %mul3A_54, %add3A_86 : vector<16xi32>
    %lt3A_88 = arith.constant 40 : i32
    %lt3A_89 = vector.broadcast %lt3A_88 : i32 to vector<16xi32>
    %lt3A_90 = arith.cmpi slt, %add3A_86, %lt3A_89 : vector<16xi32>
    %lt3A_91 = arith.constant 625 : i32
    %lt3A_92 = vector.broadcast %lt3A_91 : i32 to vector<16xi32>
    %lt3A_93 = arith.cmpi slt, %add3A_87, %lt3A_92 : vector<16xi32>
    %and3A_94 = arith.andi %lt3A_90, %lt3A_93 : vector<16xi1>
    %mul3A_95 = arith.constant 641 : i32
    %mul3A_96 = vector.broadcast %mul3A_95 : i32 to vector<16xi32>
    %mul3A_97 = arith.muli %add3A_87, %mul3A_96 : vector<16xi32>
    %add3A_98 = arith.constant 0 : i32
    %add3A_99 = vector.broadcast %add3A_98 : i32 to vector<16xi32>
    %add3A_100 = arith.addi %add3A_99, %mul3A_97 : vector<16xi32>
    %add3A_101 = arith.constant 0 : i32
    %add3A_102 = vector.broadcast %add3A_101 : i32 to vector<16xi32>
    %add3A_103 = arith.addi %add3A_86, %add3A_102 : vector<16xi32>
    %and3A_104 = arith.constant 2047 : i32
    %and3A_105 = vector.broadcast %and3A_104 : i32 to vector<16xi32>
    %and3A_106 = arith.andi %add3A_103, %and3A_105 : vector<16xi32>
    %add3A_107 = arith.constant 819200 : i32
    %add3A_108 = vector.broadcast %add3A_107 : i32 to vector<16xi32>
    %add3A_109 = arith.addi %add3A_108, %and3A_106 : vector<16xi32>
    %select_n3A_110 = arith.select %and3A_94, %add3A_100, %add3A_109 : vector<16xi1>, vector<16xi32>
    %swap3A_111 = arith.constant 0 : i32
    %swap3A_112 = arith.index_cast %swap3A_111 : i32 to index
    %swap3A_113 = arith.constant 16 : index
    %swap3A_114 = tpu.vector_load %arg8[%swap3A_112, %swap3A_113] {strides = array<i32>} : memref<2x128xi32, #tpu.memory_space<vmem>>, vector<1x16xi32>,
    %swap3A_115 = vector.shape_cast %swap3A_114 : vector<1x16xi32> to vector<16xi32>
    %swap3A_116 = vector.shape_cast %select_n3A_110 : vector<16xi32> to vector<1x16xi32>
    tpu.vector_store %arg8[%swap3A_112, %swap3A_113], %swap3A_116 {strides = array<i32>} : memref<2x128xi32, #tpu.memory_space<vmem>>, vector<1x16xi32>,
    %add3A_117 = arith.constant 32 : i32
    %add3A_118 = vector.broadcast %add3A_117 : i32 to vector<16xi32>
    %add3A_119 = arith.addi %add3A_118, %iota3A : vector<16xi32>
    %add3A_120 = arith.addi %mul3A_54, %add3A_119 : vector<16xi32>
    %lt3A_121 = arith.constant 40 : i32
    %lt3A_122 = vector.broadcast %lt3A_121 : i32 to vector<16xi32>
    %lt3A_123 = arith.cmpi slt, %add3A_119, %lt3A_122 : vector<16xi32>
    %lt3A_124 = arith.constant 625 : i32
    %lt3A_125 = vector.broadcast %lt3A_124 : i32 to vector<16xi32>
    %lt3A_126 = arith.cmpi slt, %add3A_120, %lt3A_125 : vector<16xi32>
    %and3A_127 = arith.andi %lt3A_123, %lt3A_126 : vector<16xi1>
    %mul3A_128 = arith.constant 641 : i32
    %mul3A_129 = vector.broadcast %mul3A_128 : i32 to vector<16xi32>
    %mul3A_130 = arith.muli %add3A_120, %mul3A_129 : vector<16xi32>
    %add3A_131 = arith.constant 0 : i32
    %add3A_132 = vector.broadcast %add3A_131 : i32 to vector<16xi32>
    %add3A_133 = arith.addi %add3A_132, %mul3A_130 : vector<16xi32>
    %add3A_134 = arith.constant 0 : i32
    %add3A_135 = vector.broadcast %add3A_134 : i32 to vector<16xi32>
    %add3A_136 = arith.addi %add3A_119, %add3A_135 : vector<16xi32>
    %and3A_137 = arith.constant 2047 : i32
    %and3A_138 = vector.broadcast %and3A_137 : i32 to vector<16xi32>
    %and3A_139 = arith.andi %add3A_136, %and3A_138 : vector<16xi32>
    %add3A_140 = arith.constant 819200 : i32
    %add3A_141 = vector.broadcast %add3A_140 : i32 to vector<16xi32>
    %add3A_142 = arith.addi %add3A_141, %and3A_139 : vector<16xi32>
    %select_n3A_143 = arith.select %and3A_127, %add3A_133, %add3A_142 : vector<16xi1>, vector<16xi32>
    %swap3A_144 = arith.constant 0 : i32
    %swap3A_145 = arith.index_cast %swap3A_144 : i32 to index
    %swap3A_146 = arith.constant 32 : index
    %swap3A_147 = tpu.vector_load %arg8[%swap3A_145, %swap3A_146] {strides = array<i32>} : memref<2x128xi32, #tpu.memory_space<vmem>>, vector<1x16xi32>,
    %swap3A_148 = vector.shape_cast %swap3A_147 : vector<1x16xi32> to vector<16xi32>
    %swap3A_149 = vector.shape_cast %select_n3A_143 : vector<16xi32> to vector<1x16xi32>
    tpu.vector_store %arg8[%swap3A_145, %swap3A_146], %swap3A_149 {strides = array<i32>} : memref<2x128xi32, #tpu.memory_space<vmem>>, vector<1x16xi32>,
    %add3A_150 = arith.constant 48 : i32
    %add3A_151 = vector.broadcast %add3A_150 : i32 to vector<16xi32>
    %add3A_152 = arith.addi %add3A_151, %iota3A : vector<16xi32>
    %add3A_153 = arith.addi %mul3A_54, %add3A_152 : vector<16xi32>
    %lt3A_154 = arith.constant 40 : i32
    %lt3A_155 = vector.broadcast %lt3A_154 : i32 to vector<16xi32>
    %lt3A_156 = arith.cmpi slt, %add3A_152, %lt3A_155 : vector<16xi32>
    %lt3A_157 = arith.constant 625 : i32
    %lt3A_158 = vector.broadcast %lt3A_157 : i32 to vector<16xi32>
    %lt3A_159 = arith.cmpi slt, %add3A_153, %lt3A_158 : vector<16xi32>
    %and3A_160 = arith.andi %lt3A_156, %lt3A_159 : vector<16xi1>
    %mul3A_161 = arith.constant 641 : i32
    %mul3A_162 = vector.broadcast %mul3A_161 : i32 to vector<16xi32>
    %mul3A_163 = arith.muli %add3A_153, %mul3A_162 : vector<16xi32>
    %add3A_164 = arith.constant 0 : i32
    %add3A_165 = vector.broadcast %add3A_164 : i32 to vector<16xi32>
    %add3A_166 = arith.addi %add3A_165, %mul3A_163 : vector<16xi32>
    %add3A_167 = arith.constant 0 : i32
    %add3A_168 = vector.broadcast %add3A_167 : i32 to vector<16xi32>
    %add3A_169 = arith.addi %add3A_152, %add3A_168 : vector<16xi32>
    %and3A_170 = arith.constant 2047 : i32
    %and3A_171 = vector.broadcast %and3A_170 : i32 to vector<16xi32>
    %and3A_172 = arith.andi %add3A_169, %and3A_171 : vector<16xi32>
    %add3A_173 = arith.constant 819200 : i32
    %add3A_174 = vector.broadcast %add3A_173 : i32 to vector<16xi32>
    %add3A_175 = arith.addi %add3A_174, %and3A_172 : vector<16xi32>
    %select_n3A_176 = arith.select %and3A_160, %add3A_166, %add3A_175 : vector<16xi1>, vector<16xi32>
    %swap3A_177 = arith.constant 0 : i32
    %swap3A_178 = arith.index_cast %swap3A_177 : i32 to index
    %swap3A_179 = arith.constant 48 : index
    %swap3A_180 = tpu.vector_load %arg8[%swap3A_178, %swap3A_179] {strides = array<i32>} : memref<2x128xi32, #tpu.memory_space<vmem>>, vector<1x16xi32>,
    %swap3A_181 = vector.shape_cast %swap3A_180 : vector<1x16xi32> to vector<16xi32>
    %swap3A_182 = vector.shape_cast %select_n3A_176 : vector<16xi32> to vector<1x16xi32>
    tpu.vector_store %arg8[%swap3A_178, %swap3A_179], %swap3A_182 {strides = array<i32>} : memref<2x128xi32, #tpu.memory_space<vmem>>, vector<1x16xi32>,
    %add3A_183 = arith.constant 64 : i32
    %add3A_184 = vector.broadcast %add3A_183 : i32 to vector<16xi32>
    %add3A_185 = arith.addi %add3A_184, %iota3A : vector<16xi32>
    %add3A_186 = arith.addi %mul3A_54, %add3A_185 : vector<16xi32>
    %lt3A_187 = arith.constant 40 : i32
    %lt3A_188 = vector.broadcast %lt3A_187 : i32 to vector<16xi32>
    %lt3A_189 = arith.cmpi slt, %add3A_185, %lt3A_188 : vector<16xi32>
    %lt3A_190 = arith.constant 625 : i32
    %lt3A_191 = vector.broadcast %lt3A_190 : i32 to vector<16xi32>
    %lt3A_192 = arith.cmpi slt, %add3A_186, %lt3A_191 : vector<16xi32>
    %and3A_193 = arith.andi %lt3A_189, %lt3A_192 : vector<16xi1>
    %mul3A_194 = arith.constant 641 : i32
    %mul3A_195 = vector.broadcast %mul3A_194 : i32 to vector<16xi32>
    %mul3A_196 = arith.muli %add3A_186, %mul3A_195 : vector<16xi32>
    %add3A_197 = arith.constant 0 : i32
    %add3A_198 = vector.broadcast %add3A_197 : i32 to vector<16xi32>
    %add3A_199 = arith.addi %add3A_198, %mul3A_196 : vector<16xi32>
    %add3A_200 = arith.constant 0 : i32
    %add3A_201 = vector.broadcast %add3A_200 : i32 to vector<16xi32>
    %add3A_202 = arith.addi %add3A_185, %add3A_201 : vector<16xi32>
    %and3A_203 = arith.constant 2047 : i32
    %and3A_204 = vector.broadcast %and3A_203 : i32 to vector<16xi32>
    %and3A_205 = arith.andi %add3A_202, %and3A_204 : vector<16xi32>
    %add3A_206 = arith.constant 819200 : i32
    %add3A_207 = vector.broadcast %add3A_206 : i32 to vector<16xi32>
    %add3A_208 = arith.addi %add3A_207, %and3A_205 : vector<16xi32>
    %select_n3A_209 = arith.select %and3A_193, %add3A_199, %add3A_208 : vector<16xi1>, vector<16xi32>
    %swap3A_210 = arith.constant 0 : i32
    %swap3A_211 = arith.index_cast %swap3A_210 : i32 to index
    %swap3A_212 = arith.constant 64 : index
    %swap3A_213 = tpu.vector_load %arg8[%swap3A_211, %swap3A_212] {strides = array<i32>} : memref<2x128xi32, #tpu.memory_space<vmem>>, vector<1x16xi32>,
    %swap3A_214 = vector.shape_cast %swap3A_213 : vector<1x16xi32> to vector<16xi32>
    %swap3A_215 = vector.shape_cast %select_n3A_209 : vector<16xi32> to vector<1x16xi32>
    tpu.vector_store %arg8[%swap3A_211, %swap3A_212], %swap3A_215 {strides = array<i32>} : memref<2x128xi32, #tpu.memory_space<vmem>>, vector<1x16xi32>,
    %add3A_216 = arith.constant 80 : i32
    %add3A_217 = vector.broadcast %add3A_216 : i32 to vector<16xi32>
    %add3A_218 = arith.addi %add3A_217, %iota3A : vector<16xi32>
    %add3A_219 = arith.addi %mul3A_54, %add3A_218 : vector<16xi32>
    %lt3A_220 = arith.constant 40 : i32
    %lt3A_221 = vector.broadcast %lt3A_220 : i32 to vector<16xi32>
    %lt3A_222 = arith.cmpi slt, %add3A_218, %lt3A_221 : vector<16xi32>
    %lt3A_223 = arith.constant 625 : i32
    %lt3A_224 = vector.broadcast %lt3A_223 : i32 to vector<16xi32>
    %lt3A_225 = arith.cmpi slt, %add3A_219, %lt3A_224 : vector<16xi32>
    %and3A_226 = arith.andi %lt3A_222, %lt3A_225 : vector<16xi1>
    %mul3A_227 = arith.constant 641 : i32
    %mul3A_228 = vector.broadcast %mul3A_227 : i32 to vector<16xi32>
    %mul3A_229 = arith.muli %add3A_219, %mul3A_228 : vector<16xi32>
    %add3A_230 = arith.constant 0 : i32
    %add3A_231 = vector.broadcast %add3A_230 : i32 to vector<16xi32>
    %add3A_232 = arith.addi %add3A_231, %mul3A_229 : vector<16xi32>
    %add3A_233 = arith.constant 0 : i32
    %add3A_234 = vector.broadcast %add3A_233 : i32 to vector<16xi32>
    %add3A_235 = arith.addi %add3A_218, %add3A_234 : vector<16xi32>
    %and3A_236 = arith.constant 2047 : i32
    %and3A_237 = vector.broadcast %and3A_236 : i32 to vector<16xi32>
    %and3A_238 = arith.andi %add3A_235, %and3A_237 : vector<16xi32>
    %add3A_239 = arith.constant 819200 : i32
    %add3A_240 = vector.broadcast %add3A_239 : i32 to vector<16xi32>
    %add3A_241 = arith.addi %add3A_240, %and3A_238 : vector<16xi32>
    %select_n3A_242 = arith.select %and3A_226, %add3A_232, %add3A_241 : vector<16xi1>, vector<16xi32>
    %swap3A_243 = arith.constant 0 : i32
    %swap3A_244 = arith.index_cast %swap3A_243 : i32 to index
    %swap3A_245 = arith.constant 80 : index
    %swap3A_246 = tpu.vector_load %arg8[%swap3A_244, %swap3A_245] {strides = array<i32>} : memref<2x128xi32, #tpu.memory_space<vmem>>, vector<1x16xi32>,
    %swap3A_247 = vector.shape_cast %swap3A_246 : vector<1x16xi32> to vector<16xi32>
    %swap3A_248 = vector.shape_cast %select_n3A_242 : vector<16xi32> to vector<1x16xi32>
    tpu.vector_store %arg8[%swap3A_244, %swap3A_245], %swap3A_248 {strides = array<i32>} : memref<2x128xi32, #tpu.memory_space<vmem>>, vector<1x16xi32>,
    %add3A_249 = arith.constant 96 : i32
    %add3A_250 = vector.broadcast %add3A_249 : i32 to vector<16xi32>
    %add3A_251 = arith.addi %add3A_250, %iota3A : vector<16xi32>
    %add3A_252 = arith.addi %mul3A_54, %add3A_251 : vector<16xi32>
    %lt3A_253 = arith.constant 40 : i32
    %lt3A_254 = vector.broadcast %lt3A_253 : i32 to vector<16xi32>
    %lt3A_255 = arith.cmpi slt, %add3A_251, %lt3A_254 : vector<16xi32>
    %lt3A_256 = arith.constant 625 : i32
    %lt3A_257 = vector.broadcast %lt3A_256 : i32 to vector<16xi32>
    %lt3A_258 = arith.cmpi slt, %add3A_252, %lt3A_257 : vector<16xi32>
    %and3A_259 = arith.andi %lt3A_255, %lt3A_258 : vector<16xi1>
    %mul3A_260 = arith.constant 641 : i32
    %mul3A_261 = vector.broadcast %mul3A_260 : i32 to vector<16xi32>
    %mul3A_262 = arith.muli %add3A_252, %mul3A_261 : vector<16xi32>
    %add3A_263 = arith.constant 0 : i32
    %add3A_264 = vector.broadcast %add3A_263 : i32 to vector<16xi32>
    %add3A_265 = arith.addi %add3A_264, %mul3A_262 : vector<16xi32>
    %add3A_266 = arith.constant 0 : i32
    %add3A_267 = vector.broadcast %add3A_266 : i32 to vector<16xi32>
    %add3A_268 = arith.addi %add3A_251, %add3A_267 : vector<16xi32>
    %and3A_269 = arith.constant 2047 : i32
    %and3A_270 = vector.broadcast %and3A_269 : i32 to vector<16xi32>
    %and3A_271 = arith.andi %add3A_268, %and3A_270 : vector<16xi32>
    %add3A_272 = arith.constant 819200 : i32
    %add3A_273 = vector.broadcast %add3A_272 : i32 to vector<16xi32>
    %add3A_274 = arith.addi %add3A_273, %and3A_271 : vector<16xi32>
    %select_n3A_275 = arith.select %and3A_259, %add3A_265, %add3A_274 : vector<16xi1>, vector<16xi32>
    %swap3A_276 = arith.constant 0 : i32
    %swap3A_277 = arith.index_cast %swap3A_276 : i32 to index
    %swap3A_278 = arith.constant 96 : index
    %swap3A_279 = tpu.vector_load %arg8[%swap3A_277, %swap3A_278] {strides = array<i32>} : memref<2x128xi32, #tpu.memory_space<vmem>>, vector<1x16xi32>,
    %swap3A_280 = vector.shape_cast %swap3A_279 : vector<1x16xi32> to vector<16xi32>
    %swap3A_281 = vector.shape_cast %select_n3A_275 : vector<16xi32> to vector<1x16xi32>
    tpu.vector_store %arg8[%swap3A_277, %swap3A_278], %swap3A_281 {strides = array<i32>} : memref<2x128xi32, #tpu.memory_space<vmem>>, vector<1x16xi32>,
    %add3A_282 = arith.constant 112 : i32
    %add3A_283 = vector.broadcast %add3A_282 : i32 to vector<16xi32>
    %add3A_284 = arith.addi %add3A_283, %iota3A : vector<16xi32>
    %add3A_285 = arith.addi %mul3A_54, %add3A_284 : vector<16xi32>
    %lt3A_286 = arith.constant 40 : i32
    %lt3A_287 = vector.broadcast %lt3A_286 : i32 to vector<16xi32>
    %lt3A_288 = arith.cmpi slt, %add3A_284, %lt3A_287 : vector<16xi32>
    %lt3A_289 = arith.constant 625 : i32
    %lt3A_290 = vector.broadcast %lt3A_289 : i32 to vector<16xi32>
    %lt3A_291 = arith.cmpi slt, %add3A_285, %lt3A_290 : vector<16xi32>
    %and3A_292 = arith.andi %lt3A_288, %lt3A_291 : vector<16xi1>
    %mul3A_293 = arith.constant 641 : i32
    %mul3A_294 = vector.broadcast %mul3A_293 : i32 to vector<16xi32>
    %mul3A_295 = arith.muli %add3A_285, %mul3A_294 : vector<16xi32>
    %add3A_296 = arith.constant 0 : i32
    %add3A_297 = vector.broadcast %add3A_296 : i32 to vector<16xi32>
    %add3A_298 = arith.addi %add3A_297, %mul3A_295 : vector<16xi32>
    %add3A_299 = arith.constant 0 : i32
    %add3A_300 = vector.broadcast %add3A_299 : i32 to vector<16xi32>
    %add3A_301 = arith.addi %add3A_284, %add3A_300 : vector<16xi32>
    %and3A_302 = arith.constant 2047 : i32
    %and3A_303 = vector.broadcast %and3A_302 : i32 to vector<16xi32>
    %and3A_304 = arith.andi %add3A_301, %and3A_303 : vector<16xi32>
    %add3A_305 = arith.constant 819200 : i32
    %add3A_306 = vector.broadcast %add3A_305 : i32 to vector<16xi32>
    %add3A_307 = arith.addi %add3A_306, %and3A_304 : vector<16xi32>
    %select_n3A_308 = arith.select %and3A_292, %add3A_298, %add3A_307 : vector<16xi1>, vector<16xi32>
    %swap3A_309 = arith.constant 0 : i32
    %swap3A_310 = arith.index_cast %swap3A_309 : i32 to index
    %swap3A_311 = arith.constant 112 : index
    %swap3A_312 = tpu.vector_load %arg8[%swap3A_310, %swap3A_311] {strides = array<i32>} : memref<2x128xi32, #tpu.memory_space<vmem>>, vector<1x16xi32>,
    %swap3A_313 = vector.shape_cast %swap3A_312 : vector<1x16xi32> to vector<16xi32>
    %swap3A_314 = vector.shape_cast %select_n3A_308 : vector<16xi32> to vector<1x16xi32>
    tpu.vector_store %arg8[%swap3A_310, %swap3A_311], %swap3A_314 {strides = array<i32>} : memref<2x128xi32, #tpu.memory_space<vmem>>, vector<1x16xi32>,
    %add3A_315 = arith.constant 0 : i32
    %add3A_316 = vector.broadcast %add3A_315 : i32 to vector<16xi32>
    %add3A_317 = arith.addi %add3A_316, %iota3A : vector<16xi32>
    %add3A_318 = arith.addi %mul3A_54, %add3A_317 : vector<16xi32>
    %lt3A_319 = arith.constant 40 : i32
    %lt3A_320 = vector.broadcast %lt3A_319 : i32 to vector<16xi32>
    %lt3A_321 = arith.cmpi slt, %add3A_317, %lt3A_320 : vector<16xi32>
    %lt3A_322 = arith.constant 625 : i32
    %lt3A_323 = vector.broadcast %lt3A_322 : i32 to vector<16xi32>
    %lt3A_324 = arith.cmpi slt, %add3A_318, %lt3A_323 : vector<16xi32>
    %and3A_325 = arith.andi %lt3A_321, %lt3A_324 : vector<16xi1>
    %mul3A_326 = arith.constant 641 : i32
    %mul3A_327 = vector.broadcast %mul3A_326 : i32 to vector<16xi32>
    %mul3A_328 = arith.muli %add3A_318, %mul3A_327 : vector<16xi32>
    %add3A_329 = arith.constant 409600 : i32
    %add3A_330 = vector.broadcast %add3A_329 : i32 to vector<16xi32>
    %add3A_331 = arith.addi %add3A_330, %mul3A_328 : vector<16xi32>
    %add3A_332 = arith.constant 128 : i32
    %add3A_333 = vector.broadcast %add3A_332 : i32 to vector<16xi32>
    %add3A_334 = arith.addi %add3A_317, %add3A_333 : vector<16xi32>
    %and3A_335 = arith.constant 2047 : i32
    %and3A_336 = vector.broadcast %and3A_335 : i32 to vector<16xi32>
    %and3A_337 = arith.andi %add3A_334, %and3A_336 : vector<16xi32>
    %add3A_338 = arith.constant 819200 : i32
    %add3A_339 = vector.broadcast %add3A_338 : i32 to vector<16xi32>
    %add3A_340 = arith.addi %add3A_339, %and3A_337 : vector<16xi32>
    %select_n3A_341 = arith.select %and3A_325, %add3A_331, %add3A_340 : vector<16xi1>, vector<16xi32>
    %swap3A_342 = arith.constant 1 : i32
    %swap3A_343 = arith.index_cast %swap3A_342 : i32 to index
    %swap3A_344 = arith.constant 0 : index
    %swap3A_345 = tpu.vector_load %arg8[%swap3A_343, %swap3A_344] {strides = array<i32>} : memref<2x128xi32, #tpu.memory_space<vmem>>, vector<1x16xi32>,
    %swap3A_346 = vector.shape_cast %swap3A_345 : vector<1x16xi32> to vector<16xi32>
    %swap3A_347 = vector.shape_cast %select_n3A_341 : vector<16xi32> to vector<1x16xi32>
    tpu.vector_store %arg8[%swap3A_343, %swap3A_344], %swap3A_347 {strides = array<i32>} : memref<2x128xi32, #tpu.memory_space<vmem>>, vector<1x16xi32>,
    %add3A_348 = arith.constant 16 : i32
    %add3A_349 = vector.broadcast %add3A_348 : i32 to vector<16xi32>
    %add3A_350 = arith.addi %add3A_349, %iota3A : vector<16xi32>
    %add3A_351 = arith.addi %mul3A_54, %add3A_350 : vector<16xi32>
    %lt3A_352 = arith.constant 40 : i32
    %lt3A_353 = vector.broadcast %lt3A_352 : i32 to vector<16xi32>
    %lt3A_354 = arith.cmpi slt, %add3A_350, %lt3A_353 : vector<16xi32>
    %lt3A_355 = arith.constant 625 : i32
    %lt3A_356 = vector.broadcast %lt3A_355 : i32 to vector<16xi32>
    %lt3A_357 = arith.cmpi slt, %add3A_351, %lt3A_356 : vector<16xi32>
    %and3A_358 = arith.andi %lt3A_354, %lt3A_357 : vector<16xi1>
    %mul3A_359 = arith.constant 641 : i32
    %mul3A_360 = vector.broadcast %mul3A_359 : i32 to vector<16xi32>
    %mul3A_361 = arith.muli %add3A_351, %mul3A_360 : vector<16xi32>
    %add3A_362 = arith.constant 409600 : i32
    %add3A_363 = vector.broadcast %add3A_362 : i32 to vector<16xi32>
    %add3A_364 = arith.addi %add3A_363, %mul3A_361 : vector<16xi32>
    %add3A_365 = arith.constant 128 : i32
    %add3A_366 = vector.broadcast %add3A_365 : i32 to vector<16xi32>
    %add3A_367 = arith.addi %add3A_350, %add3A_366 : vector<16xi32>
    %and3A_368 = arith.constant 2047 : i32
    %and3A_369 = vector.broadcast %and3A_368 : i32 to vector<16xi32>
    %and3A_370 = arith.andi %add3A_367, %and3A_369 : vector<16xi32>
    %add3A_371 = arith.constant 819200 : i32
    %add3A_372 = vector.broadcast %add3A_371 : i32 to vector<16xi32>
    %add3A_373 = arith.addi %add3A_372, %and3A_370 : vector<16xi32>
    %select_n3A_374 = arith.select %and3A_358, %add3A_364, %add3A_373 : vector<16xi1>, vector<16xi32>
    %swap3A_375 = arith.constant 1 : i32
    %swap3A_376 = arith.index_cast %swap3A_375 : i32 to index
    %swap3A_377 = arith.constant 16 : index
    %swap3A_378 = tpu.vector_load %arg8[%swap3A_376, %swap3A_377] {strides = array<i32>} : memref<2x128xi32, #tpu.memory_space<vmem>>, vector<1x16xi32>,
    %swap3A_379 = vector.shape_cast %swap3A_378 : vector<1x16xi32> to vector<16xi32>
    %swap3A_380 = vector.shape_cast %select_n3A_374 : vector<16xi32> to vector<1x16xi32>
    tpu.vector_store %arg8[%swap3A_376, %swap3A_377], %swap3A_380 {strides = array<i32>} : memref<2x128xi32, #tpu.memory_space<vmem>>, vector<1x16xi32>,
    %add3A_381 = arith.constant 32 : i32
    %add3A_382 = vector.broadcast %add3A_381 : i32 to vector<16xi32>
    %add3A_383 = arith.addi %add3A_382, %iota3A : vector<16xi32>
    %add3A_384 = arith.addi %mul3A_54, %add3A_383 : vector<16xi32>
    %lt3A_385 = arith.constant 40 : i32
    %lt3A_386 = vector.broadcast %lt3A_385 : i32 to vector<16xi32>
    %lt3A_387 = arith.cmpi slt, %add3A_383, %lt3A_386 : vector<16xi32>
    %lt3A_388 = arith.constant 625 : i32
    %lt3A_389 = vector.broadcast %lt3A_388 : i32 to vector<16xi32>
    %lt3A_390 = arith.cmpi slt, %add3A_384, %lt3A_389 : vector<16xi32>
    %and3A_391 = arith.andi %lt3A_387, %lt3A_390 : vector<16xi1>
    %mul3A_392 = arith.constant 641 : i32
    %mul3A_393 = vector.broadcast %mul3A_392 : i32 to vector<16xi32>
    %mul3A_394 = arith.muli %add3A_384, %mul3A_393 : vector<16xi32>
    %add3A_395 = arith.constant 409600 : i32
    %add3A_396 = vector.broadcast %add3A_395 : i32 to vector<16xi32>
    %add3A_397 = arith.addi %add3A_396, %mul3A_394 : vector<16xi32>
    %add3A_398 = arith.constant 128 : i32
    %add3A_399 = vector.broadcast %add3A_398 : i32 to vector<16xi32>
    %add3A_400 = arith.addi %add3A_383, %add3A_399 : vector<16xi32>
    %and3A_401 = arith.constant 2047 : i32
    %and3A_402 = vector.broadcast %and3A_401 : i32 to vector<16xi32>
    %and3A_403 = arith.andi %add3A_400, %and3A_402 : vector<16xi32>
    %add3A_404 = arith.constant 819200 : i32
    %add3A_405 = vector.broadcast %add3A_404 : i32 to vector<16xi32>
    %add3A_406 = arith.addi %add3A_405, %and3A_403 : vector<16xi32>
    %select_n3A_407 = arith.select %and3A_391, %add3A_397, %add3A_406 : vector<16xi1>, vector<16xi32>
    %swap3A_408 = arith.constant 1 : i32
    %swap3A_409 = arith.index_cast %swap3A_408 : i32 to index
    %swap3A_410 = arith.constant 32 : index
    %swap3A_411 = tpu.vector_load %arg8[%swap3A_409, %swap3A_410] {strides = array<i32>} : memref<2x128xi32, #tpu.memory_space<vmem>>, vector<1x16xi32>,
    %swap3A_412 = vector.shape_cast %swap3A_411 : vector<1x16xi32> to vector<16xi32>
    %swap3A_413 = vector.shape_cast %select_n3A_407 : vector<16xi32> to vector<1x16xi32>
    tpu.vector_store %arg8[%swap3A_409, %swap3A_410], %swap3A_413 {strides = array<i32>} : memref<2x128xi32, #tpu.memory_space<vmem>>, vector<1x16xi32>,
    %add3A_414 = arith.constant 48 : i32
    %add3A_415 = vector.broadcast %add3A_414 : i32 to vector<16xi32>
    %add3A_416 = arith.addi %add3A_415, %iota3A : vector<16xi32>
    %add3A_417 = arith.addi %mul3A_54, %add3A_416 : vector<16xi32>
    %lt3A_418 = arith.constant 40 : i32
    %lt3A_419 = vector.broadcast %lt3A_418 : i32 to vector<16xi32>
    %lt3A_420 = arith.cmpi slt, %add3A_416, %lt3A_419 : vector<16xi32>
    %lt3A_421 = arith.constant 625 : i32
    %lt3A_422 = vector.broadcast %lt3A_421 : i32 to vector<16xi32>
    %lt3A_423 = arith.cmpi slt, %add3A_417, %lt3A_422 : vector<16xi32>
    %and3A_424 = arith.andi %lt3A_420, %lt3A_423 : vector<16xi1>
    %mul3A_425 = arith.constant 641 : i32
    %mul3A_426 = vector.broadcast %mul3A_425 : i32 to vector<16xi32>
    %mul3A_427 = arith.muli %add3A_417, %mul3A_426 : vector<16xi32>
    %add3A_428 = arith.constant 409600 : i32
    %add3A_429 = vector.broadcast %add3A_428 : i32 to vector<16xi32>
    %add3A_430 = arith.addi %add3A_429, %mul3A_427 : vector<16xi32>
    %add3A_431 = arith.constant 128 : i32
    %add3A_432 = vector.broadcast %add3A_431 : i32 to vector<16xi32>
    %add3A_433 = arith.addi %add3A_416, %add3A_432 : vector<16xi32>
    %and3A_434 = arith.constant 2047 : i32
    %and3A_435 = vector.broadcast %and3A_434 : i32 to vector<16xi32>
    %and3A_436 = arith.andi %add3A_433, %and3A_435 : vector<16xi32>
    %add3A_437 = arith.constant 819200 : i32
    %add3A_438 = vector.broadcast %add3A_437 : i32 to vector<16xi32>
    %add3A_439 = arith.addi %add3A_438, %and3A_436 : vector<16xi32>
    %select_n3A_440 = arith.select %and3A_424, %add3A_430, %add3A_439 : vector<16xi1>, vector<16xi32>
    %swap3A_441 = arith.constant 1 : i32
    %swap3A_442 = arith.index_cast %swap3A_441 : i32 to index
    %swap3A_443 = arith.constant 48 : index
    %swap3A_444 = tpu.vector_load %arg8[%swap3A_442, %swap3A_443] {strides = array<i32>} : memref<2x128xi32, #tpu.memory_space<vmem>>, vector<1x16xi32>,
    %swap3A_445 = vector.shape_cast %swap3A_444 : vector<1x16xi32> to vector<16xi32>
    %swap3A_446 = vector.shape_cast %select_n3A_440 : vector<16xi32> to vector<1x16xi32>
    tpu.vector_store %arg8[%swap3A_442, %swap3A_443], %swap3A_446 {strides = array<i32>} : memref<2x128xi32, #tpu.memory_space<vmem>>, vector<1x16xi32>,
    %add3A_447 = arith.constant 64 : i32
    %add3A_448 = vector.broadcast %add3A_447 : i32 to vector<16xi32>
    %add3A_449 = arith.addi %add3A_448, %iota3A : vector<16xi32>
    %add3A_450 = arith.addi %mul3A_54, %add3A_449 : vector<16xi32>
    %lt3A_451 = arith.constant 40 : i32
    %lt3A_452 = vector.broadcast %lt3A_451 : i32 to vector<16xi32>
    %lt3A_453 = arith.cmpi slt, %add3A_449, %lt3A_452 : vector<16xi32>
    %lt3A_454 = arith.constant 625 : i32
    %lt3A_455 = vector.broadcast %lt3A_454 : i32 to vector<16xi32>
    %lt3A_456 = arith.cmpi slt, %add3A_450, %lt3A_455 : vector<16xi32>
    %and3A_457 = arith.andi %lt3A_453, %lt3A_456 : vector<16xi1>
    %mul3A_458 = arith.constant 641 : i32
    %mul3A_459 = vector.broadcast %mul3A_458 : i32 to vector<16xi32>
    %mul3A_460 = arith.muli %add3A_450, %mul3A_459 : vector<16xi32>
    %add3A_461 = arith.constant 409600 : i32
    %add3A_462 = vector.broadcast %add3A_461 : i32 to vector<16xi32>
    %add3A_463 = arith.addi %add3A_462, %mul3A_460 : vector<16xi32>
    %add3A_464 = arith.constant 128 : i32
    %add3A_465 = vector.broadcast %add3A_464 : i32 to vector<16xi32>
    %add3A_466 = arith.addi %add3A_449, %add3A_465 : vector<16xi32>
    %and3A_467 = arith.constant 2047 : i32
    %and3A_468 = vector.broadcast %and3A_467 : i32 to vector<16xi32>
    %and3A_469 = arith.andi %add3A_466, %and3A_468 : vector<16xi32>
    %add3A_470 = arith.constant 819200 : i32
    %add3A_471 = vector.broadcast %add3A_470 : i32 to vector<16xi32>
    %add3A_472 = arith.addi %add3A_471, %and3A_469 : vector<16xi32>
    %select_n3A_473 = arith.select %and3A_457, %add3A_463, %add3A_472 : vector<16xi1>, vector<16xi32>
    %swap3A_474 = arith.constant 1 : i32
    %swap3A_475 = arith.index_cast %swap3A_474 : i32 to index
    %swap3A_476 = arith.constant 64 : index
    %swap3A_477 = tpu.vector_load %arg8[%swap3A_475, %swap3A_476] {strides = array<i32>} : memref<2x128xi32, #tpu.memory_space<vmem>>, vector<1x16xi32>,
    %swap3A_478 = vector.shape_cast %swap3A_477 : vector<1x16xi32> to vector<16xi32>
    %swap3A_479 = vector.shape_cast %select_n3A_473 : vector<16xi32> to vector<1x16xi32>
    tpu.vector_store %arg8[%swap3A_475, %swap3A_476], %swap3A_479 {strides = array<i32>} : memref<2x128xi32, #tpu.memory_space<vmem>>, vector<1x16xi32>,
    %add3A_480 = arith.constant 80 : i32
    %add3A_481 = vector.broadcast %add3A_480 : i32 to vector<16xi32>
    %add3A_482 = arith.addi %add3A_481, %iota3A : vector<16xi32>
    %add3A_483 = arith.addi %mul3A_54, %add3A_482 : vector<16xi32>
    %lt3A_484 = arith.constant 40 : i32
    %lt3A_485 = vector.broadcast %lt3A_484 : i32 to vector<16xi32>
    %lt3A_486 = arith.cmpi slt, %add3A_482, %lt3A_485 : vector<16xi32>
    %lt3A_487 = arith.constant 625 : i32
    %lt3A_488 = vector.broadcast %lt3A_487 : i32 to vector<16xi32>
    %lt3A_489 = arith.cmpi slt, %add3A_483, %lt3A_488 : vector<16xi32>
    %and3A_490 = arith.andi %lt3A_486, %lt3A_489 : vector<16xi1>
    %mul3A_491 = arith.constant 641 : i32
    %mul3A_492 = vector.broadcast %mul3A_491 : i32 to vector<16xi32>
    %mul3A_493 = arith.muli %add3A_483, %mul3A_492 : vector<16xi32>
    %add3A_494 = arith.constant 409600 : i32
    %add3A_495 = vector.broadcast %add3A_494 : i32 to vector<16xi32>
    %add3A_496 = arith.addi %add3A_495, %mul3A_493 : vector<16xi32>
    %add3A_497 = arith.constant 128 : i32
    %add3A_498 = vector.broadcast %add3A_497 : i32 to vector<16xi32>
    %add3A_499 = arith.addi %add3A_482, %add3A_498 : vector<16xi32>
    %and3A_500 = arith.constant 2047 : i32
    %and3A_501 = vector.broadcast %and3A_500 : i32 to vector<16xi32>
    %and3A_502 = arith.andi %add3A_499, %and3A_501 : vector<16xi32>
    %add3A_503 = arith.constant 819200 : i32
    %add3A_504 = vector.broadcast %add3A_503 : i32 to vector<16xi32>
    %add3A_505 = arith.addi %add3A_504, %and3A_502 : vector<16xi32>
    %select_n3A_506 = arith.select %and3A_490, %add3A_496, %add3A_505 : vector<16xi1>, vector<16xi32>
    %swap3A_507 = arith.constant 1 : i32
    %swap3A_508 = arith.index_cast %swap3A_507 : i32 to index
    %swap3A_509 = arith.constant 80 : index
    %swap3A_510 = tpu.vector_load %arg8[%swap3A_508, %swap3A_509] {strides = array<i32>} : memref<2x128xi32, #tpu.memory_space<vmem>>, vector<1x16xi32>,
    %swap3A_511 = vector.shape_cast %swap3A_510 : vector<1x16xi32> to vector<16xi32>
    %swap3A_512 = vector.shape_cast %select_n3A_506 : vector<16xi32> to vector<1x16xi32>
    tpu.vector_store %arg8[%swap3A_508, %swap3A_509], %swap3A_512 {strides = array<i32>} : memref<2x128xi32, #tpu.memory_space<vmem>>, vector<1x16xi32>,
    %add3A_513 = arith.constant 96 : i32
    %add3A_514 = vector.broadcast %add3A_513 : i32 to vector<16xi32>
    %add3A_515 = arith.addi %add3A_514, %iota3A : vector<16xi32>
    %add3A_516 = arith.addi %mul3A_54, %add3A_515 : vector<16xi32>
    %lt3A_517 = arith.constant 40 : i32
    %lt3A_518 = vector.broadcast %lt3A_517 : i32 to vector<16xi32>
    %lt3A_519 = arith.cmpi slt, %add3A_515, %lt3A_518 : vector<16xi32>
    %lt3A_520 = arith.constant 625 : i32
    %lt3A_521 = vector.broadcast %lt3A_520 : i32 to vector<16xi32>
    %lt3A_522 = arith.cmpi slt, %add3A_516, %lt3A_521 : vector<16xi32>
    %and3A_523 = arith.andi %lt3A_519, %lt3A_522 : vector<16xi1>
    %mul3A_524 = arith.constant 641 : i32
    %mul3A_525 = vector.broadcast %mul3A_524 : i32 to vector<16xi32>
    %mul3A_526 = arith.muli %add3A_516, %mul3A_525 : vector<16xi32>
    %add3A_527 = arith.constant 409600 : i32
    %add3A_528 = vector.broadcast %add3A_527 : i32 to vector<16xi32>
    %add3A_529 = arith.addi %add3A_528, %mul3A_526 : vector<16xi32>
    %add3A_530 = arith.constant 128 : i32
    %add3A_531 = vector.broadcast %add3A_530 : i32 to vector<16xi32>
    %add3A_532 = arith.addi %add3A_515, %add3A_531 : vector<16xi32>
    %and3A_533 = arith.constant 2047 : i32
    %and3A_534 = vector.broadcast %and3A_533 : i32 to vector<16xi32>
    %and3A_535 = arith.andi %add3A_532, %and3A_534 : vector<16xi32>
    %add3A_536 = arith.constant 819200 : i32
    %add3A_537 = vector.broadcast %add3A_536 : i32 to vector<16xi32>
    %add3A_538 = arith.addi %add3A_537, %and3A_535 : vector<16xi32>
    %select_n3A_539 = arith.select %and3A_523, %add3A_529, %add3A_538 : vector<16xi1>, vector<16xi32>
    %swap3A_540 = arith.constant 1 : i32
    %swap3A_541 = arith.index_cast %swap3A_540 : i32 to index
    %swap3A_542 = arith.constant 96 : index
    %swap3A_543 = tpu.vector_load %arg8[%swap3A_541, %swap3A_542] {strides = array<i32>} : memref<2x128xi32, #tpu.memory_space<vmem>>, vector<1x16xi32>,
    %swap3A_544 = vector.shape_cast %swap3A_543 : vector<1x16xi32> to vector<16xi32>
    %swap3A_545 = vector.shape_cast %select_n3A_539 : vector<16xi32> to vector<1x16xi32>
    tpu.vector_store %arg8[%swap3A_541, %swap3A_542], %swap3A_545 {strides = array<i32>} : memref<2x128xi32, #tpu.memory_space<vmem>>, vector<1x16xi32>,
    %add3A_546 = arith.constant 112 : i32
    %add3A_547 = vector.broadcast %add3A_546 : i32 to vector<16xi32>
    %add3A_548 = arith.addi %add3A_547, %iota3A : vector<16xi32>
    %add3A_549 = arith.addi %mul3A_54, %add3A_548 : vector<16xi32>
    %lt3A_550 = arith.constant 40 : i32
    %lt3A_551 = vector.broadcast %lt3A_550 : i32 to vector<16xi32>
    %lt3A_552 = arith.cmpi slt, %add3A_548, %lt3A_551 : vector<16xi32>
    %lt3A_553 = arith.constant 625 : i32
    %lt3A_554 = vector.broadcast %lt3A_553 : i32 to vector<16xi32>
    %lt3A_555 = arith.cmpi slt, %add3A_549, %lt3A_554 : vector<16xi32>
    %and3A_556 = arith.andi %lt3A_552, %lt3A_555 : vector<16xi1>
    %mul3A_557 = arith.constant 641 : i32
    %mul3A_558 = vector.broadcast %mul3A_557 : i32 to vector<16xi32>
    %mul3A_559 = arith.muli %add3A_549, %mul3A_558 : vector<16xi32>
    %add3A_560 = arith.constant 409600 : i32
    %add3A_561 = vector.broadcast %add3A_560 : i32 to vector<16xi32>
    %add3A_562 = arith.addi %add3A_561, %mul3A_559 : vector<16xi32>
    %add3A_563 = arith.constant 128 : i32
    %add3A_564 = vector.broadcast %add3A_563 : i32 to vector<16xi32>
    %add3A_565 = arith.addi %add3A_548, %add3A_564 : vector<16xi32>
    %and3A_566 = arith.constant 2047 : i32
    %and3A_567 = vector.broadcast %and3A_566 : i32 to vector<16xi32>
    %and3A_568 = arith.andi %add3A_565, %and3A_567 : vector<16xi32>
    %add3A_569 = arith.constant 819200 : i32
    %add3A_570 = vector.broadcast %add3A_569 : i32 to vector<16xi32>
    %add3A_571 = arith.addi %add3A_570, %and3A_568 : vector<16xi32>
    %select_n3A_572 = arith.select %and3A_556, %add3A_562, %add3A_571 : vector<16xi1>, vector<16xi32>
    %swap3A_573 = arith.constant 1 : i32
    %swap3A_574 = arith.index_cast %swap3A_573 : i32 to index
    %swap3A_575 = arith.constant 112 : index
    %swap3A_576 = tpu.vector_load %arg8[%swap3A_574, %swap3A_575] {strides = array<i32>} : memref<2x128xi32, #tpu.memory_space<vmem>>, vector<1x16xi32>,
    %swap3A_577 = vector.shape_cast %swap3A_576 : vector<1x16xi32> to vector<16xi32>
    %swap3A_578 = vector.shape_cast %select_n3A_572 : vector<16xi32> to vector<1x16xi32>
    tpu.vector_store %arg8[%swap3A_574, %swap3A_575], %swap3A_578 {strides = array<i32>} : memref<2x128xi32, #tpu.memory_space<vmem>>, vector<1x16xi32>,
    %mul3A_579 = arith.constant 10000 : i32
    %mul3A_580 = arith.muli %arg1, %mul3A_579 : i32
    "tpu.region"() ({
      %run_scoped3A_741 = tpu.sem_alloc : memref<!tpu.dma_semaphore, #tpu.memory_space<semaphore_mem>>
      %dma_start3A = arith.constant 0 : i32
      %dma_start3A_742 = tpu.memref_slice %arg5[%dma_start3A] : memref<10240xi32, #tpu.memory_space<vmem>> -> memref<10000xi32, #tpu.memory_space<vmem>>
      %dma_start3A_743 = tpu.memref_slice %arg2[%mul3A_580] : memref<160000xi32, #tpu.memory_space<hbm>> -> memref<10000xi32, #tpu.memory_space<hbm>>
      %dma_start3A_744 = arith.constant 0 : i32
      %dma_start3A_745 = tpu.memref_slice %arg5[%dma_start3A_744] : memref<10240xi32, #tpu.memory_space<vmem>> -> memref<10000xi32, #tpu.memory_space<vmem>>
      %dma_start3A_746 = tpu.memref_slice %arg2[%mul3A_580] : memref<160000xi32, #tpu.memory_space<hbm>> -> memref<10000xi32, #tpu.memory_space<hbm>>
      tpu.enqueue_dma source(%dma_start3A_746 : memref<10000xi32, #tpu.memory_space<hbm>>) target(%dma_start3A_745 : memref<10000xi32, #tpu.memory_space<vmem>>) target_semaphore(%run_scoped3A_741 : memref<!tpu.dma_semaphore, #tpu.memory_space<semaphore_mem>>)
      %dma_wait3A = arith.constant 0 : i32
      %dma_wait3A_747 = tpu.memref_slice %arg5[%dma_wait3A] : memref<10240xi32, #tpu.memory_space<vmem>> -> memref<10000xi32, #tpu.memory_space<vmem>>
      %dma_wait3A_748 = tpu.memref_slice %arg2[%mul3A_580] : memref<160000xi32, #tpu.memory_space<hbm>> -> memref<10000xi32, #tpu.memory_space<hbm>>
      %dma_wait3A_749 = arith.constant 0 : i32
      %dma_wait3A_750 = tpu.memref_slice %arg5[%dma_wait3A_749] : memref<10240xi32, #tpu.memory_space<vmem>> -> memref<10000xi32, #tpu.memory_space<vmem>>
      %dma_wait3A_751 = tpu.memref_slice %arg2[%mul3A_580] : memref<160000xi32, #tpu.memory_space<hbm>> -> memref<10000xi32, #tpu.memory_space<hbm>>
      tpu.wait_dma2 semaphore(%run_scoped3A_741 : memref<!tpu.dma_semaphore, #tpu.memory_space<semaphore_mem>>) src(%dma_wait3A_751 : memref<10000xi32, #tpu.memory_space<hbm>>) dst(%dma_wait3A_750 : memref<10000xi32, #tpu.memory_space<vmem>>)
      tpu.yield
    }) : () -> ()
    %mul3A_581 = arith.constant 10000 : i32
    %mul3A_582 = arith.muli %arg1, %mul3A_581 : i32
    "tpu.region"() ({
      %run_scoped3A_741 = tpu.sem_alloc : memref<!tpu.dma_semaphore, #tpu.memory_space<semaphore_mem>>
      %dma_start3A = arith.constant 0 : i32
      %dma_start3A_742 = tpu.memref_slice %arg6[%dma_start3A] : memref<10240xi32, #tpu.memory_space<vmem>> -> memref<10000xi32, #tpu.memory_space<vmem>>
      %dma_start3A_743 = tpu.memref_slice %arg3[%mul3A_582] : memref<160000xi32, #tpu.memory_space<hbm>> -> memref<10000xi32, #tpu.memory_space<hbm>>
      %dma_start3A_744 = arith.constant 0 : i32
      %dma_start3A_745 = tpu.memref_slice %arg6[%dma_start3A_744] : memref<10240xi32, #tpu.memory_space<vmem>> -> memref<10000xi32, #tpu.memory_space<vmem>>
      %dma_start3A_746 = tpu.memref_slice %arg3[%mul3A_582] : memref<160000xi32, #tpu.memory_space<hbm>> -> memref<10000xi32, #tpu.memory_space<hbm>>
      tpu.enqueue_dma source(%dma_start3A_746 : memref<10000xi32, #tpu.memory_space<hbm>>) target(%dma_start3A_745 : memref<10000xi32, #tpu.memory_space<vmem>>) target_semaphore(%run_scoped3A_741 : memref<!tpu.dma_semaphore, #tpu.memory_space<semaphore_mem>>)
      %dma_wait3A = arith.constant 0 : i32
      %dma_wait3A_747 = tpu.memref_slice %arg6[%dma_wait3A] : memref<10240xi32, #tpu.memory_space<vmem>> -> memref<10000xi32, #tpu.memory_space<vmem>>
      %dma_wait3A_748 = tpu.memref_slice %arg3[%mul3A_582] : memref<160000xi32, #tpu.memory_space<hbm>> -> memref<10000xi32, #tpu.memory_space<hbm>>
      %dma_wait3A_749 = arith.constant 0 : i32
      %dma_wait3A_750 = tpu.memref_slice %arg6[%dma_wait3A_749] : memref<10240xi32, #tpu.memory_space<vmem>> -> memref<10000xi32, #tpu.memory_space<vmem>>
      %dma_wait3A_751 = tpu.memref_slice %arg3[%mul3A_582] : memref<160000xi32, #tpu.memory_space<hbm>> -> memref<10000xi32, #tpu.memory_space<hbm>>
      tpu.wait_dma2 semaphore(%run_scoped3A_741 : memref<!tpu.dma_semaphore, #tpu.memory_space<semaphore_mem>>) src(%dma_wait3A_751 : memref<10000xi32, #tpu.memory_space<hbm>>) dst(%dma_wait3A_750 : memref<10000xi32, #tpu.memory_space<vmem>>)
      tpu.yield
    }) : () -> ()
    %mul3A_583 = arith.constant 2 : i32
    %mul3A_584 = arith.muli %arg0, %mul3A_583 : i32
    %add3A_585 = arith.constant 0 : i32
    %add3A_586 = arith.addi %add3A_585, %mul3A_584 : i32
    %broadcast_in_dim3A_587 = arith.constant 1 : i32
    %broadcast_in_dim3A_588 = vector.broadcast %broadcast_in_dim3A_587 : i32 to vector<16xi32>
    %mul3A_589 = vector.broadcast %add3A_586 : i32 to vector<16xi32>
    %mul3A_590 = arith.muli %broadcast_in_dim3A_588, %mul3A_589 : vector<16xi32>
    %scan3A_591 = arith.constant 0 : i32
    %scan3A_592 = arith.constant 8 : i32
    %scan3A_593 = arith.addi %scan3A_591, %scan3A_592 : i32
    %scan3A_594 = arith.constant 1 : i32
    scf.for %scan3A_741 = %scan3A_591 to %scan3A_593 step %scan3A_594  : i32 {
      %mul3A_742 = arith.constant 51328 : i32
      %mul3A_743 = arith.muli %arg1, %mul3A_742 : i32
      %mul3A_744 = arith.constant 6416 : i32
      %mul3A_745 = arith.muli %scan3A_741, %mul3A_744 : i32
      %add3A_746 = arith.addi %mul3A_743, %mul3A_745 : i32
      "tpu.region"() ({
        %run_scoped3A_747 = tpu.sem_alloc : memref<!tpu.dma_semaphore, #tpu.memory_space<semaphore_mem>>
        %dma_start3A = tpu.memref_slice %arg11[%add3A_746] : memref<821248xf32, #tpu.memory_space<vmem_shared>> -> memref<6416xf32, #tpu.memory_space<vmem_shared>>
        %dma_start3A_748 = tpu.memref_slice %arg11[%add3A_746] : memref<821248xf32, #tpu.memory_space<vmem_shared>> -> memref<6416xf32, #tpu.memory_space<vmem_shared>>
        tpu.enqueue_dma source(%arg10 : memref<6416xf32, #tpu.memory_space<vmem>>) target(%dma_start3A_748 : memref<6416xf32, #tpu.memory_space<vmem_shared>>) target_semaphore(%run_scoped3A_747 : memref<!tpu.dma_semaphore, #tpu.memory_space<semaphore_mem>>)
        %dma_wait3A = tpu.memref_slice %arg11[%add3A_746] : memref<821248xf32, #tpu.memory_space<vmem_shared>> -> memref<6416xf32, #tpu.memory_space<vmem_shared>>
        %dma_wait3A_749 = tpu.memref_slice %arg11[%add3A_746] : memref<821248xf32, #tpu.memory_space<vmem_shared>> -> memref<6416xf32, #tpu.memory_space<vmem_shared>>
        tpu.wait_dma2 semaphore(%run_scoped3A_747 : memref<!tpu.dma_semaphore, #tpu.memory_space<semaphore_mem>>) src(%arg10 : memref<6416xf32, #tpu.memory_space<vmem>>) dst(%dma_wait3A_749 : memref<6416xf32, #tpu.memory_space<vmem_shared>>)
        tpu.yield
      }) : () -> ()
    }
    %scan3A_595 = arith.constant 8 : i32
    %barrier3A = arith.constant 0 : index
    tpu.barrier barrier_id(%barrier3A)
    %broadcast_in_dim3A_596 = arith.constant 0 : i32
    %broadcast_in_dim3A_597 = vector.broadcast %broadcast_in_dim3A_596 : i32 to vector<16xi32>
    %scan3A_598 = arith.constant 0 : i32
    %scan3A_599 = arith.constant 80 : i32
    %scan3A_600 = arith.addi %scan3A_598, %scan3A_599 : i32
    %scan3A_601 = arith.constant 1 : i32
    %scan3A_602 = scf.for %scan3A_741 = %scan3A_598 to %scan3A_600 step %scan3A_601 iter_args(%scan3A_742 = %broadcast_in_dim3A_597) -> (vector<16xi32>)  : i32 {
      %mul3A_743 = arith.constant 128 : i32
      %mul3A_744 = arith.muli %scan3A_741, %mul3A_743 : i32
      %add3A_745 = arith.constant 0 : i32
      %add3A_746 = arith.addi %mul3A_744, %add3A_745 : i32
      %get3A = arith.index_cast %add3A_746 : i32 to index
      %get3A_747 = tpu.vector_load %arg5[%get3A] {strides = array<i32>} : memref<10240xi32, #tpu.memory_space<vmem>>, vector<16xi32>,
      %get3A_748 = vector.shape_cast %get3A_747 : vector<16xi32> to vector<16xi32>
      %get3A_749 = arith.index_cast %add3A_746 : i32 to index
      %get3A_750 = tpu.vector_load %arg6[%get3A_749] {strides = array<i32>} : memref<10240xi32, #tpu.memory_space<vmem>>, vector<16xi32>,
      %get3A_751 = vector.shape_cast %get3A_750 : vector<16xi32> to vector<16xi32>
      %mul3A_752 = arith.constant 6711 : i32
      %mul3A_753 = vector.broadcast %mul3A_752 : i32 to vector<16xi32>
      %mul3A_754 = arith.muli %get3A_748, %mul3A_753 : vector<16xi32>
      %shift_right_logical3A = arith.constant 22 : i32
      %shift_right_logical3A_755 = vector.broadcast %shift_right_logical3A : i32 to vector<16xi32>
      %shift_right_logical3A_756 = arith.shrui %mul3A_754, %shift_right_logical3A_755 : vector<16xi32>
      %mul3A_757 = arith.constant 625 : i32
      %mul3A_758 = vector.broadcast %mul3A_757 : i32 to vector<16xi32>
      %mul3A_759 = arith.muli %shift_right_logical3A_756, %mul3A_758 : vector<16xi32>
      %sub3A = arith.subi %get3A_748, %mul3A_759 : vector<16xi32>
      %mul3A_760 = arith.constant 640 : i32
      %mul3A_761 = vector.broadcast %mul3A_760 : i32 to vector<16xi32>
      %mul3A_762 = arith.muli %sub3A, %mul3A_761 : vector<16xi32>
      %mul3A_763 = arith.constant 625 : i32
      %mul3A_764 = vector.broadcast %mul3A_763 : i32 to vector<16xi32>
      %mul3A_765 = arith.muli %shift_right_logical3A_756, %mul3A_764 : vector<16xi32>
      %sub3A_766 = arith.subi %get3A_751, %mul3A_765 : vector<16xi32>
      %add3A_767 = arith.addi %mul3A_762, %sub3A_766 : vector<16xi32>
      %sub3A_768 = arith.subi %shift_right_logical3A_756, %mul3A_590 : vector<16xi32>
      %mul3A_769 = arith.constant 409600 : i32
      %mul3A_770 = vector.broadcast %mul3A_769 : i32 to vector<16xi32>
      %mul3A_771 = arith.muli %sub3A_768, %mul3A_770 : vector<16xi32>
      %add3A_772 = arith.addi %add3A_767, %mul3A_771 : vector<16xi32>
      %add3A_773 = arith.constant 0 : i32
      %add3A_774 = vector.broadcast %add3A_773 : i32 to vector<16xi32>
      %add3A_775 = arith.addi %scan3A_742, %add3A_774 : vector<16xi32>
      %add3A_776 = arith.addi %add3A_775, %iota3A : vector<16xi32>
      %ge3A = arith.cmpi sge, %shift_right_logical3A_756, %mul3A_590 : vector<16xi32>
      %add3A_777 = arith.constant 2 : i32
      %add3A_778 = vector.broadcast %add3A_777 : i32 to vector<16xi32>
      %add3A_779 = arith.addi %mul3A_590, %add3A_778 : vector<16xi32>
      %lt3A_780 = arith.cmpi slt, %shift_right_logical3A_756, %add3A_779 : vector<16xi32>
      %and3A_781 = arith.andi %ge3A, %lt3A_780 : vector<16xi1>
      %lt3A_782 = arith.constant 10000 : i32
      %lt3A_783 = vector.broadcast %lt3A_782 : i32 to vector<16xi32>
      %lt3A_784 = arith.cmpi slt, %add3A_776, %lt3A_783 : vector<16xi32>
      %and3A_785 = arith.andi %and3A_781, %lt3A_784 : vector<16xi1>
      %and3A_786 = arith.constant 2047 : i32
      %and3A_787 = vector.broadcast %and3A_786 : i32 to vector<16xi32>
      %and3A_788 = arith.andi %add3A_776, %and3A_787 : vector<16xi32>
      %add3A_789 = arith.constant 819200 : i32
      %add3A_790 = vector.broadcast %add3A_789 : i32 to vector<16xi32>
      %add3A_791 = arith.addi %add3A_790, %and3A_788 : vector<16xi32>
      %select_n3A_792 = arith.select %and3A_785, %add3A_772, %add3A_791 : vector<16xi1>, vector<16xi32>
      %swap3A_793 = arith.index_cast %scan3A_741 : i32 to index
      %swap3A_794 = arith.constant 0 : index
      %swap3A_795 = tpu.vector_load %arg7[%swap3A_793, %swap3A_794] {strides = array<i32>} : memref<80x128xi32, #tpu.memory_space<vmem>>, vector<1x16xi32>,
      %swap3A_796 = vector.shape_cast %swap3A_795 : vector<1x16xi32> to vector<16xi32>
      %swap3A_797 = vector.shape_cast %select_n3A_792 : vector<16xi32> to vector<1x16xi32>
      tpu.vector_store %arg7[%swap3A_793, %swap3A_794], %swap3A_797 {strides = array<i32>} : memref<80x128xi32, #tpu.memory_space<vmem>>, vector<1x16xi32>,
      %mul3A_798 = arith.constant 128 : i32
      %mul3A_799 = arith.muli %scan3A_741, %mul3A_798 : i32
      %add3A_800 = arith.constant 16 : i32
      %add3A_801 = arith.addi %mul3A_799, %add3A_800 : i32
      %get3A_802 = arith.index_cast %add3A_801 : i32 to index
      %get3A_803 = tpu.vector_load %arg5[%get3A_802] {strides = array<i32>} : memref<10240xi32, #tpu.memory_space<vmem>>, vector<16xi32>,
      %get3A_804 = vector.shape_cast %get3A_803 : vector<16xi32> to vector<16xi32>
      %get3A_805 = arith.index_cast %add3A_801 : i32 to index
      %get3A_806 = tpu.vector_load %arg6[%get3A_805] {strides = array<i32>} : memref<10240xi32, #tpu.memory_space<vmem>>, vector<16xi32>,
      %get3A_807 = vector.shape_cast %get3A_806 : vector<16xi32> to vector<16xi32>
      %mul3A_808 = arith.constant 6711 : i32
      %mul3A_809 = vector.broadcast %mul3A_808 : i32 to vector<16xi32>
      %mul3A_810 = arith.muli %get3A_804, %mul3A_809 : vector<16xi32>
      %shift_right_logical3A_811 = arith.constant 22 : i32
      %shift_right_logical3A_812 = vector.broadcast %shift_right_logical3A_811 : i32 to vector<16xi32>
      %shift_right_logical3A_813 = arith.shrui %mul3A_810, %shift_right_logical3A_812 : vector<16xi32>
      %mul3A_814 = arith.constant 625 : i32
      %mul3A_815 = vector.broadcast %mul3A_814 : i32 to vector<16xi32>
      %mul3A_816 = arith.muli %shift_right_logical3A_813, %mul3A_815 : vector<16xi32>
      %sub3A_817 = arith.subi %get3A_804, %mul3A_816 : vector<16xi32>
      %mul3A_818 = arith.constant 640 : i32
      %mul3A_819 = vector.broadcast %mul3A_818 : i32 to vector<16xi32>
      %mul3A_820 = arith.muli %sub3A_817, %mul3A_819 : vector<16xi32>
      %mul3A_821 = arith.constant 625 : i32
      %mul3A_822 = vector.broadcast %mul3A_821 : i32 to vector<16xi32>
      %mul3A_823 = arith.muli %shift_right_logical3A_813, %mul3A_822 : vector<16xi32>
      %sub3A_824 = arith.subi %get3A_807, %mul3A_823 : vector<16xi32>
      %add3A_825 = arith.addi %mul3A_820, %sub3A_824 : vector<16xi32>
      %sub3A_826 = arith.subi %shift_right_logical3A_813, %mul3A_590 : vector<16xi32>
      %mul3A_827 = arith.constant 409600 : i32
      %mul3A_828 = vector.broadcast %mul3A_827 : i32 to vector<16xi32>
      %mul3A_829 = arith.muli %sub3A_826, %mul3A_828 : vector<16xi32>
      %add3A_830 = arith.addi %add3A_825, %mul3A_829 : vector<16xi32>
      %add3A_831 = arith.constant 16 : i32
      %add3A_832 = vector.broadcast %add3A_831 : i32 to vector<16xi32>
      %add3A_833 = arith.addi %scan3A_742, %add3A_832 : vector<16xi32>
      %add3A_834 = arith.addi %add3A_833, %iota3A : vector<16xi32>
      %ge3A_835 = arith.cmpi sge, %shift_right_logical3A_813, %mul3A_590 : vector<16xi32>
      %add3A_836 = arith.constant 2 : i32
      %add3A_837 = vector.broadcast %add3A_836 : i32 to vector<16xi32>
      %add3A_838 = arith.addi %mul3A_590, %add3A_837 : vector<16xi32>
      %lt3A_839 = arith.cmpi slt, %shift_right_logical3A_813, %add3A_838 : vector<16xi32>
      %and3A_840 = arith.andi %ge3A_835, %lt3A_839 : vector<16xi1>
      %lt3A_841 = arith.constant 10000 : i32
      %lt3A_842 = vector.broadcast %lt3A_841 : i32 to vector<16xi32>
      %lt3A_843 = arith.cmpi slt, %add3A_834, %lt3A_842 : vector<16xi32>
      %and3A_844 = arith.andi %and3A_840, %lt3A_843 : vector<16xi1>
      %and3A_845 = arith.constant 2047 : i32
      %and3A_846 = vector.broadcast %and3A_845 : i32 to vector<16xi32>
      %and3A_847 = arith.andi %add3A_834, %and3A_846 : vector<16xi32>
      %add3A_848 = arith.constant 819200 : i32
      %add3A_849 = vector.broadcast %add3A_848 : i32 to vector<16xi32>
      %add3A_850 = arith.addi %add3A_849, %and3A_847 : vector<16xi32>
      %select_n3A_851 = arith.select %and3A_844, %add3A_830, %add3A_850 : vector<16xi1>, vector<16xi32>
      %swap3A_852 = arith.index_cast %scan3A_741 : i32 to index
      %swap3A_853 = arith.constant 16 : index
      %swap3A_854 = tpu.vector_load %arg7[%swap3A_852, %swap3A_853] {strides = array<i32>} : memref<80x128xi32, #tpu.memory_space<vmem>>, vector<1x16xi32>,
      %swap3A_855 = vector.shape_cast %swap3A_854 : vector<1x16xi32> to vector<16xi32>
      %swap3A_856 = vector.shape_cast %select_n3A_851 : vector<16xi32> to vector<1x16xi32>
      tpu.vector_store %arg7[%swap3A_852, %swap3A_853], %swap3A_856 {strides = array<i32>} : memref<80x128xi32, #tpu.memory_space<vmem>>, vector<1x16xi32>,
      %mul3A_857 = arith.constant 128 : i32
      %mul3A_858 = arith.muli %scan3A_741, %mul3A_857 : i32
      %add3A_859 = arith.constant 32 : i32
      %add3A_860 = arith.addi %mul3A_858, %add3A_859 : i32
      %get3A_861 = arith.index_cast %add3A_860 : i32 to index
      %get3A_862 = tpu.vector_load %arg5[%get3A_861] {strides = array<i32>} : memref<10240xi32, #tpu.memory_space<vmem>>, vector<16xi32>,
      %get3A_863 = vector.shape_cast %get3A_862 : vector<16xi32> to vector<16xi32>
      %get3A_864 = arith.index_cast %add3A_860 : i32 to index
      %get3A_865 = tpu.vector_load %arg6[%get3A_864] {strides = array<i32>} : memref<10240xi32, #tpu.memory_space<vmem>>, vector<16xi32>,
      %get3A_866 = vector.shape_cast %get3A_865 : vector<16xi32> to vector<16xi32>
      %mul3A_867 = arith.constant 6711 : i32
      %mul3A_868 = vector.broadcast %mul3A_867 : i32 to vector<16xi32>
      %mul3A_869 = arith.muli %get3A_863, %mul3A_868 : vector<16xi32>
      %shift_right_logical3A_870 = arith.constant 22 : i32
      %shift_right_logical3A_871 = vector.broadcast %shift_right_logical3A_870 : i32 to vector<16xi32>
      %shift_right_logical3A_872 = arith.shrui %mul3A_869, %shift_right_logical3A_871 : vector<16xi32>
      %mul3A_873 = arith.constant 625 : i32
      %mul3A_874 = vector.broadcast %mul3A_873 : i32 to vector<16xi32>
      %mul3A_875 = arith.muli %shift_right_logical3A_872, %mul3A_874 : vector<16xi32>
      %sub3A_876 = arith.subi %get3A_863, %mul3A_875 : vector<16xi32>
      %mul3A_877 = arith.constant 640 : i32
      %mul3A_878 = vector.broadcast %mul3A_877 : i32 to vector<16xi32>
      %mul3A_879 = arith.muli %sub3A_876, %mul3A_878 : vector<16xi32>
      %mul3A_880 = arith.constant 625 : i32
      %mul3A_881 = vector.broadcast %mul3A_880 : i32 to vector<16xi32>
      %mul3A_882 = arith.muli %shift_right_logical3A_872, %mul3A_881 : vector<16xi32>
      %sub3A_883 = arith.subi %get3A_866, %mul3A_882 : vector<16xi32>
      %add3A_884 = arith.addi %mul3A_879, %sub3A_883 : vector<16xi32>
      %sub3A_885 = arith.subi %shift_right_logical3A_872, %mul3A_590 : vector<16xi32>
      %mul3A_886 = arith.constant 409600 : i32
      %mul3A_887 = vector.broadcast %mul3A_886 : i32 to vector<16xi32>
      %mul3A_888 = arith.muli %sub3A_885, %mul3A_887 : vector<16xi32>
      %add3A_889 = arith.addi %add3A_884, %mul3A_888 : vector<16xi32>
      %add3A_890 = arith.constant 32 : i32
      %add3A_891 = vector.broadcast %add3A_890 : i32 to vector<16xi32>
      %add3A_892 = arith.addi %scan3A_742, %add3A_891 : vector<16xi32>
      %add3A_893 = arith.addi %add3A_892, %iota3A : vector<16xi32>
      %ge3A_894 = arith.cmpi sge, %shift_right_logical3A_872, %mul3A_590 : vector<16xi32>
      %add3A_895 = arith.constant 2 : i32
      %add3A_896 = vector.broadcast %add3A_895 : i32 to vector<16xi32>
      %add3A_897 = arith.addi %mul3A_590, %add3A_896 : vector<16xi32>
      %lt3A_898 = arith.cmpi slt, %shift_right_logical3A_872, %add3A_897 : vector<16xi32>
      %and3A_899 = arith.andi %ge3A_894, %lt3A_898 : vector<16xi1>
      %lt3A_900 = arith.constant 10000 : i32
      %lt3A_901 = vector.broadcast %lt3A_900 : i32 to vector<16xi32>
      %lt3A_902 = arith.cmpi slt, %add3A_893, %lt3A_901 : vector<16xi32>
      %and3A_903 = arith.andi %and3A_899, %lt3A_902 : vector<16xi1>
      %and3A_904 = arith.constant 2047 : i32
      %and3A_905 = vector.broadcast %and3A_904 : i32 to vector<16xi32>
      %and3A_906 = arith.andi %add3A_893, %and3A_905 : vector<16xi32>
      %add3A_907 = arith.constant 819200 : i32
      %add3A_908 = vector.broadcast %add3A_907 : i32 to vector<16xi32>
      %add3A_909 = arith.addi %add3A_908, %and3A_906 : vector<16xi32>
      %select_n3A_910 = arith.select %and3A_903, %add3A_889, %add3A_909 : vector<16xi1>, vector<16xi32>
      %swap3A_911 = arith.index_cast %scan3A_741 : i32 to index
      %swap3A_912 = arith.constant 32 : index
      %swap3A_913 = tpu.vector_load %arg7[%swap3A_911, %swap3A_912] {strides = array<i32>} : memref<80x128xi32, #tpu.memory_space<vmem>>, vector<1x16xi32>,
      %swap3A_914 = vector.shape_cast %swap3A_913 : vector<1x16xi32> to vector<16xi32>
      %swap3A_915 = vector.shape_cast %select_n3A_910 : vector<16xi32> to vector<1x16xi32>
      tpu.vector_store %arg7[%swap3A_911, %swap3A_912], %swap3A_915 {strides = array<i32>} : memref<80x128xi32, #tpu.memory_space<vmem>>, vector<1x16xi32>,
      %mul3A_916 = arith.constant 128 : i32
      %mul3A_917 = arith.muli %scan3A_741, %mul3A_916 : i32
      %add3A_918 = arith.constant 48 : i32
      %add3A_919 = arith.addi %mul3A_917, %add3A_918 : i32
      %get3A_920 = arith.index_cast %add3A_919 : i32 to index
      %get3A_921 = tpu.vector_load %arg5[%get3A_920] {strides = array<i32>} : memref<10240xi32, #tpu.memory_space<vmem>>, vector<16xi32>,
      %get3A_922 = vector.shape_cast %get3A_921 : vector<16xi32> to vector<16xi32>
      %get3A_923 = arith.index_cast %add3A_919 : i32 to index
      %get3A_924 = tpu.vector_load %arg6[%get3A_923] {strides = array<i32>} : memref<10240xi32, #tpu.memory_space<vmem>>, vector<16xi32>,
      %get3A_925 = vector.shape_cast %get3A_924 : vector<16xi32> to vector<16xi32>
      %mul3A_926 = arith.constant 6711 : i32
      %mul3A_927 = vector.broadcast %mul3A_926 : i32 to vector<16xi32>
      %mul3A_928 = arith.muli %get3A_922, %mul3A_927 : vector<16xi32>
      %shift_right_logical3A_929 = arith.constant 22 : i32
      %shift_right_logical3A_930 = vector.broadcast %shift_right_logical3A_929 : i32 to vector<16xi32>
      %shift_right_logical3A_931 = arith.shrui %mul3A_928, %shift_right_logical3A_930 : vector<16xi32>
      %mul3A_932 = arith.constant 625 : i32
      %mul3A_933 = vector.broadcast %mul3A_932 : i32 to vector<16xi32>
      %mul3A_934 = arith.muli %shift_right_logical3A_931, %mul3A_933 : vector<16xi32>
      %sub3A_935 = arith.subi %get3A_922, %mul3A_934 : vector<16xi32>
      %mul3A_936 = arith.constant 640 : i32
      %mul3A_937 = vector.broadcast %mul3A_936 : i32 to vector<16xi32>
      %mul3A_938 = arith.muli %sub3A_935, %mul3A_937 : vector<16xi32>
      %mul3A_939 = arith.constant 625 : i32
      %mul3A_940 = vector.broadcast %mul3A_939 : i32 to vector<16xi32>
      %mul3A_941 = arith.muli %shift_right_logical3A_931, %mul3A_940 : vector<16xi32>
      %sub3A_942 = arith.subi %get3A_925, %mul3A_941 : vector<16xi32>
      %add3A_943 = arith.addi %mul3A_938, %sub3A_942 : vector<16xi32>
      %sub3A_944 = arith.subi %shift_right_logical3A_931, %mul3A_590 : vector<16xi32>
      %mul3A_945 = arith.constant 409600 : i32
      %mul3A_946 = vector.broadcast %mul3A_945 : i32 to vector<16xi32>
      %mul3A_947 = arith.muli %sub3A_944, %mul3A_946 : vector<16xi32>
      %add3A_948 = arith.addi %add3A_943, %mul3A_947 : vector<16xi32>
      %add3A_949 = arith.constant 48 : i32
      %add3A_950 = vector.broadcast %add3A_949 : i32 to vector<16xi32>
      %add3A_951 = arith.addi %scan3A_742, %add3A_950 : vector<16xi32>
      %add3A_952 = arith.addi %add3A_951, %iota3A : vector<16xi32>
      %ge3A_953 = arith.cmpi sge, %shift_right_logical3A_931, %mul3A_590 : vector<16xi32>
      %add3A_954 = arith.constant 2 : i32
      %add3A_955 = vector.broadcast %add3A_954 : i32 to vector<16xi32>
      %add3A_956 = arith.addi %mul3A_590, %add3A_955 : vector<16xi32>
      %lt3A_957 = arith.cmpi slt, %shift_right_logical3A_931, %add3A_956 : vector<16xi32>
      %and3A_958 = arith.andi %ge3A_953, %lt3A_957 : vector<16xi1>
      %lt3A_959 = arith.constant 10000 : i32
      %lt3A_960 = vector.broadcast %lt3A_959 : i32 to vector<16xi32>
      %lt3A_961 = arith.cmpi slt, %add3A_952, %lt3A_960 : vector<16xi32>
      %and3A_962 = arith.andi %and3A_958, %lt3A_961 : vector<16xi1>
      %and3A_963 = arith.constant 2047 : i32
      %and3A_964 = vector.broadcast %and3A_963 : i32 to vector<16xi32>
      %and3A_965 = arith.andi %add3A_952, %and3A_964 : vector<16xi32>
      %add3A_966 = arith.constant 819200 : i32
      %add3A_967 = vector.broadcast %add3A_966 : i32 to vector<16xi32>
      %add3A_968 = arith.addi %add3A_967, %and3A_965 : vector<16xi32>
      %select_n3A_969 = arith.select %and3A_962, %add3A_948, %add3A_968 : vector<16xi1>, vector<16xi32>
      %swap3A_970 = arith.index_cast %scan3A_741 : i32 to index
      %swap3A_971 = arith.constant 48 : index
      %swap3A_972 = tpu.vector_load %arg7[%swap3A_970, %swap3A_971] {strides = array<i32>} : memref<80x128xi32, #tpu.memory_space<vmem>>, vector<1x16xi32>,
      %swap3A_973 = vector.shape_cast %swap3A_972 : vector<1x16xi32> to vector<16xi32>
      %swap3A_974 = vector.shape_cast %select_n3A_969 : vector<16xi32> to vector<1x16xi32>
      tpu.vector_store %arg7[%swap3A_970, %swap3A_971], %swap3A_974 {strides = array<i32>} : memref<80x128xi32, #tpu.memory_space<vmem>>, vector<1x16xi32>,
      %mul3A_975 = arith.constant 128 : i32
      %mul3A_976 = arith.muli %scan3A_741, %mul3A_975 : i32
      %add3A_977 = arith.constant 64 : i32
      %add3A_978 = arith.addi %mul3A_976, %add3A_977 : i32
      %get3A_979 = arith.index_cast %add3A_978 : i32 to index
      %get3A_980 = tpu.vector_load %arg5[%get3A_979] {strides = array<i32>} : memref<10240xi32, #tpu.memory_space<vmem>>, vector<16xi32>,
      %get3A_981 = vector.shape_cast %get3A_980 : vector<16xi32> to vector<16xi32>
      %get3A_982 = arith.index_cast %add3A_978 : i32 to index
      %get3A_983 = tpu.vector_load %arg6[%get3A_982] {strides = array<i32>} : memref<10240xi32, #tpu.memory_space<vmem>>, vector<16xi32>,
      %get3A_984 = vector.shape_cast %get3A_983 : vector<16xi32> to vector<16xi32>
      %mul3A_985 = arith.constant 6711 : i32
      %mul3A_986 = vector.broadcast %mul3A_985 : i32 to vector<16xi32>
      %mul3A_987 = arith.muli %get3A_981, %mul3A_986 : vector<16xi32>
      %shift_right_logical3A_988 = arith.constant 22 : i32
      %shift_right_logical3A_989 = vector.broadcast %shift_right_logical3A_988 : i32 to vector<16xi32>
      %shift_right_logical3A_990 = arith.shrui %mul3A_987, %shift_right_logical3A_989 : vector<16xi32>
      %mul3A_991 = arith.constant 625 : i32
      %mul3A_992 = vector.broadcast %mul3A_991 : i32 to vector<16xi32>
      %mul3A_993 = arith.muli %shift_right_logical3A_990, %mul3A_992 : vector<16xi32>
      %sub3A_994 = arith.subi %get3A_981, %mul3A_993 : vector<16xi32>
      %mul3A_995 = arith.constant 640 : i32
      %mul3A_996 = vector.broadcast %mul3A_995 : i32 to vector<16xi32>
      %mul3A_997 = arith.muli %sub3A_994, %mul3A_996 : vector<16xi32>
      %mul3A_998 = arith.constant 625 : i32
      %mul3A_999 = vector.broadcast %mul3A_998 : i32 to vector<16xi32>
      %mul3A_1000 = arith.muli %shift_right_logical3A_990, %mul3A_999 : vector<16xi32>
      %sub3A_1001 = arith.subi %get3A_984, %mul3A_1000 : vector<16xi32>
      %add3A_1002 = arith.addi %mul3A_997, %sub3A_1001 : vector<16xi32>
      %sub3A_1003 = arith.subi %shift_right_logical3A_990, %mul3A_590 : vector<16xi32>
      %mul3A_1004 = arith.constant 409600 : i32
      %mul3A_1005 = vector.broadcast %mul3A_1004 : i32 to vector<16xi32>
      %mul3A_1006 = arith.muli %sub3A_1003, %mul3A_1005 : vector<16xi32>
      %add3A_1007 = arith.addi %add3A_1002, %mul3A_1006 : vector<16xi32>
      %add3A_1008 = arith.constant 64 : i32
      %add3A_1009 = vector.broadcast %add3A_1008 : i32 to vector<16xi32>
      %add3A_1010 = arith.addi %scan3A_742, %add3A_1009 : vector<16xi32>
      %add3A_1011 = arith.addi %add3A_1010, %iota3A : vector<16xi32>
      %ge3A_1012 = arith.cmpi sge, %shift_right_logical3A_990, %mul3A_590 : vector<16xi32>
      %add3A_1013 = arith.constant 2 : i32
      %add3A_1014 = vector.broadcast %add3A_1013 : i32 to vector<16xi32>
      %add3A_1015 = arith.addi %mul3A_590, %add3A_1014 : vector<16xi32>
      %lt3A_1016 = arith.cmpi slt, %shift_right_logical3A_990, %add3A_1015 : vector<16xi32>
      %and3A_1017 = arith.andi %ge3A_1012, %lt3A_1016 : vector<16xi1>
      %lt3A_1018 = arith.constant 10000 : i32
      %lt3A_1019 = vector.broadcast %lt3A_1018 : i32 to vector<16xi32>
      %lt3A_1020 = arith.cmpi slt, %add3A_1011, %lt3A_1019 : vector<16xi32>
      %and3A_1021 = arith.andi %and3A_1017, %lt3A_1020 : vector<16xi1>
      %and3A_1022 = arith.constant 2047 : i32
      %and3A_1023 = vector.broadcast %and3A_1022 : i32 to vector<16xi32>
      %and3A_1024 = arith.andi %add3A_1011, %and3A_1023 : vector<16xi32>
      %add3A_1025 = arith.constant 819200 : i32
      %add3A_1026 = vector.broadcast %add3A_1025 : i32 to vector<16xi32>
      %add3A_1027 = arith.addi %add3A_1026, %and3A_1024 : vector<16xi32>
      %select_n3A_1028 = arith.select %and3A_1021, %add3A_1007, %add3A_1027 : vector<16xi1>, vector<16xi32>
      %swap3A_1029 = arith.index_cast %scan3A_741 : i32 to index
      %swap3A_1030 = arith.constant 64 : index
      %swap3A_1031 = tpu.vector_load %arg7[%swap3A_1029, %swap3A_1030] {strides = array<i32>} : memref<80x128xi32, #tpu.memory_space<vmem>>, vector<1x16xi32>,
      %swap3A_1032 = vector.shape_cast %swap3A_1031 : vector<1x16xi32> to vector<16xi32>
      %swap3A_1033 = vector.shape_cast %select_n3A_1028 : vector<16xi32> to vector<1x16xi32>
      tpu.vector_store %arg7[%swap3A_1029, %swap3A_1030], %swap3A_1033 {strides = array<i32>} : memref<80x128xi32, #tpu.memory_space<vmem>>, vector<1x16xi32>,
      %mul3A_1034 = arith.constant 128 : i32
      %mul3A_1035 = arith.muli %scan3A_741, %mul3A_1034 : i32
      %add3A_1036 = arith.constant 80 : i32
      %add3A_1037 = arith.addi %mul3A_1035, %add3A_1036 : i32
      %get3A_1038 = arith.index_cast %add3A_1037 : i32 to index
      %get3A_1039 = tpu.vector_load %arg5[%get3A_1038] {strides = array<i32>} : memref<10240xi32, #tpu.memory_space<vmem>>, vector<16xi32>,
      %get3A_1040 = vector.shape_cast %get3A_1039 : vector<16xi32> to vector<16xi32>
      %get3A_1041 = arith.index_cast %add3A_1037 : i32 to index
      %get3A_1042 = tpu.vector_load %arg6[%get3A_1041] {strides = array<i32>} : memref<10240xi32, #tpu.memory_space<vmem>>, vector<16xi32>,
      %get3A_1043 = vector.shape_cast %get3A_1042 : vector<16xi32> to vector<16xi32>
      %mul3A_1044 = arith.constant 6711 : i32
      %mul3A_1045 = vector.broadcast %mul3A_1044 : i32 to vector<16xi32>
      %mul3A_1046 = arith.muli %get3A_1040, %mul3A_1045 : vector<16xi32>
      %shift_right_logical3A_1047 = arith.constant 22 : i32
      %shift_right_logical3A_1048 = vector.broadcast %shift_right_logical3A_1047 : i32 to vector<16xi32>
      %shift_right_logical3A_1049 = arith.shrui %mul3A_1046, %shift_right_logical3A_1048 : vector<16xi32>
      %mul3A_1050 = arith.constant 625 : i32
      %mul3A_1051 = vector.broadcast %mul3A_1050 : i32 to vector<16xi32>
      %mul3A_1052 = arith.muli %shift_right_logical3A_1049, %mul3A_1051 : vector<16xi32>
      %sub3A_1053 = arith.subi %get3A_1040, %mul3A_1052 : vector<16xi32>
      %mul3A_1054 = arith.constant 640 : i32
      %mul3A_1055 = vector.broadcast %mul3A_1054 : i32 to vector<16xi32>
      %mul3A_1056 = arith.muli %sub3A_1053, %mul3A_1055 : vector<16xi32>
      %mul3A_1057 = arith.constant 625 : i32
      %mul3A_1058 = vector.broadcast %mul3A_1057 : i32 to vector<16xi32>
      %mul3A_1059 = arith.muli %shift_right_logical3A_1049, %mul3A_1058 : vector<16xi32>
      %sub3A_1060 = arith.subi %get3A_1043, %mul3A_1059 : vector<16xi32>
      %add3A_1061 = arith.addi %mul3A_1056, %sub3A_1060 : vector<16xi32>
      %sub3A_1062 = arith.subi %shift_right_logical3A_1049, %mul3A_590 : vector<16xi32>
      %mul3A_1063 = arith.constant 409600 : i32
      %mul3A_1064 = vector.broadcast %mul3A_1063 : i32 to vector<16xi32>
      %mul3A_1065 = arith.muli %sub3A_1062, %mul3A_1064 : vector<16xi32>
      %add3A_1066 = arith.addi %add3A_1061, %mul3A_1065 : vector<16xi32>
      %add3A_1067 = arith.constant 80 : i32
      %add3A_1068 = vector.broadcast %add3A_1067 : i32 to vector<16xi32>
      %add3A_1069 = arith.addi %scan3A_742, %add3A_1068 : vector<16xi32>
      %add3A_1070 = arith.addi %add3A_1069, %iota3A : vector<16xi32>
      %ge3A_1071 = arith.cmpi sge, %shift_right_logical3A_1049, %mul3A_590 : vector<16xi32>
      %add3A_1072 = arith.constant 2 : i32
      %add3A_1073 = vector.broadcast %add3A_1072 : i32 to vector<16xi32>
      %add3A_1074 = arith.addi %mul3A_590, %add3A_1073 : vector<16xi32>
      %lt3A_1075 = arith.cmpi slt, %shift_right_logical3A_1049, %add3A_1074 : vector<16xi32>
      %and3A_1076 = arith.andi %ge3A_1071, %lt3A_1075 : vector<16xi1>
      %lt3A_1077 = arith.constant 10000 : i32
      %lt3A_1078 = vector.broadcast %lt3A_1077 : i32 to vector<16xi32>
      %lt3A_1079 = arith.cmpi slt, %add3A_1070, %lt3A_1078 : vector<16xi32>
      %and3A_1080 = arith.andi %and3A_1076, %lt3A_1079 : vector<16xi1>
      %and3A_1081 = arith.constant 2047 : i32
      %and3A_1082 = vector.broadcast %and3A_1081 : i32 to vector<16xi32>
      %and3A_1083 = arith.andi %add3A_1070, %and3A_1082 : vector<16xi32>
      %add3A_1084 = arith.constant 819200 : i32
      %add3A_1085 = vector.broadcast %add3A_1084 : i32 to vector<16xi32>
      %add3A_1086 = arith.addi %add3A_1085, %and3A_1083 : vector<16xi32>
      %select_n3A_1087 = arith.select %and3A_1080, %add3A_1066, %add3A_1086 : vector<16xi1>, vector<16xi32>
      %swap3A_1088 = arith.index_cast %scan3A_741 : i32 to index
      %swap3A_1089 = arith.constant 80 : index
      %swap3A_1090 = tpu.vector_load %arg7[%swap3A_1088, %swap3A_1089] {strides = array<i32>} : memref<80x128xi32, #tpu.memory_space<vmem>>, vector<1x16xi32>,
      %swap3A_1091 = vector.shape_cast %swap3A_1090 : vector<1x16xi32> to vector<16xi32>
      %swap3A_1092 = vector.shape_cast %select_n3A_1087 : vector<16xi32> to vector<1x16xi32>
      tpu.vector_store %arg7[%swap3A_1088, %swap3A_1089], %swap3A_1092 {strides = array<i32>} : memref<80x128xi32, #tpu.memory_space<vmem>>, vector<1x16xi32>,
      %mul3A_1093 = arith.constant 128 : i32
      %mul3A_1094 = arith.muli %scan3A_741, %mul3A_1093 : i32
      %add3A_1095 = arith.constant 96 : i32
      %add3A_1096 = arith.addi %mul3A_1094, %add3A_1095 : i32
      %get3A_1097 = arith.index_cast %add3A_1096 : i32 to index
      %get3A_1098 = tpu.vector_load %arg5[%get3A_1097] {strides = array<i32>} : memref<10240xi32, #tpu.memory_space<vmem>>, vector<16xi32>,
      %get3A_1099 = vector.shape_cast %get3A_1098 : vector<16xi32> to vector<16xi32>
      %get3A_1100 = arith.index_cast %add3A_1096 : i32 to index
      %get3A_1101 = tpu.vector_load %arg6[%get3A_1100] {strides = array<i32>} : memref<10240xi32, #tpu.memory_space<vmem>>, vector<16xi32>,
      %get3A_1102 = vector.shape_cast %get3A_1101 : vector<16xi32> to vector<16xi32>
      %mul3A_1103 = arith.constant 6711 : i32
      %mul3A_1104 = vector.broadcast %mul3A_1103 : i32 to vector<16xi32>
      %mul3A_1105 = arith.muli %get3A_1099, %mul3A_1104 : vector<16xi32>
      %shift_right_logical3A_1106 = arith.constant 22 : i32
      %shift_right_logical3A_1107 = vector.broadcast %shift_right_logical3A_1106 : i32 to vector<16xi32>
      %shift_right_logical3A_1108 = arith.shrui %mul3A_1105, %shift_right_logical3A_1107 : vector<16xi32>
      %mul3A_1109 = arith.constant 625 : i32
      %mul3A_1110 = vector.broadcast %mul3A_1109 : i32 to vector<16xi32>
      %mul3A_1111 = arith.muli %shift_right_logical3A_1108, %mul3A_1110 : vector<16xi32>
      %sub3A_1112 = arith.subi %get3A_1099, %mul3A_1111 : vector<16xi32>
      %mul3A_1113 = arith.constant 640 : i32
      %mul3A_1114 = vector.broadcast %mul3A_1113 : i32 to vector<16xi32>
      %mul3A_1115 = arith.muli %sub3A_1112, %mul3A_1114 : vector<16xi32>
      %mul3A_1116 = arith.constant 625 : i32
      %mul3A_1117 = vector.broadcast %mul3A_1116 : i32 to vector<16xi32>
      %mul3A_1118 = arith.muli %shift_right_logical3A_1108, %mul3A_1117 : vector<16xi32>
      %sub3A_1119 = arith.subi %get3A_1102, %mul3A_1118 : vector<16xi32>
      %add3A_1120 = arith.addi %mul3A_1115, %sub3A_1119 : vector<16xi32>
      %sub3A_1121 = arith.subi %shift_right_logical3A_1108, %mul3A_590 : vector<16xi32>
      %mul3A_1122 = arith.constant 409600 : i32
      %mul3A_1123 = vector.broadcast %mul3A_1122 : i32 to vector<16xi32>
      %mul3A_1124 = arith.muli %sub3A_1121, %mul3A_1123 : vector<16xi32>
      %add3A_1125 = arith.addi %add3A_1120, %mul3A_1124 : vector<16xi32>
      %add3A_1126 = arith.constant 96 : i32
      %add3A_1127 = vector.broadcast %add3A_1126 : i32 to vector<16xi32>
      %add3A_1128 = arith.addi %scan3A_742, %add3A_1127 : vector<16xi32>
      %add3A_1129 = arith.addi %add3A_1128, %iota3A : vector<16xi32>
      %ge3A_1130 = arith.cmpi sge, %shift_right_logical3A_1108, %mul3A_590 : vector<16xi32>
      %add3A_1131 = arith.constant 2 : i32
      %add3A_1132 = vector.broadcast %add3A_1131 : i32 to vector<16xi32>
      %add3A_1133 = arith.addi %mul3A_590, %add3A_1132 : vector<16xi32>
      %lt3A_1134 = arith.cmpi slt, %shift_right_logical3A_1108, %add3A_1133 : vector<16xi32>
      %and3A_1135 = arith.andi %ge3A_1130, %lt3A_1134 : vector<16xi1>
      %lt3A_1136 = arith.constant 10000 : i32
      %lt3A_1137 = vector.broadcast %lt3A_1136 : i32 to vector<16xi32>
      %lt3A_1138 = arith.cmpi slt, %add3A_1129, %lt3A_1137 : vector<16xi32>
      %and3A_1139 = arith.andi %and3A_1135, %lt3A_1138 : vector<16xi1>
      %and3A_1140 = arith.constant 2047 : i32
      %and3A_1141 = vector.broadcast %and3A_1140 : i32 to vector<16xi32>
      %and3A_1142 = arith.andi %add3A_1129, %and3A_1141 : vector<16xi32>
      %add3A_1143 = arith.constant 819200 : i32
      %add3A_1144 = vector.broadcast %add3A_1143 : i32 to vector<16xi32>
      %add3A_1145 = arith.addi %add3A_1144, %and3A_1142 : vector<16xi32>
      %select_n3A_1146 = arith.select %and3A_1139, %add3A_1125, %add3A_1145 : vector<16xi1>, vector<16xi32>
      %swap3A_1147 = arith.index_cast %scan3A_741 : i32 to index
      %swap3A_1148 = arith.constant 96 : index
      %swap3A_1149 = tpu.vector_load %arg7[%swap3A_1147, %swap3A_1148] {strides = array<i32>} : memref<80x128xi32, #tpu.memory_space<vmem>>, vector<1x16xi32>,
      %swap3A_1150 = vector.shape_cast %swap3A_1149 : vector<1x16xi32> to vector<16xi32>
      %swap3A_1151 = vector.shape_cast %select_n3A_1146 : vector<16xi32> to vector<1x16xi32>
      tpu.vector_store %arg7[%swap3A_1147, %swap3A_1148], %swap3A_1151 {strides = array<i32>} : memref<80x128xi32, #tpu.memory_space<vmem>>, vector<1x16xi32>,
      %mul3A_1152 = arith.constant 128 : i32
      %mul3A_1153 = arith.muli %scan3A_741, %mul3A_1152 : i32
      %add3A_1154 = arith.constant 112 : i32
      %add3A_1155 = arith.addi %mul3A_1153, %add3A_1154 : i32
      %get3A_1156 = arith.index_cast %add3A_1155 : i32 to index
      %get3A_1157 = tpu.vector_load %arg5[%get3A_1156] {strides = array<i32>} : memref<10240xi32, #tpu.memory_space<vmem>>, vector<16xi32>,
      %get3A_1158 = vector.shape_cast %get3A_1157 : vector<16xi32> to vector<16xi32>
      %get3A_1159 = arith.index_cast %add3A_1155 : i32 to index
      %get3A_1160 = tpu.vector_load %arg6[%get3A_1159] {strides = array<i32>} : memref<10240xi32, #tpu.memory_space<vmem>>, vector<16xi32>,
      %get3A_1161 = vector.shape_cast %get3A_1160 : vector<16xi32> to vector<16xi32>
      %mul3A_1162 = arith.constant 6711 : i32
      %mul3A_1163 = vector.broadcast %mul3A_1162 : i32 to vector<16xi32>
      %mul3A_1164 = arith.muli %get3A_1158, %mul3A_1163 : vector<16xi32>
      %shift_right_logical3A_1165 = arith.constant 22 : i32
      %shift_right_logical3A_1166 = vector.broadcast %shift_right_logical3A_1165 : i32 to vector<16xi32>
      %shift_right_logical3A_1167 = arith.shrui %mul3A_1164, %shift_right_logical3A_1166 : vector<16xi32>
      %mul3A_1168 = arith.constant 625 : i32
      %mul3A_1169 = vector.broadcast %mul3A_1168 : i32 to vector<16xi32>
      %mul3A_1170 = arith.muli %shift_right_logical3A_1167, %mul3A_1169 : vector<16xi32>
      %sub3A_1171 = arith.subi %get3A_1158, %mul3A_1170 : vector<16xi32>
      %mul3A_1172 = arith.constant 640 : i32
      %mul3A_1173 = vector.broadcast %mul3A_1172 : i32 to vector<16xi32>
      %mul3A_1174 = arith.muli %sub3A_1171, %mul3A_1173 : vector<16xi32>
      %mul3A_1175 = arith.constant 625 : i32
      %mul3A_1176 = vector.broadcast %mul3A_1175 : i32 to vector<16xi32>
      %mul3A_1177 = arith.muli %shift_right_logical3A_1167, %mul3A_1176 : vector<16xi32>
      %sub3A_1178 = arith.subi %get3A_1161, %mul3A_1177 : vector<16xi32>
      %add3A_1179 = arith.addi %mul3A_1174, %sub3A_1178 : vector<16xi32>
      %sub3A_1180 = arith.subi %shift_right_logical3A_1167, %mul3A_590 : vector<16xi32>
      %mul3A_1181 = arith.constant 409600 : i32
      %mul3A_1182 = vector.broadcast %mul3A_1181 : i32 to vector<16xi32>
      %mul3A_1183 = arith.muli %sub3A_1180, %mul3A_1182 : vector<16xi32>
      %add3A_1184 = arith.addi %add3A_1179, %mul3A_1183 : vector<16xi32>
      %add3A_1185 = arith.constant 112 : i32
      %add3A_1186 = vector.broadcast %add3A_1185 : i32 to vector<16xi32>
      %add3A_1187 = arith.addi %scan3A_742, %add3A_1186 : vector<16xi32>
      %add3A_1188 = arith.addi %add3A_1187, %iota3A : vector<16xi32>
      %ge3A_1189 = arith.cmpi sge, %shift_right_logical3A_1167, %mul3A_590 : vector<16xi32>
      %add3A_1190 = arith.constant 2 : i32
      %add3A_1191 = vector.broadcast %add3A_1190 : i32 to vector<16xi32>
      %add3A_1192 = arith.addi %mul3A_590, %add3A_1191 : vector<16xi32>
      %lt3A_1193 = arith.cmpi slt, %shift_right_logical3A_1167, %add3A_1192 : vector<16xi32>
      %and3A_1194 = arith.andi %ge3A_1189, %lt3A_1193 : vector<16xi1>
      %lt3A_1195 = arith.constant 10000 : i32
      %lt3A_1196 = vector.broadcast %lt3A_1195 : i32 to vector<16xi32>
      %lt3A_1197 = arith.cmpi slt, %add3A_1188, %lt3A_1196 : vector<16xi32>
      %and3A_1198 = arith.andi %and3A_1194, %lt3A_1197 : vector<16xi1>
      %and3A_1199 = arith.constant 2047 : i32
      %and3A_1200 = vector.broadcast %and3A_1199 : i32 to vector<16xi32>
      %and3A_1201 = arith.andi %add3A_1188, %and3A_1200 : vector<16xi32>
      %add3A_1202 = arith.constant 819200 : i32
      %add3A_1203 = vector.broadcast %add3A_1202 : i32 to vector<16xi32>
      %add3A_1204 = arith.addi %add3A_1203, %and3A_1201 : vector<16xi32>
      %select_n3A_1205 = arith.select %and3A_1198, %add3A_1184, %add3A_1204 : vector<16xi1>, vector<16xi32>
      %swap3A_1206 = arith.index_cast %scan3A_741 : i32 to index
      %swap3A_1207 = arith.constant 112 : index
      %swap3A_1208 = tpu.vector_load %arg7[%swap3A_1206, %swap3A_1207] {strides = array<i32>} : memref<80x128xi32, #tpu.memory_space<vmem>>, vector<1x16xi32>,
      %swap3A_1209 = vector.shape_cast %swap3A_1208 : vector<1x16xi32> to vector<16xi32>
      %swap3A_1210 = vector.shape_cast %select_n3A_1205 : vector<16xi32> to vector<1x16xi32>
      tpu.vector_store %arg7[%swap3A_1206, %swap3A_1207], %swap3A_1210 {strides = array<i32>} : memref<80x128xi32, #tpu.memory_space<vmem>>, vector<1x16xi32>,
      %add3A_1211 = arith.constant 128 : i32
      %add3A_1212 = vector.broadcast %add3A_1211 : i32 to vector<16xi32>
      %add3A_1213 = arith.addi %scan3A_742, %add3A_1212 : vector<16xi32>
      scf.yield %add3A_1213 : vector<16xi32>
    }
    %scan3A_603 = arith.constant 80 : i32
    %scan3A_604 = arith.constant 0 : i32
    %scan3A_605 = arith.constant 80 : i32
    %scan3A_606 = arith.addi %scan3A_604, %scan3A_605 : i32
    %scan3A_607 = arith.constant 1 : i32
    scf.for %scan3A_741 = %scan3A_604 to %scan3A_606 step %scan3A_607  : i32 {
      "tpu.region"() ({
        %run_scoped3A_742 = tpu.sem_alloc : memref<!tpu.dma_semaphore, #tpu.memory_space<semaphore_mem>>
        %dma_start3A = arith.constant 0 : i32
        %dma_start3A_743 = tpu.memref_slice %arg7[%scan3A_741, %dma_start3A] : memref<80x128xi32, #tpu.memory_space<vmem>> -> memref<1x128xi32, #tpu.memory_space<vmem>>
        %dma_start3A_744 = tpu.memref_squeeze %dma_start3A_743 : memref<1x128xi32, #tpu.memory_space<vmem>> -> memref<128xi32, #tpu.memory_space<vmem>>
        %dma_start3A_745 = arith.constant 0 : i32
        %dma_start3A_746 = tpu.memref_slice %arg11[%dma_start3A_745] : memref<821248xf32, #tpu.memory_space<vmem_shared>> -> memref<821248xf32, #tpu.memory_space<vmem_shared>>
        tpu.enqueue_indirect_dma source(%arg9 : memref<128xf32, #tpu.memory_space<vmem>>) target(%dma_start3A_746 : memref<821248xf32, #tpu.memory_space<vmem_shared>>) offsets(%dma_start3A_744 : memref<128xi32, #tpu.memory_space<vmem>>) semaphore(%run_scoped3A_742 : memref<!tpu.dma_semaphore, #tpu.memory_space<semaphore_mem>>) {add = true}
        %dma_wait3A = arith.constant 0 : i32
        %dma_wait3A_747 = tpu.memref_slice %arg7[%scan3A_741, %dma_wait3A] : memref<80x128xi32, #tpu.memory_space<vmem>> -> memref<1x128xi32, #tpu.memory_space<vmem>>
        %dma_wait3A_748 = tpu.memref_squeeze %dma_wait3A_747 : memref<1x128xi32, #tpu.memory_space<vmem>> -> memref<128xi32, #tpu.memory_space<vmem>>
        %dma_wait3A_749 = arith.constant 0 : i32
        %dma_wait3A_750 = tpu.memref_slice %arg11[%dma_wait3A_749] : memref<821248xf32, #tpu.memory_space<vmem_shared>> -> memref<821248xf32, #tpu.memory_space<vmem_shared>>
        tpu.wait_indirect_dma semaphore(%run_scoped3A_742 : memref<!tpu.dma_semaphore, #tpu.memory_space<semaphore_mem>>) src(%arg9 : memref<128xf32, #tpu.memory_space<vmem>>) dst(%dma_wait3A_750 : memref<821248xf32, #tpu.memory_space<vmem_shared>>)
        tpu.yield
      }) : () -> ()
    }
    %scan3A_608 = arith.constant 80 : i32
    %run_scoped3A = arith.constant 0 : i32
    "tpu.region"() ({
      %run_scoped3A_741 = tpu.sem_alloc : memref<!tpu.dma_semaphore, #tpu.memory_space<semaphore_mem>>
      %dma_start3A = arith.constant 0 : i32
      %dma_start3A_742 = tpu.memref_slice %arg8[%run_scoped3A, %dma_start3A] : memref<2x128xi32, #tpu.memory_space<vmem>> -> memref<1x128xi32, #tpu.memory_space<vmem>>
      %dma_start3A_743 = tpu.memref_squeeze %dma_start3A_742 : memref<1x128xi32, #tpu.memory_space<vmem>> -> memref<128xi32, #tpu.memory_space<vmem>>
      %dma_start3A_744 = arith.constant 0 : i32
      %dma_start3A_745 = tpu.memref_slice %arg11[%dma_start3A_744] : memref<821248xf32, #tpu.memory_space<vmem_shared>> -> memref<821248xf32, #tpu.memory_space<vmem_shared>>
      tpu.enqueue_indirect_dma source(%arg9 : memref<128xf32, #tpu.memory_space<vmem>>) target(%dma_start3A_745 : memref<821248xf32, #tpu.memory_space<vmem_shared>>) offsets(%dma_start3A_743 : memref<128xi32, #tpu.memory_space<vmem>>) semaphore(%run_scoped3A_741 : memref<!tpu.dma_semaphore, #tpu.memory_space<semaphore_mem>>) {add = true}
      %dma_wait3A = arith.constant 0 : i32
      %dma_wait3A_746 = tpu.memref_slice %arg8[%run_scoped3A, %dma_wait3A] : memref<2x128xi32, #tpu.memory_space<vmem>> -> memref<1x128xi32, #tpu.memory_space<vmem>>
      %dma_wait3A_747 = tpu.memref_squeeze %dma_wait3A_746 : memref<1x128xi32, #tpu.memory_space<vmem>> -> memref<128xi32, #tpu.memory_space<vmem>>
      %dma_wait3A_748 = arith.constant 0 : i32
      %dma_wait3A_749 = tpu.memref_slice %arg11[%dma_wait3A_748] : memref<821248xf32, #tpu.memory_space<vmem_shared>> -> memref<821248xf32, #tpu.memory_space<vmem_shared>>
      tpu.wait_indirect_dma semaphore(%run_scoped3A_741 : memref<!tpu.dma_semaphore, #tpu.memory_space<semaphore_mem>>) src(%arg9 : memref<128xf32, #tpu.memory_space<vmem>>) dst(%dma_wait3A_749 : memref<821248xf32, #tpu.memory_space<vmem_shared>>)
      tpu.yield
    }) : () -> ()
    %run_scoped3A_609 = arith.constant 1 : i32
    "tpu.region"() ({
      %run_scoped3A_741 = tpu.sem_alloc : memref<!tpu.dma_semaphore, #tpu.memory_space<semaphore_mem>>
      %dma_start3A = arith.constant 0 : i32
      %dma_start3A_742 = tpu.memref_slice %arg8[%run_scoped3A_609, %dma_start3A] : memref<2x128xi32, #tpu.memory_space<vmem>> -> memref<1x128xi32, #tpu.memory_space<vmem>>
      %dma_start3A_743 = tpu.memref_squeeze %dma_start3A_742 : memref<1x128xi32, #tpu.memory_space<vmem>> -> memref<128xi32, #tpu.memory_space<vmem>>
      %dma_start3A_744 = arith.constant 0 : i32
      %dma_start3A_745 = tpu.memref_slice %arg11[%dma_start3A_744] : memref<821248xf32, #tpu.memory_space<vmem_shared>> -> memref<821248xf32, #tpu.memory_space<vmem_shared>>
      tpu.enqueue_indirect_dma source(%arg9 : memref<128xf32, #tpu.memory_space<vmem>>) target(%dma_start3A_745 : memref<821248xf32, #tpu.memory_space<vmem_shared>>) offsets(%dma_start3A_743 : memref<128xi32, #tpu.memory_space<vmem>>) semaphore(%run_scoped3A_741 : memref<!tpu.dma_semaphore, #tpu.memory_space<semaphore_mem>>) {add = true}
      %dma_wait3A = arith.constant 0 : i32
      %dma_wait3A_746 = tpu.memref_slice %arg8[%run_scoped3A_609, %dma_wait3A] : memref<2x128xi32, #tpu.memory_space<vmem>> -> memref<1x128xi32, #tpu.memory_space<vmem>>
      %dma_wait3A_747 = tpu.memref_squeeze %dma_wait3A_746 : memref<1x128xi32, #tpu.memory_space<vmem>> -> memref<128xi32, #tpu.memory_space<vmem>>
      %dma_wait3A_748 = arith.constant 0 : i32
      %dma_wait3A_749 = tpu.memref_slice %arg11[%dma_wait3A_748] : memref<821248xf32, #tpu.memory_space<vmem_shared>> -> memref<821248xf32, #tpu.memory_space<vmem_shared>>
      tpu.wait_indirect_dma semaphore(%run_scoped3A_741 : memref<!tpu.dma_semaphore, #tpu.memory_space<semaphore_mem>>) src(%arg9 : memref<128xf32, #tpu.memory_space<vmem>>) dst(%dma_wait3A_749 : memref<821248xf32, #tpu.memory_space<vmem_shared>>)
      tpu.yield
    }) : () -> ()
    %barrier3A_610 = arith.constant 0 : index
    tpu.barrier barrier_id(%barrier3A_610)
    %mul3A_611 = arith.constant 51200 : i32
    %mul3A_612 = arith.muli %arg1, %mul3A_611 : i32
    %add3A_613 = arith.constant 0 : i32
    %add3A_614 = arith.addi %add3A_613, %arg0 : i32
    %mul3A_615 = arith.constant 819200 : i32
    %mul3A_616 = arith.muli %add3A_614, %mul3A_615 : i32
    %mul3A_617 = arith.constant 51200 : i32
    %mul3A_618 = arith.muli %arg1, %mul3A_617 : i32
    %add3A_619 = arith.addi %mul3A_616, %mul3A_618 : i32
    "tpu.region"() ({
      %run_scoped3A_741 = tpu.sem_alloc : memref<!tpu.dma_semaphore, #tpu.memory_space<semaphore_mem>>
      %dma_start3A = tpu.memref_slice %arg4[%add3A_619] : memref<6553600xf32, #tpu.memory_space<hbm>> -> memref<51200xf32, #tpu.memory_space<hbm>>
      %dma_start3A_742 = tpu.memref_slice %arg11[%mul3A_612] : memref<821248xf32, #tpu.memory_space<vmem_shared>> -> memref<51200xf32, #tpu.memory_space<vmem_shared>>
      tpu.enqueue_dma source(%dma_start3A_742 : memref<51200xf32, #tpu.memory_space<vmem_shared>>) target(%dma_start3A : memref<51200xf32, #tpu.memory_space<hbm>>) target_semaphore(%run_scoped3A_741 : memref<!tpu.dma_semaphore, #tpu.memory_space<semaphore_mem>>)
      %dma_wait3A = tpu.memref_slice %arg4[%add3A_619] : memref<6553600xf32, #tpu.memory_space<hbm>> -> memref<51200xf32, #tpu.memory_space<hbm>>
      %dma_wait3A_743 = tpu.memref_slice %arg11[%mul3A_612] : memref<821248xf32, #tpu.memory_space<vmem_shared>> -> memref<51200xf32, #tpu.memory_space<vmem_shared>>
      tpu.wait_dma2 semaphore(%run_scoped3A_741 : memref<!tpu.dma_semaphore, #tpu.memory_space<semaphore_mem>>) src(%dma_wait3A_743 : memref<51200xf32, #tpu.memory_space<vmem_shared>>) dst(%dma_wait3A : memref<51200xf32, #tpu.memory_space<hbm>>)
      tpu.yield
    }) : () -> ()
    %barrier3A_620 = arith.constant 0 : index
    tpu.barrier barrier_id(%barrier3A_620)
    %mul3A_621 = arith.constant 2 : i32
    %mul3A_622 = arith.muli %arg0, %mul3A_621 : i32
    %add3A_623 = arith.constant 4 : i32
    %add3A_624 = arith.addi %add3A_623, %mul3A_622 : i32
    %broadcast_in_dim3A_625 = arith.constant 1 : i32
    %broadcast_in_dim3A_626 = vector.broadcast %broadcast_in_dim3A_625 : i32 to vector<16xi32>
    %mul3A_627 = vector.broadcast %add3A_624 : i32 to vector<16xi32>
    %mul3A_628 = arith.muli %broadcast_in_dim3A_626, %mul3A_627 : vector<16xi32>
    %scan3A_629 = arith.constant 0 : i32
    %scan3A_630 = arith.constant 8 : i32
    %scan3A_631 = arith.addi %scan3A_629, %scan3A_630 : i32
    %scan3A_632 = arith.constant 1 : i32
    scf.for %scan3A_741 = %scan3A_629 to %scan3A_631 step %scan3A_632  : i32 {
      %mul3A_742 = arith.constant 51328 : i32
      %mul3A_743 = arith.muli %arg1, %mul3A_742 : i32
      %mul3A_744 = arith.constant 6416 : i32
      %mul3A_745 = arith.muli %scan3A_741, %mul3A_744 : i32
      %add3A_746 = arith.addi %mul3A_743, %mul3A_745 : i32
      "tpu.region"() ({
        %run_scoped3A_747 = tpu.sem_alloc : memref<!tpu.dma_semaphore, #tpu.memory_space<semaphore_mem>>
        %dma_start3A = tpu.memref_slice %arg11[%add3A_746] : memref<821248xf32, #tpu.memory_space<vmem_shared>> -> memref<6416xf32, #tpu.memory_space<vmem_shared>>
        %dma_start3A_748 = tpu.memref_slice %arg11[%add3A_746] : memref<821248xf32, #tpu.memory_space<vmem_shared>> -> memref<6416xf32, #tpu.memory_space<vmem_shared>>
        tpu.enqueue_dma source(%arg10 : memref<6416xf32, #tpu.memory_space<vmem>>) target(%dma_start3A_748 : memref<6416xf32, #tpu.memory_space<vmem_shared>>) target_semaphore(%run_scoped3A_747 : memref<!tpu.dma_semaphore, #tpu.memory_space<semaphore_mem>>)
        %dma_wait3A = tpu.memref_slice %arg11[%add3A_746] : memref<821248xf32, #tpu.memory_space<vmem_shared>> -> memref<6416xf32, #tpu.memory_space<vmem_shared>>
        %dma_wait3A_749 = tpu.memref_slice %arg11[%add3A_746] : memref<821248xf32, #tpu.memory_space<vmem_shared>> -> memref<6416xf32, #tpu.memory_space<vmem_shared>>
        tpu.wait_dma2 semaphore(%run_scoped3A_747 : memref<!tpu.dma_semaphore, #tpu.memory_space<semaphore_mem>>) src(%arg10 : memref<6416xf32, #tpu.memory_space<vmem>>) dst(%dma_wait3A_749 : memref<6416xf32, #tpu.memory_space<vmem_shared>>)
        tpu.yield
      }) : () -> ()
    }
    %scan3A_633 = arith.constant 8 : i32
    %barrier3A_634 = arith.constant 0 : index
    tpu.barrier barrier_id(%barrier3A_634)
    %broadcast_in_dim3A_635 = arith.constant 0 : i32
    %broadcast_in_dim3A_636 = vector.broadcast %broadcast_in_dim3A_635 : i32 to vector<16xi32>
    %scan3A_637 = arith.constant 0 : i32
    %scan3A_638 = arith.constant 80 : i32
    %scan3A_639 = arith.addi %scan3A_637, %scan3A_638 : i32
    %scan3A_640 = arith.constant 1 : i32
    %scan3A_641 = scf.for %scan3A_741 = %scan3A_637 to %scan3A_639 step %scan3A_640 iter_args(%scan3A_742 = %broadcast_in_dim3A_636) -> (vector<16xi32>)  : i32 {
      %mul3A_743 = arith.constant 128 : i32
      %mul3A_744 = arith.muli %scan3A_741, %mul3A_743 : i32
      %add3A_745 = arith.constant 0 : i32
      %add3A_746 = arith.addi %mul3A_744, %add3A_745 : i32
      %get3A = arith.index_cast %add3A_746 : i32 to index
      %get3A_747 = tpu.vector_load %arg5[%get3A] {strides = array<i32>} : memref<10240xi32, #tpu.memory_space<vmem>>, vector<16xi32>,
      %get3A_748 = vector.shape_cast %get3A_747 : vector<16xi32> to vector<16xi32>
      %get3A_749 = arith.index_cast %add3A_746 : i32 to index
      %get3A_750 = tpu.vector_load %arg6[%get3A_749] {strides = array<i32>} : memref<10240xi32, #tpu.memory_space<vmem>>, vector<16xi32>,
      %get3A_751 = vector.shape_cast %get3A_750 : vector<16xi32> to vector<16xi32>
      %mul3A_752 = arith.constant 6711 : i32
      %mul3A_753 = vector.broadcast %mul3A_752 : i32 to vector<16xi32>
      %mul3A_754 = arith.muli %get3A_748, %mul3A_753 : vector<16xi32>
      %shift_right_logical3A = arith.constant 22 : i32
      %shift_right_logical3A_755 = vector.broadcast %shift_right_logical3A : i32 to vector<16xi32>
      %shift_right_logical3A_756 = arith.shrui %mul3A_754, %shift_right_logical3A_755 : vector<16xi32>
      %mul3A_757 = arith.constant 625 : i32
      %mul3A_758 = vector.broadcast %mul3A_757 : i32 to vector<16xi32>
      %mul3A_759 = arith.muli %shift_right_logical3A_756, %mul3A_758 : vector<16xi32>
      %sub3A = arith.subi %get3A_748, %mul3A_759 : vector<16xi32>
      %mul3A_760 = arith.constant 640 : i32
      %mul3A_761 = vector.broadcast %mul3A_760 : i32 to vector<16xi32>
      %mul3A_762 = arith.muli %sub3A, %mul3A_761 : vector<16xi32>
      %mul3A_763 = arith.constant 625 : i32
      %mul3A_764 = vector.broadcast %mul3A_763 : i32 to vector<16xi32>
      %mul3A_765 = arith.muli %shift_right_logical3A_756, %mul3A_764 : vector<16xi32>
      %sub3A_766 = arith.subi %get3A_751, %mul3A_765 : vector<16xi32>
      %add3A_767 = arith.addi %mul3A_762, %sub3A_766 : vector<16xi32>
      %sub3A_768 = arith.subi %shift_right_logical3A_756, %mul3A_628 : vector<16xi32>
      %mul3A_769 = arith.constant 409600 : i32
      %mul3A_770 = vector.broadcast %mul3A_769 : i32 to vector<16xi32>
      %mul3A_771 = arith.muli %sub3A_768, %mul3A_770 : vector<16xi32>
      %add3A_772 = arith.addi %add3A_767, %mul3A_771 : vector<16xi32>
      %add3A_773 = arith.constant 0 : i32
      %add3A_774 = vector.broadcast %add3A_773 : i32 to vector<16xi32>
      %add3A_775 = arith.addi %scan3A_742, %add3A_774 : vector<16xi32>
      %add3A_776 = arith.addi %add3A_775, %iota3A : vector<16xi32>
      %ge3A = arith.cmpi sge, %shift_right_logical3A_756, %mul3A_628 : vector<16xi32>
      %add3A_777 = arith.constant 2 : i32
      %add3A_778 = vector.broadcast %add3A_777 : i32 to vector<16xi32>
      %add3A_779 = arith.addi %mul3A_628, %add3A_778 : vector<16xi32>
      %lt3A_780 = arith.cmpi slt, %shift_right_logical3A_756, %add3A_779 : vector<16xi32>
      %and3A_781 = arith.andi %ge3A, %lt3A_780 : vector<16xi1>
      %lt3A_782 = arith.constant 10000 : i32
      %lt3A_783 = vector.broadcast %lt3A_782 : i32 to vector<16xi32>
      %lt3A_784 = arith.cmpi slt, %add3A_776, %lt3A_783 : vector<16xi32>
      %and3A_785 = arith.andi %and3A_781, %lt3A_784 : vector<16xi1>
      %and3A_786 = arith.constant 2047 : i32
      %and3A_787 = vector.broadcast %and3A_786 : i32 to vector<16xi32>
      %and3A_788 = arith.andi %add3A_776, %and3A_787 : vector<16xi32>
      %add3A_789 = arith.constant 819200 : i32
      %add3A_790 = vector.broadcast %add3A_789 : i32 to vector<16xi32>
      %add3A_791 = arith.addi %add3A_790, %and3A_788 : vector<16xi32>
      %select_n3A_792 = arith.select %and3A_785, %add3A_772, %add3A_791 : vector<16xi1>, vector<16xi32>
      %swap3A_793 = arith.index_cast %scan3A_741 : i32 to index
      %swap3A_794 = arith.constant 0 : index
      %swap3A_795 = tpu.vector_load %arg7[%swap3A_793, %swap3A_794] {strides = array<i32>} : memref<80x128xi32, #tpu.memory_space<vmem>>, vector<1x16xi32>,
      %swap3A_796 = vector.shape_cast %swap3A_795 : vector<1x16xi32> to vector<16xi32>
      %swap3A_797 = vector.shape_cast %select_n3A_792 : vector<16xi32> to vector<1x16xi32>
      tpu.vector_store %arg7[%swap3A_793, %swap3A_794], %swap3A_797 {strides = array<i32>} : memref<80x128xi32, #tpu.memory_space<vmem>>, vector<1x16xi32>,
      %mul3A_798 = arith.constant 128 : i32
      %mul3A_799 = arith.muli %scan3A_741, %mul3A_798 : i32
      %add3A_800 = arith.constant 16 : i32
      %add3A_801 = arith.addi %mul3A_799, %add3A_800 : i32
      %get3A_802 = arith.index_cast %add3A_801 : i32 to index
      %get3A_803 = tpu.vector_load %arg5[%get3A_802] {strides = array<i32>} : memref<10240xi32, #tpu.memory_space<vmem>>, vector<16xi32>,
      %get3A_804 = vector.shape_cast %get3A_803 : vector<16xi32> to vector<16xi32>
      %get3A_805 = arith.index_cast %add3A_801 : i32 to index
      %get3A_806 = tpu.vector_load %arg6[%get3A_805] {strides = array<i32>} : memref<10240xi32, #tpu.memory_space<vmem>>, vector<16xi32>,
      %get3A_807 = vector.shape_cast %get3A_806 : vector<16xi32> to vector<16xi32>
      %mul3A_808 = arith.constant 6711 : i32
      %mul3A_809 = vector.broadcast %mul3A_808 : i32 to vector<16xi32>
      %mul3A_810 = arith.muli %get3A_804, %mul3A_809 : vector<16xi32>
      %shift_right_logical3A_811 = arith.constant 22 : i32
      %shift_right_logical3A_812 = vector.broadcast %shift_right_logical3A_811 : i32 to vector<16xi32>
      %shift_right_logical3A_813 = arith.shrui %mul3A_810, %shift_right_logical3A_812 : vector<16xi32>
      %mul3A_814 = arith.constant 625 : i32
      %mul3A_815 = vector.broadcast %mul3A_814 : i32 to vector<16xi32>
      %mul3A_816 = arith.muli %shift_right_logical3A_813, %mul3A_815 : vector<16xi32>
      %sub3A_817 = arith.subi %get3A_804, %mul3A_816 : vector<16xi32>
      %mul3A_818 = arith.constant 640 : i32
      %mul3A_819 = vector.broadcast %mul3A_818 : i32 to vector<16xi32>
      %mul3A_820 = arith.muli %sub3A_817, %mul3A_819 : vector<16xi32>
      %mul3A_821 = arith.constant 625 : i32
      %mul3A_822 = vector.broadcast %mul3A_821 : i32 to vector<16xi32>
      %mul3A_823 = arith.muli %shift_right_logical3A_813, %mul3A_822 : vector<16xi32>
      %sub3A_824 = arith.subi %get3A_807, %mul3A_823 : vector<16xi32>
      %add3A_825 = arith.addi %mul3A_820, %sub3A_824 : vector<16xi32>
      %sub3A_826 = arith.subi %shift_right_logical3A_813, %mul3A_628 : vector<16xi32>
      %mul3A_827 = arith.constant 409600 : i32
      %mul3A_828 = vector.broadcast %mul3A_827 : i32 to vector<16xi32>
      %mul3A_829 = arith.muli %sub3A_826, %mul3A_828 : vector<16xi32>
      %add3A_830 = arith.addi %add3A_825, %mul3A_829 : vector<16xi32>
      %add3A_831 = arith.constant 16 : i32
      %add3A_832 = vector.broadcast %add3A_831 : i32 to vector<16xi32>
      %add3A_833 = arith.addi %scan3A_742, %add3A_832 : vector<16xi32>
      %add3A_834 = arith.addi %add3A_833, %iota3A : vector<16xi32>
      %ge3A_835 = arith.cmpi sge, %shift_right_logical3A_813, %mul3A_628 : vector<16xi32>
      %add3A_836 = arith.constant 2 : i32
      %add3A_837 = vector.broadcast %add3A_836 : i32 to vector<16xi32>
      %add3A_838 = arith.addi %mul3A_628, %add3A_837 : vector<16xi32>
      %lt3A_839 = arith.cmpi slt, %shift_right_logical3A_813, %add3A_838 : vector<16xi32>
      %and3A_840 = arith.andi %ge3A_835, %lt3A_839 : vector<16xi1>
      %lt3A_841 = arith.constant 10000 : i32
      %lt3A_842 = vector.broadcast %lt3A_841 : i32 to vector<16xi32>
      %lt3A_843 = arith.cmpi slt, %add3A_834, %lt3A_842 : vector<16xi32>
      %and3A_844 = arith.andi %and3A_840, %lt3A_843 : vector<16xi1>
      %and3A_845 = arith.constant 2047 : i32
      %and3A_846 = vector.broadcast %and3A_845 : i32 to vector<16xi32>
      %and3A_847 = arith.andi %add3A_834, %and3A_846 : vector<16xi32>
      %add3A_848 = arith.constant 819200 : i32
      %add3A_849 = vector.broadcast %add3A_848 : i32 to vector<16xi32>
      %add3A_850 = arith.addi %add3A_849, %and3A_847 : vector<16xi32>
      %select_n3A_851 = arith.select %and3A_844, %add3A_830, %add3A_850 : vector<16xi1>, vector<16xi32>
      %swap3A_852 = arith.index_cast %scan3A_741 : i32 to index
      %swap3A_853 = arith.constant 16 : index
      %swap3A_854 = tpu.vector_load %arg7[%swap3A_852, %swap3A_853] {strides = array<i32>} : memref<80x128xi32, #tpu.memory_space<vmem>>, vector<1x16xi32>,
      %swap3A_855 = vector.shape_cast %swap3A_854 : vector<1x16xi32> to vector<16xi32>
      %swap3A_856 = vector.shape_cast %select_n3A_851 : vector<16xi32> to vector<1x16xi32>
      tpu.vector_store %arg7[%swap3A_852, %swap3A_853], %swap3A_856 {strides = array<i32>} : memref<80x128xi32, #tpu.memory_space<vmem>>, vector<1x16xi32>,
      %mul3A_857 = arith.constant 128 : i32
      %mul3A_858 = arith.muli %scan3A_741, %mul3A_857 : i32
      %add3A_859 = arith.constant 32 : i32
      %add3A_860 = arith.addi %mul3A_858, %add3A_859 : i32
      %get3A_861 = arith.index_cast %add3A_860 : i32 to index
      %get3A_862 = tpu.vector_load %arg5[%get3A_861] {strides = array<i32>} : memref<10240xi32, #tpu.memory_space<vmem>>, vector<16xi32>,
      %get3A_863 = vector.shape_cast %get3A_862 : vector<16xi32> to vector<16xi32>
      %get3A_864 = arith.index_cast %add3A_860 : i32 to index
      %get3A_865 = tpu.vector_load %arg6[%get3A_864] {strides = array<i32>} : memref<10240xi32, #tpu.memory_space<vmem>>, vector<16xi32>,
      %get3A_866 = vector.shape_cast %get3A_865 : vector<16xi32> to vector<16xi32>
      %mul3A_867 = arith.constant 6711 : i32
      %mul3A_868 = vector.broadcast %mul3A_867 : i32 to vector<16xi32>
      %mul3A_869 = arith.muli %get3A_863, %mul3A_868 : vector<16xi32>
      %shift_right_logical3A_870 = arith.constant 22 : i32
      %shift_right_logical3A_871 = vector.broadcast %shift_right_logical3A_870 : i32 to vector<16xi32>
      %shift_right_logical3A_872 = arith.shrui %mul3A_869, %shift_right_logical3A_871 : vector<16xi32>
      %mul3A_873 = arith.constant 625 : i32
      %mul3A_874 = vector.broadcast %mul3A_873 : i32 to vector<16xi32>
      %mul3A_875 = arith.muli %shift_right_logical3A_872, %mul3A_874 : vector<16xi32>
      %sub3A_876 = arith.subi %get3A_863, %mul3A_875 : vector<16xi32>
      %mul3A_877 = arith.constant 640 : i32
      %mul3A_878 = vector.broadcast %mul3A_877 : i32 to vector<16xi32>
      %mul3A_879 = arith.muli %sub3A_876, %mul3A_878 : vector<16xi32>
      %mul3A_880 = arith.constant 625 : i32
      %mul3A_881 = vector.broadcast %mul3A_880 : i32 to vector<16xi32>
      %mul3A_882 = arith.muli %shift_right_logical3A_872, %mul3A_881 : vector<16xi32>
      %sub3A_883 = arith.subi %get3A_866, %mul3A_882 : vector<16xi32>
      %add3A_884 = arith.addi %mul3A_879, %sub3A_883 : vector<16xi32>
      %sub3A_885 = arith.subi %shift_right_logical3A_872, %mul3A_628 : vector<16xi32>
      %mul3A_886 = arith.constant 409600 : i32
      %mul3A_887 = vector.broadcast %mul3A_886 : i32 to vector<16xi32>
      %mul3A_888 = arith.muli %sub3A_885, %mul3A_887 : vector<16xi32>
      %add3A_889 = arith.addi %add3A_884, %mul3A_888 : vector<16xi32>
      %add3A_890 = arith.constant 32 : i32
      %add3A_891 = vector.broadcast %add3A_890 : i32 to vector<16xi32>
      %add3A_892 = arith.addi %scan3A_742, %add3A_891 : vector<16xi32>
      %add3A_893 = arith.addi %add3A_892, %iota3A : vector<16xi32>
      %ge3A_894 = arith.cmpi sge, %shift_right_logical3A_872, %mul3A_628 : vector<16xi32>
      %add3A_895 = arith.constant 2 : i32
      %add3A_896 = vector.broadcast %add3A_895 : i32 to vector<16xi32>
      %add3A_897 = arith.addi %mul3A_628, %add3A_896 : vector<16xi32>
      %lt3A_898 = arith.cmpi slt, %shift_right_logical3A_872, %add3A_897 : vector<16xi32>
      %and3A_899 = arith.andi %ge3A_894, %lt3A_898 : vector<16xi1>
      %lt3A_900 = arith.constant 10000 : i32
      %lt3A_901 = vector.broadcast %lt3A_900 : i32 to vector<16xi32>
      %lt3A_902 = arith.cmpi slt, %add3A_893, %lt3A_901 : vector<16xi32>
      %and3A_903 = arith.andi %and3A_899, %lt3A_902 : vector<16xi1>
      %and3A_904 = arith.constant 2047 : i32
      %and3A_905 = vector.broadcast %and3A_904 : i32 to vector<16xi32>
      %and3A_906 = arith.andi %add3A_893, %and3A_905 : vector<16xi32>
      %add3A_907 = arith.constant 819200 : i32
      %add3A_908 = vector.broadcast %add3A_907 : i32 to vector<16xi32>
      %add3A_909 = arith.addi %add3A_908, %and3A_906 : vector<16xi32>
      %select_n3A_910 = arith.select %and3A_903, %add3A_889, %add3A_909 : vector<16xi1>, vector<16xi32>
      %swap3A_911 = arith.index_cast %scan3A_741 : i32 to index
      %swap3A_912 = arith.constant 32 : index
      %swap3A_913 = tpu.vector_load %arg7[%swap3A_911, %swap3A_912] {strides = array<i32>} : memref<80x128xi32, #tpu.memory_space<vmem>>, vector<1x16xi32>,
      %swap3A_914 = vector.shape_cast %swap3A_913 : vector<1x16xi32> to vector<16xi32>
      %swap3A_915 = vector.shape_cast %select_n3A_910 : vector<16xi32> to vector<1x16xi32>
      tpu.vector_store %arg7[%swap3A_911, %swap3A_912], %swap3A_915 {strides = array<i32>} : memref<80x128xi32, #tpu.memory_space<vmem>>, vector<1x16xi32>,
      %mul3A_916 = arith.constant 128 : i32
      %mul3A_917 = arith.muli %scan3A_741, %mul3A_916 : i32
      %add3A_918 = arith.constant 48 : i32
      %add3A_919 = arith.addi %mul3A_917, %add3A_918 : i32
      %get3A_920 = arith.index_cast %add3A_919 : i32 to index
      %get3A_921 = tpu.vector_load %arg5[%get3A_920] {strides = array<i32>} : memref<10240xi32, #tpu.memory_space<vmem>>, vector<16xi32>,
      %get3A_922 = vector.shape_cast %get3A_921 : vector<16xi32> to vector<16xi32>
      %get3A_923 = arith.index_cast %add3A_919 : i32 to index
      %get3A_924 = tpu.vector_load %arg6[%get3A_923] {strides = array<i32>} : memref<10240xi32, #tpu.memory_space<vmem>>, vector<16xi32>,
      %get3A_925 = vector.shape_cast %get3A_924 : vector<16xi32> to vector<16xi32>
      %mul3A_926 = arith.constant 6711 : i32
      %mul3A_927 = vector.broadcast %mul3A_926 : i32 to vector<16xi32>
      %mul3A_928 = arith.muli %get3A_922, %mul3A_927 : vector<16xi32>
      %shift_right_logical3A_929 = arith.constant 22 : i32
      %shift_right_logical3A_930 = vector.broadcast %shift_right_logical3A_929 : i32 to vector<16xi32>
      %shift_right_logical3A_931 = arith.shrui %mul3A_928, %shift_right_logical3A_930 : vector<16xi32>
      %mul3A_932 = arith.constant 625 : i32
      %mul3A_933 = vector.broadcast %mul3A_932 : i32 to vector<16xi32>
      %mul3A_934 = arith.muli %shift_right_logical3A_931, %mul3A_933 : vector<16xi32>
      %sub3A_935 = arith.subi %get3A_922, %mul3A_934 : vector<16xi32>
      %mul3A_936 = arith.constant 640 : i32
      %mul3A_937 = vector.broadcast %mul3A_936 : i32 to vector<16xi32>
      %mul3A_938 = arith.muli %sub3A_935, %mul3A_937 : vector<16xi32>
      %mul3A_939 = arith.constant 625 : i32
      %mul3A_940 = vector.broadcast %mul3A_939 : i32 to vector<16xi32>
      %mul3A_941 = arith.muli %shift_right_logical3A_931, %mul3A_940 : vector<16xi32>
      %sub3A_942 = arith.subi %get3A_925, %mul3A_941 : vector<16xi32>
      %add3A_943 = arith.addi %mul3A_938, %sub3A_942 : vector<16xi32>
      %sub3A_944 = arith.subi %shift_right_logical3A_931, %mul3A_628 : vector<16xi32>
      %mul3A_945 = arith.constant 409600 : i32
      %mul3A_946 = vector.broadcast %mul3A_945 : i32 to vector<16xi32>
      %mul3A_947 = arith.muli %sub3A_944, %mul3A_946 : vector<16xi32>
      %add3A_948 = arith.addi %add3A_943, %mul3A_947 : vector<16xi32>
      %add3A_949 = arith.constant 48 : i32
      %add3A_950 = vector.broadcast %add3A_949 : i32 to vector<16xi32>
      %add3A_951 = arith.addi %scan3A_742, %add3A_950 : vector<16xi32>
      %add3A_952 = arith.addi %add3A_951, %iota3A : vector<16xi32>
      %ge3A_953 = arith.cmpi sge, %shift_right_logical3A_931, %mul3A_628 : vector<16xi32>
      %add3A_954 = arith.constant 2 : i32
      %add3A_955 = vector.broadcast %add3A_954 : i32 to vector<16xi32>
      %add3A_956 = arith.addi %mul3A_628, %add3A_955 : vector<16xi32>
      %lt3A_957 = arith.cmpi slt, %shift_right_logical3A_931, %add3A_956 : vector<16xi32>
      %and3A_958 = arith.andi %ge3A_953, %lt3A_957 : vector<16xi1>
      %lt3A_959 = arith.constant 10000 : i32
      %lt3A_960 = vector.broadcast %lt3A_959 : i32 to vector<16xi32>
      %lt3A_961 = arith.cmpi slt, %add3A_952, %lt3A_960 : vector<16xi32>
      %and3A_962 = arith.andi %and3A_958, %lt3A_961 : vector<16xi1>
      %and3A_963 = arith.constant 2047 : i32
      %and3A_964 = vector.broadcast %and3A_963 : i32 to vector<16xi32>
      %and3A_965 = arith.andi %add3A_952, %and3A_964 : vector<16xi32>
      %add3A_966 = arith.constant 819200 : i32
      %add3A_967 = vector.broadcast %add3A_966 : i32 to vector<16xi32>
      %add3A_968 = arith.addi %add3A_967, %and3A_965 : vector<16xi32>
      %select_n3A_969 = arith.select %and3A_962, %add3A_948, %add3A_968 : vector<16xi1>, vector<16xi32>
      %swap3A_970 = arith.index_cast %scan3A_741 : i32 to index
      %swap3A_971 = arith.constant 48 : index
      %swap3A_972 = tpu.vector_load %arg7[%swap3A_970, %swap3A_971] {strides = array<i32>} : memref<80x128xi32, #tpu.memory_space<vmem>>, vector<1x16xi32>,
      %swap3A_973 = vector.shape_cast %swap3A_972 : vector<1x16xi32> to vector<16xi32>
      %swap3A_974 = vector.shape_cast %select_n3A_969 : vector<16xi32> to vector<1x16xi32>
      tpu.vector_store %arg7[%swap3A_970, %swap3A_971], %swap3A_974 {strides = array<i32>} : memref<80x128xi32, #tpu.memory_space<vmem>>, vector<1x16xi32>,
      %mul3A_975 = arith.constant 128 : i32
      %mul3A_976 = arith.muli %scan3A_741, %mul3A_975 : i32
      %add3A_977 = arith.constant 64 : i32
      %add3A_978 = arith.addi %mul3A_976, %add3A_977 : i32
      %get3A_979 = arith.index_cast %add3A_978 : i32 to index
      %get3A_980 = tpu.vector_load %arg5[%get3A_979] {strides = array<i32>} : memref<10240xi32, #tpu.memory_space<vmem>>, vector<16xi32>,
      %get3A_981 = vector.shape_cast %get3A_980 : vector<16xi32> to vector<16xi32>
      %get3A_982 = arith.index_cast %add3A_978 : i32 to index
      %get3A_983 = tpu.vector_load %arg6[%get3A_982] {strides = array<i32>} : memref<10240xi32, #tpu.memory_space<vmem>>, vector<16xi32>,
      %get3A_984 = vector.shape_cast %get3A_983 : vector<16xi32> to vector<16xi32>
      %mul3A_985 = arith.constant 6711 : i32
      %mul3A_986 = vector.broadcast %mul3A_985 : i32 to vector<16xi32>
      %mul3A_987 = arith.muli %get3A_981, %mul3A_986 : vector<16xi32>
      %shift_right_logical3A_988 = arith.constant 22 : i32
      %shift_right_logical3A_989 = vector.broadcast %shift_right_logical3A_988 : i32 to vector<16xi32>
      %shift_right_logical3A_990 = arith.shrui %mul3A_987, %shift_right_logical3A_989 : vector<16xi32>
      %mul3A_991 = arith.constant 625 : i32
      %mul3A_992 = vector.broadcast %mul3A_991 : i32 to vector<16xi32>
      %mul3A_993 = arith.muli %shift_right_logical3A_990, %mul3A_992 : vector<16xi32>
      %sub3A_994 = arith.subi %get3A_981, %mul3A_993 : vector<16xi32>
      %mul3A_995 = arith.constant 640 : i32
      %mul3A_996 = vector.broadcast %mul3A_995 : i32 to vector<16xi32>
      %mul3A_997 = arith.muli %sub3A_994, %mul3A_996 : vector<16xi32>
      %mul3A_998 = arith.constant 625 : i32
      %mul3A_999 = vector.broadcast %mul3A_998 : i32 to vector<16xi32>
      %mul3A_1000 = arith.muli %shift_right_logical3A_990, %mul3A_999 : vector<16xi32>
      %sub3A_1001 = arith.subi %get3A_984, %mul3A_1000 : vector<16xi32>
      %add3A_1002 = arith.addi %mul3A_997, %sub3A_1001 : vector<16xi32>
      %sub3A_1003 = arith.subi %shift_right_logical3A_990, %mul3A_628 : vector<16xi32>
      %mul3A_1004 = arith.constant 409600 : i32
      %mul3A_1005 = vector.broadcast %mul3A_1004 : i32 to vector<16xi32>
      %mul3A_1006 = arith.muli %sub3A_1003, %mul3A_1005 : vector<16xi32>
      %add3A_1007 = arith.addi %add3A_1002, %mul3A_1006 : vector<16xi32>
      %add3A_1008 = arith.constant 64 : i32
      %add3A_1009 = vector.broadcast %add3A_1008 : i32 to vector<16xi32>
      %add3A_1010 = arith.addi %scan3A_742, %add3A_1009 : vector<16xi32>
      %add3A_1011 = arith.addi %add3A_1010, %iota3A : vector<16xi32>
      %ge3A_1012 = arith.cmpi sge, %shift_right_logical3A_990, %mul3A_628 : vector<16xi32>
      %add3A_1013 = arith.constant 2 : i32
      %add3A_1014 = vector.broadcast %add3A_1013 : i32 to vector<16xi32>
      %add3A_1015 = arith.addi %mul3A_628, %add3A_1014 : vector<16xi32>
      %lt3A_1016 = arith.cmpi slt, %shift_right_logical3A_990, %add3A_1015 : vector<16xi32>
      %and3A_1017 = arith.andi %ge3A_1012, %lt3A_1016 : vector<16xi1>
      %lt3A_1018 = arith.constant 10000 : i32
      %lt3A_1019 = vector.broadcast %lt3A_1018 : i32 to vector<16xi32>
      %lt3A_1020 = arith.cmpi slt, %add3A_1011, %lt3A_1019 : vector<16xi32>
      %and3A_1021 = arith.andi %and3A_1017, %lt3A_1020 : vector<16xi1>
      %and3A_1022 = arith.constant 2047 : i32
      %and3A_1023 = vector.broadcast %and3A_1022 : i32 to vector<16xi32>
      %and3A_1024 = arith.andi %add3A_1011, %and3A_1023 : vector<16xi32>
      %add3A_1025 = arith.constant 819200 : i32
      %add3A_1026 = vector.broadcast %add3A_1025 : i32 to vector<16xi32>
      %add3A_1027 = arith.addi %add3A_1026, %and3A_1024 : vector<16xi32>
      %select_n3A_1028 = arith.select %and3A_1021, %add3A_1007, %add3A_1027 : vector<16xi1>, vector<16xi32>
      %swap3A_1029 = arith.index_cast %scan3A_741 : i32 to index
      %swap3A_1030 = arith.constant 64 : index
      %swap3A_1031 = tpu.vector_load %arg7[%swap3A_1029, %swap3A_1030] {strides = array<i32>} : memref<80x128xi32, #tpu.memory_space<vmem>>, vector<1x16xi32>,
      %swap3A_1032 = vector.shape_cast %swap3A_1031 : vector<1x16xi32> to vector<16xi32>
      %swap3A_1033 = vector.shape_cast %select_n3A_1028 : vector<16xi32> to vector<1x16xi32>
      tpu.vector_store %arg7[%swap3A_1029, %swap3A_1030], %swap3A_1033 {strides = array<i32>} : memref<80x128xi32, #tpu.memory_space<vmem>>, vector<1x16xi32>,
      %mul3A_1034 = arith.constant 128 : i32
      %mul3A_1035 = arith.muli %scan3A_741, %mul3A_1034 : i32
      %add3A_1036 = arith.constant 80 : i32
      %add3A_1037 = arith.addi %mul3A_1035, %add3A_1036 : i32
      %get3A_1038 = arith.index_cast %add3A_1037 : i32 to index
      %get3A_1039 = tpu.vector_load %arg5[%get3A_1038] {strides = array<i32>} : memref<10240xi32, #tpu.memory_space<vmem>>, vector<16xi32>,
      %get3A_1040 = vector.shape_cast %get3A_1039 : vector<16xi32> to vector<16xi32>
      %get3A_1041 = arith.index_cast %add3A_1037 : i32 to index
      %get3A_1042 = tpu.vector_load %arg6[%get3A_1041] {strides = array<i32>} : memref<10240xi32, #tpu.memory_space<vmem>>, vector<16xi32>,
      %get3A_1043 = vector.shape_cast %get3A_1042 : vector<16xi32> to vector<16xi32>
      %mul3A_1044 = arith.constant 6711 : i32
      %mul3A_1045 = vector.broadcast %mul3A_1044 : i32 to vector<16xi32>
      %mul3A_1046 = arith.muli %get3A_1040, %mul3A_1045 : vector<16xi32>
      %shift_right_logical3A_1047 = arith.constant 22 : i32
      %shift_right_logical3A_1048 = vector.broadcast %shift_right_logical3A_1047 : i32 to vector<16xi32>
      %shift_right_logical3A_1049 = arith.shrui %mul3A_1046, %shift_right_logical3A_1048 : vector<16xi32>
      %mul3A_1050 = arith.constant 625 : i32
      %mul3A_1051 = vector.broadcast %mul3A_1050 : i32 to vector<16xi32>
      %mul3A_1052 = arith.muli %shift_right_logical3A_1049, %mul3A_1051 : vector<16xi32>
      %sub3A_1053 = arith.subi %get3A_1040, %mul3A_1052 : vector<16xi32>
      %mul3A_1054 = arith.constant 640 : i32
      %mul3A_1055 = vector.broadcast %mul3A_1054 : i32 to vector<16xi32>
      %mul3A_1056 = arith.muli %sub3A_1053, %mul3A_1055 : vector<16xi32>
      %mul3A_1057 = arith.constant 625 : i32
      %mul3A_1058 = vector.broadcast %mul3A_1057 : i32 to vector<16xi32>
      %mul3A_1059 = arith.muli %shift_right_logical3A_1049, %mul3A_1058 : vector<16xi32>
      %sub3A_1060 = arith.subi %get3A_1043, %mul3A_1059 : vector<16xi32>
      %add3A_1061 = arith.addi %mul3A_1056, %sub3A_1060 : vector<16xi32>
      %sub3A_1062 = arith.subi %shift_right_logical3A_1049, %mul3A_628 : vector<16xi32>
      %mul3A_1063 = arith.constant 409600 : i32
      %mul3A_1064 = vector.broadcast %mul3A_1063 : i32 to vector<16xi32>
      %mul3A_1065 = arith.muli %sub3A_1062, %mul3A_1064 : vector<16xi32>
      %add3A_1066 = arith.addi %add3A_1061, %mul3A_1065 : vector<16xi32>
      %add3A_1067 = arith.constant 80 : i32
      %add3A_1068 = vector.broadcast %add3A_1067 : i32 to vector<16xi32>
      %add3A_1069 = arith.addi %scan3A_742, %add3A_1068 : vector<16xi32>
      %add3A_1070 = arith.addi %add3A_1069, %iota3A : vector<16xi32>
      %ge3A_1071 = arith.cmpi sge, %shift_right_logical3A_1049, %mul3A_628 : vector<16xi32>
      %add3A_1072 = arith.constant 2 : i32
      %add3A_1073 = vector.broadcast %add3A_1072 : i32 to vector<16xi32>
      %add3A_1074 = arith.addi %mul3A_628, %add3A_1073 : vector<16xi32>
      %lt3A_1075 = arith.cmpi slt, %shift_right_logical3A_1049, %add3A_1074 : vector<16xi32>
      %and3A_1076 = arith.andi %ge3A_1071, %lt3A_1075 : vector<16xi1>
      %lt3A_1077 = arith.constant 10000 : i32
      %lt3A_1078 = vector.broadcast %lt3A_1077 : i32 to vector<16xi32>
      %lt3A_1079 = arith.cmpi slt, %add3A_1070, %lt3A_1078 : vector<16xi32>
      %and3A_1080 = arith.andi %and3A_1076, %lt3A_1079 : vector<16xi1>
      %and3A_1081 = arith.constant 2047 : i32
      %and3A_1082 = vector.broadcast %and3A_1081 : i32 to vector<16xi32>
      %and3A_1083 = arith.andi %add3A_1070, %and3A_1082 : vector<16xi32>
      %add3A_1084 = arith.constant 819200 : i32
      %add3A_1085 = vector.broadcast %add3A_1084 : i32 to vector<16xi32>
      %add3A_1086 = arith.addi %add3A_1085, %and3A_1083 : vector<16xi32>
      %select_n3A_1087 = arith.select %and3A_1080, %add3A_1066, %add3A_1086 : vector<16xi1>, vector<16xi32>
      %swap3A_1088 = arith.index_cast %scan3A_741 : i32 to index
      %swap3A_1089 = arith.constant 80 : index
      %swap3A_1090 = tpu.vector_load %arg7[%swap3A_1088, %swap3A_1089] {strides = array<i32>} : memref<80x128xi32, #tpu.memory_space<vmem>>, vector<1x16xi32>,
      %swap3A_1091 = vector.shape_cast %swap3A_1090 : vector<1x16xi32> to vector<16xi32>
      %swap3A_1092 = vector.shape_cast %select_n3A_1087 : vector<16xi32> to vector<1x16xi32>
      tpu.vector_store %arg7[%swap3A_1088, %swap3A_1089], %swap3A_1092 {strides = array<i32>} : memref<80x128xi32, #tpu.memory_space<vmem>>, vector<1x16xi32>,
      %mul3A_1093 = arith.constant 128 : i32
      %mul3A_1094 = arith.muli %scan3A_741, %mul3A_1093 : i32
      %add3A_1095 = arith.constant 96 : i32
      %add3A_1096 = arith.addi %mul3A_1094, %add3A_1095 : i32
      %get3A_1097 = arith.index_cast %add3A_1096 : i32 to index
      %get3A_1098 = tpu.vector_load %arg5[%get3A_1097] {strides = array<i32>} : memref<10240xi32, #tpu.memory_space<vmem>>, vector<16xi32>,
      %get3A_1099 = vector.shape_cast %get3A_1098 : vector<16xi32> to vector<16xi32>
      %get3A_1100 = arith.index_cast %add3A_1096 : i32 to index
      %get3A_1101 = tpu.vector_load %arg6[%get3A_1100] {strides = array<i32>} : memref<10240xi32, #tpu.memory_space<vmem>>, vector<16xi32>,
      %get3A_1102 = vector.shape_cast %get3A_1101 : vector<16xi32> to vector<16xi32>
      %mul3A_1103 = arith.constant 6711 : i32
      %mul3A_1104 = vector.broadcast %mul3A_1103 : i32 to vector<16xi32>
      %mul3A_1105 = arith.muli %get3A_1099, %mul3A_1104 : vector<16xi32>
      %shift_right_logical3A_1106 = arith.constant 22 : i32
      %shift_right_logical3A_1107 = vector.broadcast %shift_right_logical3A_1106 : i32 to vector<16xi32>
      %shift_right_logical3A_1108 = arith.shrui %mul3A_1105, %shift_right_logical3A_1107 : vector<16xi32>
      %mul3A_1109 = arith.constant 625 : i32
      %mul3A_1110 = vector.broadcast %mul3A_1109 : i32 to vector<16xi32>
      %mul3A_1111 = arith.muli %shift_right_logical3A_1108, %mul3A_1110 : vector<16xi32>
      %sub3A_1112 = arith.subi %get3A_1099, %mul3A_1111 : vector<16xi32>
      %mul3A_1113 = arith.constant 640 : i32
      %mul3A_1114 = vector.broadcast %mul3A_1113 : i32 to vector<16xi32>
      %mul3A_1115 = arith.muli %sub3A_1112, %mul3A_1114 : vector<16xi32>
      %mul3A_1116 = arith.constant 625 : i32
      %mul3A_1117 = vector.broadcast %mul3A_1116 : i32 to vector<16xi32>
      %mul3A_1118 = arith.muli %shift_right_logical3A_1108, %mul3A_1117 : vector<16xi32>
      %sub3A_1119 = arith.subi %get3A_1102, %mul3A_1118 : vector<16xi32>
      %add3A_1120 = arith.addi %mul3A_1115, %sub3A_1119 : vector<16xi32>
      %sub3A_1121 = arith.subi %shift_right_logical3A_1108, %mul3A_628 : vector<16xi32>
      %mul3A_1122 = arith.constant 409600 : i32
      %mul3A_1123 = vector.broadcast %mul3A_1122 : i32 to vector<16xi32>
      %mul3A_1124 = arith.muli %sub3A_1121, %mul3A_1123 : vector<16xi32>
      %add3A_1125 = arith.addi %add3A_1120, %mul3A_1124 : vector<16xi32>
      %add3A_1126 = arith.constant 96 : i32
      %add3A_1127 = vector.broadcast %add3A_1126 : i32 to vector<16xi32>
      %add3A_1128 = arith.addi %scan3A_742, %add3A_1127 : vector<16xi32>
      %add3A_1129 = arith.addi %add3A_1128, %iota3A : vector<16xi32>
      %ge3A_1130 = arith.cmpi sge, %shift_right_logical3A_1108, %mul3A_628 : vector<16xi32>
      %add3A_1131 = arith.constant 2 : i32
      %add3A_1132 = vector.broadcast %add3A_1131 : i32 to vector<16xi32>
      %add3A_1133 = arith.addi %mul3A_628, %add3A_1132 : vector<16xi32>
      %lt3A_1134 = arith.cmpi slt, %shift_right_logical3A_1108, %add3A_1133 : vector<16xi32>
      %and3A_1135 = arith.andi %ge3A_1130, %lt3A_1134 : vector<16xi1>
      %lt3A_1136 = arith.constant 10000 : i32
      %lt3A_1137 = vector.broadcast %lt3A_1136 : i32 to vector<16xi32>
      %lt3A_1138 = arith.cmpi slt, %add3A_1129, %lt3A_1137 : vector<16xi32>
      %and3A_1139 = arith.andi %and3A_1135, %lt3A_1138 : vector<16xi1>
      %and3A_1140 = arith.constant 2047 : i32
      %and3A_1141 = vector.broadcast %and3A_1140 : i32 to vector<16xi32>
      %and3A_1142 = arith.andi %add3A_1129, %and3A_1141 : vector<16xi32>
      %add3A_1143 = arith.constant 819200 : i32
      %add3A_1144 = vector.broadcast %add3A_1143 : i32 to vector<16xi32>
      %add3A_1145 = arith.addi %add3A_1144, %and3A_1142 : vector<16xi32>
      %select_n3A_1146 = arith.select %and3A_1139, %add3A_1125, %add3A_1145 : vector<16xi1>, vector<16xi32>
      %swap3A_1147 = arith.index_cast %scan3A_741 : i32 to index
      %swap3A_1148 = arith.constant 96 : index
      %swap3A_1149 = tpu.vector_load %arg7[%swap3A_1147, %swap3A_1148] {strides = array<i32>} : memref<80x128xi32, #tpu.memory_space<vmem>>, vector<1x16xi32>,
      %swap3A_1150 = vector.shape_cast %swap3A_1149 : vector<1x16xi32> to vector<16xi32>
      %swap3A_1151 = vector.shape_cast %select_n3A_1146 : vector<16xi32> to vector<1x16xi32>
      tpu.vector_store %arg7[%swap3A_1147, %swap3A_1148], %swap3A_1151 {strides = array<i32>} : memref<80x128xi32, #tpu.memory_space<vmem>>, vector<1x16xi32>,
      %mul3A_1152 = arith.constant 128 : i32
      %mul3A_1153 = arith.muli %scan3A_741, %mul3A_1152 : i32
      %add3A_1154 = arith.constant 112 : i32
      %add3A_1155 = arith.addi %mul3A_1153, %add3A_1154 : i32
      %get3A_1156 = arith.index_cast %add3A_1155 : i32 to index
      %get3A_1157 = tpu.vector_load %arg5[%get3A_1156] {strides = array<i32>} : memref<10240xi32, #tpu.memory_space<vmem>>, vector<16xi32>,
      %get3A_1158 = vector.shape_cast %get3A_1157 : vector<16xi32> to vector<16xi32>
      %get3A_1159 = arith.index_cast %add3A_1155 : i32 to index
      %get3A_1160 = tpu.vector_load %arg6[%get3A_1159] {strides = array<i32>} : memref<10240xi32, #tpu.memory_space<vmem>>, vector<16xi32>,
      %get3A_1161 = vector.shape_cast %get3A_1160 : vector<16xi32> to vector<16xi32>
      %mul3A_1162 = arith.constant 6711 : i32
      %mul3A_1163 = vector.broadcast %mul3A_1162 : i32 to vector<16xi32>
      %mul3A_1164 = arith.muli %get3A_1158, %mul3A_1163 : vector<16xi32>
      %shift_right_logical3A_1165 = arith.constant 22 : i32
      %shift_right_logical3A_1166 = vector.broadcast %shift_right_logical3A_1165 : i32 to vector<16xi32>
      %shift_right_logical3A_1167 = arith.shrui %mul3A_1164, %shift_right_logical3A_1166 : vector<16xi32>
      %mul3A_1168 = arith.constant 625 : i32
      %mul3A_1169 = vector.broadcast %mul3A_1168 : i32 to vector<16xi32>
      %mul3A_1170 = arith.muli %shift_right_logical3A_1167, %mul3A_1169 : vector<16xi32>
      %sub3A_1171 = arith.subi %get3A_1158, %mul3A_1170 : vector<16xi32>
      %mul3A_1172 = arith.constant 640 : i32
      %mul3A_1173 = vector.broadcast %mul3A_1172 : i32 to vector<16xi32>
      %mul3A_1174 = arith.muli %sub3A_1171, %mul3A_1173 : vector<16xi32>
      %mul3A_1175 = arith.constant 625 : i32
      %mul3A_1176 = vector.broadcast %mul3A_1175 : i32 to vector<16xi32>
      %mul3A_1177 = arith.muli %shift_right_logical3A_1167, %mul3A_1176 : vector<16xi32>
      %sub3A_1178 = arith.subi %get3A_1161, %mul3A_1177 : vector<16xi32>
      %add3A_1179 = arith.addi %mul3A_1174, %sub3A_1178 : vector<16xi32>
      %sub3A_1180 = arith.subi %shift_right_logical3A_1167, %mul3A_628 : vector<16xi32>
      %mul3A_1181 = arith.constant 409600 : i32
      %mul3A_1182 = vector.broadcast %mul3A_1181 : i32 to vector<16xi32>
      %mul3A_1183 = arith.muli %sub3A_1180, %mul3A_1182 : vector<16xi32>
      %add3A_1184 = arith.addi %add3A_1179, %mul3A_1183 : vector<16xi32>
      %add3A_1185 = arith.constant 112 : i32
      %add3A_1186 = vector.broadcast %add3A_1185 : i32 to vector<16xi32>
      %add3A_1187 = arith.addi %scan3A_742, %add3A_1186 : vector<16xi32>
      %add3A_1188 = arith.addi %add3A_1187, %iota3A : vector<16xi32>
      %ge3A_1189 = arith.cmpi sge, %shift_right_logical3A_1167, %mul3A_628 : vector<16xi32>
      %add3A_1190 = arith.constant 2 : i32
      %add3A_1191 = vector.broadcast %add3A_1190 : i32 to vector<16xi32>
      %add3A_1192 = arith.addi %mul3A_628, %add3A_1191 : vector<16xi32>
      %lt3A_1193 = arith.cmpi slt, %shift_right_logical3A_1167, %add3A_1192 : vector<16xi32>
      %and3A_1194 = arith.andi %ge3A_1189, %lt3A_1193 : vector<16xi1>
      %lt3A_1195 = arith.constant 10000 : i32
      %lt3A_1196 = vector.broadcast %lt3A_1195 : i32 to vector<16xi32>
      %lt3A_1197 = arith.cmpi slt, %add3A_1188, %lt3A_1196 : vector<16xi32>
      %and3A_1198 = arith.andi %and3A_1194, %lt3A_1197 : vector<16xi1>
      %and3A_1199 = arith.constant 2047 : i32
      %and3A_1200 = vector.broadcast %and3A_1199 : i32 to vector<16xi32>
      %and3A_1201 = arith.andi %add3A_1188, %and3A_1200 : vector<16xi32>
      %add3A_1202 = arith.constant 819200 : i32
      %add3A_1203 = vector.broadcast %add3A_1202 : i32 to vector<16xi32>
      %add3A_1204 = arith.addi %add3A_1203, %and3A_1201 : vector<16xi32>
      %select_n3A_1205 = arith.select %and3A_1198, %add3A_1184, %add3A_1204 : vector<16xi1>, vector<16xi32>
      %swap3A_1206 = arith.index_cast %scan3A_741 : i32 to index
      %swap3A_1207 = arith.constant 112 : index
      %swap3A_1208 = tpu.vector_load %arg7[%swap3A_1206, %swap3A_1207] {strides = array<i32>} : memref<80x128xi32, #tpu.memory_space<vmem>>, vector<1x16xi32>,
      %swap3A_1209 = vector.shape_cast %swap3A_1208 : vector<1x16xi32> to vector<16xi32>
      %swap3A_1210 = vector.shape_cast %select_n3A_1205 : vector<16xi32> to vector<1x16xi32>
      tpu.vector_store %arg7[%swap3A_1206, %swap3A_1207], %swap3A_1210 {strides = array<i32>} : memref<80x128xi32, #tpu.memory_space<vmem>>, vector<1x16xi32>,
      %add3A_1211 = arith.constant 128 : i32
      %add3A_1212 = vector.broadcast %add3A_1211 : i32 to vector<16xi32>
      %add3A_1213 = arith.addi %scan3A_742, %add3A_1212 : vector<16xi32>
      scf.yield %add3A_1213 : vector<16xi32>
    }
    %scan3A_642 = arith.constant 80 : i32
    %scan3A_643 = arith.constant 0 : i32
    %scan3A_644 = arith.constant 80 : i32
    %scan3A_645 = arith.addi %scan3A_643, %scan3A_644 : i32
    %scan3A_646 = arith.constant 1 : i32
    scf.for %scan3A_741 = %scan3A_643 to %scan3A_645 step %scan3A_646  : i32 {
      "tpu.region"() ({
        %run_scoped3A_742 = tpu.sem_alloc : memref<!tpu.dma_semaphore, #tpu.memory_space<semaphore_mem>>
        %dma_start3A = arith.constant 0 : i32
        %dma_start3A_743 = tpu.memref_slice %arg7[%scan3A_741, %dma_start3A] : memref<80x128xi32, #tpu.memory_space<vmem>> -> memref<1x128xi32, #tpu.memory_space<vmem>>
        %dma_start3A_744 = tpu.memref_squeeze %dma_start3A_743 : memref<1x128xi32, #tpu.memory_space<vmem>> -> memref<128xi32, #tpu.memory_space<vmem>>
        %dma_start3A_745 = arith.constant 0 : i32
        %dma_start3A_746 = tpu.memref_slice %arg11[%dma_start3A_745] : memref<821248xf32, #tpu.memory_space<vmem_shared>> -> memref<821248xf32, #tpu.memory_space<vmem_shared>>
        tpu.enqueue_indirect_dma source(%arg9 : memref<128xf32, #tpu.memory_space<vmem>>) target(%dma_start3A_746 : memref<821248xf32, #tpu.memory_space<vmem_shared>>) offsets(%dma_start3A_744 : memref<128xi32, #tpu.memory_space<vmem>>) semaphore(%run_scoped3A_742 : memref<!tpu.dma_semaphore, #tpu.memory_space<semaphore_mem>>) {add = true}
        %dma_wait3A = arith.constant 0 : i32
        %dma_wait3A_747 = tpu.memref_slice %arg7[%scan3A_741, %dma_wait3A] : memref<80x128xi32, #tpu.memory_space<vmem>> -> memref<1x128xi32, #tpu.memory_space<vmem>>
        %dma_wait3A_748 = tpu.memref_squeeze %dma_wait3A_747 : memref<1x128xi32, #tpu.memory_space<vmem>> -> memref<128xi32, #tpu.memory_space<vmem>>
        %dma_wait3A_749 = arith.constant 0 : i32
        %dma_wait3A_750 = tpu.memref_slice %arg11[%dma_wait3A_749] : memref<821248xf32, #tpu.memory_space<vmem_shared>> -> memref<821248xf32, #tpu.memory_space<vmem_shared>>
        tpu.wait_indirect_dma semaphore(%run_scoped3A_742 : memref<!tpu.dma_semaphore, #tpu.memory_space<semaphore_mem>>) src(%arg9 : memref<128xf32, #tpu.memory_space<vmem>>) dst(%dma_wait3A_750 : memref<821248xf32, #tpu.memory_space<vmem_shared>>)
        tpu.yield
      }) : () -> ()
    }
    %scan3A_647 = arith.constant 80 : i32
    %run_scoped3A_648 = arith.constant 0 : i32
    "tpu.region"() ({
      %run_scoped3A_741 = tpu.sem_alloc : memref<!tpu.dma_semaphore, #tpu.memory_space<semaphore_mem>>
      %dma_start3A = arith.constant 0 : i32
      %dma_start3A_742 = tpu.memref_slice %arg8[%run_scoped3A_648, %dma_start3A] : memref<2x128xi32, #tpu.memory_space<vmem>> -> memref<1x128xi32, #tpu.memory_space<vmem>>
      %dma_start3A_743 = tpu.memref_squeeze %dma_start3A_742 : memref<1x128xi32, #tpu.memory_space<vmem>> -> memref<128xi32, #tpu.memory_space<vmem>>
      %dma_start3A_744 = arith.constant 0 : i32
      %dma_start3A_745 = tpu.memref_slice %arg11[%dma_start3A_744] : memref<821248xf32, #tpu.memory_space<vmem_shared>> -> memref<821248xf32, #tpu.memory_space<vmem_shared>>
      tpu.enqueue_indirect_dma source(%arg9 : memref<128xf32, #tpu.memory_space<vmem>>) target(%dma_start3A_745 : memref<821248xf32, #tpu.memory_space<vmem_shared>>) offsets(%dma_start3A_743 : memref<128xi32, #tpu.memory_space<vmem>>) semaphore(%run_scoped3A_741 : memref<!tpu.dma_semaphore, #tpu.memory_space<semaphore_mem>>) {add = true}
      %dma_wait3A = arith.constant 0 : i32
      %dma_wait3A_746 = tpu.memref_slice %arg8[%run_scoped3A_648, %dma_wait3A] : memref<2x128xi32, #tpu.memory_space<vmem>> -> memref<1x128xi32, #tpu.memory_space<vmem>>
      %dma_wait3A_747 = tpu.memref_squeeze %dma_wait3A_746 : memref<1x128xi32, #tpu.memory_space<vmem>> -> memref<128xi32, #tpu.memory_space<vmem>>
      %dma_wait3A_748 = arith.constant 0 : i32
      %dma_wait3A_749 = tpu.memref_slice %arg11[%dma_wait3A_748] : memref<821248xf32, #tpu.memory_space<vmem_shared>> -> memref<821248xf32, #tpu.memory_space<vmem_shared>>
      tpu.wait_indirect_dma semaphore(%run_scoped3A_741 : memref<!tpu.dma_semaphore, #tpu.memory_space<semaphore_mem>>) src(%arg9 : memref<128xf32, #tpu.memory_space<vmem>>) dst(%dma_wait3A_749 : memref<821248xf32, #tpu.memory_space<vmem_shared>>)
      tpu.yield
    }) : () -> ()
    %run_scoped3A_649 = arith.constant 1 : i32
    "tpu.region"() ({
      %run_scoped3A_741 = tpu.sem_alloc : memref<!tpu.dma_semaphore, #tpu.memory_space<semaphore_mem>>
      %dma_start3A = arith.constant 0 : i32
      %dma_start3A_742 = tpu.memref_slice %arg8[%run_scoped3A_649, %dma_start3A] : memref<2x128xi32, #tpu.memory_space<vmem>> -> memref<1x128xi32, #tpu.memory_space<vmem>>
      %dma_start3A_743 = tpu.memref_squeeze %dma_start3A_742 : memref<1x128xi32, #tpu.memory_space<vmem>> -> memref<128xi32, #tpu.memory_space<vmem>>
      %dma_start3A_744 = arith.constant 0 : i32
      %dma_start3A_745 = tpu.memref_slice %arg11[%dma_start3A_744] : memref<821248xf32, #tpu.memory_space<vmem_shared>> -> memref<821248xf32, #tpu.memory_space<vmem_shared>>
      tpu.enqueue_indirect_dma source(%arg9 : memref<128xf32, #tpu.memory_space<vmem>>) target(%dma_start3A_745 : memref<821248xf32, #tpu.memory_space<vmem_shared>>) offsets(%dma_start3A_743 : memref<128xi32, #tpu.memory_space<vmem>>) semaphore(%run_scoped3A_741 : memref<!tpu.dma_semaphore, #tpu.memory_space<semaphore_mem>>) {add = true}
      %dma_wait3A = arith.constant 0 : i32
      %dma_wait3A_746 = tpu.memref_slice %arg8[%run_scoped3A_649, %dma_wait3A] : memref<2x128xi32, #tpu.memory_space<vmem>> -> memref<1x128xi32, #tpu.memory_space<vmem>>
      %dma_wait3A_747 = tpu.memref_squeeze %dma_wait3A_746 : memref<1x128xi32, #tpu.memory_space<vmem>> -> memref<128xi32, #tpu.memory_space<vmem>>
      %dma_wait3A_748 = arith.constant 0 : i32
      %dma_wait3A_749 = tpu.memref_slice %arg11[%dma_wait3A_748] : memref<821248xf32, #tpu.memory_space<vmem_shared>> -> memref<821248xf32, #tpu.memory_space<vmem_shared>>
      tpu.wait_indirect_dma semaphore(%run_scoped3A_741 : memref<!tpu.dma_semaphore, #tpu.memory_space<semaphore_mem>>) src(%arg9 : memref<128xf32, #tpu.memory_space<vmem>>) dst(%dma_wait3A_749 : memref<821248xf32, #tpu.memory_space<vmem_shared>>)
      tpu.yield
    }) : () -> ()
    %barrier3A_650 = arith.constant 0 : index
    tpu.barrier barrier_id(%barrier3A_650)
    %mul3A_651 = arith.constant 51200 : i32
    %mul3A_652 = arith.muli %arg1, %mul3A_651 : i32
    %add3A_653 = arith.constant 2 : i32
    %add3A_654 = arith.addi %add3A_653, %arg0 : i32
    %mul3A_655 = arith.constant 819200 : i32
    %mul3A_656 = arith.muli %add3A_654, %mul3A_655 : i32
    %mul3A_657 = arith.constant 51200 : i32
    %mul3A_658 = arith.muli %arg1, %mul3A_657 : i32
    %add3A_659 = arith.addi %mul3A_656, %mul3A_658 : i32
    "tpu.region"() ({
      %run_scoped3A_741 = tpu.sem_alloc : memref<!tpu.dma_semaphore, #tpu.memory_space<semaphore_mem>>
      %dma_start3A = tpu.memref_slice %arg4[%add3A_659] : memref<6553600xf32, #tpu.memory_space<hbm>> -> memref<51200xf32, #tpu.memory_space<hbm>>
      %dma_start3A_742 = tpu.memref_slice %arg11[%mul3A_652] : memref<821248xf32, #tpu.memory_space<vmem_shared>> -> memref<51200xf32, #tpu.memory_space<vmem_shared>>
      tpu.enqueue_dma source(%dma_start3A_742 : memref<51200xf32, #tpu.memory_space<vmem_shared>>) target(%dma_start3A : memref<51200xf32, #tpu.memory_space<hbm>>) target_semaphore(%run_scoped3A_741 : memref<!tpu.dma_semaphore, #tpu.memory_space<semaphore_mem>>)
      %dma_wait3A = tpu.memref_slice %arg4[%add3A_659] : memref<6553600xf32, #tpu.memory_space<hbm>> -> memref<51200xf32, #tpu.memory_space<hbm>>
      %dma_wait3A_743 = tpu.memref_slice %arg11[%mul3A_652] : memref<821248xf32, #tpu.memory_space<vmem_shared>> -> memref<51200xf32, #tpu.memory_space<vmem_shared>>
      tpu.wait_dma2 semaphore(%run_scoped3A_741 : memref<!tpu.dma_semaphore, #tpu.memory_space<semaphore_mem>>) src(%dma_wait3A_743 : memref<51200xf32, #tpu.memory_space<vmem_shared>>) dst(%dma_wait3A : memref<51200xf32, #tpu.memory_space<hbm>>)
      tpu.yield
    }) : () -> ()
    %barrier3A_660 = arith.constant 0 : index
    tpu.barrier barrier_id(%barrier3A_660)
    %mul3A_661 = arith.constant 2 : i32
    %mul3A_662 = arith.muli %arg0, %mul3A_661 : i32
    %add3A_663 = arith.constant 8 : i32
    %add3A_664 = arith.addi %add3A_663, %mul3A_662 : i32
    %broadcast_in_dim3A_665 = arith.constant 1 : i32
    %broadcast_in_dim3A_666 = vector.broadcast %broadcast_in_dim3A_665 : i32 to vector<16xi32>
    %mul3A_667 = vector.broadcast %add3A_664 : i32 to vector<16xi32>
    %mul3A_668 = arith.muli %broadcast_in_dim3A_666, %mul3A_667 : vector<16xi32>
    %scan3A_669 = arith.constant 0 : i32
    %scan3A_670 = arith.constant 8 : i32
    %scan3A_671 = arith.addi %scan3A_669, %scan3A_670 : i32
    %scan3A_672 = arith.constant 1 : i32
    scf.for %scan3A_741 = %scan3A_669 to %scan3A_671 step %scan3A_672  : i32 {
      %mul3A_742 = arith.constant 51328 : i32
      %mul3A_743 = arith.muli %arg1, %mul3A_742 : i32
      %mul3A_744 = arith.constant 6416 : i32
      %mul3A_745 = arith.muli %scan3A_741, %mul3A_744 : i32
      %add3A_746 = arith.addi %mul3A_743, %mul3A_745 : i32
      "tpu.region"() ({
        %run_scoped3A_747 = tpu.sem_alloc : memref<!tpu.dma_semaphore, #tpu.memory_space<semaphore_mem>>
        %dma_start3A = tpu.memref_slice %arg11[%add3A_746] : memref<821248xf32, #tpu.memory_space<vmem_shared>> -> memref<6416xf32, #tpu.memory_space<vmem_shared>>
        %dma_start3A_748 = tpu.memref_slice %arg11[%add3A_746] : memref<821248xf32, #tpu.memory_space<vmem_shared>> -> memref<6416xf32, #tpu.memory_space<vmem_shared>>
        tpu.enqueue_dma source(%arg10 : memref<6416xf32, #tpu.memory_space<vmem>>) target(%dma_start3A_748 : memref<6416xf32, #tpu.memory_space<vmem_shared>>) target_semaphore(%run_scoped3A_747 : memref<!tpu.dma_semaphore, #tpu.memory_space<semaphore_mem>>)
        %dma_wait3A = tpu.memref_slice %arg11[%add3A_746] : memref<821248xf32, #tpu.memory_space<vmem_shared>> -> memref<6416xf32, #tpu.memory_space<vmem_shared>>
        %dma_wait3A_749 = tpu.memref_slice %arg11[%add3A_746] : memref<821248xf32, #tpu.memory_space<vmem_shared>> -> memref<6416xf32, #tpu.memory_space<vmem_shared>>
        tpu.wait_dma2 semaphore(%run_scoped3A_747 : memref<!tpu.dma_semaphore, #tpu.memory_space<semaphore_mem>>) src(%arg10 : memref<6416xf32, #tpu.memory_space<vmem>>) dst(%dma_wait3A_749 : memref<6416xf32, #tpu.memory_space<vmem_shared>>)
        tpu.yield
      }) : () -> ()
    }
    %scan3A_673 = arith.constant 8 : i32
    %barrier3A_674 = arith.constant 0 : index
    tpu.barrier barrier_id(%barrier3A_674)
    %broadcast_in_dim3A_675 = arith.constant 0 : i32
    %broadcast_in_dim3A_676 = vector.broadcast %broadcast_in_dim3A_675 : i32 to vector<16xi32>
    %scan3A_677 = arith.constant 0 : i32
    %scan3A_678 = arith.constant 80 : i32
    %scan3A_679 = arith.addi %scan3A_677, %scan3A_678 : i32
    %scan3A_680 = arith.constant 1 : i32
    %scan3A_681 = scf.for %scan3A_741 = %scan3A_677 to %scan3A_679 step %scan3A_680 iter_args(%scan3A_742 = %broadcast_in_dim3A_676) -> (vector<16xi32>)  : i32 {
      %mul3A_743 = arith.constant 128 : i32
      %mul3A_744 = arith.muli %scan3A_741, %mul3A_743 : i32
      %add3A_745 = arith.constant 0 : i32
      %add3A_746 = arith.addi %mul3A_744, %add3A_745 : i32
      %get3A = arith.index_cast %add3A_746 : i32 to index
      %get3A_747 = tpu.vector_load %arg5[%get3A] {strides = array<i32>} : memref<10240xi32, #tpu.memory_space<vmem>>, vector<16xi32>,
      %get3A_748 = vector.shape_cast %get3A_747 : vector<16xi32> to vector<16xi32>
      %get3A_749 = arith.index_cast %add3A_746 : i32 to index
      %get3A_750 = tpu.vector_load %arg6[%get3A_749] {strides = array<i32>} : memref<10240xi32, #tpu.memory_space<vmem>>, vector<16xi32>,
      %get3A_751 = vector.shape_cast %get3A_750 : vector<16xi32> to vector<16xi32>
      %mul3A_752 = arith.constant 6711 : i32
      %mul3A_753 = vector.broadcast %mul3A_752 : i32 to vector<16xi32>
      %mul3A_754 = arith.muli %get3A_748, %mul3A_753 : vector<16xi32>
      %shift_right_logical3A = arith.constant 22 : i32
      %shift_right_logical3A_755 = vector.broadcast %shift_right_logical3A : i32 to vector<16xi32>
      %shift_right_logical3A_756 = arith.shrui %mul3A_754, %shift_right_logical3A_755 : vector<16xi32>
      %mul3A_757 = arith.constant 625 : i32
      %mul3A_758 = vector.broadcast %mul3A_757 : i32 to vector<16xi32>
      %mul3A_759 = arith.muli %shift_right_logical3A_756, %mul3A_758 : vector<16xi32>
      %sub3A = arith.subi %get3A_748, %mul3A_759 : vector<16xi32>
      %mul3A_760 = arith.constant 640 : i32
      %mul3A_761 = vector.broadcast %mul3A_760 : i32 to vector<16xi32>
      %mul3A_762 = arith.muli %sub3A, %mul3A_761 : vector<16xi32>
      %mul3A_763 = arith.constant 625 : i32
      %mul3A_764 = vector.broadcast %mul3A_763 : i32 to vector<16xi32>
      %mul3A_765 = arith.muli %shift_right_logical3A_756, %mul3A_764 : vector<16xi32>
      %sub3A_766 = arith.subi %get3A_751, %mul3A_765 : vector<16xi32>
      %add3A_767 = arith.addi %mul3A_762, %sub3A_766 : vector<16xi32>
      %sub3A_768 = arith.subi %shift_right_logical3A_756, %mul3A_668 : vector<16xi32>
      %mul3A_769 = arith.constant 409600 : i32
      %mul3A_770 = vector.broadcast %mul3A_769 : i32 to vector<16xi32>
      %mul3A_771 = arith.muli %sub3A_768, %mul3A_770 : vector<16xi32>
      %add3A_772 = arith.addi %add3A_767, %mul3A_771 : vector<16xi32>
      %add3A_773 = arith.constant 0 : i32
      %add3A_774 = vector.broadcast %add3A_773 : i32 to vector<16xi32>
      %add3A_775 = arith.addi %scan3A_742, %add3A_774 : vector<16xi32>
      %add3A_776 = arith.addi %add3A_775, %iota3A : vector<16xi32>
      %ge3A = arith.cmpi sge, %shift_right_logical3A_756, %mul3A_668 : vector<16xi32>
      %add3A_777 = arith.constant 2 : i32
      %add3A_778 = vector.broadcast %add3A_777 : i32 to vector<16xi32>
      %add3A_779 = arith.addi %mul3A_668, %add3A_778 : vector<16xi32>
      %lt3A_780 = arith.cmpi slt, %shift_right_logical3A_756, %add3A_779 : vector<16xi32>
      %and3A_781 = arith.andi %ge3A, %lt3A_780 : vector<16xi1>
      %lt3A_782 = arith.constant 10000 : i32
      %lt3A_783 = vector.broadcast %lt3A_782 : i32 to vector<16xi32>
      %lt3A_784 = arith.cmpi slt, %add3A_776, %lt3A_783 : vector<16xi32>
      %and3A_785 = arith.andi %and3A_781, %lt3A_784 : vector<16xi1>
      %and3A_786 = arith.constant 2047 : i32
      %and3A_787 = vector.broadcast %and3A_786 : i32 to vector<16xi32>
      %and3A_788 = arith.andi %add3A_776, %and3A_787 : vector<16xi32>
      %add3A_789 = arith.constant 819200 : i32
      %add3A_790 = vector.broadcast %add3A_789 : i32 to vector<16xi32>
      %add3A_791 = arith.addi %add3A_790, %and3A_788 : vector<16xi32>
      %select_n3A_792 = arith.select %and3A_785, %add3A_772, %add3A_791 : vector<16xi1>, vector<16xi32>
      %swap3A_793 = arith.index_cast %scan3A_741 : i32 to index
      %swap3A_794 = arith.constant 0 : index
      %swap3A_795 = tpu.vector_load %arg7[%swap3A_793, %swap3A_794] {strides = array<i32>} : memref<80x128xi32, #tpu.memory_space<vmem>>, vector<1x16xi32>,
      %swap3A_796 = vector.shape_cast %swap3A_795 : vector<1x16xi32> to vector<16xi32>
      %swap3A_797 = vector.shape_cast %select_n3A_792 : vector<16xi32> to vector<1x16xi32>
      tpu.vector_store %arg7[%swap3A_793, %swap3A_794], %swap3A_797 {strides = array<i32>} : memref<80x128xi32, #tpu.memory_space<vmem>>, vector<1x16xi32>,
      %mul3A_798 = arith.constant 128 : i32
      %mul3A_799 = arith.muli %scan3A_741, %mul3A_798 : i32
      %add3A_800 = arith.constant 16 : i32
      %add3A_801 = arith.addi %mul3A_799, %add3A_800 : i32
      %get3A_802 = arith.index_cast %add3A_801 : i32 to index
      %get3A_803 = tpu.vector_load %arg5[%get3A_802] {strides = array<i32>} : memref<10240xi32, #tpu.memory_space<vmem>>, vector<16xi32>,
      %get3A_804 = vector.shape_cast %get3A_803 : vector<16xi32> to vector<16xi32>
      %get3A_805 = arith.index_cast %add3A_801 : i32 to index
      %get3A_806 = tpu.vector_load %arg6[%get3A_805] {strides = array<i32>} : memref<10240xi32, #tpu.memory_space<vmem>>, vector<16xi32>,
      %get3A_807 = vector.shape_cast %get3A_806 : vector<16xi32> to vector<16xi32>
      %mul3A_808 = arith.constant 6711 : i32
      %mul3A_809 = vector.broadcast %mul3A_808 : i32 to vector<16xi32>
      %mul3A_810 = arith.muli %get3A_804, %mul3A_809 : vector<16xi32>
      %shift_right_logical3A_811 = arith.constant 22 : i32
      %shift_right_logical3A_812 = vector.broadcast %shift_right_logical3A_811 : i32 to vector<16xi32>
      %shift_right_logical3A_813 = arith.shrui %mul3A_810, %shift_right_logical3A_812 : vector<16xi32>
      %mul3A_814 = arith.constant 625 : i32
      %mul3A_815 = vector.broadcast %mul3A_814 : i32 to vector<16xi32>
      %mul3A_816 = arith.muli %shift_right_logical3A_813, %mul3A_815 : vector<16xi32>
      %sub3A_817 = arith.subi %get3A_804, %mul3A_816 : vector<16xi32>
      %mul3A_818 = arith.constant 640 : i32
      %mul3A_819 = vector.broadcast %mul3A_818 : i32 to vector<16xi32>
      %mul3A_820 = arith.muli %sub3A_817, %mul3A_819 : vector<16xi32>
      %mul3A_821 = arith.constant 625 : i32
      %mul3A_822 = vector.broadcast %mul3A_821 : i32 to vector<16xi32>
      %mul3A_823 = arith.muli %shift_right_logical3A_813, %mul3A_822 : vector<16xi32>
      %sub3A_824 = arith.subi %get3A_807, %mul3A_823 : vector<16xi32>
      %add3A_825 = arith.addi %mul3A_820, %sub3A_824 : vector<16xi32>
      %sub3A_826 = arith.subi %shift_right_logical3A_813, %mul3A_668 : vector<16xi32>
      %mul3A_827 = arith.constant 409600 : i32
      %mul3A_828 = vector.broadcast %mul3A_827 : i32 to vector<16xi32>
      %mul3A_829 = arith.muli %sub3A_826, %mul3A_828 : vector<16xi32>
      %add3A_830 = arith.addi %add3A_825, %mul3A_829 : vector<16xi32>
      %add3A_831 = arith.constant 16 : i32
      %add3A_832 = vector.broadcast %add3A_831 : i32 to vector<16xi32>
      %add3A_833 = arith.addi %scan3A_742, %add3A_832 : vector<16xi32>
      %add3A_834 = arith.addi %add3A_833, %iota3A : vector<16xi32>
      %ge3A_835 = arith.cmpi sge, %shift_right_logical3A_813, %mul3A_668 : vector<16xi32>
      %add3A_836 = arith.constant 2 : i32
      %add3A_837 = vector.broadcast %add3A_836 : i32 to vector<16xi32>
      %add3A_838 = arith.addi %mul3A_668, %add3A_837 : vector<16xi32>
      %lt3A_839 = arith.cmpi slt, %shift_right_logical3A_813, %add3A_838 : vector<16xi32>
      %and3A_840 = arith.andi %ge3A_835, %lt3A_839 : vector<16xi1>
      %lt3A_841 = arith.constant 10000 : i32
      %lt3A_842 = vector.broadcast %lt3A_841 : i32 to vector<16xi32>
      %lt3A_843 = arith.cmpi slt, %add3A_834, %lt3A_842 : vector<16xi32>
      %and3A_844 = arith.andi %and3A_840, %lt3A_843 : vector<16xi1>
      %and3A_845 = arith.constant 2047 : i32
      %and3A_846 = vector.broadcast %and3A_845 : i32 to vector<16xi32>
      %and3A_847 = arith.andi %add3A_834, %and3A_846 : vector<16xi32>
      %add3A_848 = arith.constant 819200 : i32
      %add3A_849 = vector.broadcast %add3A_848 : i32 to vector<16xi32>
      %add3A_850 = arith.addi %add3A_849, %and3A_847 : vector<16xi32>
      %select_n3A_851 = arith.select %and3A_844, %add3A_830, %add3A_850 : vector<16xi1>, vector<16xi32>
      %swap3A_852 = arith.index_cast %scan3A_741 : i32 to index
      %swap3A_853 = arith.constant 16 : index
      %swap3A_854 = tpu.vector_load %arg7[%swap3A_852, %swap3A_853] {strides = array<i32>} : memref<80x128xi32, #tpu.memory_space<vmem>>, vector<1x16xi32>,
      %swap3A_855 = vector.shape_cast %swap3A_854 : vector<1x16xi32> to vector<16xi32>
      %swap3A_856 = vector.shape_cast %select_n3A_851 : vector<16xi32> to vector<1x16xi32>
      tpu.vector_store %arg7[%swap3A_852, %swap3A_853], %swap3A_856 {strides = array<i32>} : memref<80x128xi32, #tpu.memory_space<vmem>>, vector<1x16xi32>,
      %mul3A_857 = arith.constant 128 : i32
      %mul3A_858 = arith.muli %scan3A_741, %mul3A_857 : i32
      %add3A_859 = arith.constant 32 : i32
      %add3A_860 = arith.addi %mul3A_858, %add3A_859 : i32
      %get3A_861 = arith.index_cast %add3A_860 : i32 to index
      %get3A_862 = tpu.vector_load %arg5[%get3A_861] {strides = array<i32>} : memref<10240xi32, #tpu.memory_space<vmem>>, vector<16xi32>,
      %get3A_863 = vector.shape_cast %get3A_862 : vector<16xi32> to vector<16xi32>
      %get3A_864 = arith.index_cast %add3A_860 : i32 to index
      %get3A_865 = tpu.vector_load %arg6[%get3A_864] {strides = array<i32>} : memref<10240xi32, #tpu.memory_space<vmem>>, vector<16xi32>,
      %get3A_866 = vector.shape_cast %get3A_865 : vector<16xi32> to vector<16xi32>
      %mul3A_867 = arith.constant 6711 : i32
      %mul3A_868 = vector.broadcast %mul3A_867 : i32 to vector<16xi32>
      %mul3A_869 = arith.muli %get3A_863, %mul3A_868 : vector<16xi32>
      %shift_right_logical3A_870 = arith.constant 22 : i32
      %shift_right_logical3A_871 = vector.broadcast %shift_right_logical3A_870 : i32 to vector<16xi32>
      %shift_right_logical3A_872 = arith.shrui %mul3A_869, %shift_right_logical3A_871 : vector<16xi32>
      %mul3A_873 = arith.constant 625 : i32
      %mul3A_874 = vector.broadcast %mul3A_873 : i32 to vector<16xi32>
      %mul3A_875 = arith.muli %shift_right_logical3A_872, %mul3A_874 : vector<16xi32>
      %sub3A_876 = arith.subi %get3A_863, %mul3A_875 : vector<16xi32>
      %mul3A_877 = arith.constant 640 : i32
      %mul3A_878 = vector.broadcast %mul3A_877 : i32 to vector<16xi32>
      %mul3A_879 = arith.muli %sub3A_876, %mul3A_878 : vector<16xi32>
      %mul3A_880 = arith.constant 625 : i32
      %mul3A_881 = vector.broadcast %mul3A_880 : i32 to vector<16xi32>
      %mul3A_882 = arith.muli %shift_right_logical3A_872, %mul3A_881 : vector<16xi32>
      %sub3A_883 = arith.subi %get3A_866, %mul3A_882 : vector<16xi32>
      %add3A_884 = arith.addi %mul3A_879, %sub3A_883 : vector<16xi32>
      %sub3A_885 = arith.subi %shift_right_logical3A_872, %mul3A_668 : vector<16xi32>
      %mul3A_886 = arith.constant 409600 : i32
      %mul3A_887 = vector.broadcast %mul3A_886 : i32 to vector<16xi32>
      %mul3A_888 = arith.muli %sub3A_885, %mul3A_887 : vector<16xi32>
      %add3A_889 = arith.addi %add3A_884, %mul3A_888 : vector<16xi32>
      %add3A_890 = arith.constant 32 : i32
      %add3A_891 = vector.broadcast %add3A_890 : i32 to vector<16xi32>
      %add3A_892 = arith.addi %scan3A_742, %add3A_891 : vector<16xi32>
      %add3A_893 = arith.addi %add3A_892, %iota3A : vector<16xi32>
      %ge3A_894 = arith.cmpi sge, %shift_right_logical3A_872, %mul3A_668 : vector<16xi32>
      %add3A_895 = arith.constant 2 : i32
      %add3A_896 = vector.broadcast %add3A_895 : i32 to vector<16xi32>
      %add3A_897 = arith.addi %mul3A_668, %add3A_896 : vector<16xi32>
      %lt3A_898 = arith.cmpi slt, %shift_right_logical3A_872, %add3A_897 : vector<16xi32>
      %and3A_899 = arith.andi %ge3A_894, %lt3A_898 : vector<16xi1>
      %lt3A_900 = arith.constant 10000 : i32
      %lt3A_901 = vector.broadcast %lt3A_900 : i32 to vector<16xi32>
      %lt3A_902 = arith.cmpi slt, %add3A_893, %lt3A_901 : vector<16xi32>
      %and3A_903 = arith.andi %and3A_899, %lt3A_902 : vector<16xi1>
      %and3A_904 = arith.constant 2047 : i32
      %and3A_905 = vector.broadcast %and3A_904 : i32 to vector<16xi32>
      %and3A_906 = arith.andi %add3A_893, %and3A_905 : vector<16xi32>
      %add3A_907 = arith.constant 819200 : i32
      %add3A_908 = vector.broadcast %add3A_907 : i32 to vector<16xi32>
      %add3A_909 = arith.addi %add3A_908, %and3A_906 : vector<16xi32>
      %select_n3A_910 = arith.select %and3A_903, %add3A_889, %add3A_909 : vector<16xi1>, vector<16xi32>
      %swap3A_911 = arith.index_cast %scan3A_741 : i32 to index
      %swap3A_912 = arith.constant 32 : index
      %swap3A_913 = tpu.vector_load %arg7[%swap3A_911, %swap3A_912] {strides = array<i32>} : memref<80x128xi32, #tpu.memory_space<vmem>>, vector<1x16xi32>,
      %swap3A_914 = vector.shape_cast %swap3A_913 : vector<1x16xi32> to vector<16xi32>
      %swap3A_915 = vector.shape_cast %select_n3A_910 : vector<16xi32> to vector<1x16xi32>
      tpu.vector_store %arg7[%swap3A_911, %swap3A_912], %swap3A_915 {strides = array<i32>} : memref<80x128xi32, #tpu.memory_space<vmem>>, vector<1x16xi32>,
      %mul3A_916 = arith.constant 128 : i32
      %mul3A_917 = arith.muli %scan3A_741, %mul3A_916 : i32
      %add3A_918 = arith.constant 48 : i32
      %add3A_919 = arith.addi %mul3A_917, %add3A_918 : i32
      %get3A_920 = arith.index_cast %add3A_919 : i32 to index
      %get3A_921 = tpu.vector_load %arg5[%get3A_920] {strides = array<i32>} : memref<10240xi32, #tpu.memory_space<vmem>>, vector<16xi32>,
      %get3A_922 = vector.shape_cast %get3A_921 : vector<16xi32> to vector<16xi32>
      %get3A_923 = arith.index_cast %add3A_919 : i32 to index
      %get3A_924 = tpu.vector_load %arg6[%get3A_923] {strides = array<i32>} : memref<10240xi32, #tpu.memory_space<vmem>>, vector<16xi32>,
      %get3A_925 = vector.shape_cast %get3A_924 : vector<16xi32> to vector<16xi32>
      %mul3A_926 = arith.constant 6711 : i32
      %mul3A_927 = vector.broadcast %mul3A_926 : i32 to vector<16xi32>
      %mul3A_928 = arith.muli %get3A_922, %mul3A_927 : vector<16xi32>
      %shift_right_logical3A_929 = arith.constant 22 : i32
      %shift_right_logical3A_930 = vector.broadcast %shift_right_logical3A_929 : i32 to vector<16xi32>
      %shift_right_logical3A_931 = arith.shrui %mul3A_928, %shift_right_logical3A_930 : vector<16xi32>
      %mul3A_932 = arith.constant 625 : i32
      %mul3A_933 = vector.broadcast %mul3A_932 : i32 to vector<16xi32>
      %mul3A_934 = arith.muli %shift_right_logical3A_931, %mul3A_933 : vector<16xi32>
      %sub3A_935 = arith.subi %get3A_922, %mul3A_934 : vector<16xi32>
      %mul3A_936 = arith.constant 640 : i32
      %mul3A_937 = vector.broadcast %mul3A_936 : i32 to vector<16xi32>
      %mul3A_938 = arith.muli %sub3A_935, %mul3A_937 : vector<16xi32>
      %mul3A_939 = arith.constant 625 : i32
      %mul3A_940 = vector.broadcast %mul3A_939 : i32 to vector<16xi32>
      %mul3A_941 = arith.muli %shift_right_logical3A_931, %mul3A_940 : vector<16xi32>
      %sub3A_942 = arith.subi %get3A_925, %mul3A_941 : vector<16xi32>
      %add3A_943 = arith.addi %mul3A_938, %sub3A_942 : vector<16xi32>
      %sub3A_944 = arith.subi %shift_right_logical3A_931, %mul3A_668 : vector<16xi32>
      %mul3A_945 = arith.constant 409600 : i32
      %mul3A_946 = vector.broadcast %mul3A_945 : i32 to vector<16xi32>
      %mul3A_947 = arith.muli %sub3A_944, %mul3A_946 : vector<16xi32>
      %add3A_948 = arith.addi %add3A_943, %mul3A_947 : vector<16xi32>
      %add3A_949 = arith.constant 48 : i32
      %add3A_950 = vector.broadcast %add3A_949 : i32 to vector<16xi32>
      %add3A_951 = arith.addi %scan3A_742, %add3A_950 : vector<16xi32>
      %add3A_952 = arith.addi %add3A_951, %iota3A : vector<16xi32>
      %ge3A_953 = arith.cmpi sge, %shift_right_logical3A_931, %mul3A_668 : vector<16xi32>
      %add3A_954 = arith.constant 2 : i32
      %add3A_955 = vector.broadcast %add3A_954 : i32 to vector<16xi32>
      %add3A_956 = arith.addi %mul3A_668, %add3A_955 : vector<16xi32>
      %lt3A_957 = arith.cmpi slt, %shift_right_logical3A_931, %add3A_956 : vector<16xi32>
      %and3A_958 = arith.andi %ge3A_953, %lt3A_957 : vector<16xi1>
      %lt3A_959 = arith.constant 10000 : i32
      %lt3A_960 = vector.broadcast %lt3A_959 : i32 to vector<16xi32>
      %lt3A_961 = arith.cmpi slt, %add3A_952, %lt3A_960 : vector<16xi32>
      %and3A_962 = arith.andi %and3A_958, %lt3A_961 : vector<16xi1>
      %and3A_963 = arith.constant 2047 : i32
      %and3A_964 = vector.broadcast %and3A_963 : i32 to vector<16xi32>
      %and3A_965 = arith.andi %add3A_952, %and3A_964 : vector<16xi32>
      %add3A_966 = arith.constant 819200 : i32
      %add3A_967 = vector.broadcast %add3A_966 : i32 to vector<16xi32>
      %add3A_968 = arith.addi %add3A_967, %and3A_965 : vector<16xi32>
      %select_n3A_969 = arith.select %and3A_962, %add3A_948, %add3A_968 : vector<16xi1>, vector<16xi32>
      %swap3A_970 = arith.index_cast %scan3A_741 : i32 to index
      %swap3A_971 = arith.constant 48 : index
      %swap3A_972 = tpu.vector_load %arg7[%swap3A_970, %swap3A_971] {strides = array<i32>} : memref<80x128xi32, #tpu.memory_space<vmem>>, vector<1x16xi32>,
      %swap3A_973 = vector.shape_cast %swap3A_972 : vector<1x16xi32> to vector<16xi32>
      %swap3A_974 = vector.shape_cast %select_n3A_969 : vector<16xi32> to vector<1x16xi32>
      tpu.vector_store %arg7[%swap3A_970, %swap3A_971], %swap3A_974 {strides = array<i32>} : memref<80x128xi32, #tpu.memory_space<vmem>>, vector<1x16xi32>,
      %mul3A_975 = arith.constant 128 : i32
      %mul3A_976 = arith.muli %scan3A_741, %mul3A_975 : i32
      %add3A_977 = arith.constant 64 : i32
      %add3A_978 = arith.addi %mul3A_976, %add3A_977 : i32
      %get3A_979 = arith.index_cast %add3A_978 : i32 to index
      %get3A_980 = tpu.vector_load %arg5[%get3A_979] {strides = array<i32>} : memref<10240xi32, #tpu.memory_space<vmem>>, vector<16xi32>,
      %get3A_981 = vector.shape_cast %get3A_980 : vector<16xi32> to vector<16xi32>
      %get3A_982 = arith.index_cast %add3A_978 : i32 to index
      %get3A_983 = tpu.vector_load %arg6[%get3A_982] {strides = array<i32>} : memref<10240xi32, #tpu.memory_space<vmem>>, vector<16xi32>,
      %get3A_984 = vector.shape_cast %get3A_983 : vector<16xi32> to vector<16xi32>
      %mul3A_985 = arith.constant 6711 : i32
      %mul3A_986 = vector.broadcast %mul3A_985 : i32 to vector<16xi32>
      %mul3A_987 = arith.muli %get3A_981, %mul3A_986 : vector<16xi32>
      %shift_right_logical3A_988 = arith.constant 22 : i32
      %shift_right_logical3A_989 = vector.broadcast %shift_right_logical3A_988 : i32 to vector<16xi32>
      %shift_right_logical3A_990 = arith.shrui %mul3A_987, %shift_right_logical3A_989 : vector<16xi32>
      %mul3A_991 = arith.constant 625 : i32
      %mul3A_992 = vector.broadcast %mul3A_991 : i32 to vector<16xi32>
      %mul3A_993 = arith.muli %shift_right_logical3A_990, %mul3A_992 : vector<16xi32>
      %sub3A_994 = arith.subi %get3A_981, %mul3A_993 : vector<16xi32>
      %mul3A_995 = arith.constant 640 : i32
      %mul3A_996 = vector.broadcast %mul3A_995 : i32 to vector<16xi32>
      %mul3A_997 = arith.muli %sub3A_994, %mul3A_996 : vector<16xi32>
      %mul3A_998 = arith.constant 625 : i32
      %mul3A_999 = vector.broadcast %mul3A_998 : i32 to vector<16xi32>
      %mul3A_1000 = arith.muli %shift_right_logical3A_990, %mul3A_999 : vector<16xi32>
      %sub3A_1001 = arith.subi %get3A_984, %mul3A_1000 : vector<16xi32>
      %add3A_1002 = arith.addi %mul3A_997, %sub3A_1001 : vector<16xi32>
      %sub3A_1003 = arith.subi %shift_right_logical3A_990, %mul3A_668 : vector<16xi32>
      %mul3A_1004 = arith.constant 409600 : i32
      %mul3A_1005 = vector.broadcast %mul3A_1004 : i32 to vector<16xi32>
      %mul3A_1006 = arith.muli %sub3A_1003, %mul3A_1005 : vector<16xi32>
      %add3A_1007 = arith.addi %add3A_1002, %mul3A_1006 : vector<16xi32>
      %add3A_1008 = arith.constant 64 : i32
      %add3A_1009 = vector.broadcast %add3A_1008 : i32 to vector<16xi32>
      %add3A_1010 = arith.addi %scan3A_742, %add3A_1009 : vector<16xi32>
      %add3A_1011 = arith.addi %add3A_1010, %iota3A : vector<16xi32>
      %ge3A_1012 = arith.cmpi sge, %shift_right_logical3A_990, %mul3A_668 : vector<16xi32>
      %add3A_1013 = arith.constant 2 : i32
      %add3A_1014 = vector.broadcast %add3A_1013 : i32 to vector<16xi32>
      %add3A_1015 = arith.addi %mul3A_668, %add3A_1014 : vector<16xi32>
      %lt3A_1016 = arith.cmpi slt, %shift_right_logical3A_990, %add3A_1015 : vector<16xi32>
      %and3A_1017 = arith.andi %ge3A_1012, %lt3A_1016 : vector<16xi1>
      %lt3A_1018 = arith.constant 10000 : i32
      %lt3A_1019 = vector.broadcast %lt3A_1018 : i32 to vector<16xi32>
      %lt3A_1020 = arith.cmpi slt, %add3A_1011, %lt3A_1019 : vector<16xi32>
      %and3A_1021 = arith.andi %and3A_1017, %lt3A_1020 : vector<16xi1>
      %and3A_1022 = arith.constant 2047 : i32
      %and3A_1023 = vector.broadcast %and3A_1022 : i32 to vector<16xi32>
      %and3A_1024 = arith.andi %add3A_1011, %and3A_1023 : vector<16xi32>
      %add3A_1025 = arith.constant 819200 : i32
      %add3A_1026 = vector.broadcast %add3A_1025 : i32 to vector<16xi32>
      %add3A_1027 = arith.addi %add3A_1026, %and3A_1024 : vector<16xi32>
      %select_n3A_1028 = arith.select %and3A_1021, %add3A_1007, %add3A_1027 : vector<16xi1>, vector<16xi32>
      %swap3A_1029 = arith.index_cast %scan3A_741 : i32 to index
      %swap3A_1030 = arith.constant 64 : index
      %swap3A_1031 = tpu.vector_load %arg7[%swap3A_1029, %swap3A_1030] {strides = array<i32>} : memref<80x128xi32, #tpu.memory_space<vmem>>, vector<1x16xi32>,
      %swap3A_1032 = vector.shape_cast %swap3A_1031 : vector<1x16xi32> to vector<16xi32>
      %swap3A_1033 = vector.shape_cast %select_n3A_1028 : vector<16xi32> to vector<1x16xi32>
      tpu.vector_store %arg7[%swap3A_1029, %swap3A_1030], %swap3A_1033 {strides = array<i32>} : memref<80x128xi32, #tpu.memory_space<vmem>>, vector<1x16xi32>,
      %mul3A_1034 = arith.constant 128 : i32
      %mul3A_1035 = arith.muli %scan3A_741, %mul3A_1034 : i32
      %add3A_1036 = arith.constant 80 : i32
      %add3A_1037 = arith.addi %mul3A_1035, %add3A_1036 : i32
      %get3A_1038 = arith.index_cast %add3A_1037 : i32 to index
      %get3A_1039 = tpu.vector_load %arg5[%get3A_1038] {strides = array<i32>} : memref<10240xi32, #tpu.memory_space<vmem>>, vector<16xi32>,
      %get3A_1040 = vector.shape_cast %get3A_1039 : vector<16xi32> to vector<16xi32>
      %get3A_1041 = arith.index_cast %add3A_1037 : i32 to index
      %get3A_1042 = tpu.vector_load %arg6[%get3A_1041] {strides = array<i32>} : memref<10240xi32, #tpu.memory_space<vmem>>, vector<16xi32>,
      %get3A_1043 = vector.shape_cast %get3A_1042 : vector<16xi32> to vector<16xi32>
      %mul3A_1044 = arith.constant 6711 : i32
      %mul3A_1045 = vector.broadcast %mul3A_1044 : i32 to vector<16xi32>
      %mul3A_1046 = arith.muli %get3A_1040, %mul3A_1045 : vector<16xi32>
      %shift_right_logical3A_1047 = arith.constant 22 : i32
      %shift_right_logical3A_1048 = vector.broadcast %shift_right_logical3A_1047 : i32 to vector<16xi32>
      %shift_right_logical3A_1049 = arith.shrui %mul3A_1046, %shift_right_logical3A_1048 : vector<16xi32>
      %mul3A_1050 = arith.constant 625 : i32
      %mul3A_1051 = vector.broadcast %mul3A_1050 : i32 to vector<16xi32>
      %mul3A_1052 = arith.muli %shift_right_logical3A_1049, %mul3A_1051 : vector<16xi32>
      %sub3A_1053 = arith.subi %get3A_1040, %mul3A_1052 : vector<16xi32>
      %mul3A_1054 = arith.constant 640 : i32
      %mul3A_1055 = vector.broadcast %mul3A_1054 : i32 to vector<16xi32>
      %mul3A_1056 = arith.muli %sub3A_1053, %mul3A_1055 : vector<16xi32>
      %mul3A_1057 = arith.constant 625 : i32
      %mul3A_1058 = vector.broadcast %mul3A_1057 : i32 to vector<16xi32>
      %mul3A_1059 = arith.muli %shift_right_logical3A_1049, %mul3A_1058 : vector<16xi32>
      %sub3A_1060 = arith.subi %get3A_1043, %mul3A_1059 : vector<16xi32>
      %add3A_1061 = arith.addi %mul3A_1056, %sub3A_1060 : vector<16xi32>
      %sub3A_1062 = arith.subi %shift_right_logical3A_1049, %mul3A_668 : vector<16xi32>
      %mul3A_1063 = arith.constant 409600 : i32
      %mul3A_1064 = vector.broadcast %mul3A_1063 : i32 to vector<16xi32>
      %mul3A_1065 = arith.muli %sub3A_1062, %mul3A_1064 : vector<16xi32>
      %add3A_1066 = arith.addi %add3A_1061, %mul3A_1065 : vector<16xi32>
      %add3A_1067 = arith.constant 80 : i32
      %add3A_1068 = vector.broadcast %add3A_1067 : i32 to vector<16xi32>
      %add3A_1069 = arith.addi %scan3A_742, %add3A_1068 : vector<16xi32>
      %add3A_1070 = arith.addi %add3A_1069, %iota3A : vector<16xi32>
      %ge3A_1071 = arith.cmpi sge, %shift_right_logical3A_1049, %mul3A_668 : vector<16xi32>
      %add3A_1072 = arith.constant 2 : i32
      %add3A_1073 = vector.broadcast %add3A_1072 : i32 to vector<16xi32>
      %add3A_1074 = arith.addi %mul3A_668, %add3A_1073 : vector<16xi32>
      %lt3A_1075 = arith.cmpi slt, %shift_right_logical3A_1049, %add3A_1074 : vector<16xi32>
      %and3A_1076 = arith.andi %ge3A_1071, %lt3A_1075 : vector<16xi1>
      %lt3A_1077 = arith.constant 10000 : i32
      %lt3A_1078 = vector.broadcast %lt3A_1077 : i32 to vector<16xi32>
      %lt3A_1079 = arith.cmpi slt, %add3A_1070, %lt3A_1078 : vector<16xi32>
      %and3A_1080 = arith.andi %and3A_1076, %lt3A_1079 : vector<16xi1>
      %and3A_1081 = arith.constant 2047 : i32
      %and3A_1082 = vector.broadcast %and3A_1081 : i32 to vector<16xi32>
      %and3A_1083 = arith.andi %add3A_1070, %and3A_1082 : vector<16xi32>
      %add3A_1084 = arith.constant 819200 : i32
      %add3A_1085 = vector.broadcast %add3A_1084 : i32 to vector<16xi32>
      %add3A_1086 = arith.addi %add3A_1085, %and3A_1083 : vector<16xi32>
      %select_n3A_1087 = arith.select %and3A_1080, %add3A_1066, %add3A_1086 : vector<16xi1>, vector<16xi32>
      %swap3A_1088 = arith.index_cast %scan3A_741 : i32 to index
      %swap3A_1089 = arith.constant 80 : index
      %swap3A_1090 = tpu.vector_load %arg7[%swap3A_1088, %swap3A_1089] {strides = array<i32>} : memref<80x128xi32, #tpu.memory_space<vmem>>, vector<1x16xi32>,
      %swap3A_1091 = vector.shape_cast %swap3A_1090 : vector<1x16xi32> to vector<16xi32>
      %swap3A_1092 = vector.shape_cast %select_n3A_1087 : vector<16xi32> to vector<1x16xi32>
      tpu.vector_store %arg7[%swap3A_1088, %swap3A_1089], %swap3A_1092 {strides = array<i32>} : memref<80x128xi32, #tpu.memory_space<vmem>>, vector<1x16xi32>,
      %mul3A_1093 = arith.constant 128 : i32
      %mul3A_1094 = arith.muli %scan3A_741, %mul3A_1093 : i32
      %add3A_1095 = arith.constant 96 : i32
      %add3A_1096 = arith.addi %mul3A_1094, %add3A_1095 : i32
      %get3A_1097 = arith.index_cast %add3A_1096 : i32 to index
      %get3A_1098 = tpu.vector_load %arg5[%get3A_1097] {strides = array<i32>} : memref<10240xi32, #tpu.memory_space<vmem>>, vector<16xi32>,
      %get3A_1099 = vector.shape_cast %get3A_1098 : vector<16xi32> to vector<16xi32>
      %get3A_1100 = arith.index_cast %add3A_1096 : i32 to index
      %get3A_1101 = tpu.vector_load %arg6[%get3A_1100] {strides = array<i32>} : memref<10240xi32, #tpu.memory_space<vmem>>, vector<16xi32>,
      %get3A_1102 = vector.shape_cast %get3A_1101 : vector<16xi32> to vector<16xi32>
      %mul3A_1103 = arith.constant 6711 : i32
      %mul3A_1104 = vector.broadcast %mul3A_1103 : i32 to vector<16xi32>
      %mul3A_1105 = arith.muli %get3A_1099, %mul3A_1104 : vector<16xi32>
      %shift_right_logical3A_1106 = arith.constant 22 : i32
      %shift_right_logical3A_1107 = vector.broadcast %shift_right_logical3A_1106 : i32 to vector<16xi32>
      %shift_right_logical3A_1108 = arith.shrui %mul3A_1105, %shift_right_logical3A_1107 : vector<16xi32>
      %mul3A_1109 = arith.constant 625 : i32
      %mul3A_1110 = vector.broadcast %mul3A_1109 : i32 to vector<16xi32>
      %mul3A_1111 = arith.muli %shift_right_logical3A_1108, %mul3A_1110 : vector<16xi32>
      %sub3A_1112 = arith.subi %get3A_1099, %mul3A_1111 : vector<16xi32>
      %mul3A_1113 = arith.constant 640 : i32
      %mul3A_1114 = vector.broadcast %mul3A_1113 : i32 to vector<16xi32>
      %mul3A_1115 = arith.muli %sub3A_1112, %mul3A_1114 : vector<16xi32>
      %mul3A_1116 = arith.constant 625 : i32
      %mul3A_1117 = vector.broadcast %mul3A_1116 : i32 to vector<16xi32>
      %mul3A_1118 = arith.muli %shift_right_logical3A_1108, %mul3A_1117 : vector<16xi32>
      %sub3A_1119 = arith.subi %get3A_1102, %mul3A_1118 : vector<16xi32>
      %add3A_1120 = arith.addi %mul3A_1115, %sub3A_1119 : vector<16xi32>
      %sub3A_1121 = arith.subi %shift_right_logical3A_1108, %mul3A_668 : vector<16xi32>
      %mul3A_1122 = arith.constant 409600 : i32
      %mul3A_1123 = vector.broadcast %mul3A_1122 : i32 to vector<16xi32>
      %mul3A_1124 = arith.muli %sub3A_1121, %mul3A_1123 : vector<16xi32>
      %add3A_1125 = arith.addi %add3A_1120, %mul3A_1124 : vector<16xi32>
      %add3A_1126 = arith.constant 96 : i32
      %add3A_1127 = vector.broadcast %add3A_1126 : i32 to vector<16xi32>
      %add3A_1128 = arith.addi %scan3A_742, %add3A_1127 : vector<16xi32>
      %add3A_1129 = arith.addi %add3A_1128, %iota3A : vector<16xi32>
      %ge3A_1130 = arith.cmpi sge, %shift_right_logical3A_1108, %mul3A_668 : vector<16xi32>
      %add3A_1131 = arith.constant 2 : i32
      %add3A_1132 = vector.broadcast %add3A_1131 : i32 to vector<16xi32>
      %add3A_1133 = arith.addi %mul3A_668, %add3A_1132 : vector<16xi32>
      %lt3A_1134 = arith.cmpi slt, %shift_right_logical3A_1108, %add3A_1133 : vector<16xi32>
      %and3A_1135 = arith.andi %ge3A_1130, %lt3A_1134 : vector<16xi1>
      %lt3A_1136 = arith.constant 10000 : i32
      %lt3A_1137 = vector.broadcast %lt3A_1136 : i32 to vector<16xi32>
      %lt3A_1138 = arith.cmpi slt, %add3A_1129, %lt3A_1137 : vector<16xi32>
      %and3A_1139 = arith.andi %and3A_1135, %lt3A_1138 : vector<16xi1>
      %and3A_1140 = arith.constant 2047 : i32
      %and3A_1141 = vector.broadcast %and3A_1140 : i32 to vector<16xi32>
      %and3A_1142 = arith.andi %add3A_1129, %and3A_1141 : vector<16xi32>
      %add3A_1143 = arith.constant 819200 : i32
      %add3A_1144 = vector.broadcast %add3A_1143 : i32 to vector<16xi32>
      %add3A_1145 = arith.addi %add3A_1144, %and3A_1142 : vector<16xi32>
      %select_n3A_1146 = arith.select %and3A_1139, %add3A_1125, %add3A_1145 : vector<16xi1>, vector<16xi32>
      %swap3A_1147 = arith.index_cast %scan3A_741 : i32 to index
      %swap3A_1148 = arith.constant 96 : index
      %swap3A_1149 = tpu.vector_load %arg7[%swap3A_1147, %swap3A_1148] {strides = array<i32>} : memref<80x128xi32, #tpu.memory_space<vmem>>, vector<1x16xi32>,
      %swap3A_1150 = vector.shape_cast %swap3A_1149 : vector<1x16xi32> to vector<16xi32>
      %swap3A_1151 = vector.shape_cast %select_n3A_1146 : vector<16xi32> to vector<1x16xi32>
      tpu.vector_store %arg7[%swap3A_1147, %swap3A_1148], %swap3A_1151 {strides = array<i32>} : memref<80x128xi32, #tpu.memory_space<vmem>>, vector<1x16xi32>,
      %mul3A_1152 = arith.constant 128 : i32
      %mul3A_1153 = arith.muli %scan3A_741, %mul3A_1152 : i32
      %add3A_1154 = arith.constant 112 : i32
      %add3A_1155 = arith.addi %mul3A_1153, %add3A_1154 : i32
      %get3A_1156 = arith.index_cast %add3A_1155 : i32 to index
      %get3A_1157 = tpu.vector_load %arg5[%get3A_1156] {strides = array<i32>} : memref<10240xi32, #tpu.memory_space<vmem>>, vector<16xi32>,
      %get3A_1158 = vector.shape_cast %get3A_1157 : vector<16xi32> to vector<16xi32>
      %get3A_1159 = arith.index_cast %add3A_1155 : i32 to index
      %get3A_1160 = tpu.vector_load %arg6[%get3A_1159] {strides = array<i32>} : memref<10240xi32, #tpu.memory_space<vmem>>, vector<16xi32>,
      %get3A_1161 = vector.shape_cast %get3A_1160 : vector<16xi32> to vector<16xi32>
      %mul3A_1162 = arith.constant 6711 : i32
      %mul3A_1163 = vector.broadcast %mul3A_1162 : i32 to vector<16xi32>
      %mul3A_1164 = arith.muli %get3A_1158, %mul3A_1163 : vector<16xi32>
      %shift_right_logical3A_1165 = arith.constant 22 : i32
      %shift_right_logical3A_1166 = vector.broadcast %shift_right_logical3A_1165 : i32 to vector<16xi32>
      %shift_right_logical3A_1167 = arith.shrui %mul3A_1164, %shift_right_logical3A_1166 : vector<16xi32>
      %mul3A_1168 = arith.constant 625 : i32
      %mul3A_1169 = vector.broadcast %mul3A_1168 : i32 to vector<16xi32>
      %mul3A_1170 = arith.muli %shift_right_logical3A_1167, %mul3A_1169 : vector<16xi32>
      %sub3A_1171 = arith.subi %get3A_1158, %mul3A_1170 : vector<16xi32>
      %mul3A_1172 = arith.constant 640 : i32
      %mul3A_1173 = vector.broadcast %mul3A_1172 : i32 to vector<16xi32>
      %mul3A_1174 = arith.muli %sub3A_1171, %mul3A_1173 : vector<16xi32>
      %mul3A_1175 = arith.constant 625 : i32
      %mul3A_1176 = vector.broadcast %mul3A_1175 : i32 to vector<16xi32>
      %mul3A_1177 = arith.muli %shift_right_logical3A_1167, %mul3A_1176 : vector<16xi32>
      %sub3A_1178 = arith.subi %get3A_1161, %mul3A_1177 : vector<16xi32>
      %add3A_1179 = arith.addi %mul3A_1174, %sub3A_1178 : vector<16xi32>
      %sub3A_1180 = arith.subi %shift_right_logical3A_1167, %mul3A_668 : vector<16xi32>
      %mul3A_1181 = arith.constant 409600 : i32
      %mul3A_1182 = vector.broadcast %mul3A_1181 : i32 to vector<16xi32>
      %mul3A_1183 = arith.muli %sub3A_1180, %mul3A_1182 : vector<16xi32>
      %add3A_1184 = arith.addi %add3A_1179, %mul3A_1183 : vector<16xi32>
      %add3A_1185 = arith.constant 112 : i32
      %add3A_1186 = vector.broadcast %add3A_1185 : i32 to vector<16xi32>
      %add3A_1187 = arith.addi %scan3A_742, %add3A_1186 : vector<16xi32>
      %add3A_1188 = arith.addi %add3A_1187, %iota3A : vector<16xi32>
      %ge3A_1189 = arith.cmpi sge, %shift_right_logical3A_1167, %mul3A_668 : vector<16xi32>
      %add3A_1190 = arith.constant 2 : i32
      %add3A_1191 = vector.broadcast %add3A_1190 : i32 to vector<16xi32>
      %add3A_1192 = arith.addi %mul3A_668, %add3A_1191 : vector<16xi32>
      %lt3A_1193 = arith.cmpi slt, %shift_right_logical3A_1167, %add3A_1192 : vector<16xi32>
      %and3A_1194 = arith.andi %ge3A_1189, %lt3A_1193 : vector<16xi1>
      %lt3A_1195 = arith.constant 10000 : i32
      %lt3A_1196 = vector.broadcast %lt3A_1195 : i32 to vector<16xi32>
      %lt3A_1197 = arith.cmpi slt, %add3A_1188, %lt3A_1196 : vector<16xi32>
      %and3A_1198 = arith.andi %and3A_1194, %lt3A_1197 : vector<16xi1>
      %and3A_1199 = arith.constant 2047 : i32
      %and3A_1200 = vector.broadcast %and3A_1199 : i32 to vector<16xi32>
      %and3A_1201 = arith.andi %add3A_1188, %and3A_1200 : vector<16xi32>
      %add3A_1202 = arith.constant 819200 : i32
      %add3A_1203 = vector.broadcast %add3A_1202 : i32 to vector<16xi32>
      %add3A_1204 = arith.addi %add3A_1203, %and3A_1201 : vector<16xi32>
      %select_n3A_1205 = arith.select %and3A_1198, %add3A_1184, %add3A_1204 : vector<16xi1>, vector<16xi32>
      %swap3A_1206 = arith.index_cast %scan3A_741 : i32 to index
      %swap3A_1207 = arith.constant 112 : index
      %swap3A_1208 = tpu.vector_load %arg7[%swap3A_1206, %swap3A_1207] {strides = array<i32>} : memref<80x128xi32, #tpu.memory_space<vmem>>, vector<1x16xi32>,
      %swap3A_1209 = vector.shape_cast %swap3A_1208 : vector<1x16xi32> to vector<16xi32>
      %swap3A_1210 = vector.shape_cast %select_n3A_1205 : vector<16xi32> to vector<1x16xi32>
      tpu.vector_store %arg7[%swap3A_1206, %swap3A_1207], %swap3A_1210 {strides = array<i32>} : memref<80x128xi32, #tpu.memory_space<vmem>>, vector<1x16xi32>,
      %add3A_1211 = arith.constant 128 : i32
      %add3A_1212 = vector.broadcast %add3A_1211 : i32 to vector<16xi32>
      %add3A_1213 = arith.addi %scan3A_742, %add3A_1212 : vector<16xi32>
      scf.yield %add3A_1213 : vector<16xi32>
    }
    %scan3A_682 = arith.constant 80 : i32
    %scan3A_683 = arith.constant 0 : i32
    %scan3A_684 = arith.constant 80 : i32
    %scan3A_685 = arith.addi %scan3A_683, %scan3A_684 : i32
    %scan3A_686 = arith.constant 1 : i32
    scf.for %scan3A_741 = %scan3A_683 to %scan3A_685 step %scan3A_686  : i32 {
      "tpu.region"() ({
        %run_scoped3A_742 = tpu.sem_alloc : memref<!tpu.dma_semaphore, #tpu.memory_space<semaphore_mem>>
        %dma_start3A = arith.constant 0 : i32
        %dma_start3A_743 = tpu.memref_slice %arg7[%scan3A_741, %dma_start3A] : memref<80x128xi32, #tpu.memory_space<vmem>> -> memref<1x128xi32, #tpu.memory_space<vmem>>
        %dma_start3A_744 = tpu.memref_squeeze %dma_start3A_743 : memref<1x128xi32, #tpu.memory_space<vmem>> -> memref<128xi32, #tpu.memory_space<vmem>>
        %dma_start3A_745 = arith.constant 0 : i32
        %dma_start3A_746 = tpu.memref_slice %arg11[%dma_start3A_745] : memref<821248xf32, #tpu.memory_space<vmem_shared>> -> memref<821248xf32, #tpu.memory_space<vmem_shared>>
        tpu.enqueue_indirect_dma source(%arg9 : memref<128xf32, #tpu.memory_space<vmem>>) target(%dma_start3A_746 : memref<821248xf32, #tpu.memory_space<vmem_shared>>) offsets(%dma_start3A_744 : memref<128xi32, #tpu.memory_space<vmem>>) semaphore(%run_scoped3A_742 : memref<!tpu.dma_semaphore, #tpu.memory_space<semaphore_mem>>) {add = true}
        %dma_wait3A = arith.constant 0 : i32
        %dma_wait3A_747 = tpu.memref_slice %arg7[%scan3A_741, %dma_wait3A] : memref<80x128xi32, #tpu.memory_space<vmem>> -> memref<1x128xi32, #tpu.memory_space<vmem>>
        %dma_wait3A_748 = tpu.memref_squeeze %dma_wait3A_747 : memref<1x128xi32, #tpu.memory_space<vmem>> -> memref<128xi32, #tpu.memory_space<vmem>>
        %dma_wait3A_749 = arith.constant 0 : i32
        %dma_wait3A_750 = tpu.memref_slice %arg11[%dma_wait3A_749] : memref<821248xf32, #tpu.memory_space<vmem_shared>> -> memref<821248xf32, #tpu.memory_space<vmem_shared>>
        tpu.wait_indirect_dma semaphore(%run_scoped3A_742 : memref<!tpu.dma_semaphore, #tpu.memory_space<semaphore_mem>>) src(%arg9 : memref<128xf32, #tpu.memory_space<vmem>>) dst(%dma_wait3A_750 : memref<821248xf32, #tpu.memory_space<vmem_shared>>)
        tpu.yield
      }) : () -> ()
    }
    %scan3A_687 = arith.constant 80 : i32
    %run_scoped3A_688 = arith.constant 0 : i32
    "tpu.region"() ({
      %run_scoped3A_741 = tpu.sem_alloc : memref<!tpu.dma_semaphore, #tpu.memory_space<semaphore_mem>>
      %dma_start3A = arith.constant 0 : i32
      %dma_start3A_742 = tpu.memref_slice %arg8[%run_scoped3A_688, %dma_start3A] : memref<2x128xi32, #tpu.memory_space<vmem>> -> memref<1x128xi32, #tpu.memory_space<vmem>>
      %dma_start3A_743 = tpu.memref_squeeze %dma_start3A_742 : memref<1x128xi32, #tpu.memory_space<vmem>> -> memref<128xi32, #tpu.memory_space<vmem>>
      %dma_start3A_744 = arith.constant 0 : i32
      %dma_start3A_745 = tpu.memref_slice %arg11[%dma_start3A_744] : memref<821248xf32, #tpu.memory_space<vmem_shared>> -> memref<821248xf32, #tpu.memory_space<vmem_shared>>
      tpu.enqueue_indirect_dma source(%arg9 : memref<128xf32, #tpu.memory_space<vmem>>) target(%dma_start3A_745 : memref<821248xf32, #tpu.memory_space<vmem_shared>>) offsets(%dma_start3A_743 : memref<128xi32, #tpu.memory_space<vmem>>) semaphore(%run_scoped3A_741 : memref<!tpu.dma_semaphore, #tpu.memory_space<semaphore_mem>>) {add = true}
      %dma_wait3A = arith.constant 0 : i32
      %dma_wait3A_746 = tpu.memref_slice %arg8[%run_scoped3A_688, %dma_wait3A] : memref<2x128xi32, #tpu.memory_space<vmem>> -> memref<1x128xi32, #tpu.memory_space<vmem>>
      %dma_wait3A_747 = tpu.memref_squeeze %dma_wait3A_746 : memref<1x128xi32, #tpu.memory_space<vmem>> -> memref<128xi32, #tpu.memory_space<vmem>>
      %dma_wait3A_748 = arith.constant 0 : i32
      %dma_wait3A_749 = tpu.memref_slice %arg11[%dma_wait3A_748] : memref<821248xf32, #tpu.memory_space<vmem_shared>> -> memref<821248xf32, #tpu.memory_space<vmem_shared>>
      tpu.wait_indirect_dma semaphore(%run_scoped3A_741 : memref<!tpu.dma_semaphore, #tpu.memory_space<semaphore_mem>>) src(%arg9 : memref<128xf32, #tpu.memory_space<vmem>>) dst(%dma_wait3A_749 : memref<821248xf32, #tpu.memory_space<vmem_shared>>)
      tpu.yield
    }) : () -> ()
    %run_scoped3A_689 = arith.constant 1 : i32
    "tpu.region"() ({
      %run_scoped3A_741 = tpu.sem_alloc : memref<!tpu.dma_semaphore, #tpu.memory_space<semaphore_mem>>
      %dma_start3A = arith.constant 0 : i32
      %dma_start3A_742 = tpu.memref_slice %arg8[%run_scoped3A_689, %dma_start3A] : memref<2x128xi32, #tpu.memory_space<vmem>> -> memref<1x128xi32, #tpu.memory_space<vmem>>
      %dma_start3A_743 = tpu.memref_squeeze %dma_start3A_742 : memref<1x128xi32, #tpu.memory_space<vmem>> -> memref<128xi32, #tpu.memory_space<vmem>>
      %dma_start3A_744 = arith.constant 0 : i32
      %dma_start3A_745 = tpu.memref_slice %arg11[%dma_start3A_744] : memref<821248xf32, #tpu.memory_space<vmem_shared>> -> memref<821248xf32, #tpu.memory_space<vmem_shared>>
      tpu.enqueue_indirect_dma source(%arg9 : memref<128xf32, #tpu.memory_space<vmem>>) target(%dma_start3A_745 : memref<821248xf32, #tpu.memory_space<vmem_shared>>) offsets(%dma_start3A_743 : memref<128xi32, #tpu.memory_space<vmem>>) semaphore(%run_scoped3A_741 : memref<!tpu.dma_semaphore, #tpu.memory_space<semaphore_mem>>) {add = true}
      %dma_wait3A = arith.constant 0 : i32
      %dma_wait3A_746 = tpu.memref_slice %arg8[%run_scoped3A_689, %dma_wait3A] : memref<2x128xi32, #tpu.memory_space<vmem>> -> memref<1x128xi32, #tpu.memory_space<vmem>>
      %dma_wait3A_747 = tpu.memref_squeeze %dma_wait3A_746 : memref<1x128xi32, #tpu.memory_space<vmem>> -> memref<128xi32, #tpu.memory_space<vmem>>
      %dma_wait3A_748 = arith.constant 0 : i32
      %dma_wait3A_749 = tpu.memref_slice %arg11[%dma_wait3A_748] : memref<821248xf32, #tpu.memory_space<vmem_shared>> -> memref<821248xf32, #tpu.memory_space<vmem_shared>>
      tpu.wait_indirect_dma semaphore(%run_scoped3A_741 : memref<!tpu.dma_semaphore, #tpu.memory_space<semaphore_mem>>) src(%arg9 : memref<128xf32, #tpu.memory_space<vmem>>) dst(%dma_wait3A_749 : memref<821248xf32, #tpu.memory_space<vmem_shared>>)
      tpu.yield
    }) : () -> ()
    %barrier3A_690 = arith.constant 0 : index
    tpu.barrier barrier_id(%barrier3A_690)
    %mul3A_691 = arith.constant 51200 : i32
    %mul3A_692 = arith.muli %arg1, %mul3A_691 : i32
    %add3A_693 = arith.constant 4 : i32
    %add3A_694 = arith.addi %add3A_693, %arg0 : i32
    %mul3A_695 = arith.constant 819200 : i32
    %mul3A_696 = arith.muli %add3A_694, %mul3A_695 : i32
    %mul3A_697 = arith.constant 51200 : i32
    %mul3A_698 = arith.muli %arg1, %mul3A_697 : i32
    %add3A_699 = arith.addi %mul3A_696, %mul3A_698 : i32
    "tpu.region"() ({
      %run_scoped3A_741 = tpu.sem_alloc : memref<!tpu.dma_semaphore, #tpu.memory_space<semaphore_mem>>
      %dma_start3A = tpu.memref_slice %arg4[%add3A_699] : memref<6553600xf32, #tpu.memory_space<hbm>> -> memref<51200xf32, #tpu.memory_space<hbm>>
      %dma_start3A_742 = tpu.memref_slice %arg11[%mul3A_692] : memref<821248xf32, #tpu.memory_space<vmem_shared>> -> memref<51200xf32, #tpu.memory_space<vmem_shared>>
      tpu.enqueue_dma source(%dma_start3A_742 : memref<51200xf32, #tpu.memory_space<vmem_shared>>) target(%dma_start3A : memref<51200xf32, #tpu.memory_space<hbm>>) target_semaphore(%run_scoped3A_741 : memref<!tpu.dma_semaphore, #tpu.memory_space<semaphore_mem>>)
      %dma_wait3A = tpu.memref_slice %arg4[%add3A_699] : memref<6553600xf32, #tpu.memory_space<hbm>> -> memref<51200xf32, #tpu.memory_space<hbm>>
      %dma_wait3A_743 = tpu.memref_slice %arg11[%mul3A_692] : memref<821248xf32, #tpu.memory_space<vmem_shared>> -> memref<51200xf32, #tpu.memory_space<vmem_shared>>
      tpu.wait_dma2 semaphore(%run_scoped3A_741 : memref<!tpu.dma_semaphore, #tpu.memory_space<semaphore_mem>>) src(%dma_wait3A_743 : memref<51200xf32, #tpu.memory_space<vmem_shared>>) dst(%dma_wait3A : memref<51200xf32, #tpu.memory_space<hbm>>)
      tpu.yield
    }) : () -> ()
    %barrier3A_700 = arith.constant 0 : index
    tpu.barrier barrier_id(%barrier3A_700)
    %mul3A_701 = arith.constant 2 : i32
    %mul3A_702 = arith.muli %arg0, %mul3A_701 : i32
    %add3A_703 = arith.constant 12 : i32
    %add3A_704 = arith.addi %add3A_703, %mul3A_702 : i32
    %broadcast_in_dim3A_705 = arith.constant 1 : i32
    %broadcast_in_dim3A_706 = vector.broadcast %broadcast_in_dim3A_705 : i32 to vector<16xi32>
    %mul3A_707 = vector.broadcast %add3A_704 : i32 to vector<16xi32>
    %mul3A_708 = arith.muli %broadcast_in_dim3A_706, %mul3A_707 : vector<16xi32>
    %scan3A_709 = arith.constant 0 : i32
    %scan3A_710 = arith.constant 8 : i32
    %scan3A_711 = arith.addi %scan3A_709, %scan3A_710 : i32
    %scan3A_712 = arith.constant 1 : i32
    scf.for %scan3A_741 = %scan3A_709 to %scan3A_711 step %scan3A_712  : i32 {
      %mul3A_742 = arith.constant 51328 : i32
      %mul3A_743 = arith.muli %arg1, %mul3A_742 : i32
      %mul3A_744 = arith.constant 6416 : i32
      %mul3A_745 = arith.muli %scan3A_741, %mul3A_744 : i32
      %add3A_746 = arith.addi %mul3A_743, %mul3A_745 : i32
      "tpu.region"() ({
        %run_scoped3A_747 = tpu.sem_alloc : memref<!tpu.dma_semaphore, #tpu.memory_space<semaphore_mem>>
        %dma_start3A = tpu.memref_slice %arg11[%add3A_746] : memref<821248xf32, #tpu.memory_space<vmem_shared>> -> memref<6416xf32, #tpu.memory_space<vmem_shared>>
        %dma_start3A_748 = tpu.memref_slice %arg11[%add3A_746] : memref<821248xf32, #tpu.memory_space<vmem_shared>> -> memref<6416xf32, #tpu.memory_space<vmem_shared>>
        tpu.enqueue_dma source(%arg10 : memref<6416xf32, #tpu.memory_space<vmem>>) target(%dma_start3A_748 : memref<6416xf32, #tpu.memory_space<vmem_shared>>) target_semaphore(%run_scoped3A_747 : memref<!tpu.dma_semaphore, #tpu.memory_space<semaphore_mem>>)
        %dma_wait3A = tpu.memref_slice %arg11[%add3A_746] : memref<821248xf32, #tpu.memory_space<vmem_shared>> -> memref<6416xf32, #tpu.memory_space<vmem_shared>>
        %dma_wait3A_749 = tpu.memref_slice %arg11[%add3A_746] : memref<821248xf32, #tpu.memory_space<vmem_shared>> -> memref<6416xf32, #tpu.memory_space<vmem_shared>>
        tpu.wait_dma2 semaphore(%run_scoped3A_747 : memref<!tpu.dma_semaphore, #tpu.memory_space<semaphore_mem>>) src(%arg10 : memref<6416xf32, #tpu.memory_space<vmem>>) dst(%dma_wait3A_749 : memref<6416xf32, #tpu.memory_space<vmem_shared>>)
        tpu.yield
      }) : () -> ()
    }
    %scan3A_713 = arith.constant 8 : i32
    %barrier3A_714 = arith.constant 0 : index
    tpu.barrier barrier_id(%barrier3A_714)
    %broadcast_in_dim3A_715 = arith.constant 0 : i32
    %broadcast_in_dim3A_716 = vector.broadcast %broadcast_in_dim3A_715 : i32 to vector<16xi32>
    %scan3A_717 = arith.constant 0 : i32
    %scan3A_718 = arith.constant 80 : i32
    %scan3A_719 = arith.addi %scan3A_717, %scan3A_718 : i32
    %scan3A_720 = arith.constant 1 : i32
    %scan3A_721 = scf.for %scan3A_741 = %scan3A_717 to %scan3A_719 step %scan3A_720 iter_args(%scan3A_742 = %broadcast_in_dim3A_716) -> (vector<16xi32>)  : i32 {
      %mul3A_743 = arith.constant 128 : i32
      %mul3A_744 = arith.muli %scan3A_741, %mul3A_743 : i32
      %add3A_745 = arith.constant 0 : i32
      %add3A_746 = arith.addi %mul3A_744, %add3A_745 : i32
      %get3A = arith.index_cast %add3A_746 : i32 to index
      %get3A_747 = tpu.vector_load %arg5[%get3A] {strides = array<i32>} : memref<10240xi32, #tpu.memory_space<vmem>>, vector<16xi32>,
      %get3A_748 = vector.shape_cast %get3A_747 : vector<16xi32> to vector<16xi32>
      %get3A_749 = arith.index_cast %add3A_746 : i32 to index
      %get3A_750 = tpu.vector_load %arg6[%get3A_749] {strides = array<i32>} : memref<10240xi32, #tpu.memory_space<vmem>>, vector<16xi32>,
      %get3A_751 = vector.shape_cast %get3A_750 : vector<16xi32> to vector<16xi32>
      %mul3A_752 = arith.constant 6711 : i32
      %mul3A_753 = vector.broadcast %mul3A_752 : i32 to vector<16xi32>
      %mul3A_754 = arith.muli %get3A_748, %mul3A_753 : vector<16xi32>
      %shift_right_logical3A = arith.constant 22 : i32
      %shift_right_logical3A_755 = vector.broadcast %shift_right_logical3A : i32 to vector<16xi32>
      %shift_right_logical3A_756 = arith.shrui %mul3A_754, %shift_right_logical3A_755 : vector<16xi32>
      %mul3A_757 = arith.constant 625 : i32
      %mul3A_758 = vector.broadcast %mul3A_757 : i32 to vector<16xi32>
      %mul3A_759 = arith.muli %shift_right_logical3A_756, %mul3A_758 : vector<16xi32>
      %sub3A = arith.subi %get3A_748, %mul3A_759 : vector<16xi32>
      %mul3A_760 = arith.constant 640 : i32
      %mul3A_761 = vector.broadcast %mul3A_760 : i32 to vector<16xi32>
      %mul3A_762 = arith.muli %sub3A, %mul3A_761 : vector<16xi32>
      %mul3A_763 = arith.constant 625 : i32
      %mul3A_764 = vector.broadcast %mul3A_763 : i32 to vector<16xi32>
      %mul3A_765 = arith.muli %shift_right_logical3A_756, %mul3A_764 : vector<16xi32>
      %sub3A_766 = arith.subi %get3A_751, %mul3A_765 : vector<16xi32>
      %add3A_767 = arith.addi %mul3A_762, %sub3A_766 : vector<16xi32>
      %sub3A_768 = arith.subi %shift_right_logical3A_756, %mul3A_708 : vector<16xi32>
      %mul3A_769 = arith.constant 409600 : i32
      %mul3A_770 = vector.broadcast %mul3A_769 : i32 to vector<16xi32>
      %mul3A_771 = arith.muli %sub3A_768, %mul3A_770 : vector<16xi32>
      %add3A_772 = arith.addi %add3A_767, %mul3A_771 : vector<16xi32>
      %add3A_773 = arith.constant 0 : i32
      %add3A_774 = vector.broadcast %add3A_773 : i32 to vector<16xi32>
      %add3A_775 = arith.addi %scan3A_742, %add3A_774 : vector<16xi32>
      %add3A_776 = arith.addi %add3A_775, %iota3A : vector<16xi32>
      %ge3A = arith.cmpi sge, %shift_right_logical3A_756, %mul3A_708 : vector<16xi32>
      %add3A_777 = arith.constant 2 : i32
      %add3A_778 = vector.broadcast %add3A_777 : i32 to vector<16xi32>
      %add3A_779 = arith.addi %mul3A_708, %add3A_778 : vector<16xi32>
      %lt3A_780 = arith.cmpi slt, %shift_right_logical3A_756, %add3A_779 : vector<16xi32>
      %and3A_781 = arith.andi %ge3A, %lt3A_780 : vector<16xi1>
      %lt3A_782 = arith.constant 10000 : i32
      %lt3A_783 = vector.broadcast %lt3A_782 : i32 to vector<16xi32>
      %lt3A_784 = arith.cmpi slt, %add3A_776, %lt3A_783 : vector<16xi32>
      %and3A_785 = arith.andi %and3A_781, %lt3A_784 : vector<16xi1>
      %and3A_786 = arith.constant 2047 : i32
      %and3A_787 = vector.broadcast %and3A_786 : i32 to vector<16xi32>
      %and3A_788 = arith.andi %add3A_776, %and3A_787 : vector<16xi32>
      %add3A_789 = arith.constant 819200 : i32
      %add3A_790 = vector.broadcast %add3A_789 : i32 to vector<16xi32>
      %add3A_791 = arith.addi %add3A_790, %and3A_788 : vector<16xi32>
      %select_n3A_792 = arith.select %and3A_785, %add3A_772, %add3A_791 : vector<16xi1>, vector<16xi32>
      %swap3A_793 = arith.index_cast %scan3A_741 : i32 to index
      %swap3A_794 = arith.constant 0 : index
      %swap3A_795 = tpu.vector_load %arg7[%swap3A_793, %swap3A_794] {strides = array<i32>} : memref<80x128xi32, #tpu.memory_space<vmem>>, vector<1x16xi32>,
      %swap3A_796 = vector.shape_cast %swap3A_795 : vector<1x16xi32> to vector<16xi32>
      %swap3A_797 = vector.shape_cast %select_n3A_792 : vector<16xi32> to vector<1x16xi32>
      tpu.vector_store %arg7[%swap3A_793, %swap3A_794], %swap3A_797 {strides = array<i32>} : memref<80x128xi32, #tpu.memory_space<vmem>>, vector<1x16xi32>,
      %mul3A_798 = arith.constant 128 : i32
      %mul3A_799 = arith.muli %scan3A_741, %mul3A_798 : i32
      %add3A_800 = arith.constant 16 : i32
      %add3A_801 = arith.addi %mul3A_799, %add3A_800 : i32
      %get3A_802 = arith.index_cast %add3A_801 : i32 to index
      %get3A_803 = tpu.vector_load %arg5[%get3A_802] {strides = array<i32>} : memref<10240xi32, #tpu.memory_space<vmem>>, vector<16xi32>,
      %get3A_804 = vector.shape_cast %get3A_803 : vector<16xi32> to vector<16xi32>
      %get3A_805 = arith.index_cast %add3A_801 : i32 to index
      %get3A_806 = tpu.vector_load %arg6[%get3A_805] {strides = array<i32>} : memref<10240xi32, #tpu.memory_space<vmem>>, vector<16xi32>,
      %get3A_807 = vector.shape_cast %get3A_806 : vector<16xi32> to vector<16xi32>
      %mul3A_808 = arith.constant 6711 : i32
      %mul3A_809 = vector.broadcast %mul3A_808 : i32 to vector<16xi32>
      %mul3A_810 = arith.muli %get3A_804, %mul3A_809 : vector<16xi32>
      %shift_right_logical3A_811 = arith.constant 22 : i32
      %shift_right_logical3A_812 = vector.broadcast %shift_right_logical3A_811 : i32 to vector<16xi32>
      %shift_right_logical3A_813 = arith.shrui %mul3A_810, %shift_right_logical3A_812 : vector<16xi32>
      %mul3A_814 = arith.constant 625 : i32
      %mul3A_815 = vector.broadcast %mul3A_814 : i32 to vector<16xi32>
      %mul3A_816 = arith.muli %shift_right_logical3A_813, %mul3A_815 : vector<16xi32>
      %sub3A_817 = arith.subi %get3A_804, %mul3A_816 : vector<16xi32>
      %mul3A_818 = arith.constant 640 : i32
      %mul3A_819 = vector.broadcast %mul3A_818 : i32 to vector<16xi32>
      %mul3A_820 = arith.muli %sub3A_817, %mul3A_819 : vector<16xi32>
      %mul3A_821 = arith.constant 625 : i32
      %mul3A_822 = vector.broadcast %mul3A_821 : i32 to vector<16xi32>
      %mul3A_823 = arith.muli %shift_right_logical3A_813, %mul3A_822 : vector<16xi32>
      %sub3A_824 = arith.subi %get3A_807, %mul3A_823 : vector<16xi32>
      %add3A_825 = arith.addi %mul3A_820, %sub3A_824 : vector<16xi32>
      %sub3A_826 = arith.subi %shift_right_logical3A_813, %mul3A_708 : vector<16xi32>
      %mul3A_827 = arith.constant 409600 : i32
      %mul3A_828 = vector.broadcast %mul3A_827 : i32 to vector<16xi32>
      %mul3A_829 = arith.muli %sub3A_826, %mul3A_828 : vector<16xi32>
      %add3A_830 = arith.addi %add3A_825, %mul3A_829 : vector<16xi32>
      %add3A_831 = arith.constant 16 : i32
      %add3A_832 = vector.broadcast %add3A_831 : i32 to vector<16xi32>
      %add3A_833 = arith.addi %scan3A_742, %add3A_832 : vector<16xi32>
      %add3A_834 = arith.addi %add3A_833, %iota3A : vector<16xi32>
      %ge3A_835 = arith.cmpi sge, %shift_right_logical3A_813, %mul3A_708 : vector<16xi32>
      %add3A_836 = arith.constant 2 : i32
      %add3A_837 = vector.broadcast %add3A_836 : i32 to vector<16xi32>
      %add3A_838 = arith.addi %mul3A_708, %add3A_837 : vector<16xi32>
      %lt3A_839 = arith.cmpi slt, %shift_right_logical3A_813, %add3A_838 : vector<16xi32>
      %and3A_840 = arith.andi %ge3A_835, %lt3A_839 : vector<16xi1>
      %lt3A_841 = arith.constant 10000 : i32
      %lt3A_842 = vector.broadcast %lt3A_841 : i32 to vector<16xi32>
      %lt3A_843 = arith.cmpi slt, %add3A_834, %lt3A_842 : vector<16xi32>
      %and3A_844 = arith.andi %and3A_840, %lt3A_843 : vector<16xi1>
      %and3A_845 = arith.constant 2047 : i32
      %and3A_846 = vector.broadcast %and3A_845 : i32 to vector<16xi32>
      %and3A_847 = arith.andi %add3A_834, %and3A_846 : vector<16xi32>
      %add3A_848 = arith.constant 819200 : i32
      %add3A_849 = vector.broadcast %add3A_848 : i32 to vector<16xi32>
      %add3A_850 = arith.addi %add3A_849, %and3A_847 : vector<16xi32>
      %select_n3A_851 = arith.select %and3A_844, %add3A_830, %add3A_850 : vector<16xi1>, vector<16xi32>
      %swap3A_852 = arith.index_cast %scan3A_741 : i32 to index
      %swap3A_853 = arith.constant 16 : index
      %swap3A_854 = tpu.vector_load %arg7[%swap3A_852, %swap3A_853] {strides = array<i32>} : memref<80x128xi32, #tpu.memory_space<vmem>>, vector<1x16xi32>,
      %swap3A_855 = vector.shape_cast %swap3A_854 : vector<1x16xi32> to vector<16xi32>
      %swap3A_856 = vector.shape_cast %select_n3A_851 : vector<16xi32> to vector<1x16xi32>
      tpu.vector_store %arg7[%swap3A_852, %swap3A_853], %swap3A_856 {strides = array<i32>} : memref<80x128xi32, #tpu.memory_space<vmem>>, vector<1x16xi32>,
      %mul3A_857 = arith.constant 128 : i32
      %mul3A_858 = arith.muli %scan3A_741, %mul3A_857 : i32
      %add3A_859 = arith.constant 32 : i32
      %add3A_860 = arith.addi %mul3A_858, %add3A_859 : i32
      %get3A_861 = arith.index_cast %add3A_860 : i32 to index
      %get3A_862 = tpu.vector_load %arg5[%get3A_861] {strides = array<i32>} : memref<10240xi32, #tpu.memory_space<vmem>>, vector<16xi32>,
      %get3A_863 = vector.shape_cast %get3A_862 : vector<16xi32> to vector<16xi32>
      %get3A_864 = arith.index_cast %add3A_860 : i32 to index
      %get3A_865 = tpu.vector_load %arg6[%get3A_864] {strides = array<i32>} : memref<10240xi32, #tpu.memory_space<vmem>>, vector<16xi32>,
      %get3A_866 = vector.shape_cast %get3A_865 : vector<16xi32> to vector<16xi32>
      %mul3A_867 = arith.constant 6711 : i32
      %mul3A_868 = vector.broadcast %mul3A_867 : i32 to vector<16xi32>
      %mul3A_869 = arith.muli %get3A_863, %mul3A_868 : vector<16xi32>
      %shift_right_logical3A_870 = arith.constant 22 : i32
      %shift_right_logical3A_871 = vector.broadcast %shift_right_logical3A_870 : i32 to vector<16xi32>
      %shift_right_logical3A_872 = arith.shrui %mul3A_869, %shift_right_logical3A_871 : vector<16xi32>
      %mul3A_873 = arith.constant 625 : i32
      %mul3A_874 = vector.broadcast %mul3A_873 : i32 to vector<16xi32>
      %mul3A_875 = arith.muli %shift_right_logical3A_872, %mul3A_874 : vector<16xi32>
      %sub3A_876 = arith.subi %get3A_863, %mul3A_875 : vector<16xi32>
      %mul3A_877 = arith.constant 640 : i32
      %mul3A_878 = vector.broadcast %mul3A_877 : i32 to vector<16xi32>
      %mul3A_879 = arith.muli %sub3A_876, %mul3A_878 : vector<16xi32>
      %mul3A_880 = arith.constant 625 : i32
      %mul3A_881 = vector.broadcast %mul3A_880 : i32 to vector<16xi32>
      %mul3A_882 = arith.muli %shift_right_logical3A_872, %mul3A_881 : vector<16xi32>
      %sub3A_883 = arith.subi %get3A_866, %mul3A_882 : vector<16xi32>
      %add3A_884 = arith.addi %mul3A_879, %sub3A_883 : vector<16xi32>
      %sub3A_885 = arith.subi %shift_right_logical3A_872, %mul3A_708 : vector<16xi32>
      %mul3A_886 = arith.constant 409600 : i32
      %mul3A_887 = vector.broadcast %mul3A_886 : i32 to vector<16xi32>
      %mul3A_888 = arith.muli %sub3A_885, %mul3A_887 : vector<16xi32>
      %add3A_889 = arith.addi %add3A_884, %mul3A_888 : vector<16xi32>
      %add3A_890 = arith.constant 32 : i32
      %add3A_891 = vector.broadcast %add3A_890 : i32 to vector<16xi32>
      %add3A_892 = arith.addi %scan3A_742, %add3A_891 : vector<16xi32>
      %add3A_893 = arith.addi %add3A_892, %iota3A : vector<16xi32>
      %ge3A_894 = arith.cmpi sge, %shift_right_logical3A_872, %mul3A_708 : vector<16xi32>
      %add3A_895 = arith.constant 2 : i32
      %add3A_896 = vector.broadcast %add3A_895 : i32 to vector<16xi32>
      %add3A_897 = arith.addi %mul3A_708, %add3A_896 : vector<16xi32>
      %lt3A_898 = arith.cmpi slt, %shift_right_logical3A_872, %add3A_897 : vector<16xi32>
      %and3A_899 = arith.andi %ge3A_894, %lt3A_898 : vector<16xi1>
      %lt3A_900 = arith.constant 10000 : i32
      %lt3A_901 = vector.broadcast %lt3A_900 : i32 to vector<16xi32>
      %lt3A_902 = arith.cmpi slt, %add3A_893, %lt3A_901 : vector<16xi32>
      %and3A_903 = arith.andi %and3A_899, %lt3A_902 : vector<16xi1>
      %and3A_904 = arith.constant 2047 : i32
      %and3A_905 = vector.broadcast %and3A_904 : i32 to vector<16xi32>
      %and3A_906 = arith.andi %add3A_893, %and3A_905 : vector<16xi32>
      %add3A_907 = arith.constant 819200 : i32
      %add3A_908 = vector.broadcast %add3A_907 : i32 to vector<16xi32>
      %add3A_909 = arith.addi %add3A_908, %and3A_906 : vector<16xi32>
      %select_n3A_910 = arith.select %and3A_903, %add3A_889, %add3A_909 : vector<16xi1>, vector<16xi32>
      %swap3A_911 = arith.index_cast %scan3A_741 : i32 to index
      %swap3A_912 = arith.constant 32 : index
      %swap3A_913 = tpu.vector_load %arg7[%swap3A_911, %swap3A_912] {strides = array<i32>} : memref<80x128xi32, #tpu.memory_space<vmem>>, vector<1x16xi32>,
      %swap3A_914 = vector.shape_cast %swap3A_913 : vector<1x16xi32> to vector<16xi32>
      %swap3A_915 = vector.shape_cast %select_n3A_910 : vector<16xi32> to vector<1x16xi32>
      tpu.vector_store %arg7[%swap3A_911, %swap3A_912], %swap3A_915 {strides = array<i32>} : memref<80x128xi32, #tpu.memory_space<vmem>>, vector<1x16xi32>,
      %mul3A_916 = arith.constant 128 : i32
      %mul3A_917 = arith.muli %scan3A_741, %mul3A_916 : i32
      %add3A_918 = arith.constant 48 : i32
      %add3A_919 = arith.addi %mul3A_917, %add3A_918 : i32
      %get3A_920 = arith.index_cast %add3A_919 : i32 to index
      %get3A_921 = tpu.vector_load %arg5[%get3A_920] {strides = array<i32>} : memref<10240xi32, #tpu.memory_space<vmem>>, vector<16xi32>,
      %get3A_922 = vector.shape_cast %get3A_921 : vector<16xi32> to vector<16xi32>
      %get3A_923 = arith.index_cast %add3A_919 : i32 to index
      %get3A_924 = tpu.vector_load %arg6[%get3A_923] {strides = array<i32>} : memref<10240xi32, #tpu.memory_space<vmem>>, vector<16xi32>,
      %get3A_925 = vector.shape_cast %get3A_924 : vector<16xi32> to vector<16xi32>
      %mul3A_926 = arith.constant 6711 : i32
      %mul3A_927 = vector.broadcast %mul3A_926 : i32 to vector<16xi32>
      %mul3A_928 = arith.muli %get3A_922, %mul3A_927 : vector<16xi32>
      %shift_right_logical3A_929 = arith.constant 22 : i32
      %shift_right_logical3A_930 = vector.broadcast %shift_right_logical3A_929 : i32 to vector<16xi32>
      %shift_right_logical3A_931 = arith.shrui %mul3A_928, %shift_right_logical3A_930 : vector<16xi32>
      %mul3A_932 = arith.constant 625 : i32
      %mul3A_933 = vector.broadcast %mul3A_932 : i32 to vector<16xi32>
      %mul3A_934 = arith.muli %shift_right_logical3A_931, %mul3A_933 : vector<16xi32>
      %sub3A_935 = arith.subi %get3A_922, %mul3A_934 : vector<16xi32>
      %mul3A_936 = arith.constant 640 : i32
      %mul3A_937 = vector.broadcast %mul3A_936 : i32 to vector<16xi32>
      %mul3A_938 = arith.muli %sub3A_935, %mul3A_937 : vector<16xi32>
      %mul3A_939 = arith.constant 625 : i32
      %mul3A_940 = vector.broadcast %mul3A_939 : i32 to vector<16xi32>
      %mul3A_941 = arith.muli %shift_right_logical3A_931, %mul3A_940 : vector<16xi32>
      %sub3A_942 = arith.subi %get3A_925, %mul3A_941 : vector<16xi32>
      %add3A_943 = arith.addi %mul3A_938, %sub3A_942 : vector<16xi32>
      %sub3A_944 = arith.subi %shift_right_logical3A_931, %mul3A_708 : vector<16xi32>
      %mul3A_945 = arith.constant 409600 : i32
      %mul3A_946 = vector.broadcast %mul3A_945 : i32 to vector<16xi32>
      %mul3A_947 = arith.muli %sub3A_944, %mul3A_946 : vector<16xi32>
      %add3A_948 = arith.addi %add3A_943, %mul3A_947 : vector<16xi32>
      %add3A_949 = arith.constant 48 : i32
      %add3A_950 = vector.broadcast %add3A_949 : i32 to vector<16xi32>
      %add3A_951 = arith.addi %scan3A_742, %add3A_950 : vector<16xi32>
      %add3A_952 = arith.addi %add3A_951, %iota3A : vector<16xi32>
      %ge3A_953 = arith.cmpi sge, %shift_right_logical3A_931, %mul3A_708 : vector<16xi32>
      %add3A_954 = arith.constant 2 : i32
      %add3A_955 = vector.broadcast %add3A_954 : i32 to vector<16xi32>
      %add3A_956 = arith.addi %mul3A_708, %add3A_955 : vector<16xi32>
      %lt3A_957 = arith.cmpi slt, %shift_right_logical3A_931, %add3A_956 : vector<16xi32>
      %and3A_958 = arith.andi %ge3A_953, %lt3A_957 : vector<16xi1>
      %lt3A_959 = arith.constant 10000 : i32
      %lt3A_960 = vector.broadcast %lt3A_959 : i32 to vector<16xi32>
      %lt3A_961 = arith.cmpi slt, %add3A_952, %lt3A_960 : vector<16xi32>
      %and3A_962 = arith.andi %and3A_958, %lt3A_961 : vector<16xi1>
      %and3A_963 = arith.constant 2047 : i32
      %and3A_964 = vector.broadcast %and3A_963 : i32 to vector<16xi32>
      %and3A_965 = arith.andi %add3A_952, %and3A_964 : vector<16xi32>
      %add3A_966 = arith.constant 819200 : i32
      %add3A_967 = vector.broadcast %add3A_966 : i32 to vector<16xi32>
      %add3A_968 = arith.addi %add3A_967, %and3A_965 : vector<16xi32>
      %select_n3A_969 = arith.select %and3A_962, %add3A_948, %add3A_968 : vector<16xi1>, vector<16xi32>
      %swap3A_970 = arith.index_cast %scan3A_741 : i32 to index
      %swap3A_971 = arith.constant 48 : index
      %swap3A_972 = tpu.vector_load %arg7[%swap3A_970, %swap3A_971] {strides = array<i32>} : memref<80x128xi32, #tpu.memory_space<vmem>>, vector<1x16xi32>,
      %swap3A_973 = vector.shape_cast %swap3A_972 : vector<1x16xi32> to vector<16xi32>
      %swap3A_974 = vector.shape_cast %select_n3A_969 : vector<16xi32> to vector<1x16xi32>
      tpu.vector_store %arg7[%swap3A_970, %swap3A_971], %swap3A_974 {strides = array<i32>} : memref<80x128xi32, #tpu.memory_space<vmem>>, vector<1x16xi32>,
      %mul3A_975 = arith.constant 128 : i32
      %mul3A_976 = arith.muli %scan3A_741, %mul3A_975 : i32
      %add3A_977 = arith.constant 64 : i32
      %add3A_978 = arith.addi %mul3A_976, %add3A_977 : i32
      %get3A_979 = arith.index_cast %add3A_978 : i32 to index
      %get3A_980 = tpu.vector_load %arg5[%get3A_979] {strides = array<i32>} : memref<10240xi32, #tpu.memory_space<vmem>>, vector<16xi32>,
      %get3A_981 = vector.shape_cast %get3A_980 : vector<16xi32> to vector<16xi32>
      %get3A_982 = arith.index_cast %add3A_978 : i32 to index
      %get3A_983 = tpu.vector_load %arg6[%get3A_982] {strides = array<i32>} : memref<10240xi32, #tpu.memory_space<vmem>>, vector<16xi32>,
      %get3A_984 = vector.shape_cast %get3A_983 : vector<16xi32> to vector<16xi32>
      %mul3A_985 = arith.constant 6711 : i32
      %mul3A_986 = vector.broadcast %mul3A_985 : i32 to vector<16xi32>
      %mul3A_987 = arith.muli %get3A_981, %mul3A_986 : vector<16xi32>
      %shift_right_logical3A_988 = arith.constant 22 : i32
      %shift_right_logical3A_989 = vector.broadcast %shift_right_logical3A_988 : i32 to vector<16xi32>
      %shift_right_logical3A_990 = arith.shrui %mul3A_987, %shift_right_logical3A_989 : vector<16xi32>
      %mul3A_991 = arith.constant 625 : i32
      %mul3A_992 = vector.broadcast %mul3A_991 : i32 to vector<16xi32>
      %mul3A_993 = arith.muli %shift_right_logical3A_990, %mul3A_992 : vector<16xi32>
      %sub3A_994 = arith.subi %get3A_981, %mul3A_993 : vector<16xi32>
      %mul3A_995 = arith.constant 640 : i32
      %mul3A_996 = vector.broadcast %mul3A_995 : i32 to vector<16xi32>
      %mul3A_997 = arith.muli %sub3A_994, %mul3A_996 : vector<16xi32>
      %mul3A_998 = arith.constant 625 : i32
      %mul3A_999 = vector.broadcast %mul3A_998 : i32 to vector<16xi32>
      %mul3A_1000 = arith.muli %shift_right_logical3A_990, %mul3A_999 : vector<16xi32>
      %sub3A_1001 = arith.subi %get3A_984, %mul3A_1000 : vector<16xi32>
      %add3A_1002 = arith.addi %mul3A_997, %sub3A_1001 : vector<16xi32>
      %sub3A_1003 = arith.subi %shift_right_logical3A_990, %mul3A_708 : vector<16xi32>
      %mul3A_1004 = arith.constant 409600 : i32
      %mul3A_1005 = vector.broadcast %mul3A_1004 : i32 to vector<16xi32>
      %mul3A_1006 = arith.muli %sub3A_1003, %mul3A_1005 : vector<16xi32>
      %add3A_1007 = arith.addi %add3A_1002, %mul3A_1006 : vector<16xi32>
      %add3A_1008 = arith.constant 64 : i32
      %add3A_1009 = vector.broadcast %add3A_1008 : i32 to vector<16xi32>
      %add3A_1010 = arith.addi %scan3A_742, %add3A_1009 : vector<16xi32>
      %add3A_1011 = arith.addi %add3A_1010, %iota3A : vector<16xi32>
      %ge3A_1012 = arith.cmpi sge, %shift_right_logical3A_990, %mul3A_708 : vector<16xi32>
      %add3A_1013 = arith.constant 2 : i32
      %add3A_1014 = vector.broadcast %add3A_1013 : i32 to vector<16xi32>
      %add3A_1015 = arith.addi %mul3A_708, %add3A_1014 : vector<16xi32>
      %lt3A_1016 = arith.cmpi slt, %shift_right_logical3A_990, %add3A_1015 : vector<16xi32>
      %and3A_1017 = arith.andi %ge3A_1012, %lt3A_1016 : vector<16xi1>
      %lt3A_1018 = arith.constant 10000 : i32
      %lt3A_1019 = vector.broadcast %lt3A_1018 : i32 to vector<16xi32>
      %lt3A_1020 = arith.cmpi slt, %add3A_1011, %lt3A_1019 : vector<16xi32>
      %and3A_1021 = arith.andi %and3A_1017, %lt3A_1020 : vector<16xi1>
      %and3A_1022 = arith.constant 2047 : i32
      %and3A_1023 = vector.broadcast %and3A_1022 : i32 to vector<16xi32>
      %and3A_1024 = arith.andi %add3A_1011, %and3A_1023 : vector<16xi32>
      %add3A_1025 = arith.constant 819200 : i32
      %add3A_1026 = vector.broadcast %add3A_1025 : i32 to vector<16xi32>
      %add3A_1027 = arith.addi %add3A_1026, %and3A_1024 : vector<16xi32>
      %select_n3A_1028 = arith.select %and3A_1021, %add3A_1007, %add3A_1027 : vector<16xi1>, vector<16xi32>
      %swap3A_1029 = arith.index_cast %scan3A_741 : i32 to index
      %swap3A_1030 = arith.constant 64 : index
      %swap3A_1031 = tpu.vector_load %arg7[%swap3A_1029, %swap3A_1030] {strides = array<i32>} : memref<80x128xi32, #tpu.memory_space<vmem>>, vector<1x16xi32>,
      %swap3A_1032 = vector.shape_cast %swap3A_1031 : vector<1x16xi32> to vector<16xi32>
      %swap3A_1033 = vector.shape_cast %select_n3A_1028 : vector<16xi32> to vector<1x16xi32>
      tpu.vector_store %arg7[%swap3A_1029, %swap3A_1030], %swap3A_1033 {strides = array<i32>} : memref<80x128xi32, #tpu.memory_space<vmem>>, vector<1x16xi32>,
      %mul3A_1034 = arith.constant 128 : i32
      %mul3A_1035 = arith.muli %scan3A_741, %mul3A_1034 : i32
      %add3A_1036 = arith.constant 80 : i32
      %add3A_1037 = arith.addi %mul3A_1035, %add3A_1036 : i32
      %get3A_1038 = arith.index_cast %add3A_1037 : i32 to index
      %get3A_1039 = tpu.vector_load %arg5[%get3A_1038] {strides = array<i32>} : memref<10240xi32, #tpu.memory_space<vmem>>, vector<16xi32>,
      %get3A_1040 = vector.shape_cast %get3A_1039 : vector<16xi32> to vector<16xi32>
      %get3A_1041 = arith.index_cast %add3A_1037 : i32 to index
      %get3A_1042 = tpu.vector_load %arg6[%get3A_1041] {strides = array<i32>} : memref<10240xi32, #tpu.memory_space<vmem>>, vector<16xi32>,
      %get3A_1043 = vector.shape_cast %get3A_1042 : vector<16xi32> to vector<16xi32>
      %mul3A_1044 = arith.constant 6711 : i32
      %mul3A_1045 = vector.broadcast %mul3A_1044 : i32 to vector<16xi32>
      %mul3A_1046 = arith.muli %get3A_1040, %mul3A_1045 : vector<16xi32>
      %shift_right_logical3A_1047 = arith.constant 22 : i32
      %shift_right_logical3A_1048 = vector.broadcast %shift_right_logical3A_1047 : i32 to vector<16xi32>
      %shift_right_logical3A_1049 = arith.shrui %mul3A_1046, %shift_right_logical3A_1048 : vector<16xi32>
      %mul3A_1050 = arith.constant 625 : i32
      %mul3A_1051 = vector.broadcast %mul3A_1050 : i32 to vector<16xi32>
      %mul3A_1052 = arith.muli %shift_right_logical3A_1049, %mul3A_1051 : vector<16xi32>
      %sub3A_1053 = arith.subi %get3A_1040, %mul3A_1052 : vector<16xi32>
      %mul3A_1054 = arith.constant 640 : i32
      %mul3A_1055 = vector.broadcast %mul3A_1054 : i32 to vector<16xi32>
      %mul3A_1056 = arith.muli %sub3A_1053, %mul3A_1055 : vector<16xi32>
      %mul3A_1057 = arith.constant 625 : i32
      %mul3A_1058 = vector.broadcast %mul3A_1057 : i32 to vector<16xi32>
      %mul3A_1059 = arith.muli %shift_right_logical3A_1049, %mul3A_1058 : vector<16xi32>
      %sub3A_1060 = arith.subi %get3A_1043, %mul3A_1059 : vector<16xi32>
      %add3A_1061 = arith.addi %mul3A_1056, %sub3A_1060 : vector<16xi32>
      %sub3A_1062 = arith.subi %shift_right_logical3A_1049, %mul3A_708 : vector<16xi32>
      %mul3A_1063 = arith.constant 409600 : i32
      %mul3A_1064 = vector.broadcast %mul3A_1063 : i32 to vector<16xi32>
      %mul3A_1065 = arith.muli %sub3A_1062, %mul3A_1064 : vector<16xi32>
      %add3A_1066 = arith.addi %add3A_1061, %mul3A_1065 : vector<16xi32>
      %add3A_1067 = arith.constant 80 : i32
      %add3A_1068 = vector.broadcast %add3A_1067 : i32 to vector<16xi32>
      %add3A_1069 = arith.addi %scan3A_742, %add3A_1068 : vector<16xi32>
      %add3A_1070 = arith.addi %add3A_1069, %iota3A : vector<16xi32>
      %ge3A_1071 = arith.cmpi sge, %shift_right_logical3A_1049, %mul3A_708 : vector<16xi32>
      %add3A_1072 = arith.constant 2 : i32
      %add3A_1073 = vector.broadcast %add3A_1072 : i32 to vector<16xi32>
      %add3A_1074 = arith.addi %mul3A_708, %add3A_1073 : vector<16xi32>
      %lt3A_1075 = arith.cmpi slt, %shift_right_logical3A_1049, %add3A_1074 : vector<16xi32>
      %and3A_1076 = arith.andi %ge3A_1071, %lt3A_1075 : vector<16xi1>
      %lt3A_1077 = arith.constant 10000 : i32
      %lt3A_1078 = vector.broadcast %lt3A_1077 : i32 to vector<16xi32>
      %lt3A_1079 = arith.cmpi slt, %add3A_1070, %lt3A_1078 : vector<16xi32>
      %and3A_1080 = arith.andi %and3A_1076, %lt3A_1079 : vector<16xi1>
      %and3A_1081 = arith.constant 2047 : i32
      %and3A_1082 = vector.broadcast %and3A_1081 : i32 to vector<16xi32>
      %and3A_1083 = arith.andi %add3A_1070, %and3A_1082 : vector<16xi32>
      %add3A_1084 = arith.constant 819200 : i32
      %add3A_1085 = vector.broadcast %add3A_1084 : i32 to vector<16xi32>
      %add3A_1086 = arith.addi %add3A_1085, %and3A_1083 : vector<16xi32>
      %select_n3A_1087 = arith.select %and3A_1080, %add3A_1066, %add3A_1086 : vector<16xi1>, vector<16xi32>
      %swap3A_1088 = arith.index_cast %scan3A_741 : i32 to index
      %swap3A_1089 = arith.constant 80 : index
      %swap3A_1090 = tpu.vector_load %arg7[%swap3A_1088, %swap3A_1089] {strides = array<i32>} : memref<80x128xi32, #tpu.memory_space<vmem>>, vector<1x16xi32>,
      %swap3A_1091 = vector.shape_cast %swap3A_1090 : vector<1x16xi32> to vector<16xi32>
      %swap3A_1092 = vector.shape_cast %select_n3A_1087 : vector<16xi32> to vector<1x16xi32>
      tpu.vector_store %arg7[%swap3A_1088, %swap3A_1089], %swap3A_1092 {strides = array<i32>} : memref<80x128xi32, #tpu.memory_space<vmem>>, vector<1x16xi32>,
      %mul3A_1093 = arith.constant 128 : i32
      %mul3A_1094 = arith.muli %scan3A_741, %mul3A_1093 : i32
      %add3A_1095 = arith.constant 96 : i32
      %add3A_1096 = arith.addi %mul3A_1094, %add3A_1095 : i32
      %get3A_1097 = arith.index_cast %add3A_1096 : i32 to index
      %get3A_1098 = tpu.vector_load %arg5[%get3A_1097] {strides = array<i32>} : memref<10240xi32, #tpu.memory_space<vmem>>, vector<16xi32>,
      %get3A_1099 = vector.shape_cast %get3A_1098 : vector<16xi32> to vector<16xi32>
      %get3A_1100 = arith.index_cast %add3A_1096 : i32 to index
      %get3A_1101 = tpu.vector_load %arg6[%get3A_1100] {strides = array<i32>} : memref<10240xi32, #tpu.memory_space<vmem>>, vector<16xi32>,
      %get3A_1102 = vector.shape_cast %get3A_1101 : vector<16xi32> to vector<16xi32>
      %mul3A_1103 = arith.constant 6711 : i32
      %mul3A_1104 = vector.broadcast %mul3A_1103 : i32 to vector<16xi32>
      %mul3A_1105 = arith.muli %get3A_1099, %mul3A_1104 : vector<16xi32>
      %shift_right_logical3A_1106 = arith.constant 22 : i32
      %shift_right_logical3A_1107 = vector.broadcast %shift_right_logical3A_1106 : i32 to vector<16xi32>
      %shift_right_logical3A_1108 = arith.shrui %mul3A_1105, %shift_right_logical3A_1107 : vector<16xi32>
      %mul3A_1109 = arith.constant 625 : i32
      %mul3A_1110 = vector.broadcast %mul3A_1109 : i32 to vector<16xi32>
      %mul3A_1111 = arith.muli %shift_right_logical3A_1108, %mul3A_1110 : vector<16xi32>
      %sub3A_1112 = arith.subi %get3A_1099, %mul3A_1111 : vector<16xi32>
      %mul3A_1113 = arith.constant 640 : i32
      %mul3A_1114 = vector.broadcast %mul3A_1113 : i32 to vector<16xi32>
      %mul3A_1115 = arith.muli %sub3A_1112, %mul3A_1114 : vector<16xi32>
      %mul3A_1116 = arith.constant 625 : i32
      %mul3A_1117 = vector.broadcast %mul3A_1116 : i32 to vector<16xi32>
      %mul3A_1118 = arith.muli %shift_right_logical3A_1108, %mul3A_1117 : vector<16xi32>
      %sub3A_1119 = arith.subi %get3A_1102, %mul3A_1118 : vector<16xi32>
      %add3A_1120 = arith.addi %mul3A_1115, %sub3A_1119 : vector<16xi32>
      %sub3A_1121 = arith.subi %shift_right_logical3A_1108, %mul3A_708 : vector<16xi32>
      %mul3A_1122 = arith.constant 409600 : i32
      %mul3A_1123 = vector.broadcast %mul3A_1122 : i32 to vector<16xi32>
      %mul3A_1124 = arith.muli %sub3A_1121, %mul3A_1123 : vector<16xi32>
      %add3A_1125 = arith.addi %add3A_1120, %mul3A_1124 : vector<16xi32>
      %add3A_1126 = arith.constant 96 : i32
      %add3A_1127 = vector.broadcast %add3A_1126 : i32 to vector<16xi32>
      %add3A_1128 = arith.addi %scan3A_742, %add3A_1127 : vector<16xi32>
      %add3A_1129 = arith.addi %add3A_1128, %iota3A : vector<16xi32>
      %ge3A_1130 = arith.cmpi sge, %shift_right_logical3A_1108, %mul3A_708 : vector<16xi32>
      %add3A_1131 = arith.constant 2 : i32
      %add3A_1132 = vector.broadcast %add3A_1131 : i32 to vector<16xi32>
      %add3A_1133 = arith.addi %mul3A_708, %add3A_1132 : vector<16xi32>
      %lt3A_1134 = arith.cmpi slt, %shift_right_logical3A_1108, %add3A_1133 : vector<16xi32>
      %and3A_1135 = arith.andi %ge3A_1130, %lt3A_1134 : vector<16xi1>
      %lt3A_1136 = arith.constant 10000 : i32
      %lt3A_1137 = vector.broadcast %lt3A_1136 : i32 to vector<16xi32>
      %lt3A_1138 = arith.cmpi slt, %add3A_1129, %lt3A_1137 : vector<16xi32>
      %and3A_1139 = arith.andi %and3A_1135, %lt3A_1138 : vector<16xi1>
      %and3A_1140 = arith.constant 2047 : i32
      %and3A_1141 = vector.broadcast %and3A_1140 : i32 to vector<16xi32>
      %and3A_1142 = arith.andi %add3A_1129, %and3A_1141 : vector<16xi32>
      %add3A_1143 = arith.constant 819200 : i32
      %add3A_1144 = vector.broadcast %add3A_1143 : i32 to vector<16xi32>
      %add3A_1145 = arith.addi %add3A_1144, %and3A_1142 : vector<16xi32>
      %select_n3A_1146 = arith.select %and3A_1139, %add3A_1125, %add3A_1145 : vector<16xi1>, vector<16xi32>
      %swap3A_1147 = arith.index_cast %scan3A_741 : i32 to index
      %swap3A_1148 = arith.constant 96 : index
      %swap3A_1149 = tpu.vector_load %arg7[%swap3A_1147, %swap3A_1148] {strides = array<i32>} : memref<80x128xi32, #tpu.memory_space<vmem>>, vector<1x16xi32>,
      %swap3A_1150 = vector.shape_cast %swap3A_1149 : vector<1x16xi32> to vector<16xi32>
      %swap3A_1151 = vector.shape_cast %select_n3A_1146 : vector<16xi32> to vector<1x16xi32>
      tpu.vector_store %arg7[%swap3A_1147, %swap3A_1148], %swap3A_1151 {strides = array<i32>} : memref<80x128xi32, #tpu.memory_space<vmem>>, vector<1x16xi32>,
      %mul3A_1152 = arith.constant 128 : i32
      %mul3A_1153 = arith.muli %scan3A_741, %mul3A_1152 : i32
      %add3A_1154 = arith.constant 112 : i32
      %add3A_1155 = arith.addi %mul3A_1153, %add3A_1154 : i32
      %get3A_1156 = arith.index_cast %add3A_1155 : i32 to index
      %get3A_1157 = tpu.vector_load %arg5[%get3A_1156] {strides = array<i32>} : memref<10240xi32, #tpu.memory_space<vmem>>, vector<16xi32>,
      %get3A_1158 = vector.shape_cast %get3A_1157 : vector<16xi32> to vector<16xi32>
      %get3A_1159 = arith.index_cast %add3A_1155 : i32 to index
      %get3A_1160 = tpu.vector_load %arg6[%get3A_1159] {strides = array<i32>} : memref<10240xi32, #tpu.memory_space<vmem>>, vector<16xi32>,
      %get3A_1161 = vector.shape_cast %get3A_1160 : vector<16xi32> to vector<16xi32>
      %mul3A_1162 = arith.constant 6711 : i32
      %mul3A_1163 = vector.broadcast %mul3A_1162 : i32 to vector<16xi32>
      %mul3A_1164 = arith.muli %get3A_1158, %mul3A_1163 : vector<16xi32>
      %shift_right_logical3A_1165 = arith.constant 22 : i32
      %shift_right_logical3A_1166 = vector.broadcast %shift_right_logical3A_1165 : i32 to vector<16xi32>
      %shift_right_logical3A_1167 = arith.shrui %mul3A_1164, %shift_right_logical3A_1166 : vector<16xi32>
      %mul3A_1168 = arith.constant 625 : i32
      %mul3A_1169 = vector.broadcast %mul3A_1168 : i32 to vector<16xi32>
      %mul3A_1170 = arith.muli %shift_right_logical3A_1167, %mul3A_1169 : vector<16xi32>
      %sub3A_1171 = arith.subi %get3A_1158, %mul3A_1170 : vector<16xi32>
      %mul3A_1172 = arith.constant 640 : i32
      %mul3A_1173 = vector.broadcast %mul3A_1172 : i32 to vector<16xi32>
      %mul3A_1174 = arith.muli %sub3A_1171, %mul3A_1173 : vector<16xi32>
      %mul3A_1175 = arith.constant 625 : i32
      %mul3A_1176 = vector.broadcast %mul3A_1175 : i32 to vector<16xi32>
      %mul3A_1177 = arith.muli %shift_right_logical3A_1167, %mul3A_1176 : vector<16xi32>
      %sub3A_1178 = arith.subi %get3A_1161, %mul3A_1177 : vector<16xi32>
      %add3A_1179 = arith.addi %mul3A_1174, %sub3A_1178 : vector<16xi32>
      %sub3A_1180 = arith.subi %shift_right_logical3A_1167, %mul3A_708 : vector<16xi32>
      %mul3A_1181 = arith.constant 409600 : i32
      %mul3A_1182 = vector.broadcast %mul3A_1181 : i32 to vector<16xi32>
      %mul3A_1183 = arith.muli %sub3A_1180, %mul3A_1182 : vector<16xi32>
      %add3A_1184 = arith.addi %add3A_1179, %mul3A_1183 : vector<16xi32>
      %add3A_1185 = arith.constant 112 : i32
      %add3A_1186 = vector.broadcast %add3A_1185 : i32 to vector<16xi32>
      %add3A_1187 = arith.addi %scan3A_742, %add3A_1186 : vector<16xi32>
      %add3A_1188 = arith.addi %add3A_1187, %iota3A : vector<16xi32>
      %ge3A_1189 = arith.cmpi sge, %shift_right_logical3A_1167, %mul3A_708 : vector<16xi32>
      %add3A_1190 = arith.constant 2 : i32
      %add3A_1191 = vector.broadcast %add3A_1190 : i32 to vector<16xi32>
      %add3A_1192 = arith.addi %mul3A_708, %add3A_1191 : vector<16xi32>
      %lt3A_1193 = arith.cmpi slt, %shift_right_logical3A_1167, %add3A_1192 : vector<16xi32>
      %and3A_1194 = arith.andi %ge3A_1189, %lt3A_1193 : vector<16xi1>
      %lt3A_1195 = arith.constant 10000 : i32
      %lt3A_1196 = vector.broadcast %lt3A_1195 : i32 to vector<16xi32>
      %lt3A_1197 = arith.cmpi slt, %add3A_1188, %lt3A_1196 : vector<16xi32>
      %and3A_1198 = arith.andi %and3A_1194, %lt3A_1197 : vector<16xi1>
      %and3A_1199 = arith.constant 2047 : i32
      %and3A_1200 = vector.broadcast %and3A_1199 : i32 to vector<16xi32>
      %and3A_1201 = arith.andi %add3A_1188, %and3A_1200 : vector<16xi32>
      %add3A_1202 = arith.constant 819200 : i32
      %add3A_1203 = vector.broadcast %add3A_1202 : i32 to vector<16xi32>
      %add3A_1204 = arith.addi %add3A_1203, %and3A_1201 : vector<16xi32>
      %select_n3A_1205 = arith.select %and3A_1198, %add3A_1184, %add3A_1204 : vector<16xi1>, vector<16xi32>
      %swap3A_1206 = arith.index_cast %scan3A_741 : i32 to index
      %swap3A_1207 = arith.constant 112 : index
      %swap3A_1208 = tpu.vector_load %arg7[%swap3A_1206, %swap3A_1207] {strides = array<i32>} : memref<80x128xi32, #tpu.memory_space<vmem>>, vector<1x16xi32>,
      %swap3A_1209 = vector.shape_cast %swap3A_1208 : vector<1x16xi32> to vector<16xi32>
      %swap3A_1210 = vector.shape_cast %select_n3A_1205 : vector<16xi32> to vector<1x16xi32>
      tpu.vector_store %arg7[%swap3A_1206, %swap3A_1207], %swap3A_1210 {strides = array<i32>} : memref<80x128xi32, #tpu.memory_space<vmem>>, vector<1x16xi32>,
      %add3A_1211 = arith.constant 128 : i32
      %add3A_1212 = vector.broadcast %add3A_1211 : i32 to vector<16xi32>
      %add3A_1213 = arith.addi %scan3A_742, %add3A_1212 : vector<16xi32>
      scf.yield %add3A_1213 : vector<16xi32>
    }
    %scan3A_722 = arith.constant 80 : i32
    %scan3A_723 = arith.constant 0 : i32
    %scan3A_724 = arith.constant 80 : i32
    %scan3A_725 = arith.addi %scan3A_723, %scan3A_724 : i32
    %scan3A_726 = arith.constant 1 : i32
    scf.for %scan3A_741 = %scan3A_723 to %scan3A_725 step %scan3A_726  : i32 {
      "tpu.region"() ({
        %run_scoped3A_742 = tpu.sem_alloc : memref<!tpu.dma_semaphore, #tpu.memory_space<semaphore_mem>>
        %dma_start3A = arith.constant 0 : i32
        %dma_start3A_743 = tpu.memref_slice %arg7[%scan3A_741, %dma_start3A] : memref<80x128xi32, #tpu.memory_space<vmem>> -> memref<1x128xi32, #tpu.memory_space<vmem>>
        %dma_start3A_744 = tpu.memref_squeeze %dma_start3A_743 : memref<1x128xi32, #tpu.memory_space<vmem>> -> memref<128xi32, #tpu.memory_space<vmem>>
        %dma_start3A_745 = arith.constant 0 : i32
        %dma_start3A_746 = tpu.memref_slice %arg11[%dma_start3A_745] : memref<821248xf32, #tpu.memory_space<vmem_shared>> -> memref<821248xf32, #tpu.memory_space<vmem_shared>>
        tpu.enqueue_indirect_dma source(%arg9 : memref<128xf32, #tpu.memory_space<vmem>>) target(%dma_start3A_746 : memref<821248xf32, #tpu.memory_space<vmem_shared>>) offsets(%dma_start3A_744 : memref<128xi32, #tpu.memory_space<vmem>>) semaphore(%run_scoped3A_742 : memref<!tpu.dma_semaphore, #tpu.memory_space<semaphore_mem>>) {add = true}
        %dma_wait3A = arith.constant 0 : i32
        %dma_wait3A_747 = tpu.memref_slice %arg7[%scan3A_741, %dma_wait3A] : memref<80x128xi32, #tpu.memory_space<vmem>> -> memref<1x128xi32, #tpu.memory_space<vmem>>
        %dma_wait3A_748 = tpu.memref_squeeze %dma_wait3A_747 : memref<1x128xi32, #tpu.memory_space<vmem>> -> memref<128xi32, #tpu.memory_space<vmem>>
        %dma_wait3A_749 = arith.constant 0 : i32
        %dma_wait3A_750 = tpu.memref_slice %arg11[%dma_wait3A_749] : memref<821248xf32, #tpu.memory_space<vmem_shared>> -> memref<821248xf32, #tpu.memory_space<vmem_shared>>
        tpu.wait_indirect_dma semaphore(%run_scoped3A_742 : memref<!tpu.dma_semaphore, #tpu.memory_space<semaphore_mem>>) src(%arg9 : memref<128xf32, #tpu.memory_space<vmem>>) dst(%dma_wait3A_750 : memref<821248xf32, #tpu.memory_space<vmem_shared>>)
        tpu.yield
      }) : () -> ()
    }
    %scan3A_727 = arith.constant 80 : i32
    %run_scoped3A_728 = arith.constant 0 : i32
    "tpu.region"() ({
      %run_scoped3A_741 = tpu.sem_alloc : memref<!tpu.dma_semaphore, #tpu.memory_space<semaphore_mem>>
      %dma_start3A = arith.constant 0 : i32
      %dma_start3A_742 = tpu.memref_slice %arg8[%run_scoped3A_728, %dma_start3A] : memref<2x128xi32, #tpu.memory_space<vmem>> -> memref<1x128xi32, #tpu.memory_space<vmem>>
      %dma_start3A_743 = tpu.memref_squeeze %dma_start3A_742 : memref<1x128xi32, #tpu.memory_space<vmem>> -> memref<128xi32, #tpu.memory_space<vmem>>
      %dma_start3A_744 = arith.constant 0 : i32
      %dma_start3A_745 = tpu.memref_slice %arg11[%dma_start3A_744] : memref<821248xf32, #tpu.memory_space<vmem_shared>> -> memref<821248xf32, #tpu.memory_space<vmem_shared>>
      tpu.enqueue_indirect_dma source(%arg9 : memref<128xf32, #tpu.memory_space<vmem>>) target(%dma_start3A_745 : memref<821248xf32, #tpu.memory_space<vmem_shared>>) offsets(%dma_start3A_743 : memref<128xi32, #tpu.memory_space<vmem>>) semaphore(%run_scoped3A_741 : memref<!tpu.dma_semaphore, #tpu.memory_space<semaphore_mem>>) {add = true}
      %dma_wait3A = arith.constant 0 : i32
      %dma_wait3A_746 = tpu.memref_slice %arg8[%run_scoped3A_728, %dma_wait3A] : memref<2x128xi32, #tpu.memory_space<vmem>> -> memref<1x128xi32, #tpu.memory_space<vmem>>
      %dma_wait3A_747 = tpu.memref_squeeze %dma_wait3A_746 : memref<1x128xi32, #tpu.memory_space<vmem>> -> memref<128xi32, #tpu.memory_space<vmem>>
      %dma_wait3A_748 = arith.constant 0 : i32
      %dma_wait3A_749 = tpu.memref_slice %arg11[%dma_wait3A_748] : memref<821248xf32, #tpu.memory_space<vmem_shared>> -> memref<821248xf32, #tpu.memory_space<vmem_shared>>
      tpu.wait_indirect_dma semaphore(%run_scoped3A_741 : memref<!tpu.dma_semaphore, #tpu.memory_space<semaphore_mem>>) src(%arg9 : memref<128xf32, #tpu.memory_space<vmem>>) dst(%dma_wait3A_749 : memref<821248xf32, #tpu.memory_space<vmem_shared>>)
      tpu.yield
    }) : () -> ()
    %run_scoped3A_729 = arith.constant 1 : i32
    "tpu.region"() ({
      %run_scoped3A_741 = tpu.sem_alloc : memref<!tpu.dma_semaphore, #tpu.memory_space<semaphore_mem>>
      %dma_start3A = arith.constant 0 : i32
      %dma_start3A_742 = tpu.memref_slice %arg8[%run_scoped3A_729, %dma_start3A] : memref<2x128xi32, #tpu.memory_space<vmem>> -> memref<1x128xi32, #tpu.memory_space<vmem>>
      %dma_start3A_743 = tpu.memref_squeeze %dma_start3A_742 : memref<1x128xi32, #tpu.memory_space<vmem>> -> memref<128xi32, #tpu.memory_space<vmem>>
      %dma_start3A_744 = arith.constant 0 : i32
      %dma_start3A_745 = tpu.memref_slice %arg11[%dma_start3A_744] : memref<821248xf32, #tpu.memory_space<vmem_shared>> -> memref<821248xf32, #tpu.memory_space<vmem_shared>>
      tpu.enqueue_indirect_dma source(%arg9 : memref<128xf32, #tpu.memory_space<vmem>>) target(%dma_start3A_745 : memref<821248xf32, #tpu.memory_space<vmem_shared>>) offsets(%dma_start3A_743 : memref<128xi32, #tpu.memory_space<vmem>>) semaphore(%run_scoped3A_741 : memref<!tpu.dma_semaphore, #tpu.memory_space<semaphore_mem>>) {add = true}
      %dma_wait3A = arith.constant 0 : i32
      %dma_wait3A_746 = tpu.memref_slice %arg8[%run_scoped3A_729, %dma_wait3A] : memref<2x128xi32, #tpu.memory_space<vmem>> -> memref<1x128xi32, #tpu.memory_space<vmem>>
      %dma_wait3A_747 = tpu.memref_squeeze %dma_wait3A_746 : memref<1x128xi32, #tpu.memory_space<vmem>> -> memref<128xi32, #tpu.memory_space<vmem>>
      %dma_wait3A_748 = arith.constant 0 : i32
      %dma_wait3A_749 = tpu.memref_slice %arg11[%dma_wait3A_748] : memref<821248xf32, #tpu.memory_space<vmem_shared>> -> memref<821248xf32, #tpu.memory_space<vmem_shared>>
      tpu.wait_indirect_dma semaphore(%run_scoped3A_741 : memref<!tpu.dma_semaphore, #tpu.memory_space<semaphore_mem>>) src(%arg9 : memref<128xf32, #tpu.memory_space<vmem>>) dst(%dma_wait3A_749 : memref<821248xf32, #tpu.memory_space<vmem_shared>>)
      tpu.yield
    }) : () -> ()
    %barrier3A_730 = arith.constant 0 : index
    tpu.barrier barrier_id(%barrier3A_730)
    %mul3A_731 = arith.constant 51200 : i32
    %mul3A_732 = arith.muli %arg1, %mul3A_731 : i32
    %add3A_733 = arith.constant 6 : i32
    %add3A_734 = arith.addi %add3A_733, %arg0 : i32
    %mul3A_735 = arith.constant 819200 : i32
    %mul3A_736 = arith.muli %add3A_734, %mul3A_735 : i32
    %mul3A_737 = arith.constant 51200 : i32
    %mul3A_738 = arith.muli %arg1, %mul3A_737 : i32
    %add3A_739 = arith.addi %mul3A_736, %mul3A_738 : i32
    "tpu.region"() ({
      %run_scoped3A_741 = tpu.sem_alloc : memref<!tpu.dma_semaphore, #tpu.memory_space<semaphore_mem>>
      %dma_start3A = tpu.memref_slice %arg4[%add3A_739] : memref<6553600xf32, #tpu.memory_space<hbm>> -> memref<51200xf32, #tpu.memory_space<hbm>>
      %dma_start3A_742 = tpu.memref_slice %arg11[%mul3A_732] : memref<821248xf32, #tpu.memory_space<vmem_shared>> -> memref<51200xf32, #tpu.memory_space<vmem_shared>>
      tpu.enqueue_dma source(%dma_start3A_742 : memref<51200xf32, #tpu.memory_space<vmem_shared>>) target(%dma_start3A : memref<51200xf32, #tpu.memory_space<hbm>>) target_semaphore(%run_scoped3A_741 : memref<!tpu.dma_semaphore, #tpu.memory_space<semaphore_mem>>)
      %dma_wait3A = tpu.memref_slice %arg4[%add3A_739] : memref<6553600xf32, #tpu.memory_space<hbm>> -> memref<51200xf32, #tpu.memory_space<hbm>>
      %dma_wait3A_743 = tpu.memref_slice %arg11[%mul3A_732] : memref<821248xf32, #tpu.memory_space<vmem_shared>> -> memref<51200xf32, #tpu.memory_space<vmem_shared>>
      tpu.wait_dma2 semaphore(%run_scoped3A_741 : memref<!tpu.dma_semaphore, #tpu.memory_space<semaphore_mem>>) src(%dma_wait3A_743 : memref<51200xf32, #tpu.memory_space<vmem_shared>>) dst(%dma_wait3A : memref<51200xf32, #tpu.memory_space<hbm>>)
      tpu.yield
    }) : () -> ()
    %barrier3A_740 = arith.constant 0 : index
    tpu.barrier barrier_id(%barrier3A_740)
    return
  }
}

module attributes {stable_mosaic.version = 14 : i64} {
  func.func @_k1_body(%arg0: i32, %arg1: memref<1x640x4xf32, #tpu.memory_space<vmem>>, %arg2: memref<1x640x640xf32, #tpu.memory_space<vmem>>, %arg3: memref<4x512xf32, #tpu.memory_space<vmem>>, %arg4: memref<1x512xf32, #tpu.memory_space<vmem>>, %arg5: memref<1x512xf32, #tpu.memory_space<vmem>>, %arg6: memref<1x512xf32, #tpu.memory_space<vmem>>, %arg7: memref<1x640x512xf32, #tpu.memory_space<vmem>>, %arg8: memref<1x8x512xf32, #tpu.memory_space<vmem>>) attributes {dimension_semantics = [#tpu.dimension_semantics<arbitrary>], iteration_bounds = array<i64: 16>, scalar_prefetch = 0 : i64, scratch_operands = 0 : i64, tpu.core_type = #tpu.core_type<tc>, window_params = [{transform_indices = @transform_0, window_bounds = array<i64: 1, 640, 4>}, {transform_indices = @transform_1, window_bounds = array<i64: 1, 640, 640>}, {pipeline_mode = #tpu.pipeline_mode<synchronous>, transform_indices = @transform_2, window_bounds = array<i64: 4, 512>}, {pipeline_mode = #tpu.pipeline_mode<synchronous>, transform_indices = @transform_3, window_bounds = array<i64: 1, 512>}, {pipeline_mode = #tpu.pipeline_mode<synchronous>, transform_indices = @transform_4, window_bounds = array<i64: 1, 512>}, {pipeline_mode = #tpu.pipeline_mode<synchronous>, transform_indices = @transform_5, window_bounds = array<i64: 1, 512>}, {transform_indices = @transform_6, window_bounds = array<i64: 1, 640, 512>}, {transform_indices = @transform_7, window_bounds = array<i64: 1, 8, 512>}]} {
    %get3A = arith.constant 0 : index
    %get3A_0 = arith.constant 0 : index
    %get3A_1 = arith.constant 0 : index
    %get3A_2 = vector.load %arg1[%get3A, %get3A_0, %get3A_1] : memref<1x640x4xf32, #tpu.memory_space<vmem>>, vector<1x640x4xf32>
    %get3A_3 = vector.shape_cast %get3A_2 : vector<1x640x4xf32> to vector<640x4xf32>
    %get3A_4 = arith.constant 0 : index
    %get3A_5 = arith.constant 0 : index
    %get3A_6 = arith.constant 0 : index
    %get3A_7 = vector.load %arg2[%get3A_4, %get3A_5, %get3A_6] : memref<1x640x640xf32, #tpu.memory_space<vmem>>, vector<1x640x640xf32>
    %get3A_8 = vector.shape_cast %get3A_7 : vector<1x640x640xf32> to vector<640x640xf32>
    %get3A_9 = arith.constant 0 : index
    %get3A_10 = arith.constant 0 : index
    %get3A_11 = vector.load %arg3[%get3A_9, %get3A_10] : memref<4x512xf32, #tpu.memory_space<vmem>>, vector<4x512xf32>
    %dot_general3A = arith.constant dense<0.000000e+00> : vector<640x512xf32>
    %dot_general3A_12 = tpu.matmul %get3A_3, %get3A_11, %dot_general3A {dimension_numbers = #tpu.dot_dimension_numbers<[1], [0], [0], [1], [0, 0, 1, 1], [], []>, transpose_lhs_hint = false} : vector<640x4xf32>, vector<4x512xf32>, vector<640x512xf32> -> vector<640x512xf32>
    %get3A_13 = arith.constant 0 : index
    %get3A_14 = arith.constant 0 : index
    %get3A_15 = vector.load %arg4[%get3A_13, %get3A_14] : memref<1x512xf32, #tpu.memory_space<vmem>>, vector<1x512xf32>
    %mul3A = vector.broadcast %get3A_15 : vector<1x512xf32> to vector<640x512xf32>
    %mul3A_16 = arith.mulf %dot_general3A_12, %mul3A : vector<640x512xf32>
    %get3A_17 = arith.constant 0 : index
    %get3A_18 = arith.constant 0 : index
    %get3A_19 = vector.load %arg5[%get3A_17, %get3A_18] : memref<1x512xf32, #tpu.memory_space<vmem>>, vector<1x512xf32>
    %mul3A_20 = vector.broadcast %get3A_19 : vector<1x512xf32> to vector<640x512xf32>
    %mul3A_21 = arith.mulf %dot_general3A_12, %mul3A_20 : vector<640x512xf32>
    %broadcast_in_dim3A = arith.constant 1.000000e+00 : f32
    %broadcast_in_dim3A_22 = vector.broadcast %broadcast_in_dim3A : f32 to vector<640x1xf32>
    %slice3A = vector.extract_strided_slice %mul3A_16 {offsets = [0, 0], sizes = [640, 128], strides = [1, 1]} : vector<640x512xf32> to vector<640x128xf32>
    %reduce_sum3A = arith.constant dense<0.000000e+00> : vector<640xf32>
    %reduce_sum3A_23 = vector.multi_reduction <add>, %slice3A, %reduce_sum3A [1] : vector<640x128xf32> to vector<640xf32>
    %broadcast_in_dim3A_24 = vector.shape_cast %reduce_sum3A_23 : vector<640xf32> to vector<640x1xf32>
    %slice3A_25 = vector.extract_strided_slice %mul3A_21 {offsets = [0, 0], sizes = [640, 128], strides = [1, 1]} : vector<640x512xf32> to vector<640x128xf32>
    %reduce_sum3A_26 = arith.constant dense<0.000000e+00> : vector<640xf32>
    %reduce_sum3A_27 = vector.multi_reduction <add>, %slice3A_25, %reduce_sum3A_26 [1] : vector<640x128xf32> to vector<640xf32>
    %broadcast_in_dim3A_28 = vector.shape_cast %reduce_sum3A_27 : vector<640xf32> to vector<640x1xf32>
    %slice3A_29 = vector.extract_strided_slice %dot_general3A_12 {offsets = [0, 0], sizes = [640, 128], strides = [1, 1]} : vector<640x512xf32> to vector<640x128xf32>
    %broadcast_in_dim3A_30 = arith.constant 1.000000e+00 : f32
    %broadcast_in_dim3A_31 = vector.broadcast %broadcast_in_dim3A_30 : f32 to vector<640x1xf32>
    %dot_general3A_32 = arith.constant dense<0.000000e+00> : vector<640x640xf32>
    %dot_general3A_33 = tpu.matmul %broadcast_in_dim3A_24, %broadcast_in_dim3A_31, %dot_general3A_32 {dimension_numbers = #tpu.dot_dimension_numbers<[1], [1], [0], [0], [0, 0, 1, 0], [], []>, transpose_lhs_hint = false} : vector<640x1xf32>, vector<640x1xf32>, vector<640x640xf32> -> vector<640x640xf32>
    %broadcast_in_dim3A_34 = arith.constant 1.000000e+00 : f32
    %broadcast_in_dim3A_35 = vector.broadcast %broadcast_in_dim3A_34 : f32 to vector<640x1xf32>
    %dot_general3A_36 = arith.constant dense<0.000000e+00> : vector<640x640xf32>
    %dot_general3A_37 = tpu.matmul %broadcast_in_dim3A_35, %broadcast_in_dim3A_28, %dot_general3A_36 {dimension_numbers = #tpu.dot_dimension_numbers<[1], [1], [0], [0], [0, 0, 1, 0], [], []>, transpose_lhs_hint = false} : vector<640x1xf32>, vector<640x1xf32>, vector<640x640xf32> -> vector<640x640xf32>
    %add3A = arith.addf %dot_general3A_33, %dot_general3A_37 : vector<640x640xf32>
    %mul3A_38 = arith.constant 2.000000e-01 : f32
    %mul3A_39 = vector.broadcast %mul3A_38 : f32 to vector<640x640xf32>
    %mul3A_40 = arith.mulf %mul3A_39, %add3A : vector<640x640xf32>
    %max3A = arith.maximumf %add3A, %mul3A_40 : vector<640x640xf32>
    %exp3A = math.exp %max3A : vector<640x640xf32>
    %mul3A_41 = arith.mulf %get3A_8, %exp3A : vector<640x640xf32>
    %dot_general3A_42 = arith.constant dense<0.000000e+00> : vector<640x128xf32>
    %dot_general3A_43 = tpu.matmul %mul3A_41, %slice3A_29, %dot_general3A_42 {dimension_numbers = #tpu.dot_dimension_numbers<[0], [0], [1], [1], [0, 1, 1, 1], [], []>, transpose_lhs_hint = false} : vector<640x640xf32>, vector<640x128xf32>, vector<640x128xf32> -> vector<640x128xf32>
    %dot_general3A_44 = arith.constant dense<0.000000e+00> : vector<640x1xf32>
    %dot_general3A_45 = tpu.matmul %mul3A_41, %broadcast_in_dim3A_22, %dot_general3A_44 {dimension_numbers = #tpu.dot_dimension_numbers<[0], [0], [1], [1], [0, 1, 1, 1], [], []>, transpose_lhs_hint = false} : vector<640x640xf32>, vector<640x1xf32>, vector<640x1xf32> -> vector<640x1xf32>
    %add3A_46 = arith.constant 1.000000e-16 : f32
    %add3A_47 = vector.broadcast %add3A_46 : f32 to vector<640x1xf32>
    %add3A_48 = arith.addf %dot_general3A_45, %add3A_47 : vector<640x1xf32>
    %div3A = arith.constant 1.000000e+00 : f32
    %div3A_49 = vector.broadcast %div3A : f32 to vector<640x1xf32>
    %div3A_50 = arith.divf %div3A_49, %add3A_48 : vector<640x1xf32>
    %mul3A_51 = vector.broadcast %div3A_50 : vector<640x1xf32> to vector<640x128xf32>
    %mul3A_52 = arith.mulf %dot_general3A_43, %mul3A_51 : vector<640x128xf32>
    %get3A_53 = arith.constant 0 : index
    %get3A_54 = arith.constant 0 : index
    %get3A_55 = vector.load %arg6[%get3A_53, %get3A_54] : memref<1x512xf32, #tpu.memory_space<vmem>>, vector<1x128xf32>
    %add3A_56 = vector.broadcast %get3A_55 : vector<1x128xf32> to vector<640x128xf32>
    %add3A_57 = arith.addf %mul3A_52, %add3A_56 : vector<640x128xf32>
    %swap3A = arith.constant 0 : index
    %swap3A_58 = arith.constant 0 : index
    %swap3A_59 = arith.constant 0 : index
    %swap3A_60 = vector.load %arg7[%swap3A, %swap3A_58, %swap3A_59] : memref<1x640x512xf32, #tpu.memory_space<vmem>>, vector<1x640x128xf32>
    %swap3A_61 = vector.shape_cast %swap3A_60 : vector<1x640x128xf32> to vector<640x128xf32>
    %swap3A_62 = vector.shape_cast %add3A_57 : vector<640x128xf32> to vector<1x640x128xf32>
    tpu.vector_store %arg7[%swap3A, %swap3A_58, %swap3A_59], %swap3A_62 {strides = array<i32>} : memref<1x640x512xf32, #tpu.memory_space<vmem>>, vector<1x640x128xf32>,
    %slice3A_63 = vector.extract_strided_slice %mul3A_16 {offsets = [0, 128], sizes = [640, 128], strides = [1, 1]} : vector<640x512xf32> to vector<640x128xf32>
    %reduce_sum3A_64 = arith.constant dense<0.000000e+00> : vector<640xf32>
    %reduce_sum3A_65 = vector.multi_reduction <add>, %slice3A_63, %reduce_sum3A_64 [1] : vector<640x128xf32> to vector<640xf32>
    %broadcast_in_dim3A_66 = vector.shape_cast %reduce_sum3A_65 : vector<640xf32> to vector<640x1xf32>
    %slice3A_67 = vector.extract_strided_slice %mul3A_21 {offsets = [0, 128], sizes = [640, 128], strides = [1, 1]} : vector<640x512xf32> to vector<640x128xf32>
    %reduce_sum3A_68 = arith.constant dense<0.000000e+00> : vector<640xf32>
    %reduce_sum3A_69 = vector.multi_reduction <add>, %slice3A_67, %reduce_sum3A_68 [1] : vector<640x128xf32> to vector<640xf32>
    %broadcast_in_dim3A_70 = vector.shape_cast %reduce_sum3A_69 : vector<640xf32> to vector<640x1xf32>
    %slice3A_71 = vector.extract_strided_slice %dot_general3A_12 {offsets = [0, 128], sizes = [640, 128], strides = [1, 1]} : vector<640x512xf32> to vector<640x128xf32>
    %broadcast_in_dim3A_72 = arith.constant 1.000000e+00 : f32
    %broadcast_in_dim3A_73 = vector.broadcast %broadcast_in_dim3A_72 : f32 to vector<640x1xf32>
    %dot_general3A_74 = arith.constant dense<0.000000e+00> : vector<640x640xf32>
    %dot_general3A_75 = tpu.matmul %broadcast_in_dim3A_66, %broadcast_in_dim3A_73, %dot_general3A_74 {dimension_numbers = #tpu.dot_dimension_numbers<[1], [1], [0], [0], [0, 0, 1, 0], [], []>, transpose_lhs_hint = false} : vector<640x1xf32>, vector<640x1xf32>, vector<640x640xf32> -> vector<640x640xf32>
    %broadcast_in_dim3A_76 = arith.constant 1.000000e+00 : f32
    %broadcast_in_dim3A_77 = vector.broadcast %broadcast_in_dim3A_76 : f32 to vector<640x1xf32>
    %dot_general3A_78 = arith.constant dense<0.000000e+00> : vector<640x640xf32>
    %dot_general3A_79 = tpu.matmul %broadcast_in_dim3A_77, %broadcast_in_dim3A_70, %dot_general3A_78 {dimension_numbers = #tpu.dot_dimension_numbers<[1], [1], [0], [0], [0, 0, 1, 0], [], []>, transpose_lhs_hint = false} : vector<640x1xf32>, vector<640x1xf32>, vector<640x640xf32> -> vector<640x640xf32>
    %add3A_80 = arith.addf %dot_general3A_75, %dot_general3A_79 : vector<640x640xf32>
    %mul3A_81 = arith.constant 2.000000e-01 : f32
    %mul3A_82 = vector.broadcast %mul3A_81 : f32 to vector<640x640xf32>
    %mul3A_83 = arith.mulf %mul3A_82, %add3A_80 : vector<640x640xf32>
    %max3A_84 = arith.maximumf %add3A_80, %mul3A_83 : vector<640x640xf32>
    %exp3A_85 = math.exp %max3A_84 : vector<640x640xf32>
    %mul3A_86 = arith.mulf %get3A_8, %exp3A_85 : vector<640x640xf32>
    %dot_general3A_87 = arith.constant dense<0.000000e+00> : vector<640x128xf32>
    %dot_general3A_88 = tpu.matmul %mul3A_86, %slice3A_71, %dot_general3A_87 {dimension_numbers = #tpu.dot_dimension_numbers<[0], [0], [1], [1], [0, 1, 1, 1], [], []>, transpose_lhs_hint = false} : vector<640x640xf32>, vector<640x128xf32>, vector<640x128xf32> -> vector<640x128xf32>
    %dot_general3A_89 = arith.constant dense<0.000000e+00> : vector<640x1xf32>
    %dot_general3A_90 = tpu.matmul %mul3A_86, %broadcast_in_dim3A_22, %dot_general3A_89 {dimension_numbers = #tpu.dot_dimension_numbers<[0], [0], [1], [1], [0, 1, 1, 1], [], []>, transpose_lhs_hint = false} : vector<640x640xf32>, vector<640x1xf32>, vector<640x1xf32> -> vector<640x1xf32>
    %add3A_91 = arith.constant 1.000000e-16 : f32
    %add3A_92 = vector.broadcast %add3A_91 : f32 to vector<640x1xf32>
    %add3A_93 = arith.addf %dot_general3A_90, %add3A_92 : vector<640x1xf32>
    %div3A_94 = arith.constant 1.000000e+00 : f32
    %div3A_95 = vector.broadcast %div3A_94 : f32 to vector<640x1xf32>
    %div3A_96 = arith.divf %div3A_95, %add3A_93 : vector<640x1xf32>
    %mul3A_97 = vector.broadcast %div3A_96 : vector<640x1xf32> to vector<640x128xf32>
    %mul3A_98 = arith.mulf %dot_general3A_88, %mul3A_97 : vector<640x128xf32>
    %get3A_99 = arith.constant 0 : index
    %get3A_100 = arith.constant 128 : index
    %get3A_101 = vector.load %arg6[%get3A_99, %get3A_100] : memref<1x512xf32, #tpu.memory_space<vmem>>, vector<1x128xf32>
    %add3A_102 = vector.broadcast %get3A_101 : vector<1x128xf32> to vector<640x128xf32>
    %add3A_103 = arith.addf %mul3A_98, %add3A_102 : vector<640x128xf32>
    %swap3A_104 = arith.constant 0 : index
    %swap3A_105 = arith.constant 0 : index
    %swap3A_106 = arith.constant 128 : index
    %swap3A_107 = vector.load %arg7[%swap3A_104, %swap3A_105, %swap3A_106] : memref<1x640x512xf32, #tpu.memory_space<vmem>>, vector<1x640x128xf32>
    %swap3A_108 = vector.shape_cast %swap3A_107 : vector<1x640x128xf32> to vector<640x128xf32>
    %swap3A_109 = vector.shape_cast %add3A_103 : vector<640x128xf32> to vector<1x640x128xf32>
    tpu.vector_store %arg7[%swap3A_104, %swap3A_105, %swap3A_106], %swap3A_109 {strides = array<i32>} : memref<1x640x512xf32, #tpu.memory_space<vmem>>, vector<1x640x128xf32>,
    %slice3A_110 = vector.extract_strided_slice %mul3A_16 {offsets = [0, 256], sizes = [640, 128], strides = [1, 1]} : vector<640x512xf32> to vector<640x128xf32>
    %reduce_sum3A_111 = arith.constant dense<0.000000e+00> : vector<640xf32>
    %reduce_sum3A_112 = vector.multi_reduction <add>, %slice3A_110, %reduce_sum3A_111 [1] : vector<640x128xf32> to vector<640xf32>
    %broadcast_in_dim3A_113 = vector.shape_cast %reduce_sum3A_112 : vector<640xf32> to vector<640x1xf32>
    %slice3A_114 = vector.extract_strided_slice %mul3A_21 {offsets = [0, 256], sizes = [640, 128], strides = [1, 1]} : vector<640x512xf32> to vector<640x128xf32>
    %reduce_sum3A_115 = arith.constant dense<0.000000e+00> : vector<640xf32>
    %reduce_sum3A_116 = vector.multi_reduction <add>, %slice3A_114, %reduce_sum3A_115 [1] : vector<640x128xf32> to vector<640xf32>
    %broadcast_in_dim3A_117 = vector.shape_cast %reduce_sum3A_116 : vector<640xf32> to vector<640x1xf32>
    %slice3A_118 = vector.extract_strided_slice %dot_general3A_12 {offsets = [0, 256], sizes = [640, 128], strides = [1, 1]} : vector<640x512xf32> to vector<640x128xf32>
    %broadcast_in_dim3A_119 = arith.constant 1.000000e+00 : f32
    %broadcast_in_dim3A_120 = vector.broadcast %broadcast_in_dim3A_119 : f32 to vector<640x1xf32>
    %dot_general3A_121 = arith.constant dense<0.000000e+00> : vector<640x640xf32>
    %dot_general3A_122 = tpu.matmul %broadcast_in_dim3A_113, %broadcast_in_dim3A_120, %dot_general3A_121 {dimension_numbers = #tpu.dot_dimension_numbers<[1], [1], [0], [0], [0, 0, 1, 0], [], []>, transpose_lhs_hint = false} : vector<640x1xf32>, vector<640x1xf32>, vector<640x640xf32> -> vector<640x640xf32>
    %broadcast_in_dim3A_123 = arith.constant 1.000000e+00 : f32
    %broadcast_in_dim3A_124 = vector.broadcast %broadcast_in_dim3A_123 : f32 to vector<640x1xf32>
    %dot_general3A_125 = arith.constant dense<0.000000e+00> : vector<640x640xf32>
    %dot_general3A_126 = tpu.matmul %broadcast_in_dim3A_124, %broadcast_in_dim3A_117, %dot_general3A_125 {dimension_numbers = #tpu.dot_dimension_numbers<[1], [1], [0], [0], [0, 0, 1, 0], [], []>, transpose_lhs_hint = false} : vector<640x1xf32>, vector<640x1xf32>, vector<640x640xf32> -> vector<640x640xf32>
    %add3A_127 = arith.addf %dot_general3A_122, %dot_general3A_126 : vector<640x640xf32>
    %mul3A_128 = arith.constant 2.000000e-01 : f32
    %mul3A_129 = vector.broadcast %mul3A_128 : f32 to vector<640x640xf32>
    %mul3A_130 = arith.mulf %mul3A_129, %add3A_127 : vector<640x640xf32>
    %max3A_131 = arith.maximumf %add3A_127, %mul3A_130 : vector<640x640xf32>
    %exp3A_132 = math.exp %max3A_131 : vector<640x640xf32>
    %mul3A_133 = arith.mulf %get3A_8, %exp3A_132 : vector<640x640xf32>
    %dot_general3A_134 = arith.constant dense<0.000000e+00> : vector<640x128xf32>
    %dot_general3A_135 = tpu.matmul %mul3A_133, %slice3A_118, %dot_general3A_134 {dimension_numbers = #tpu.dot_dimension_numbers<[0], [0], [1], [1], [0, 1, 1, 1], [], []>, transpose_lhs_hint = false} : vector<640x640xf32>, vector<640x128xf32>, vector<640x128xf32> -> vector<640x128xf32>
    %dot_general3A_136 = arith.constant dense<0.000000e+00> : vector<640x1xf32>
    %dot_general3A_137 = tpu.matmul %mul3A_133, %broadcast_in_dim3A_22, %dot_general3A_136 {dimension_numbers = #tpu.dot_dimension_numbers<[0], [0], [1], [1], [0, 1, 1, 1], [], []>, transpose_lhs_hint = false} : vector<640x640xf32>, vector<640x1xf32>, vector<640x1xf32> -> vector<640x1xf32>
    %add3A_138 = arith.constant 1.000000e-16 : f32
    %add3A_139 = vector.broadcast %add3A_138 : f32 to vector<640x1xf32>
    %add3A_140 = arith.addf %dot_general3A_137, %add3A_139 : vector<640x1xf32>
    %div3A_141 = arith.constant 1.000000e+00 : f32
    %div3A_142 = vector.broadcast %div3A_141 : f32 to vector<640x1xf32>
    %div3A_143 = arith.divf %div3A_142, %add3A_140 : vector<640x1xf32>
    %mul3A_144 = vector.broadcast %div3A_143 : vector<640x1xf32> to vector<640x128xf32>
    %mul3A_145 = arith.mulf %dot_general3A_135, %mul3A_144 : vector<640x128xf32>
    %get3A_146 = arith.constant 0 : index
    %get3A_147 = arith.constant 256 : index
    %get3A_148 = vector.load %arg6[%get3A_146, %get3A_147] : memref<1x512xf32, #tpu.memory_space<vmem>>, vector<1x128xf32>
    %add3A_149 = vector.broadcast %get3A_148 : vector<1x128xf32> to vector<640x128xf32>
    %add3A_150 = arith.addf %mul3A_145, %add3A_149 : vector<640x128xf32>
    %swap3A_151 = arith.constant 0 : index
    %swap3A_152 = arith.constant 0 : index
    %swap3A_153 = arith.constant 256 : index
    %swap3A_154 = vector.load %arg7[%swap3A_151, %swap3A_152, %swap3A_153] : memref<1x640x512xf32, #tpu.memory_space<vmem>>, vector<1x640x128xf32>
    %swap3A_155 = vector.shape_cast %swap3A_154 : vector<1x640x128xf32> to vector<640x128xf32>
    %swap3A_156 = vector.shape_cast %add3A_150 : vector<640x128xf32> to vector<1x640x128xf32>
    tpu.vector_store %arg7[%swap3A_151, %swap3A_152, %swap3A_153], %swap3A_156 {strides = array<i32>} : memref<1x640x512xf32, #tpu.memory_space<vmem>>, vector<1x640x128xf32>,
    %slice3A_157 = vector.extract_strided_slice %mul3A_16 {offsets = [0, 384], sizes = [640, 128], strides = [1, 1]} : vector<640x512xf32> to vector<640x128xf32>
    %reduce_sum3A_158 = arith.constant dense<0.000000e+00> : vector<640xf32>
    %reduce_sum3A_159 = vector.multi_reduction <add>, %slice3A_157, %reduce_sum3A_158 [1] : vector<640x128xf32> to vector<640xf32>
    %broadcast_in_dim3A_160 = vector.shape_cast %reduce_sum3A_159 : vector<640xf32> to vector<640x1xf32>
    %slice3A_161 = vector.extract_strided_slice %mul3A_21 {offsets = [0, 384], sizes = [640, 128], strides = [1, 1]} : vector<640x512xf32> to vector<640x128xf32>
    %reduce_sum3A_162 = arith.constant dense<0.000000e+00> : vector<640xf32>
    %reduce_sum3A_163 = vector.multi_reduction <add>, %slice3A_161, %reduce_sum3A_162 [1] : vector<640x128xf32> to vector<640xf32>
    %broadcast_in_dim3A_164 = vector.shape_cast %reduce_sum3A_163 : vector<640xf32> to vector<640x1xf32>
    %slice3A_165 = vector.extract_strided_slice %dot_general3A_12 {offsets = [0, 384], sizes = [640, 128], strides = [1, 1]} : vector<640x512xf32> to vector<640x128xf32>
    %broadcast_in_dim3A_166 = arith.constant 1.000000e+00 : f32
    %broadcast_in_dim3A_167 = vector.broadcast %broadcast_in_dim3A_166 : f32 to vector<640x1xf32>
    %dot_general3A_168 = arith.constant dense<0.000000e+00> : vector<640x640xf32>
    %dot_general3A_169 = tpu.matmul %broadcast_in_dim3A_160, %broadcast_in_dim3A_167, %dot_general3A_168 {dimension_numbers = #tpu.dot_dimension_numbers<[1], [1], [0], [0], [0, 0, 1, 0], [], []>, transpose_lhs_hint = false} : vector<640x1xf32>, vector<640x1xf32>, vector<640x640xf32> -> vector<640x640xf32>
    %broadcast_in_dim3A_170 = arith.constant 1.000000e+00 : f32
    %broadcast_in_dim3A_171 = vector.broadcast %broadcast_in_dim3A_170 : f32 to vector<640x1xf32>
    %dot_general3A_172 = arith.constant dense<0.000000e+00> : vector<640x640xf32>
    %dot_general3A_173 = tpu.matmul %broadcast_in_dim3A_171, %broadcast_in_dim3A_164, %dot_general3A_172 {dimension_numbers = #tpu.dot_dimension_numbers<[1], [1], [0], [0], [0, 0, 1, 0], [], []>, transpose_lhs_hint = false} : vector<640x1xf32>, vector<640x1xf32>, vector<640x640xf32> -> vector<640x640xf32>
    %add3A_174 = arith.addf %dot_general3A_169, %dot_general3A_173 : vector<640x640xf32>
    %mul3A_175 = arith.constant 2.000000e-01 : f32
    %mul3A_176 = vector.broadcast %mul3A_175 : f32 to vector<640x640xf32>
    %mul3A_177 = arith.mulf %mul3A_176, %add3A_174 : vector<640x640xf32>
    %max3A_178 = arith.maximumf %add3A_174, %mul3A_177 : vector<640x640xf32>
    %exp3A_179 = math.exp %max3A_178 : vector<640x640xf32>
    %mul3A_180 = arith.mulf %get3A_8, %exp3A_179 : vector<640x640xf32>
    %dot_general3A_181 = arith.constant dense<0.000000e+00> : vector<640x128xf32>
    %dot_general3A_182 = tpu.matmul %mul3A_180, %slice3A_165, %dot_general3A_181 {dimension_numbers = #tpu.dot_dimension_numbers<[0], [0], [1], [1], [0, 1, 1, 1], [], []>, transpose_lhs_hint = false} : vector<640x640xf32>, vector<640x128xf32>, vector<640x128xf32> -> vector<640x128xf32>
    %dot_general3A_183 = arith.constant dense<0.000000e+00> : vector<640x1xf32>
    %dot_general3A_184 = tpu.matmul %mul3A_180, %broadcast_in_dim3A_22, %dot_general3A_183 {dimension_numbers = #tpu.dot_dimension_numbers<[0], [0], [1], [1], [0, 1, 1, 1], [], []>, transpose_lhs_hint = false} : vector<640x640xf32>, vector<640x1xf32>, vector<640x1xf32> -> vector<640x1xf32>
    %add3A_185 = arith.constant 1.000000e-16 : f32
    %add3A_186 = vector.broadcast %add3A_185 : f32 to vector<640x1xf32>
    %add3A_187 = arith.addf %dot_general3A_184, %add3A_186 : vector<640x1xf32>
    %div3A_188 = arith.constant 1.000000e+00 : f32
    %div3A_189 = vector.broadcast %div3A_188 : f32 to vector<640x1xf32>
    %div3A_190 = arith.divf %div3A_189, %add3A_187 : vector<640x1xf32>
    %mul3A_191 = vector.broadcast %div3A_190 : vector<640x1xf32> to vector<640x128xf32>
    %mul3A_192 = arith.mulf %dot_general3A_182, %mul3A_191 : vector<640x128xf32>
    %get3A_193 = arith.constant 0 : index
    %get3A_194 = arith.constant 384 : index
    %get3A_195 = vector.load %arg6[%get3A_193, %get3A_194] : memref<1x512xf32, #tpu.memory_space<vmem>>, vector<1x128xf32>
    %add3A_196 = vector.broadcast %get3A_195 : vector<1x128xf32> to vector<640x128xf32>
    %add3A_197 = arith.addf %mul3A_192, %add3A_196 : vector<640x128xf32>
    %swap3A_198 = arith.constant 0 : index
    %swap3A_199 = arith.constant 0 : index
    %swap3A_200 = arith.constant 384 : index
    %swap3A_201 = vector.load %arg7[%swap3A_198, %swap3A_199, %swap3A_200] : memref<1x640x512xf32, #tpu.memory_space<vmem>>, vector<1x640x128xf32>
    %swap3A_202 = vector.shape_cast %swap3A_201 : vector<1x640x128xf32> to vector<640x128xf32>
    %swap3A_203 = vector.shape_cast %add3A_197 : vector<640x128xf32> to vector<1x640x128xf32>
    tpu.vector_store %arg7[%swap3A_198, %swap3A_199, %swap3A_200], %swap3A_203 {strides = array<i32>} : memref<1x640x512xf32, #tpu.memory_space<vmem>>, vector<1x640x128xf32>,
    %get3A_204 = arith.constant 0 : index
    %get3A_205 = arith.constant 0 : index
    %get3A_206 = arith.constant 0 : index
    %get3A_207 = vector.load %arg7[%get3A_204, %get3A_205, %get3A_206] : memref<1x640x512xf32, #tpu.memory_space<vmem>>, vector<1x640x512xf32>
    %get3A_208 = vector.shape_cast %get3A_207 : vector<1x640x512xf32> to vector<640x512xf32>
    %iota3A = tpu.iota {dimensions = array<i32: 0>} : vector<640x512xi32>
    %lt3A = arith.constant 625 : i32
    %lt3A_209 = vector.broadcast %lt3A : i32 to vector<640x512xi32>
    %lt3A_210 = arith.cmpi slt, %iota3A, %lt3A_209 : vector<640x512xi32>
    %jit3A = arith.constant 0.000000e+00 : f32
    %broadcast_in_dim3A_211 = vector.broadcast %jit3A : f32 to vector<640x512xf32>
    %select_n3A = arith.select %lt3A_210, %get3A_208, %broadcast_in_dim3A_211 : vector<640x512xi1>, vector<640x512xf32>
    %reduce_sum3A_212 = arith.constant dense<0.000000e+00> : vector<512xf32>
    %reduce_sum3A_213 = vector.multi_reduction <add>, %select_n3A, %reduce_sum3A_212 [0] : vector<640x512xf32> to vector<512xf32>
    %broadcast_in_dim3A_214 = vector.shape_cast %reduce_sum3A_213 : vector<512xf32> to vector<1x512xf32>
    %mul3A_215 = arith.mulf %select_n3A, %select_n3A : vector<640x512xf32>
    %reduce_sum3A_216 = arith.constant dense<0.000000e+00> : vector<512xf32>
    %reduce_sum3A_217 = vector.multi_reduction <add>, %mul3A_215, %reduce_sum3A_216 [0] : vector<640x512xf32> to vector<512xf32>
    %broadcast_in_dim3A_218 = vector.shape_cast %reduce_sum3A_217 : vector<512xf32> to vector<1x512xf32>
    %broadcast_in_dim3A_219 = arith.constant 0.000000e+00 : f32
    %broadcast_in_dim3A_220 = vector.broadcast %broadcast_in_dim3A_219 : f32 to vector<6x512xf32>
    %concatenate3A = tpu.concatenate %broadcast_in_dim3A_214, %broadcast_in_dim3A_218, %broadcast_in_dim3A_220 in 0 : vector<1x512xf32>, vector<1x512xf32>, vector<6x512xf32> -> vector<8x512xf32>
    %swap3A_221 = arith.constant 0 : index
    %swap3A_222 = arith.constant 0 : index
    %swap3A_223 = arith.constant 0 : index
    %swap3A_224 = vector.load %arg8[%swap3A_221, %swap3A_222, %swap3A_223] : memref<1x8x512xf32, #tpu.memory_space<vmem>>, vector<1x8x512xf32>
    %swap3A_225 = vector.shape_cast %swap3A_224 : vector<1x8x512xf32> to vector<8x512xf32>
    %swap3A_226 = vector.shape_cast %concatenate3A : vector<8x512xf32> to vector<1x8x512xf32>
    tpu.vector_store %arg8[%swap3A_221, %swap3A_222, %swap3A_223], %swap3A_226 {strides = array<i32>} : memref<1x8x512xf32, #tpu.memory_space<vmem>>, vector<1x8x512xf32>,
    return
  }
  func.func @transform_0(%arg0: i32) -> (i32, i32, i32) {
    %c0_i32 = arith.constant 0 : i32
    %c0_i32_0 = arith.constant 0 : i32
    %c0_i32_1 = arith.constant 0 : i32
    return %arg0, %c0_i32, %c0_i32_0 : i32, i32, i32
  }
  func.func @transform_1(%arg0: i32) -> (i32, i32, i32) {
    %c0_i32 = arith.constant 0 : i32
    %c0_i32_0 = arith.constant 0 : i32
    %c0_i32_1 = arith.constant 0 : i32
    return %arg0, %c0_i32, %c0_i32_0 : i32, i32, i32
  }
  func.func @transform_2(%arg0: i32) -> (i32, i32) {
    %c0_i32 = arith.constant 0 : i32
    %c0_i32_0 = arith.constant 0 : i32
    %c0_i32_1 = arith.constant 0 : i32
    return %c0_i32, %c0_i32_0 : i32, i32
  }
  func.func @transform_3(%arg0: i32) -> (i32, i32) {
    %c0_i32 = arith.constant 0 : i32
    %c0_i32_0 = arith.constant 0 : i32
    %c0_i32_1 = arith.constant 0 : i32
    return %c0_i32, %c0_i32_0 : i32, i32
  }
  func.func @transform_4(%arg0: i32) -> (i32, i32) {
    %c0_i32 = arith.constant 0 : i32
    %c0_i32_0 = arith.constant 0 : i32
    %c0_i32_1 = arith.constant 0 : i32
    return %c0_i32, %c0_i32_0 : i32, i32
  }
  func.func @transform_5(%arg0: i32) -> (i32, i32) {
    %c0_i32 = arith.constant 0 : i32
    %c0_i32_0 = arith.constant 0 : i32
    %c0_i32_1 = arith.constant 0 : i32
    return %c0_i32, %c0_i32_0 : i32, i32
  }
  func.func @transform_6(%arg0: i32) -> (i32, i32, i32) {
    %c0_i32 = arith.constant 0 : i32
    %c0_i32_0 = arith.constant 0 : i32
    %c0_i32_1 = arith.constant 0 : i32
    return %arg0, %c0_i32, %c0_i32_0 : i32, i32, i32
  }
  func.func @transform_7(%arg0: i32) -> (i32, i32, i32) {
    %c0_i32 = arith.constant 0 : i32
    %c0_i32_0 = arith.constant 0 : i32
    %c0_i32_1 = arith.constant 0 : i32
    return %arg0, %c0_i32, %c0_i32_0 : i32, i32, i32
  }
}

module attributes {stable_mosaic.version = 14 : i64} {
  func.func @_bn_gat_body(%arg0: i32, %arg1: memref<1x640x512xf32, #tpu.memory_space<vmem>>, %arg2: memref<16x8x512xf32, #tpu.memory_space<vmem>>, %arg3: memref<1x512xf32, #tpu.memory_space<vmem>>, %arg4: memref<1x512xf32, #tpu.memory_space<vmem>>, %arg5: memref<512x256xf32, #tpu.memory_space<vmem>>, %arg6: memref<1x640x640xf32, #tpu.memory_space<vmem>>, %arg7: memref<1x256xf32, #tpu.memory_space<vmem>>, %arg8: memref<1x256xf32, #tpu.memory_space<vmem>>, %arg9: memref<1x256xf32, #tpu.memory_space<vmem>>, %arg10: memref<1x640x256xf32, #tpu.memory_space<vmem>>, %arg11: memref<1x8x256xf32, #tpu.memory_space<vmem>>) attributes {dimension_semantics = [#tpu.dimension_semantics<arbitrary>], iteration_bounds = array<i64: 16>, scalar_prefetch = 0 : i64, scratch_operands = 0 : i64, tpu.core_type = #tpu.core_type<tc>, window_params = [{transform_indices = @transform_0, window_bounds = array<i64: 1, 640, 512>}, {pipeline_mode = #tpu.pipeline_mode<synchronous>, transform_indices = @transform_1, window_bounds = array<i64: 16, 8, 512>}, {pipeline_mode = #tpu.pipeline_mode<synchronous>, transform_indices = @transform_2, window_bounds = array<i64: 1, 512>}, {pipeline_mode = #tpu.pipeline_mode<synchronous>, transform_indices = @transform_3, window_bounds = array<i64: 1, 512>}, {pipeline_mode = #tpu.pipeline_mode<synchronous>, transform_indices = @transform_4, window_bounds = array<i64: 512, 256>}, {transform_indices = @transform_5, window_bounds = array<i64: 1, 640, 640>}, {pipeline_mode = #tpu.pipeline_mode<synchronous>, transform_indices = @transform_6, window_bounds = array<i64: 1, 256>}, {pipeline_mode = #tpu.pipeline_mode<synchronous>, transform_indices = @transform_7, window_bounds = array<i64: 1, 256>}, {pipeline_mode = #tpu.pipeline_mode<synchronous>, transform_indices = @transform_8, window_bounds = array<i64: 1, 256>}, {transform_indices = @transform_9, window_bounds = array<i64: 1, 640, 256>}, {transform_indices = @transform_10, window_bounds = array<i64: 1, 8, 256>}]} {
    %get3A = arith.constant 0 : index
    %get3A_0 = arith.constant 0 : index
    %get3A_1 = arith.constant 0 : index
    %get3A_2 = vector.load %arg2[%get3A, %get3A_0, %get3A_1] : memref<16x8x512xf32, #tpu.memory_space<vmem>>, vector<16x8x512xf32>
    %slice3A = vector.extract_strided_slice %get3A_2 {offsets = [0, 0, 0], sizes = [16, 1, 512], strides = [1, 1, 1]} : vector<16x8x512xf32> to vector<16x1x512xf32>
    %squeeze3A = vector.shape_cast %slice3A : vector<16x1x512xf32> to vector<16x512xf32>
    %reduce_sum3A = arith.constant dense<0.000000e+00> : vector<512xf32>
    %reduce_sum3A_3 = vector.multi_reduction <add>, %squeeze3A, %reduce_sum3A [0] : vector<16x512xf32> to vector<512xf32>
    %broadcast_in_dim3A = vector.shape_cast %reduce_sum3A_3 : vector<512xf32> to vector<1x512xf32>
    %slice3A_4 = vector.extract_strided_slice %get3A_2 {offsets = [0, 1, 0], sizes = [16, 1, 512], strides = [1, 1, 1]} : vector<16x8x512xf32> to vector<16x1x512xf32>
    %squeeze3A_5 = vector.shape_cast %slice3A_4 : vector<16x1x512xf32> to vector<16x512xf32>
    %reduce_sum3A_6 = arith.constant dense<0.000000e+00> : vector<512xf32>
    %reduce_sum3A_7 = vector.multi_reduction <add>, %squeeze3A_5, %reduce_sum3A_6 [0] : vector<16x512xf32> to vector<512xf32>
    %broadcast_in_dim3A_8 = vector.shape_cast %reduce_sum3A_7 : vector<512xf32> to vector<1x512xf32>
    %div3A = arith.constant 1.000000e+04 : f32
    %div3A_9 = vector.broadcast %div3A : f32 to vector<1x512xf32>
    %div3A_10 = arith.divf %broadcast_in_dim3A, %div3A_9 : vector<1x512xf32>
    %div3A_11 = arith.constant 1.000000e+04 : f32
    %div3A_12 = vector.broadcast %div3A_11 : f32 to vector<1x512xf32>
    %div3A_13 = arith.divf %broadcast_in_dim3A_8, %div3A_12 : vector<1x512xf32>
    %mul3A = arith.mulf %div3A_10, %div3A_10 : vector<1x512xf32>
    %sub3A = arith.subf %div3A_13, %mul3A : vector<1x512xf32>
    %get3A_14 = arith.constant 0 : index
    %get3A_15 = arith.constant 0 : index
    %get3A_16 = vector.load %arg3[%get3A_14, %get3A_15] : memref<1x512xf32, #tpu.memory_space<vmem>>, vector<1x512xf32>
    %add3A = arith.constant 9.99999974E-6 : f32
    %add3A_17 = vector.broadcast %add3A : f32 to vector<1x512xf32>
    %add3A_18 = arith.addf %sub3A, %add3A_17 : vector<1x512xf32>
    %sqrt3A = math.sqrt %add3A_18 : vector<1x512xf32>
    %div3A_19 = arith.divf %get3A_16, %sqrt3A : vector<1x512xf32>
    %get3A_20 = arith.constant 0 : index
    %get3A_21 = arith.constant 0 : index
    %get3A_22 = vector.load %arg4[%get3A_20, %get3A_21] : memref<1x512xf32, #tpu.memory_space<vmem>>, vector<1x512xf32>
    %mul3A_23 = arith.mulf %div3A_10, %div3A_19 : vector<1x512xf32>
    %sub3A_24 = arith.subf %get3A_22, %mul3A_23 : vector<1x512xf32>
    %get3A_25 = arith.constant 0 : index
    %get3A_26 = arith.constant 0 : index
    %get3A_27 = arith.constant 0 : index
    %get3A_28 = vector.load %arg1[%get3A_25, %get3A_26, %get3A_27] : memref<1x640x512xf32, #tpu.memory_space<vmem>>, vector<1x640x512xf32>
    %get3A_29 = vector.shape_cast %get3A_28 : vector<1x640x512xf32> to vector<640x512xf32>
    %mul3A_30 = vector.broadcast %div3A_19 : vector<1x512xf32> to vector<640x512xf32>
    %mul3A_31 = arith.mulf %get3A_29, %mul3A_30 : vector<640x512xf32>
    %add3A_32 = vector.broadcast %sub3A_24 : vector<1x512xf32> to vector<640x512xf32>
    %add3A_33 = arith.addf %mul3A_31, %add3A_32 : vector<640x512xf32>
    %max3A = arith.constant 0.000000e+00 : f32
    %max3A_34 = vector.broadcast %max3A : f32 to vector<640x512xf32>
    %max3A_35 = arith.maximumf %add3A_33, %max3A_34 : vector<640x512xf32>
    %get3A_36 = arith.constant 0 : index
    %get3A_37 = arith.constant 0 : index
    %get3A_38 = vector.load %arg5[%get3A_36, %get3A_37] : memref<512x256xf32, #tpu.memory_space<vmem>>, vector<512x256xf32>
    %dot_general3A = arith.constant dense<0.000000e+00> : vector<640x256xf32>
    %dot_general3A_39 = tpu.matmul %max3A_35, %get3A_38, %dot_general3A {dimension_numbers = #tpu.dot_dimension_numbers<[1], [0], [0], [1], [0, 0, 1, 1], [], []>, transpose_lhs_hint = false} : vector<640x512xf32>, vector<512x256xf32>, vector<640x256xf32> -> vector<640x256xf32>
    %get3A_40 = arith.constant 0 : index
    %get3A_41 = arith.constant 0 : index
    %get3A_42 = vector.load %arg7[%get3A_40, %get3A_41] : memref<1x256xf32, #tpu.memory_space<vmem>>, vector<1x256xf32>
    %mul3A_43 = vector.broadcast %get3A_42 : vector<1x256xf32> to vector<640x256xf32>
    %mul3A_44 = arith.mulf %dot_general3A_39, %mul3A_43 : vector<640x256xf32>
    %reduce_sum3A_45 = arith.constant dense<0.000000e+00> : vector<640xf32>
    %reduce_sum3A_46 = vector.multi_reduction <add>, %mul3A_44, %reduce_sum3A_45 [1] : vector<640x256xf32> to vector<640xf32>
    %broadcast_in_dim3A_47 = vector.shape_cast %reduce_sum3A_46 : vector<640xf32> to vector<640x1xf32>
    %get3A_48 = arith.constant 0 : index
    %get3A_49 = arith.constant 0 : index
    %get3A_50 = vector.load %arg8[%get3A_48, %get3A_49] : memref<1x256xf32, #tpu.memory_space<vmem>>, vector<1x256xf32>
    %mul3A_51 = vector.broadcast %get3A_50 : vector<1x256xf32> to vector<640x256xf32>
    %mul3A_52 = arith.mulf %dot_general3A_39, %mul3A_51 : vector<640x256xf32>
    %reduce_sum3A_53 = arith.constant dense<0.000000e+00> : vector<640xf32>
    %reduce_sum3A_54 = vector.multi_reduction <add>, %mul3A_52, %reduce_sum3A_53 [1] : vector<640x256xf32> to vector<640xf32>
    %broadcast_in_dim3A_55 = vector.shape_cast %reduce_sum3A_54 : vector<640xf32> to vector<640x1xf32>
    %get3A_56 = arith.constant 0 : index
    %get3A_57 = arith.constant 0 : index
    %get3A_58 = arith.constant 0 : index
    %get3A_59 = vector.load %arg6[%get3A_56, %get3A_57, %get3A_58] : memref<1x640x640xf32, #tpu.memory_space<vmem>>, vector<1x640x640xf32>
    %get3A_60 = vector.shape_cast %get3A_59 : vector<1x640x640xf32> to vector<640x640xf32>
    %broadcast_in_dim3A_61 = arith.constant 1.000000e+00 : f32
    %broadcast_in_dim3A_62 = vector.broadcast %broadcast_in_dim3A_61 : f32 to vector<640x1xf32>
    %broadcast_in_dim3A_63 = arith.constant 1.000000e+00 : f32
    %broadcast_in_dim3A_64 = vector.broadcast %broadcast_in_dim3A_63 : f32 to vector<640x1xf32>
    %dot_general3A_65 = arith.constant dense<0.000000e+00> : vector<640x640xf32>
    %dot_general3A_66 = tpu.matmul %broadcast_in_dim3A_47, %broadcast_in_dim3A_64, %dot_general3A_65 {dimension_numbers = #tpu.dot_dimension_numbers<[1], [1], [0], [0], [0, 0, 1, 0], [], []>, transpose_lhs_hint = false} : vector<640x1xf32>, vector<640x1xf32>, vector<640x640xf32> -> vector<640x640xf32>
    %broadcast_in_dim3A_67 = arith.constant 1.000000e+00 : f32
    %broadcast_in_dim3A_68 = vector.broadcast %broadcast_in_dim3A_67 : f32 to vector<640x1xf32>
    %dot_general3A_69 = arith.constant dense<0.000000e+00> : vector<640x640xf32>
    %dot_general3A_70 = tpu.matmul %broadcast_in_dim3A_68, %broadcast_in_dim3A_55, %dot_general3A_69 {dimension_numbers = #tpu.dot_dimension_numbers<[1], [1], [0], [0], [0, 0, 1, 0], [], []>, transpose_lhs_hint = false} : vector<640x1xf32>, vector<640x1xf32>, vector<640x640xf32> -> vector<640x640xf32>
    %add3A_71 = arith.addf %dot_general3A_66, %dot_general3A_70 : vector<640x640xf32>
    %mul3A_72 = arith.constant 2.000000e-01 : f32
    %mul3A_73 = vector.broadcast %mul3A_72 : f32 to vector<640x640xf32>
    %mul3A_74 = arith.mulf %mul3A_73, %add3A_71 : vector<640x640xf32>
    %max3A_75 = arith.maximumf %add3A_71, %mul3A_74 : vector<640x640xf32>
    %exp3A = math.exp %max3A_75 : vector<640x640xf32>
    %mul3A_76 = arith.mulf %get3A_60, %exp3A : vector<640x640xf32>
    %dot_general3A_77 = arith.constant dense<0.000000e+00> : vector<640x256xf32>
    %dot_general3A_78 = tpu.matmul %mul3A_76, %dot_general3A_39, %dot_general3A_77 {dimension_numbers = #tpu.dot_dimension_numbers<[0], [0], [1], [1], [0, 1, 1, 1], [], []>, transpose_lhs_hint = false} : vector<640x640xf32>, vector<640x256xf32>, vector<640x256xf32> -> vector<640x256xf32>
    %dot_general3A_79 = arith.constant dense<0.000000e+00> : vector<640x1xf32>
    %dot_general3A_80 = tpu.matmul %mul3A_76, %broadcast_in_dim3A_62, %dot_general3A_79 {dimension_numbers = #tpu.dot_dimension_numbers<[0], [0], [1], [1], [0, 1, 1, 1], [], []>, transpose_lhs_hint = false} : vector<640x640xf32>, vector<640x1xf32>, vector<640x1xf32> -> vector<640x1xf32>
    %add3A_81 = arith.constant 1.000000e-16 : f32
    %add3A_82 = vector.broadcast %add3A_81 : f32 to vector<640x1xf32>
    %add3A_83 = arith.addf %dot_general3A_80, %add3A_82 : vector<640x1xf32>
    %div3A_84 = arith.constant 1.000000e+00 : f32
    %div3A_85 = vector.broadcast %div3A_84 : f32 to vector<640x1xf32>
    %div3A_86 = arith.divf %div3A_85, %add3A_83 : vector<640x1xf32>
    %mul3A_87 = vector.broadcast %div3A_86 : vector<640x1xf32> to vector<640x256xf32>
    %mul3A_88 = arith.mulf %dot_general3A_78, %mul3A_87 : vector<640x256xf32>
    %get3A_89 = arith.constant 0 : index
    %get3A_90 = arith.constant 0 : index
    %get3A_91 = vector.load %arg9[%get3A_89, %get3A_90] : memref<1x256xf32, #tpu.memory_space<vmem>>, vector<1x256xf32>
    %add3A_92 = vector.broadcast %get3A_91 : vector<1x256xf32> to vector<640x256xf32>
    %add3A_93 = arith.addf %mul3A_88, %add3A_92 : vector<640x256xf32>
    %swap3A = arith.constant 0 : index
    %swap3A_94 = arith.constant 0 : index
    %swap3A_95 = arith.constant 0 : index
    %swap3A_96 = vector.load %arg10[%swap3A, %swap3A_94, %swap3A_95] : memref<1x640x256xf32, #tpu.memory_space<vmem>>, vector<1x640x256xf32>
    %swap3A_97 = vector.shape_cast %swap3A_96 : vector<1x640x256xf32> to vector<640x256xf32>
    %swap3A_98 = vector.shape_cast %add3A_93 : vector<640x256xf32> to vector<1x640x256xf32>
    tpu.vector_store %arg10[%swap3A, %swap3A_94, %swap3A_95], %swap3A_98 {strides = array<i32>} : memref<1x640x256xf32, #tpu.memory_space<vmem>>, vector<1x640x256xf32>,
    %iota3A = tpu.iota {dimensions = array<i32: 0>} : vector<640x256xi32>
    %lt3A = arith.constant 625 : i32
    %lt3A_99 = vector.broadcast %lt3A : i32 to vector<640x256xi32>
    %lt3A_100 = arith.cmpi slt, %iota3A, %lt3A_99 : vector<640x256xi32>
    %jit3A = arith.constant 0.000000e+00 : f32
    %broadcast_in_dim3A_101 = vector.broadcast %jit3A : f32 to vector<640x256xf32>
    %select_n3A = arith.select %lt3A_100, %add3A_93, %broadcast_in_dim3A_101 : vector<640x256xi1>, vector<640x256xf32>
    %reduce_sum3A_102 = arith.constant dense<0.000000e+00> : vector<256xf32>
    %reduce_sum3A_103 = vector.multi_reduction <add>, %select_n3A, %reduce_sum3A_102 [0] : vector<640x256xf32> to vector<256xf32>
    %broadcast_in_dim3A_104 = vector.shape_cast %reduce_sum3A_103 : vector<256xf32> to vector<1x256xf32>
    %mul3A_105 = arith.mulf %select_n3A, %select_n3A : vector<640x256xf32>
    %reduce_sum3A_106 = arith.constant dense<0.000000e+00> : vector<256xf32>
    %reduce_sum3A_107 = vector.multi_reduction <add>, %mul3A_105, %reduce_sum3A_106 [0] : vector<640x256xf32> to vector<256xf32>
    %broadcast_in_dim3A_108 = vector.shape_cast %reduce_sum3A_107 : vector<256xf32> to vector<1x256xf32>
    %broadcast_in_dim3A_109 = arith.constant 0.000000e+00 : f32
    %broadcast_in_dim3A_110 = vector.broadcast %broadcast_in_dim3A_109 : f32 to vector<6x256xf32>
    %concatenate3A = tpu.concatenate %broadcast_in_dim3A_104, %broadcast_in_dim3A_108, %broadcast_in_dim3A_110 in 0 : vector<1x256xf32>, vector<1x256xf32>, vector<6x256xf32> -> vector<8x256xf32>
    %swap3A_111 = arith.constant 0 : index
    %swap3A_112 = arith.constant 0 : index
    %swap3A_113 = arith.constant 0 : index
    %swap3A_114 = vector.load %arg11[%swap3A_111, %swap3A_112, %swap3A_113] : memref<1x8x256xf32, #tpu.memory_space<vmem>>, vector<1x8x256xf32>
    %swap3A_115 = vector.shape_cast %swap3A_114 : vector<1x8x256xf32> to vector<8x256xf32>
    %swap3A_116 = vector.shape_cast %concatenate3A : vector<8x256xf32> to vector<1x8x256xf32>
    tpu.vector_store %arg11[%swap3A_111, %swap3A_112, %swap3A_113], %swap3A_116 {strides = array<i32>} : memref<1x8x256xf32, #tpu.memory_space<vmem>>, vector<1x8x256xf32>,
    return
  }
  func.func @transform_0(%arg0: i32) -> (i32, i32, i32) {
    %c0_i32 = arith.constant 0 : i32
    %c0_i32_0 = arith.constant 0 : i32
    %c0_i32_1 = arith.constant 0 : i32
    return %arg0, %c0_i32, %c0_i32_0 : i32, i32, i32
  }
  func.func @transform_1(%arg0: i32) -> (i32, i32, i32) {
    %c0_i32 = arith.constant 0 : i32
    %c0_i32_0 = arith.constant 0 : i32
    %c0_i32_1 = arith.constant 0 : i32
    %c0_i32_2 = arith.constant 0 : i32
    return %c0_i32, %c0_i32_0, %c0_i32_1 : i32, i32, i32
  }
  func.func @transform_2(%arg0: i32) -> (i32, i32) {
    %c0_i32 = arith.constant 0 : i32
    %c0_i32_0 = arith.constant 0 : i32
    %c0_i32_1 = arith.constant 0 : i32
    return %c0_i32, %c0_i32_0 : i32, i32
  }
  func.func @transform_3(%arg0: i32) -> (i32, i32) {
    %c0_i32 = arith.constant 0 : i32
    %c0_i32_0 = arith.constant 0 : i32
    %c0_i32_1 = arith.constant 0 : i32
    return %c0_i32, %c0_i32_0 : i32, i32
  }
  func.func @transform_4(%arg0: i32) -> (i32, i32) {
    %c0_i32 = arith.constant 0 : i32
    %c0_i32_0 = arith.constant 0 : i32
    %c0_i32_1 = arith.constant 0 : i32
    return %c0_i32, %c0_i32_0 : i32, i32
  }
  func.func @transform_5(%arg0: i32) -> (i32, i32, i32) {
    %c0_i32 = arith.constant 0 : i32
    %c0_i32_0 = arith.constant 0 : i32
    %c0_i32_1 = arith.constant 0 : i32
    return %arg0, %c0_i32, %c0_i32_0 : i32, i32, i32
  }
  func.func @transform_6(%arg0: i32) -> (i32, i32) {
    %c0_i32 = arith.constant 0 : i32
    %c0_i32_0 = arith.constant 0 : i32
    %c0_i32_1 = arith.constant 0 : i32
    return %c0_i32, %c0_i32_0 : i32, i32
  }
  func.func @transform_7(%arg0: i32) -> (i32, i32) {
    %c0_i32 = arith.constant 0 : i32
    %c0_i32_0 = arith.constant 0 : i32
    %c0_i32_1 = arith.constant 0 : i32
    return %c0_i32, %c0_i32_0 : i32, i32
  }
  func.func @transform_8(%arg0: i32) -> (i32, i32) {
    %c0_i32 = arith.constant 0 : i32
    %c0_i32_0 = arith.constant 0 : i32
    %c0_i32_1 = arith.constant 0 : i32
    return %c0_i32, %c0_i32_0 : i32, i32
  }
  func.func @transform_9(%arg0: i32) -> (i32, i32, i32) {
    %c0_i32 = arith.constant 0 : i32
    %c0_i32_0 = arith.constant 0 : i32
    %c0_i32_1 = arith.constant 0 : i32
    return %arg0, %c0_i32, %c0_i32_0 : i32, i32, i32
  }
  func.func @transform_10(%arg0: i32) -> (i32, i32, i32) {
    %c0_i32 = arith.constant 0 : i32
    %c0_i32_0 = arith.constant 0 : i32
    %c0_i32_1 = arith.constant 0 : i32
    return %arg0, %c0_i32, %c0_i32_0 : i32, i32, i32
  }
}

module attributes {stable_mosaic.version = 14 : i64} {
  func.func @_bn_gat_body(%arg0: i32, %arg1: memref<1x640x256xf32, #tpu.memory_space<vmem>>, %arg2: memref<16x8x256xf32, #tpu.memory_space<vmem>>, %arg3: memref<1x256xf32, #tpu.memory_space<vmem>>, %arg4: memref<1x256xf32, #tpu.memory_space<vmem>>, %arg5: memref<256x256xf32, #tpu.memory_space<vmem>>, %arg6: memref<1x640x640xf32, #tpu.memory_space<vmem>>, %arg7: memref<1x256xf32, #tpu.memory_space<vmem>>, %arg8: memref<1x256xf32, #tpu.memory_space<vmem>>, %arg9: memref<1x256xf32, #tpu.memory_space<vmem>>, %arg10: memref<1x640x256xf32, #tpu.memory_space<vmem>>, %arg11: memref<1x8x256xf32, #tpu.memory_space<vmem>>) attributes {dimension_semantics = [#tpu.dimension_semantics<arbitrary>], iteration_bounds = array<i64: 16>, scalar_prefetch = 0 : i64, scratch_operands = 0 : i64, tpu.core_type = #tpu.core_type<tc>, window_params = [{transform_indices = @transform_0, window_bounds = array<i64: 1, 640, 256>}, {pipeline_mode = #tpu.pipeline_mode<synchronous>, transform_indices = @transform_1, window_bounds = array<i64: 16, 8, 256>}, {pipeline_mode = #tpu.pipeline_mode<synchronous>, transform_indices = @transform_2, window_bounds = array<i64: 1, 256>}, {pipeline_mode = #tpu.pipeline_mode<synchronous>, transform_indices = @transform_3, window_bounds = array<i64: 1, 256>}, {pipeline_mode = #tpu.pipeline_mode<synchronous>, transform_indices = @transform_4, window_bounds = array<i64: 256, 256>}, {transform_indices = @transform_5, window_bounds = array<i64: 1, 640, 640>}, {pipeline_mode = #tpu.pipeline_mode<synchronous>, transform_indices = @transform_6, window_bounds = array<i64: 1, 256>}, {pipeline_mode = #tpu.pipeline_mode<synchronous>, transform_indices = @transform_7, window_bounds = array<i64: 1, 256>}, {pipeline_mode = #tpu.pipeline_mode<synchronous>, transform_indices = @transform_8, window_bounds = array<i64: 1, 256>}, {transform_indices = @transform_9, window_bounds = array<i64: 1, 640, 256>}, {transform_indices = @transform_10, window_bounds = array<i64: 1, 8, 256>}]} {
    %get3A = arith.constant 0 : index
    %get3A_0 = arith.constant 0 : index
    %get3A_1 = arith.constant 0 : index
    %get3A_2 = vector.load %arg2[%get3A, %get3A_0, %get3A_1] : memref<16x8x256xf32, #tpu.memory_space<vmem>>, vector<16x8x256xf32>
    %slice3A = vector.extract_strided_slice %get3A_2 {offsets = [0, 0, 0], sizes = [16, 1, 256], strides = [1, 1, 1]} : vector<16x8x256xf32> to vector<16x1x256xf32>
    %squeeze3A = vector.shape_cast %slice3A : vector<16x1x256xf32> to vector<16x256xf32>
    %reduce_sum3A = arith.constant dense<0.000000e+00> : vector<256xf32>
    %reduce_sum3A_3 = vector.multi_reduction <add>, %squeeze3A, %reduce_sum3A [0] : vector<16x256xf32> to vector<256xf32>
    %broadcast_in_dim3A = vector.shape_cast %reduce_sum3A_3 : vector<256xf32> to vector<1x256xf32>
    %slice3A_4 = vector.extract_strided_slice %get3A_2 {offsets = [0, 1, 0], sizes = [16, 1, 256], strides = [1, 1, 1]} : vector<16x8x256xf32> to vector<16x1x256xf32>
    %squeeze3A_5 = vector.shape_cast %slice3A_4 : vector<16x1x256xf32> to vector<16x256xf32>
    %reduce_sum3A_6 = arith.constant dense<0.000000e+00> : vector<256xf32>
    %reduce_sum3A_7 = vector.multi_reduction <add>, %squeeze3A_5, %reduce_sum3A_6 [0] : vector<16x256xf32> to vector<256xf32>
    %broadcast_in_dim3A_8 = vector.shape_cast %reduce_sum3A_7 : vector<256xf32> to vector<1x256xf32>
    %div3A = arith.constant 1.000000e+04 : f32
    %div3A_9 = vector.broadcast %div3A : f32 to vector<1x256xf32>
    %div3A_10 = arith.divf %broadcast_in_dim3A, %div3A_9 : vector<1x256xf32>
    %div3A_11 = arith.constant 1.000000e+04 : f32
    %div3A_12 = vector.broadcast %div3A_11 : f32 to vector<1x256xf32>
    %div3A_13 = arith.divf %broadcast_in_dim3A_8, %div3A_12 : vector<1x256xf32>
    %mul3A = arith.mulf %div3A_10, %div3A_10 : vector<1x256xf32>
    %sub3A = arith.subf %div3A_13, %mul3A : vector<1x256xf32>
    %get3A_14 = arith.constant 0 : index
    %get3A_15 = arith.constant 0 : index
    %get3A_16 = vector.load %arg3[%get3A_14, %get3A_15] : memref<1x256xf32, #tpu.memory_space<vmem>>, vector<1x256xf32>
    %add3A = arith.constant 9.99999974E-6 : f32
    %add3A_17 = vector.broadcast %add3A : f32 to vector<1x256xf32>
    %add3A_18 = arith.addf %sub3A, %add3A_17 : vector<1x256xf32>
    %sqrt3A = math.sqrt %add3A_18 : vector<1x256xf32>
    %div3A_19 = arith.divf %get3A_16, %sqrt3A : vector<1x256xf32>
    %get3A_20 = arith.constant 0 : index
    %get3A_21 = arith.constant 0 : index
    %get3A_22 = vector.load %arg4[%get3A_20, %get3A_21] : memref<1x256xf32, #tpu.memory_space<vmem>>, vector<1x256xf32>
    %mul3A_23 = arith.mulf %div3A_10, %div3A_19 : vector<1x256xf32>
    %sub3A_24 = arith.subf %get3A_22, %mul3A_23 : vector<1x256xf32>
    %get3A_25 = arith.constant 0 : index
    %get3A_26 = arith.constant 0 : index
    %get3A_27 = arith.constant 0 : index
    %get3A_28 = vector.load %arg1[%get3A_25, %get3A_26, %get3A_27] : memref<1x640x256xf32, #tpu.memory_space<vmem>>, vector<1x640x256xf32>
    %get3A_29 = vector.shape_cast %get3A_28 : vector<1x640x256xf32> to vector<640x256xf32>
    %mul3A_30 = vector.broadcast %div3A_19 : vector<1x256xf32> to vector<640x256xf32>
    %mul3A_31 = arith.mulf %get3A_29, %mul3A_30 : vector<640x256xf32>
    %add3A_32 = vector.broadcast %sub3A_24 : vector<1x256xf32> to vector<640x256xf32>
    %add3A_33 = arith.addf %mul3A_31, %add3A_32 : vector<640x256xf32>
    %max3A = arith.constant 0.000000e+00 : f32
    %max3A_34 = vector.broadcast %max3A : f32 to vector<640x256xf32>
    %max3A_35 = arith.maximumf %add3A_33, %max3A_34 : vector<640x256xf32>
    %get3A_36 = arith.constant 0 : index
    %get3A_37 = arith.constant 0 : index
    %get3A_38 = vector.load %arg5[%get3A_36, %get3A_37] : memref<256x256xf32, #tpu.memory_space<vmem>>, vector<256x256xf32>
    %dot_general3A = arith.constant dense<0.000000e+00> : vector<640x256xf32>
    %dot_general3A_39 = tpu.matmul %max3A_35, %get3A_38, %dot_general3A {dimension_numbers = #tpu.dot_dimension_numbers<[1], [0], [0], [1], [0, 0, 1, 1], [], []>, transpose_lhs_hint = false} : vector<640x256xf32>, vector<256x256xf32>, vector<640x256xf32> -> vector<640x256xf32>
    %get3A_40 = arith.constant 0 : index
    %get3A_41 = arith.constant 0 : index
    %get3A_42 = vector.load %arg7[%get3A_40, %get3A_41] : memref<1x256xf32, #tpu.memory_space<vmem>>, vector<1x256xf32>
    %mul3A_43 = vector.broadcast %get3A_42 : vector<1x256xf32> to vector<640x256xf32>
    %mul3A_44 = arith.mulf %dot_general3A_39, %mul3A_43 : vector<640x256xf32>
    %reduce_sum3A_45 = arith.constant dense<0.000000e+00> : vector<640xf32>
    %reduce_sum3A_46 = vector.multi_reduction <add>, %mul3A_44, %reduce_sum3A_45 [1] : vector<640x256xf32> to vector<640xf32>
    %broadcast_in_dim3A_47 = vector.shape_cast %reduce_sum3A_46 : vector<640xf32> to vector<640x1xf32>
    %get3A_48 = arith.constant 0 : index
    %get3A_49 = arith.constant 0 : index
    %get3A_50 = vector.load %arg8[%get3A_48, %get3A_49] : memref<1x256xf32, #tpu.memory_space<vmem>>, vector<1x256xf32>
    %mul3A_51 = vector.broadcast %get3A_50 : vector<1x256xf32> to vector<640x256xf32>
    %mul3A_52 = arith.mulf %dot_general3A_39, %mul3A_51 : vector<640x256xf32>
    %reduce_sum3A_53 = arith.constant dense<0.000000e+00> : vector<640xf32>
    %reduce_sum3A_54 = vector.multi_reduction <add>, %mul3A_52, %reduce_sum3A_53 [1] : vector<640x256xf32> to vector<640xf32>
    %broadcast_in_dim3A_55 = vector.shape_cast %reduce_sum3A_54 : vector<640xf32> to vector<640x1xf32>
    %get3A_56 = arith.constant 0 : index
    %get3A_57 = arith.constant 0 : index
    %get3A_58 = arith.constant 0 : index
    %get3A_59 = vector.load %arg6[%get3A_56, %get3A_57, %get3A_58] : memref<1x640x640xf32, #tpu.memory_space<vmem>>, vector<1x640x640xf32>
    %get3A_60 = vector.shape_cast %get3A_59 : vector<1x640x640xf32> to vector<640x640xf32>
    %broadcast_in_dim3A_61 = arith.constant 1.000000e+00 : f32
    %broadcast_in_dim3A_62 = vector.broadcast %broadcast_in_dim3A_61 : f32 to vector<640x1xf32>
    %broadcast_in_dim3A_63 = arith.constant 1.000000e+00 : f32
    %broadcast_in_dim3A_64 = vector.broadcast %broadcast_in_dim3A_63 : f32 to vector<640x1xf32>
    %dot_general3A_65 = arith.constant dense<0.000000e+00> : vector<640x640xf32>
    %dot_general3A_66 = tpu.matmul %broadcast_in_dim3A_47, %broadcast_in_dim3A_64, %dot_general3A_65 {dimension_numbers = #tpu.dot_dimension_numbers<[1], [1], [0], [0], [0, 0, 1, 0], [], []>, transpose_lhs_hint = false} : vector<640x1xf32>, vector<640x1xf32>, vector<640x640xf32> -> vector<640x640xf32>
    %broadcast_in_dim3A_67 = arith.constant 1.000000e+00 : f32
    %broadcast_in_dim3A_68 = vector.broadcast %broadcast_in_dim3A_67 : f32 to vector<640x1xf32>
    %dot_general3A_69 = arith.constant dense<0.000000e+00> : vector<640x640xf32>
    %dot_general3A_70 = tpu.matmul %broadcast_in_dim3A_68, %broadcast_in_dim3A_55, %dot_general3A_69 {dimension_numbers = #tpu.dot_dimension_numbers<[1], [1], [0], [0], [0, 0, 1, 0], [], []>, transpose_lhs_hint = false} : vector<640x1xf32>, vector<640x1xf32>, vector<640x640xf32> -> vector<640x640xf32>
    %add3A_71 = arith.addf %dot_general3A_66, %dot_general3A_70 : vector<640x640xf32>
    %mul3A_72 = arith.constant 2.000000e-01 : f32
    %mul3A_73 = vector.broadcast %mul3A_72 : f32 to vector<640x640xf32>
    %mul3A_74 = arith.mulf %mul3A_73, %add3A_71 : vector<640x640xf32>
    %max3A_75 = arith.maximumf %add3A_71, %mul3A_74 : vector<640x640xf32>
    %exp3A = math.exp %max3A_75 : vector<640x640xf32>
    %mul3A_76 = arith.mulf %get3A_60, %exp3A : vector<640x640xf32>
    %dot_general3A_77 = arith.constant dense<0.000000e+00> : vector<640x256xf32>
    %dot_general3A_78 = tpu.matmul %mul3A_76, %dot_general3A_39, %dot_general3A_77 {dimension_numbers = #tpu.dot_dimension_numbers<[0], [0], [1], [1], [0, 1, 1, 1], [], []>, transpose_lhs_hint = false} : vector<640x640xf32>, vector<640x256xf32>, vector<640x256xf32> -> vector<640x256xf32>
    %dot_general3A_79 = arith.constant dense<0.000000e+00> : vector<640x1xf32>
    %dot_general3A_80 = tpu.matmul %mul3A_76, %broadcast_in_dim3A_62, %dot_general3A_79 {dimension_numbers = #tpu.dot_dimension_numbers<[0], [0], [1], [1], [0, 1, 1, 1], [], []>, transpose_lhs_hint = false} : vector<640x640xf32>, vector<640x1xf32>, vector<640x1xf32> -> vector<640x1xf32>
    %add3A_81 = arith.constant 1.000000e-16 : f32
    %add3A_82 = vector.broadcast %add3A_81 : f32 to vector<640x1xf32>
    %add3A_83 = arith.addf %dot_general3A_80, %add3A_82 : vector<640x1xf32>
    %div3A_84 = arith.constant 1.000000e+00 : f32
    %div3A_85 = vector.broadcast %div3A_84 : f32 to vector<640x1xf32>
    %div3A_86 = arith.divf %div3A_85, %add3A_83 : vector<640x1xf32>
    %mul3A_87 = vector.broadcast %div3A_86 : vector<640x1xf32> to vector<640x256xf32>
    %mul3A_88 = arith.mulf %dot_general3A_78, %mul3A_87 : vector<640x256xf32>
    %get3A_89 = arith.constant 0 : index
    %get3A_90 = arith.constant 0 : index
    %get3A_91 = vector.load %arg9[%get3A_89, %get3A_90] : memref<1x256xf32, #tpu.memory_space<vmem>>, vector<1x256xf32>
    %add3A_92 = vector.broadcast %get3A_91 : vector<1x256xf32> to vector<640x256xf32>
    %add3A_93 = arith.addf %mul3A_88, %add3A_92 : vector<640x256xf32>
    %swap3A = arith.constant 0 : index
    %swap3A_94 = arith.constant 0 : index
    %swap3A_95 = arith.constant 0 : index
    %swap3A_96 = vector.load %arg10[%swap3A, %swap3A_94, %swap3A_95] : memref<1x640x256xf32, #tpu.memory_space<vmem>>, vector<1x640x256xf32>
    %swap3A_97 = vector.shape_cast %swap3A_96 : vector<1x640x256xf32> to vector<640x256xf32>
    %swap3A_98 = vector.shape_cast %add3A_93 : vector<640x256xf32> to vector<1x640x256xf32>
    tpu.vector_store %arg10[%swap3A, %swap3A_94, %swap3A_95], %swap3A_98 {strides = array<i32>} : memref<1x640x256xf32, #tpu.memory_space<vmem>>, vector<1x640x256xf32>,
    %iota3A = tpu.iota {dimensions = array<i32: 0>} : vector<640x256xi32>
    %lt3A = arith.constant 625 : i32
    %lt3A_99 = vector.broadcast %lt3A : i32 to vector<640x256xi32>
    %lt3A_100 = arith.cmpi slt, %iota3A, %lt3A_99 : vector<640x256xi32>
    %jit3A = arith.constant 0.000000e+00 : f32
    %broadcast_in_dim3A_101 = vector.broadcast %jit3A : f32 to vector<640x256xf32>
    %select_n3A = arith.select %lt3A_100, %add3A_93, %broadcast_in_dim3A_101 : vector<640x256xi1>, vector<640x256xf32>
    %reduce_sum3A_102 = arith.constant dense<0.000000e+00> : vector<256xf32>
    %reduce_sum3A_103 = vector.multi_reduction <add>, %select_n3A, %reduce_sum3A_102 [0] : vector<640x256xf32> to vector<256xf32>
    %broadcast_in_dim3A_104 = vector.shape_cast %reduce_sum3A_103 : vector<256xf32> to vector<1x256xf32>
    %mul3A_105 = arith.mulf %select_n3A, %select_n3A : vector<640x256xf32>
    %reduce_sum3A_106 = arith.constant dense<0.000000e+00> : vector<256xf32>
    %reduce_sum3A_107 = vector.multi_reduction <add>, %mul3A_105, %reduce_sum3A_106 [0] : vector<640x256xf32> to vector<256xf32>
    %broadcast_in_dim3A_108 = vector.shape_cast %reduce_sum3A_107 : vector<256xf32> to vector<1x256xf32>
    %broadcast_in_dim3A_109 = arith.constant 0.000000e+00 : f32
    %broadcast_in_dim3A_110 = vector.broadcast %broadcast_in_dim3A_109 : f32 to vector<6x256xf32>
    %concatenate3A = tpu.concatenate %broadcast_in_dim3A_104, %broadcast_in_dim3A_108, %broadcast_in_dim3A_110 in 0 : vector<1x256xf32>, vector<1x256xf32>, vector<6x256xf32> -> vector<8x256xf32>
    %swap3A_111 = arith.constant 0 : index
    %swap3A_112 = arith.constant 0 : index
    %swap3A_113 = arith.constant 0 : index
    %swap3A_114 = vector.load %arg11[%swap3A_111, %swap3A_112, %swap3A_113] : memref<1x8x256xf32, #tpu.memory_space<vmem>>, vector<1x8x256xf32>
    %swap3A_115 = vector.shape_cast %swap3A_114 : vector<1x8x256xf32> to vector<8x256xf32>
    %swap3A_116 = vector.shape_cast %concatenate3A : vector<8x256xf32> to vector<1x8x256xf32>
    tpu.vector_store %arg11[%swap3A_111, %swap3A_112, %swap3A_113], %swap3A_116 {strides = array<i32>} : memref<1x8x256xf32, #tpu.memory_space<vmem>>, vector<1x8x256xf32>,
    return
  }
  func.func @transform_0(%arg0: i32) -> (i32, i32, i32) {
    %c0_i32 = arith.constant 0 : i32
    %c0_i32_0 = arith.constant 0 : i32
    %c0_i32_1 = arith.constant 0 : i32
    return %arg0, %c0_i32, %c0_i32_0 : i32, i32, i32
  }
  func.func @transform_1(%arg0: i32) -> (i32, i32, i32) {
    %c0_i32 = arith.constant 0 : i32
    %c0_i32_0 = arith.constant 0 : i32
    %c0_i32_1 = arith.constant 0 : i32
    %c0_i32_2 = arith.constant 0 : i32
    return %c0_i32, %c0_i32_0, %c0_i32_1 : i32, i32, i32
  }
  func.func @transform_2(%arg0: i32) -> (i32, i32) {
    %c0_i32 = arith.constant 0 : i32
    %c0_i32_0 = arith.constant 0 : i32
    %c0_i32_1 = arith.constant 0 : i32
    return %c0_i32, %c0_i32_0 : i32, i32
  }
  func.func @transform_3(%arg0: i32) -> (i32, i32) {
    %c0_i32 = arith.constant 0 : i32
    %c0_i32_0 = arith.constant 0 : i32
    %c0_i32_1 = arith.constant 0 : i32
    return %c0_i32, %c0_i32_0 : i32, i32
  }
  func.func @transform_4(%arg0: i32) -> (i32, i32) {
    %c0_i32 = arith.constant 0 : i32
    %c0_i32_0 = arith.constant 0 : i32
    %c0_i32_1 = arith.constant 0 : i32
    return %c0_i32, %c0_i32_0 : i32, i32
  }
  func.func @transform_5(%arg0: i32) -> (i32, i32, i32) {
    %c0_i32 = arith.constant 0 : i32
    %c0_i32_0 = arith.constant 0 : i32
    %c0_i32_1 = arith.constant 0 : i32
    return %arg0, %c0_i32, %c0_i32_0 : i32, i32, i32
  }
  func.func @transform_6(%arg0: i32) -> (i32, i32) {
    %c0_i32 = arith.constant 0 : i32
    %c0_i32_0 = arith.constant 0 : i32
    %c0_i32_1 = arith.constant 0 : i32
    return %c0_i32, %c0_i32_0 : i32, i32
  }
  func.func @transform_7(%arg0: i32) -> (i32, i32) {
    %c0_i32 = arith.constant 0 : i32
    %c0_i32_0 = arith.constant 0 : i32
    %c0_i32_1 = arith.constant 0 : i32
    return %c0_i32, %c0_i32_0 : i32, i32
  }
  func.func @transform_8(%arg0: i32) -> (i32, i32) {
    %c0_i32 = arith.constant 0 : i32
    %c0_i32_0 = arith.constant 0 : i32
    %c0_i32_1 = arith.constant 0 : i32
    return %c0_i32, %c0_i32_0 : i32, i32
  }
  func.func @transform_9(%arg0: i32) -> (i32, i32, i32) {
    %c0_i32 = arith.constant 0 : i32
    %c0_i32_0 = arith.constant 0 : i32
    %c0_i32_1 = arith.constant 0 : i32
    return %arg0, %c0_i32, %c0_i32_0 : i32, i32, i32
  }
  func.func @transform_10(%arg0: i32) -> (i32, i32, i32) {
    %c0_i32 = arith.constant 0 : i32
    %c0_i32_0 = arith.constant 0 : i32
    %c0_i32_1 = arith.constant 0 : i32
    return %arg0, %c0_i32, %c0_i32_0 : i32, i32, i32
  }
}

module attributes {stable_mosaic.version = 14 : i64} {
  func.func @_k6_body(%arg0: i32, %arg1: memref<1x640x256xf32, #tpu.memory_space<vmem>>, %arg2: memref<16x8x256xf32, #tpu.memory_space<vmem>>, %arg3: memref<1x256xf32, #tpu.memory_space<vmem>>, %arg4: memref<1x256xf32, #tpu.memory_space<vmem>>, %arg5: memref<1x640x640xf32, #tpu.memory_space<vmem>>, %arg6: memref<256x128xf32, #tpu.memory_space<vmem>>, %arg7: memref<1x128xf32, #tpu.memory_space<vmem>>, %arg8: memref<128x128xf32, #tpu.memory_space<vmem>>, %arg9: memref<1x128xf32, #tpu.memory_space<vmem>>, %arg10: memref<256x128xf32, #tpu.memory_space<vmem>>, %arg11: memref<1x128xf32, #tpu.memory_space<vmem>>, %arg12: memref<128x128xf32, #tpu.memory_space<vmem>>, %arg13: memref<1x128xf32, #tpu.memory_space<vmem>>, %arg14: memref<1x8x128xf32, #tpu.memory_space<vmem>>) attributes {dimension_semantics = [#tpu.dimension_semantics<arbitrary>], iteration_bounds = array<i64: 16>, scalar_prefetch = 0 : i64, scratch_operands = 0 : i64, tpu.core_type = #tpu.core_type<tc>, window_params = [{transform_indices = @transform_0, window_bounds = array<i64: 1, 640, 256>}, {pipeline_mode = #tpu.pipeline_mode<synchronous>, transform_indices = @transform_1, window_bounds = array<i64: 16, 8, 256>}, {pipeline_mode = #tpu.pipeline_mode<synchronous>, transform_indices = @transform_2, window_bounds = array<i64: 1, 256>}, {pipeline_mode = #tpu.pipeline_mode<synchronous>, transform_indices = @transform_3, window_bounds = array<i64: 1, 256>}, {transform_indices = @transform_4, window_bounds = array<i64: 1, 640, 640>}, {pipeline_mode = #tpu.pipeline_mode<synchronous>, transform_indices = @transform_5, window_bounds = array<i64: 256, 128>}, {pipeline_mode = #tpu.pipeline_mode<synchronous>, transform_indices = @transform_6, window_bounds = array<i64: 1, 128>}, {pipeline_mode = #tpu.pipeline_mode<synchronous>, transform_indices = @transform_7, window_bounds = array<i64: 128, 128>}, {pipeline_mode = #tpu.pipeline_mode<synchronous>, transform_indices = @transform_8, window_bounds = array<i64: 1, 128>}, {pipeline_mode = #tpu.pipeline_mode<synchronous>, transform_indices = @transform_9, window_bounds = array<i64: 256, 128>}, {pipeline_mode = #tpu.pipeline_mode<synchronous>, transform_indices = @transform_10, window_bounds = array<i64: 1, 128>}, {pipeline_mode = #tpu.pipeline_mode<synchronous>, transform_indices = @transform_11, window_bounds = array<i64: 128, 128>}, {pipeline_mode = #tpu.pipeline_mode<synchronous>, transform_indices = @transform_12, window_bounds = array<i64: 1, 128>}, {transform_indices = @transform_13, window_bounds = array<i64: 1, 8, 128>}]} {
    %get3A = arith.constant 0 : index
    %get3A_0 = arith.constant 0 : index
    %get3A_1 = arith.constant 0 : index
    %get3A_2 = vector.load %arg2[%get3A, %get3A_0, %get3A_1] : memref<16x8x256xf32, #tpu.memory_space<vmem>>, vector<16x8x256xf32>
    %slice3A = vector.extract_strided_slice %get3A_2 {offsets = [0, 0, 0], sizes = [16, 1, 256], strides = [1, 1, 1]} : vector<16x8x256xf32> to vector<16x1x256xf32>
    %squeeze3A = vector.shape_cast %slice3A : vector<16x1x256xf32> to vector<16x256xf32>
    %reduce_sum3A = arith.constant dense<0.000000e+00> : vector<256xf32>
    %reduce_sum3A_3 = vector.multi_reduction <add>, %squeeze3A, %reduce_sum3A [0] : vector<16x256xf32> to vector<256xf32>
    %broadcast_in_dim3A = vector.shape_cast %reduce_sum3A_3 : vector<256xf32> to vector<1x256xf32>
    %slice3A_4 = vector.extract_strided_slice %get3A_2 {offsets = [0, 1, 0], sizes = [16, 1, 256], strides = [1, 1, 1]} : vector<16x8x256xf32> to vector<16x1x256xf32>
    %squeeze3A_5 = vector.shape_cast %slice3A_4 : vector<16x1x256xf32> to vector<16x256xf32>
    %reduce_sum3A_6 = arith.constant dense<0.000000e+00> : vector<256xf32>
    %reduce_sum3A_7 = vector.multi_reduction <add>, %squeeze3A_5, %reduce_sum3A_6 [0] : vector<16x256xf32> to vector<256xf32>
    %broadcast_in_dim3A_8 = vector.shape_cast %reduce_sum3A_7 : vector<256xf32> to vector<1x256xf32>
    %div3A = arith.constant 1.000000e+04 : f32
    %div3A_9 = vector.broadcast %div3A : f32 to vector<1x256xf32>
    %div3A_10 = arith.divf %broadcast_in_dim3A, %div3A_9 : vector<1x256xf32>
    %div3A_11 = arith.constant 1.000000e+04 : f32
    %div3A_12 = vector.broadcast %div3A_11 : f32 to vector<1x256xf32>
    %div3A_13 = arith.divf %broadcast_in_dim3A_8, %div3A_12 : vector<1x256xf32>
    %mul3A = arith.mulf %div3A_10, %div3A_10 : vector<1x256xf32>
    %sub3A = arith.subf %div3A_13, %mul3A : vector<1x256xf32>
    %get3A_14 = arith.constant 0 : index
    %get3A_15 = arith.constant 0 : index
    %get3A_16 = vector.load %arg3[%get3A_14, %get3A_15] : memref<1x256xf32, #tpu.memory_space<vmem>>, vector<1x256xf32>
    %add3A = arith.constant 9.99999974E-6 : f32
    %add3A_17 = vector.broadcast %add3A : f32 to vector<1x256xf32>
    %add3A_18 = arith.addf %sub3A, %add3A_17 : vector<1x256xf32>
    %sqrt3A = math.sqrt %add3A_18 : vector<1x256xf32>
    %div3A_19 = arith.divf %get3A_16, %sqrt3A : vector<1x256xf32>
    %get3A_20 = arith.constant 0 : index
    %get3A_21 = arith.constant 0 : index
    %get3A_22 = vector.load %arg4[%get3A_20, %get3A_21] : memref<1x256xf32, #tpu.memory_space<vmem>>, vector<1x256xf32>
    %mul3A_23 = arith.mulf %div3A_10, %div3A_19 : vector<1x256xf32>
    %sub3A_24 = arith.subf %get3A_22, %mul3A_23 : vector<1x256xf32>
    %get3A_25 = arith.constant 0 : index
    %get3A_26 = arith.constant 0 : index
    %get3A_27 = arith.constant 0 : index
    %get3A_28 = vector.load %arg1[%get3A_25, %get3A_26, %get3A_27] : memref<1x640x256xf32, #tpu.memory_space<vmem>>, vector<1x640x256xf32>
    %get3A_29 = vector.shape_cast %get3A_28 : vector<1x640x256xf32> to vector<640x256xf32>
    %mul3A_30 = vector.broadcast %div3A_19 : vector<1x256xf32> to vector<640x256xf32>
    %mul3A_31 = arith.mulf %get3A_29, %mul3A_30 : vector<640x256xf32>
    %add3A_32 = vector.broadcast %sub3A_24 : vector<1x256xf32> to vector<640x256xf32>
    %add3A_33 = arith.addf %mul3A_31, %add3A_32 : vector<640x256xf32>
    %max3A = arith.constant 0.000000e+00 : f32
    %max3A_34 = vector.broadcast %max3A : f32 to vector<640x256xf32>
    %max3A_35 = arith.maximumf %add3A_33, %max3A_34 : vector<640x256xf32>
    %iota3A = tpu.iota {dimensions = array<i32: 0>} : vector<640x1xi32>
    %lt3A = arith.constant 625 : i32
    %lt3A_36 = vector.broadcast %lt3A : i32 to vector<640x1xi32>
    %lt3A_37 = arith.cmpi slt, %iota3A, %lt3A_36 : vector<640x1xi32>
    %jit3A = arith.constant 0.000000e+00 : f32
    %broadcast_in_dim3A_38 = vector.shape_cast %lt3A_37 : vector<640x1xi1> to vector<640x1xi1>
    %broadcast_in_dim3A_39 = vector.broadcast %broadcast_in_dim3A_38 : vector<640x1xi1> to vector<640x256xi1>
    %broadcast_in_dim3A_40 = vector.broadcast %jit3A : f32 to vector<640x256xf32>
    %select_n3A = arith.select %broadcast_in_dim3A_39, %max3A_35, %broadcast_in_dim3A_40 : vector<640x256xi1>, vector<640x256xf32>
    %get3A_41 = arith.constant 0 : index
    %get3A_42 = arith.constant 0 : index
    %get3A_43 = vector.load %arg6[%get3A_41, %get3A_42] : memref<256x128xf32, #tpu.memory_space<vmem>>, vector<256x128xf32>
    %dot_general3A = arith.constant dense<0.000000e+00> : vector<640x128xf32>
    %dot_general3A_44 = tpu.matmul %select_n3A, %get3A_43, %dot_general3A {dimension_numbers = #tpu.dot_dimension_numbers<[1], [0], [0], [1], [0, 0, 1, 1], [], []>, transpose_lhs_hint = false} : vector<640x256xf32>, vector<256x128xf32>, vector<640x128xf32> -> vector<640x128xf32>
    %get3A_45 = arith.constant 0 : index
    %get3A_46 = arith.constant 0 : index
    %get3A_47 = vector.load %arg7[%get3A_45, %get3A_46] : memref<1x128xf32, #tpu.memory_space<vmem>>, vector<1x128xf32>
    %add3A_48 = vector.broadcast %get3A_47 : vector<1x128xf32> to vector<640x128xf32>
    %add3A_49 = arith.addf %dot_general3A_44, %add3A_48 : vector<640x128xf32>
    %max3A_50 = arith.constant 0.000000e+00 : f32
    %max3A_51 = vector.broadcast %max3A_50 : f32 to vector<640x128xf32>
    %max3A_52 = arith.maximumf %add3A_49, %max3A_51 : vector<640x128xf32>
    %get3A_53 = arith.constant 0 : index
    %get3A_54 = arith.constant 0 : index
    %get3A_55 = vector.load %arg8[%get3A_53, %get3A_54] : memref<128x128xf32, #tpu.memory_space<vmem>>, vector<128x128xf32>
    %dot_general3A_56 = arith.constant dense<0.000000e+00> : vector<640x128xf32>
    %dot_general3A_57 = tpu.matmul %max3A_52, %get3A_55, %dot_general3A_56 {dimension_numbers = #tpu.dot_dimension_numbers<[1], [0], [0], [1], [0, 0, 1, 1], [], []>, transpose_lhs_hint = false} : vector<640x128xf32>, vector<128x128xf32>, vector<640x128xf32> -> vector<640x128xf32>
    %get3A_58 = arith.constant 0 : index
    %get3A_59 = arith.constant 0 : index
    %get3A_60 = vector.load %arg9[%get3A_58, %get3A_59] : memref<1x128xf32, #tpu.memory_space<vmem>>, vector<1x128xf32>
    %add3A_61 = vector.broadcast %get3A_60 : vector<1x128xf32> to vector<640x128xf32>
    %add3A_62 = arith.addf %dot_general3A_57, %add3A_61 : vector<640x128xf32>
    %iota3A_63 = tpu.iota {dimensions = array<i32: 1>} : vector<640x128xi32>
    %lt3A_64 = arith.constant 25 : i32
    %lt3A_65 = vector.broadcast %lt3A_64 : i32 to vector<640x128xi32>
    %lt3A_66 = arith.cmpi slt, %iota3A_63, %lt3A_65 : vector<640x128xi32>
    %jit3A_67 = arith.constant -1.000000e+30 : f32
    %broadcast_in_dim3A_68 = vector.broadcast %jit3A_67 : f32 to vector<640x128xf32>
    %select_n3A_69 = arith.select %lt3A_66, %add3A_62, %broadcast_in_dim3A_68 : vector<640x128xi1>, vector<640x128xf32>
    %reduce_max3A = arith.constant dense<0xFF800000> : vector<640xf32>
    %reduce_max3A_70 = vector.multi_reduction <maximumf>, %select_n3A_69, %reduce_max3A [1] : vector<640x128xf32> to vector<640xf32>
    %broadcast_in_dim3A_71 = vector.shape_cast %reduce_max3A_70 : vector<640xf32> to vector<640x1xf32>
    %sub3A_72 = vector.broadcast %broadcast_in_dim3A_71 : vector<640x1xf32> to vector<640x128xf32>
    %sub3A_73 = arith.subf %add3A_62, %sub3A_72 : vector<640x128xf32>
    %exp3A = math.exp %sub3A_73 : vector<640x128xf32>
    %jit3A_74 = arith.constant 0.000000e+00 : f32
    %broadcast_in_dim3A_75 = vector.broadcast %jit3A_74 : f32 to vector<640x128xf32>
    %select_n3A_76 = arith.select %lt3A_66, %exp3A, %broadcast_in_dim3A_75 : vector<640x128xi1>, vector<640x128xf32>
    %reduce_sum3A_77 = arith.constant dense<0.000000e+00> : vector<640xf32>
    %reduce_sum3A_78 = vector.multi_reduction <add>, %select_n3A_76, %reduce_sum3A_77 [1] : vector<640x128xf32> to vector<640xf32>
    %broadcast_in_dim3A_79 = vector.shape_cast %reduce_sum3A_78 : vector<640xf32> to vector<640x1xf32>
    %div3A_80 = vector.broadcast %broadcast_in_dim3A_79 : vector<640x1xf32> to vector<640x128xf32>
    %div3A_81 = arith.divf %select_n3A_76, %div3A_80 : vector<640x128xf32>
    %jit3A_82 = arith.constant 0.000000e+00 : f32
    %broadcast_in_dim3A_83 = vector.shape_cast %lt3A_37 : vector<640x1xi1> to vector<640x1xi1>
    %broadcast_in_dim3A_84 = vector.broadcast %broadcast_in_dim3A_83 : vector<640x1xi1> to vector<640x128xi1>
    %broadcast_in_dim3A_85 = vector.broadcast %jit3A_82 : f32 to vector<640x128xf32>
    %select_n3A_86 = arith.select %broadcast_in_dim3A_84, %div3A_81, %broadcast_in_dim3A_85 : vector<640x128xi1>, vector<640x128xf32>
    %get3A_87 = arith.constant 0 : index
    %get3A_88 = arith.constant 0 : index
    %get3A_89 = vector.load %arg10[%get3A_87, %get3A_88] : memref<256x128xf32, #tpu.memory_space<vmem>>, vector<256x128xf32>
    %dot_general3A_90 = arith.constant dense<0.000000e+00> : vector<640x128xf32>
    %dot_general3A_91 = tpu.matmul %select_n3A, %get3A_89, %dot_general3A_90 {dimension_numbers = #tpu.dot_dimension_numbers<[1], [0], [0], [1], [0, 0, 1, 1], [], []>, transpose_lhs_hint = false} : vector<640x256xf32>, vector<256x128xf32>, vector<640x128xf32> -> vector<640x128xf32>
    %get3A_92 = arith.constant 0 : index
    %get3A_93 = arith.constant 0 : index
    %get3A_94 = vector.load %arg11[%get3A_92, %get3A_93] : memref<1x128xf32, #tpu.memory_space<vmem>>, vector<1x128xf32>
    %add3A_95 = vector.broadcast %get3A_94 : vector<1x128xf32> to vector<640x128xf32>
    %add3A_96 = arith.addf %dot_general3A_91, %add3A_95 : vector<640x128xf32>
    %max3A_97 = arith.constant 0.000000e+00 : f32
    %max3A_98 = vector.broadcast %max3A_97 : f32 to vector<640x128xf32>
    %max3A_99 = arith.maximumf %add3A_96, %max3A_98 : vector<640x128xf32>
    %get3A_100 = arith.constant 0 : index
    %get3A_101 = arith.constant 0 : index
    %get3A_102 = vector.load %arg12[%get3A_100, %get3A_101] : memref<128x128xf32, #tpu.memory_space<vmem>>, vector<128x128xf32>
    %dot_general3A_103 = arith.constant dense<0.000000e+00> : vector<640x128xf32>
    %dot_general3A_104 = tpu.matmul %max3A_99, %get3A_102, %dot_general3A_103 {dimension_numbers = #tpu.dot_dimension_numbers<[1], [0], [0], [1], [0, 0, 1, 1], [], []>, transpose_lhs_hint = false} : vector<640x128xf32>, vector<128x128xf32>, vector<640x128xf32> -> vector<640x128xf32>
    %get3A_105 = arith.constant 0 : index
    %get3A_106 = arith.constant 0 : index
    %get3A_107 = vector.load %arg13[%get3A_105, %get3A_106] : memref<1x128xf32, #tpu.memory_space<vmem>>, vector<1x128xf32>
    %add3A_108 = vector.broadcast %get3A_107 : vector<1x128xf32> to vector<640x128xf32>
    %add3A_109 = arith.addf %dot_general3A_104, %add3A_108 : vector<640x128xf32>
    %jit3A_110 = arith.constant 0.000000e+00 : f32
    %broadcast_in_dim3A_111 = vector.shape_cast %lt3A_37 : vector<640x1xi1> to vector<640x1xi1>
    %broadcast_in_dim3A_112 = vector.broadcast %broadcast_in_dim3A_111 : vector<640x1xi1> to vector<640x128xi1>
    %broadcast_in_dim3A_113 = vector.broadcast %jit3A_110 : f32 to vector<640x128xf32>
    %select_n3A_114 = arith.select %broadcast_in_dim3A_112, %add3A_109, %broadcast_in_dim3A_113 : vector<640x128xi1>, vector<640x128xf32>
    %reduce_sum3A_115 = arith.constant dense<0.000000e+00> : vector<128xf32>
    %reduce_sum3A_116 = vector.multi_reduction <add>, %select_n3A_114, %reduce_sum3A_115 [0] : vector<640x128xf32> to vector<128xf32>
    %broadcast_in_dim3A_117 = vector.shape_cast %reduce_sum3A_116 : vector<128xf32> to vector<1x128xf32>
    %dot_general3A_118 = arith.constant dense<0.000000e+00> : vector<640x640xf32>
    %dot_general3A_119 = tpu.matmul %select_n3A_86, %select_n3A_86, %dot_general3A_118 {dimension_numbers = #tpu.dot_dimension_numbers<[1], [1], [0], [0], [0, 0, 1, 0], [], []>, transpose_lhs_hint = false} : vector<640x128xf32>, vector<640x128xf32>, vector<640x640xf32> -> vector<640x640xf32>
    %get3A_120 = arith.constant 0 : index
    %get3A_121 = arith.constant 0 : index
    %get3A_122 = arith.constant 0 : index
    %get3A_123 = vector.load %arg5[%get3A_120, %get3A_121, %get3A_122] : memref<1x640x640xf32, #tpu.memory_space<vmem>>, vector<1x640x640xf32>
    %get3A_124 = vector.shape_cast %get3A_123 : vector<1x640x640xf32> to vector<640x640xf32>
    %iota3A_125 = tpu.iota {dimensions = array<i32: 0>} : vector<640x640xi32>
    %iota3A_126 = tpu.iota {dimensions = array<i32: 1>} : vector<640x640xi32>
    %eq3A = arith.cmpi eq, %iota3A_125, %iota3A_126 : vector<640x640xi32>
    %lt3A_127 = arith.constant 625 : i32
    %lt3A_128 = vector.broadcast %lt3A_127 : i32 to vector<640x640xi32>
    %lt3A_129 = arith.cmpi slt, %iota3A_125, %lt3A_128 : vector<640x640xi32>
    %and3A = arith.andi %eq3A, %lt3A_129 : vector<640x640xi1>
    %jit3A_130 = arith.constant 1.000000e+00 : f32
    %jit3A_131 = arith.constant 0.000000e+00 : f32
    %broadcast_in_dim3A_132 = vector.broadcast %jit3A_130 : f32 to vector<640x640xf32>
    %broadcast_in_dim3A_133 = vector.broadcast %jit3A_131 : f32 to vector<640x640xf32>
    %select_n3A_134 = arith.select %and3A, %broadcast_in_dim3A_132, %broadcast_in_dim3A_133 : vector<640x640xi1>, vector<640x640xf32>
    %sub3A_135 = arith.subf %get3A_124, %select_n3A_134 : vector<640x640xf32>
    %sub3A_136 = arith.subf %sub3A_135, %dot_general3A_119 : vector<640x640xf32>
    %mul3A_137 = arith.mulf %sub3A_136, %sub3A_136 : vector<640x640xf32>
    %reduce_sum3A_138 = arith.constant dense<0.000000e+00> : vector<640xf32>
    %reduce_sum3A_139 = vector.multi_reduction <add>, %mul3A_137, %reduce_sum3A_138 [0] : vector<640x640xf32> to vector<640xf32>
    %broadcast_in_dim3A_140 = vector.shape_cast %reduce_sum3A_139 : vector<640xf32> to vector<1x640xf32>
    %reduce_sum3A_141 = arith.constant dense<0.000000e+00> : vector<1xf32>
    %reduce_sum3A_142 = vector.multi_reduction <add>, %broadcast_in_dim3A_140, %reduce_sum3A_141 [1] : vector<1x640xf32> to vector<1xf32>
    %broadcast_in_dim3A_143 = vector.shape_cast %reduce_sum3A_142 : vector<1xf32> to vector<1x1xf32>
    %neg3A = arith.constant 0.000000e+00 : f32
    %neg3A_144 = vector.broadcast %neg3A : f32 to vector<640x128xf32>
    %neg3A_145 = arith.subf %neg3A_144, %select_n3A_86 : vector<640x128xf32>
    %add3A_146 = arith.constant 1.000000e-15 : f32
    %add3A_147 = vector.broadcast %add3A_146 : f32 to vector<640x128xf32>
    %add3A_148 = arith.addf %select_n3A_86, %add3A_147 : vector<640x128xf32>
    %log3A = math.log %add3A_148 : vector<640x128xf32>
    %mul3A_149 = arith.mulf %neg3A_145, %log3A : vector<640x128xf32>
    %reduce_sum3A_150 = arith.constant dense<0.000000e+00> : vector<128xf32>
    %reduce_sum3A_151 = vector.multi_reduction <add>, %mul3A_149, %reduce_sum3A_150 [0] : vector<640x128xf32> to vector<128xf32>
    %broadcast_in_dim3A_152 = vector.shape_cast %reduce_sum3A_151 : vector<128xf32> to vector<1x128xf32>
    %reduce_sum3A_153 = arith.constant dense<0.000000e+00> : vector<1xf32>
    %reduce_sum3A_154 = vector.multi_reduction <add>, %broadcast_in_dim3A_152, %reduce_sum3A_153 [1] : vector<1x128xf32> to vector<1xf32>
    %broadcast_in_dim3A_155 = vector.shape_cast %reduce_sum3A_154 : vector<1xf32> to vector<1x1xf32>
    %broadcast_in_dim3A_156 = arith.constant 0.000000e+00 : f32
    %broadcast_in_dim3A_157 = vector.broadcast %broadcast_in_dim3A_156 : f32 to vector<1x127xf32>
    %swap3A = arith.constant 0 : index
    %swap3A_158 = arith.constant 0 : index
    %swap3A_159 = arith.constant 0 : index
    %swap3A_160 = vector.load %arg14[%swap3A, %swap3A_158, %swap3A_159] : memref<1x8x128xf32, #tpu.memory_space<vmem>>, vector<1x1x128xf32>
    %swap3A_161 = vector.shape_cast %swap3A_160 : vector<1x1x128xf32> to vector<1x128xf32>
    %swap3A_162 = vector.shape_cast %broadcast_in_dim3A_117 : vector<1x128xf32> to vector<1x1x128xf32>
    tpu.vector_store %arg14[%swap3A, %swap3A_158, %swap3A_159], %swap3A_162 {strides = array<i32>} : memref<1x8x128xf32, #tpu.memory_space<vmem>>, vector<1x1x128xf32>,
    %concatenate3A = tpu.concatenate %broadcast_in_dim3A_143, %broadcast_in_dim3A_157 in 1 : vector<1x1xf32>, vector<1x127xf32> -> vector<1x128xf32>
    %swap3A_163 = arith.constant 0 : index
    %swap3A_164 = arith.constant 1 : index
    %swap3A_165 = arith.constant 0 : index
    %swap3A_166 = vector.load %arg14[%swap3A_163, %swap3A_164, %swap3A_165] : memref<1x8x128xf32, #tpu.memory_space<vmem>>, vector<1x1x128xf32>
    %swap3A_167 = vector.shape_cast %swap3A_166 : vector<1x1x128xf32> to vector<1x128xf32>
    %swap3A_168 = vector.shape_cast %concatenate3A : vector<1x128xf32> to vector<1x1x128xf32>
    tpu.vector_store %arg14[%swap3A_163, %swap3A_164, %swap3A_165], %swap3A_168 {strides = array<i32>} : memref<1x8x128xf32, #tpu.memory_space<vmem>>, vector<1x1x128xf32>,
    %concatenate3A_169 = tpu.concatenate %broadcast_in_dim3A_155, %broadcast_in_dim3A_157 in 1 : vector<1x1xf32>, vector<1x127xf32> -> vector<1x128xf32>
    %swap3A_170 = arith.constant 0 : index
    %swap3A_171 = arith.constant 2 : index
    %swap3A_172 = arith.constant 0 : index
    %swap3A_173 = vector.load %arg14[%swap3A_170, %swap3A_171, %swap3A_172] : memref<1x8x128xf32, #tpu.memory_space<vmem>>, vector<1x1x128xf32>
    %swap3A_174 = vector.shape_cast %swap3A_173 : vector<1x1x128xf32> to vector<1x128xf32>
    %swap3A_175 = vector.shape_cast %concatenate3A_169 : vector<1x128xf32> to vector<1x1x128xf32>
    tpu.vector_store %arg14[%swap3A_170, %swap3A_171, %swap3A_172], %swap3A_175 {strides = array<i32>} : memref<1x8x128xf32, #tpu.memory_space<vmem>>, vector<1x1x128xf32>,
    %broadcast_in_dim3A_176 = arith.constant 0.000000e+00 : f32
    %broadcast_in_dim3A_177 = vector.broadcast %broadcast_in_dim3A_176 : f32 to vector<5x128xf32>
    %swap3A_178 = arith.constant 0 : index
    %swap3A_179 = arith.constant 3 : index
    %swap3A_180 = arith.constant 0 : index
    %swap3A_181 = vector.load %arg14[%swap3A_178, %swap3A_179, %swap3A_180] : memref<1x8x128xf32, #tpu.memory_space<vmem>>, vector<1x5x128xf32>
    %swap3A_182 = vector.shape_cast %swap3A_181 : vector<1x5x128xf32> to vector<5x128xf32>
    %swap3A_183 = vector.shape_cast %broadcast_in_dim3A_177 : vector<5x128xf32> to vector<1x5x128xf32>
    tpu.vector_store %arg14[%swap3A_178, %swap3A_179, %swap3A_180], %swap3A_183 {strides = array<i32>} : memref<1x8x128xf32, #tpu.memory_space<vmem>>, vector<1x5x128xf32>,
    return
  }
  func.func @transform_0(%arg0: i32) -> (i32, i32, i32) {
    %c0_i32 = arith.constant 0 : i32
    %c0_i32_0 = arith.constant 0 : i32
    %c0_i32_1 = arith.constant 0 : i32
    return %arg0, %c0_i32, %c0_i32_0 : i32, i32, i32
  }
  func.func @transform_1(%arg0: i32) -> (i32, i32, i32) {
    %c0_i32 = arith.constant 0 : i32
    %c0_i32_0 = arith.constant 0 : i32
    %c0_i32_1 = arith.constant 0 : i32
    %c0_i32_2 = arith.constant 0 : i32
    return %c0_i32, %c0_i32_0, %c0_i32_1 : i32, i32, i32
  }
  func.func @transform_2(%arg0: i32) -> (i32, i32) {
    %c0_i32 = arith.constant 0 : i32
    %c0_i32_0 = arith.constant 0 : i32
    %c0_i32_1 = arith.constant 0 : i32
    return %c0_i32, %c0_i32_0 : i32, i32
  }
  func.func @transform_3(%arg0: i32) -> (i32, i32) {
    %c0_i32 = arith.constant 0 : i32
    %c0_i32_0 = arith.constant 0 : i32
    %c0_i32_1 = arith.constant 0 : i32
    return %c0_i32, %c0_i32_0 : i32, i32
  }
  func.func @transform_4(%arg0: i32) -> (i32, i32, i32) {
    %c0_i32 = arith.constant 0 : i32
    %c0_i32_0 = arith.constant 0 : i32
    %c0_i32_1 = arith.constant 0 : i32
    return %arg0, %c0_i32, %c0_i32_0 : i32, i32, i32
  }
  func.func @transform_5(%arg0: i32) -> (i32, i32) {
    %c0_i32 = arith.constant 0 : i32
    %c0_i32_0 = arith.constant 0 : i32
    %c0_i32_1 = arith.constant 0 : i32
    return %c0_i32, %c0_i32_0 : i32, i32
  }
  func.func @transform_6(%arg0: i32) -> (i32, i32) {
    %c0_i32 = arith.constant 0 : i32
    %c0_i32_0 = arith.constant 0 : i32
    %c0_i32_1 = arith.constant 0 : i32
    return %c0_i32, %c0_i32_0 : i32, i32
  }
  func.func @transform_7(%arg0: i32) -> (i32, i32) {
    %c0_i32 = arith.constant 0 : i32
    %c0_i32_0 = arith.constant 0 : i32
    %c0_i32_1 = arith.constant 0 : i32
    return %c0_i32, %c0_i32_0 : i32, i32
  }
  func.func @transform_8(%arg0: i32) -> (i32, i32) {
    %c0_i32 = arith.constant 0 : i32
    %c0_i32_0 = arith.constant 0 : i32
    %c0_i32_1 = arith.constant 0 : i32
    return %c0_i32, %c0_i32_0 : i32, i32
  }
  func.func @transform_9(%arg0: i32) -> (i32, i32) {
    %c0_i32 = arith.constant 0 : i32
    %c0_i32_0 = arith.constant 0 : i32
    %c0_i32_1 = arith.constant 0 : i32
    return %c0_i32, %c0_i32_0 : i32, i32
  }
  func.func @transform_10(%arg0: i32) -> (i32, i32) {
    %c0_i32 = arith.constant 0 : i32
    %c0_i32_0 = arith.constant 0 : i32
    %c0_i32_1 = arith.constant 0 : i32
    return %c0_i32, %c0_i32_0 : i32, i32
  }
  func.func @transform_11(%arg0: i32) -> (i32, i32) {
    %c0_i32 = arith.constant 0 : i32
    %c0_i32_0 = arith.constant 0 : i32
    %c0_i32_1 = arith.constant 0 : i32
    return %c0_i32, %c0_i32_0 : i32, i32
  }
  func.func @transform_12(%arg0: i32) -> (i32, i32) {
    %c0_i32 = arith.constant 0 : i32
    %c0_i32_0 = arith.constant 0 : i32
    %c0_i32_1 = arith.constant 0 : i32
    return %c0_i32, %c0_i32_0 : i32, i32
  }
  func.func @transform_13(%arg0: i32) -> (i32, i32, i32) {
    %c0_i32 = arith.constant 0 : i32
    %c0_i32_0 = arith.constant 0 : i32
    %c0_i32_1 = arith.constant 0 : i32
    return %arg0, %c0_i32, %c0_i32_0 : i32, i32, i32
  }
}

module attributes {stable_mosaic.version = 14 : i64} {
  func.func @_k7_body(%arg0: i32, %arg1: memref<16x8x128xf32, #tpu.memory_space<vmem>>, %arg2: memref<128x64xf32, #tpu.memory_space<vmem>>, %arg3: memref<1x64xf32, #tpu.memory_space<vmem>>, %arg4: memref<64x10xf32, #tpu.memory_space<vmem>>, %arg5: memref<1x10xf32, #tpu.memory_space<vmem>>, %arg6: memref<16x10xf32, #tpu.memory_space<vmem>>, %arg7: memref<1x128xf32, #tpu.memory_space<vmem>>) attributes {dimension_semantics = [#tpu.dimension_semantics<arbitrary>], iteration_bounds = array<i64: 1>, scalar_prefetch = 0 : i64, scratch_operands = 0 : i64, tpu.core_type = #tpu.core_type<tc>, window_params = [{pipeline_mode = #tpu.pipeline_mode<synchronous>, transform_indices = @transform_0, window_bounds = array<i64: 16, 8, 128>}, {pipeline_mode = #tpu.pipeline_mode<synchronous>, transform_indices = @transform_1, window_bounds = array<i64: 128, 64>}, {pipeline_mode = #tpu.pipeline_mode<synchronous>, transform_indices = @transform_2, window_bounds = array<i64: 1, 64>}, {pipeline_mode = #tpu.pipeline_mode<synchronous>, transform_indices = @transform_3, window_bounds = array<i64: 64, 10>}, {pipeline_mode = #tpu.pipeline_mode<synchronous>, transform_indices = @transform_4, window_bounds = array<i64: 1, 10>}, {pipeline_mode = #tpu.pipeline_mode<synchronous>, transform_indices = @transform_5, window_bounds = array<i64: 16, 10>}, {pipeline_mode = #tpu.pipeline_mode<synchronous>, transform_indices = @transform_6, window_bounds = array<i64: 1, 128>}]} {
    %get3A = arith.constant 0 : index
    %get3A_0 = arith.constant 0 : index
    %get3A_1 = arith.constant 0 : index
    %get3A_2 = vector.load %arg1[%get3A, %get3A_0, %get3A_1] : memref<16x8x128xf32, #tpu.memory_space<vmem>>, vector<16x8x128xf32>
    %slice3A = vector.extract_strided_slice %get3A_2 {offsets = [0, 0, 0], sizes = [16, 1, 128], strides = [1, 1, 1]} : vector<16x8x128xf32> to vector<16x1x128xf32>
    %squeeze3A = vector.shape_cast %slice3A : vector<16x1x128xf32> to vector<16x128xf32>
    %get3A_3 = arith.constant 0 : index
    %get3A_4 = arith.constant 0 : index
    %get3A_5 = vector.load %arg2[%get3A_3, %get3A_4] : memref<128x64xf32, #tpu.memory_space<vmem>>, vector<128x64xf32>
    %dot_general3A = arith.constant dense<0.000000e+00> : vector<16x64xf32>
    %dot_general3A_6 = tpu.matmul %squeeze3A, %get3A_5, %dot_general3A {dimension_numbers = #tpu.dot_dimension_numbers<[1], [0], [0], [1], [0, 0, 1, 1], [], []>, transpose_lhs_hint = false} : vector<16x128xf32>, vector<128x64xf32>, vector<16x64xf32> -> vector<16x64xf32>
    %get3A_7 = arith.constant 0 : index
    %get3A_8 = arith.constant 0 : index
    %get3A_9 = vector.load %arg3[%get3A_7, %get3A_8] : memref<1x64xf32, #tpu.memory_space<vmem>>, vector<1x64xf32>
    %add3A = vector.broadcast %get3A_9 : vector<1x64xf32> to vector<16x64xf32>
    %add3A_10 = arith.addf %dot_general3A_6, %add3A : vector<16x64xf32>
    %max3A = arith.constant 0.000000e+00 : f32
    %max3A_11 = vector.broadcast %max3A : f32 to vector<16x64xf32>
    %max3A_12 = arith.maximumf %add3A_10, %max3A_11 : vector<16x64xf32>
    %get3A_13 = arith.constant 0 : index
    %get3A_14 = arith.constant 0 : index
    %get3A_15 = vector.load %arg4[%get3A_13, %get3A_14] : memref<64x10xf32, #tpu.memory_space<vmem>>, vector<64x10xf32>
    %dot_general3A_16 = arith.constant dense<0.000000e+00> : vector<16x10xf32>
    %dot_general3A_17 = tpu.matmul %max3A_12, %get3A_15, %dot_general3A_16 {dimension_numbers = #tpu.dot_dimension_numbers<[1], [0], [0], [1], [0, 0, 1, 1], [], []>, transpose_lhs_hint = false} : vector<16x64xf32>, vector<64x10xf32>, vector<16x10xf32> -> vector<16x10xf32>
    %get3A_18 = arith.constant 0 : index
    %get3A_19 = arith.constant 0 : index
    %get3A_20 = vector.load %arg5[%get3A_18, %get3A_19] : memref<1x10xf32, #tpu.memory_space<vmem>>, vector<1x10xf32>
    %add3A_21 = vector.broadcast %get3A_20 : vector<1x10xf32> to vector<16x10xf32>
    %add3A_22 = arith.addf %dot_general3A_17, %add3A_21 : vector<16x10xf32>
    %swap3A = arith.constant 0 : index
    %swap3A_23 = arith.constant 0 : index
    %swap3A_24 = vector.load %arg6[%swap3A, %swap3A_23] : memref<16x10xf32, #tpu.memory_space<vmem>>, vector<16x10xf32>
    tpu.vector_store %arg6[%swap3A, %swap3A_23], %add3A_22 {strides = array<i32>} : memref<16x10xf32, #tpu.memory_space<vmem>>, vector<16x10xf32>,
    %slice3A_25 = vector.extract_strided_slice %get3A_2 {offsets = [0, 1, 0], sizes = [16, 1, 128], strides = [1, 1, 1]} : vector<16x8x128xf32> to vector<16x1x128xf32>
    %squeeze3A_26 = vector.shape_cast %slice3A_25 : vector<16x1x128xf32> to vector<16x128xf32>
    %reduce_sum3A = vector.shape_cast %squeeze3A_26 : vector<16x128xf32> to vector<1x16x128xf32>
    %reduce_sum3A_27 = arith.constant dense<0.000000e+00> : vector<1xf32>
    %reduce_sum3A_28 = vector.multi_reduction <add>, %reduce_sum3A, %reduce_sum3A_27 [1, 2] : vector<1x16x128xf32> to vector<1xf32>
    %reduce_sum3A_29 = vector.shape_cast %reduce_sum3A_28 : vector<1xf32> to vector<1x1x1xf32>
    %reduce_sum3A_30 = vector.extract %reduce_sum3A_29[0, 0, 0] : f32 from vector<1x1x1xf32>
    %slice3A_31 = vector.extract_strided_slice %get3A_2 {offsets = [0, 2, 0], sizes = [16, 1, 128], strides = [1, 1, 1]} : vector<16x8x128xf32> to vector<16x1x128xf32>
    %squeeze3A_32 = vector.shape_cast %slice3A_31 : vector<16x1x128xf32> to vector<16x128xf32>
    %reduce_sum3A_33 = vector.shape_cast %squeeze3A_32 : vector<16x128xf32> to vector<1x16x128xf32>
    %reduce_sum3A_34 = arith.constant dense<0.000000e+00> : vector<1xf32>
    %reduce_sum3A_35 = vector.multi_reduction <add>, %reduce_sum3A_33, %reduce_sum3A_34 [1, 2] : vector<1x16x128xf32> to vector<1xf32>
    %reduce_sum3A_36 = vector.shape_cast %reduce_sum3A_35 : vector<1xf32> to vector<1x1x1xf32>
    %reduce_sum3A_37 = vector.extract %reduce_sum3A_36[0, 0, 0] : f32 from vector<1x1x1xf32>
    %sqrt3A = math.sqrt %reduce_sum3A_30 : f32
    %div3A = arith.constant 6.250000e+06 : f32
    %div3A_38 = arith.divf %sqrt3A, %div3A : f32
    %div3A_39 = arith.constant 1.000000e+04 : f32
    %div3A_40 = arith.divf %reduce_sum3A_37, %div3A_39 : f32
    %iota3A = tpu.iota {dimensions = array<i32: 1>} : vector<1x128xi32>
    %eq3A = arith.constant 0 : i32
    %eq3A_41 = vector.broadcast %eq3A : i32 to vector<1x128xi32>
    %eq3A_42 = arith.cmpi eq, %iota3A, %eq3A_41 : vector<1x128xi32>
    %eq3A_43 = arith.constant 1 : i32
    %eq3A_44 = vector.broadcast %eq3A_43 : i32 to vector<1x128xi32>
    %eq3A_45 = arith.cmpi eq, %iota3A, %eq3A_44 : vector<1x128xi32>
    %jit3A = arith.constant 0.000000e+00 : f32
    %broadcast_in_dim3A = vector.broadcast %div3A_40 : f32 to vector<1x128xf32>
    %broadcast_in_dim3A_46 = vector.broadcast %jit3A : f32 to vector<1x128xf32>
    %select_n3A = arith.select %eq3A_45, %broadcast_in_dim3A, %broadcast_in_dim3A_46 : vector<1x128xi1>, vector<1x128xf32>
    %broadcast_in_dim3A_47 = vector.broadcast %div3A_38 : f32 to vector<1x128xf32>
    %select_n3A_48 = arith.select %eq3A_42, %broadcast_in_dim3A_47, %select_n3A : vector<1x128xi1>, vector<1x128xf32>
    %swap3A_49 = arith.constant 0 : index
    %swap3A_50 = arith.constant 0 : index
    %swap3A_51 = vector.load %arg7[%swap3A_49, %swap3A_50] : memref<1x128xf32, #tpu.memory_space<vmem>>, vector<1x128xf32>
    tpu.vector_store %arg7[%swap3A_49, %swap3A_50], %select_n3A_48 {strides = array<i32>} : memref<1x128xf32, #tpu.memory_space<vmem>>, vector<1x128xf32>,
    return
  }
  func.func @transform_0(%arg0: i32) -> (i32, i32, i32) {
    %c0_i32 = arith.constant 0 : i32
    %c0_i32_0 = arith.constant 0 : i32
    %c0_i32_1 = arith.constant 0 : i32
    %c0_i32_2 = arith.constant 0 : i32
    return %c0_i32, %c0_i32_0, %c0_i32_1 : i32, i32, i32
  }
  func.func @transform_1(%arg0: i32) -> (i32, i32) {
    %c0_i32 = arith.constant 0 : i32
    %c0_i32_0 = arith.constant 0 : i32
    %c0_i32_1 = arith.constant 0 : i32
    return %c0_i32, %c0_i32_0 : i32, i32
  }
  func.func @transform_2(%arg0: i32) -> (i32, i32) {
    %c0_i32 = arith.constant 0 : i32
    %c0_i32_0 = arith.constant 0 : i32
    %c0_i32_1 = arith.constant 0 : i32
    return %c0_i32, %c0_i32_0 : i32, i32
  }
  func.func @transform_3(%arg0: i32) -> (i32, i32) {
    %c0_i32 = arith.constant 0 : i32
    %c0_i32_0 = arith.constant 0 : i32
    %c0_i32_1 = arith.constant 0 : i32
    return %c0_i32, %c0_i32_0 : i32, i32
  }
  func.func @transform_4(%arg0: i32) -> (i32, i32) {
    %c0_i32 = arith.constant 0 : i32
    %c0_i32_0 = arith.constant 0 : i32
    %c0_i32_1 = arith.constant 0 : i32
    return %c0_i32, %c0_i32_0 : i32, i32
  }
  func.func @transform_5(%arg0: i32) -> (i32, i32) {
    %c0_i32 = arith.constant 0 : i32
    %c0_i32_0 = arith.constant 0 : i32
    %c0_i32_1 = arith.constant 0 : i32
    return %c0_i32, %c0_i32_0 : i32, i32
  }
  func.func @transform_6(%arg0: i32) -> (i32, i32) {
    %c0_i32 = arith.constant 0 : i32
    %c0_i32_0 = arith.constant 0 : i32
    %c0_i32_1 = arith.constant 0 : i32
    return %c0_i32, %c0_i32_0 : i32, i32
  }
}

</mosaic_0001>

<sc_bundles>
// kernel: kernel.8.cloned.1.call-start
scs
__scs_entry_jumppad:
0x0: {  	(pc) =	sbr.rel $0x88, $3  }
0x1: {  	(tag) =	ssettag $0x0;
	lr =	simm.s32 $0x1  }
0x2: {  	[smem:$0x3F81] =	sst lr;
	_ =	strace $0xD0000000  }
0x3: {  	_ = 	snop  }
0x4: {  	_ = 	snop  }
0x5: {  	_ = 	snop  }
0x6: {  	_ = 	snop  }
0x7: {  	_ = 	snop  }
__scs_overlays_trampoline_lowered:
0x8: {  	[smem:$0x3F90] =	sst s0  }
0x9: {  	[smem:$0x3F91] =	sst s1  }
0xa: {  	[smem:$0x3F92] =	sst s2  }
0xb: {  	[smem:$0x3F93] =	sst s3  }
0xc: {  	[smem:$0x3F94] =	sst s4  }
0xd: {  	[smem:$0x3F95] =	sst s5  }
0xe: {  	[smem:$0x3F96] =	sst s6  }
0xf: {  	[smem:$0x3F97] =	sst s7  }
0x10: {  	[smem:$0x3F98] =	sst s8  }
0x11: {  	[smem:$0x3F99] =	sst s9;
	s0 =	simm.s32 @!p0 $0x0  }
0x12: {  	s1 =	sld [smem:$0x3F7F];
	s0 =	simm.s32 @p0 $0x1  }
0x13: {  	[smem:$0x3F9A] =	sst s0;
	s0 =	simm.s32 @!p1 $0x0  }
0x14: {  	s2 =	sld [smem:$0x3F7E];
	s0 =	simm.s32 @p1 $0x1  }
0x15: {  	[smem:$0x3F9B] =	sst s0;
	s0 =	simm.s32 @!p2 $0x0  }
0x16: {  	s3 =	sld [smem:$0x3FDB];
	s0 =	simm.s32 @p2 $0x1  }
0x17: {  	s4 =	simm.s32 $0x1BF5;
	[smem:$0x3F9D] =	sst s0  }
0x18: {  	s0 =	sld [smem:$0x3F80];
	_ =	swait.ge [sflag:s4], $0x0  }
0x19: {  	s7 =	sld [smem:$0x3F81]  }
0x1a: {  	s8 =	sadd.s32 $0xFFFFE003, lr  }
0x1b: {  	s9 =	sadd.s32 $0xFFFFFEF7, lr;
	s5 =	simm.s32 $0xFFFFFFFF;
	p2 =	slt.u32 s8, $0xFFFFF086  }
0x1c: {  	p1 =	slt.u32 s9, $0xF7A;
	s5 =	simm.s32 @!p2 $0x0  }
0x1d: {  	s5 =	simm.s32 @p1 $0x1;
	p0 =	seq.s32 s7, s2  }
0x1e: {  	s7 =	smul.u32 @!p0 $0xF7A, s2;
	p2 =	seq.s32 @!p0 s5, $0x0  }
0x1f: {  	s9 =	smul.u32 $0xF7A, s1;
	s8 =	simm.s32 @!p0 $0x1BF5;
	p2 =	por !p2, p0  }
0x20: {  	[sflag:s8] =	ssyncset.s32 @!p0 $0xFFFFF086;
	s6 =	sadd.s32 @!p0 s3, s7;
	s7 =	simm.s32 @!p0 $0x108  }
0x21: {  	s3 =	sadd.s32 s3, s9;
	s6 =	sadd.s32 @!p0 $0x88, s6;
	s7 =	simm.s32 @p2 $0x1082  }
0x22: {  	[simem:s7], [sflag:s8] =	dma.local @!p0 [hbm:s6], $0xF7A  }
0x23: {  	s9 =	sor.u32 $0xD0000000, s2;
	s6 =	simm.s32 $0x108;
	_ =	swait.ge @!p0 [sflag:s8], $0x0  }
0x24: {  	s3 =	sadd.s32 $0x88, s3;
	s6 =	simm.s32 @!p1 $0x1082;
	[sflag:s4] =	ssyncset.s32 $0xFFFFF086  }
0x25: {  	[simem:s6], [sflag:s4] =	dma.local [hbm:s3], $0xF7A  }
0x26: {  	[smem:$0x3F81] =	sst s1;
	(tag) =	ssettag s2;
	_ =	strace s9  }
0x27: {  	s1 =	sld [smem:$0x3F91]  }
0x28: {  	s2 =	sld [smem:$0x3F92]  }
0x29: {  	s4 =	sld [smem:$0x3F94]  }
0x2a: {  	p0 =	seq.s32 s5, $0x0;
	s5 =	sld [smem:$0x3F95]  }
0x2b: {  	s6 =	sld [smem:$0x3F96]  }
0x2c: {  	s7 =	sld [smem:$0x3F97]  }
0x2d: {  	s3 =	simm.s32 $0x108;
	s8 =	sld [smem:$0x3F98]  }
0x2e: {  	s3 =	simm.s32 @!p0 $0x1082;
	s9 =	sld [smem:$0x3F99]  }
0x2f: {  	lr =	sadd.s32 s0, s3;
	s0 =	sld [smem:$0x3F90]  }
0x30: {  	s3 =	sld [smem:$0x3F93]  }
0x31: {  	[smem:$0x3F9C] =	sst s10  }
0x32: {  	s10 =	sld [smem:$0x3F9A];
	_ =	sdelay $0x3  }
0x33: {  	p0 =	seq.s32 s10, $0x1;
	s10 =	sld [smem:$0x3F9C];
	_ =	sdelay $0x3  }
0x34: {  	[smem:$0x3F9C] =	sst s10  }
0x35: {  	s10 =	sld [smem:$0x3F9B];
	_ =	sdelay $0x3  }
0x36: {  	p1 =	seq.s32 s10, $0x1;
	s10 =	sld [smem:$0x3F9C];
	_ =	sdelay $0x3  }
0x37: {  	[smem:$0x3F9C] =	sst s10  }
0x38: {  	s10 =	sld [smem:$0x3F9D]  }
0x39: {  	_ = 	snop;
	(pc) =	sbr.ind lr, $3  }
0x3a: {  	_ = 	snop  }
0x3b: {  	_ = 	snop  }
0x3c: {  	p2 =	seq.s32 s10, $0x1;
	s10 =	sld [smem:$0x3F9C]  }
0x3d: {  	_ =	shalt  }
0x3e: {  	_ =	shalt  }
0x3f: {  	_ =	shalt  }
0x40: {  	_ =	shalt  }
0x41: {  	_ =	shalt  }
0x42: {  	_ =	shalt  }
0x43: {  	_ =	shalt  }
0x44: {  	_ =	shalt  }
0x45: {  	_ =	shalt  }
0x46: {  	_ =	shalt  }
0x47: {  	_ =	shalt  }
0x48: {  	_ =	shalt  }
0x49: {  	_ =	shalt  }
0x4a: {  	_ =	shalt  }
0x4b: {  	_ =	shalt  }
0x4c: {  	_ =	shalt  }
0x4d: {  	_ =	shalt  }
0x4e: {  	_ =	shalt  }
0x4f: {  	_ =	shalt  }
0x50: {  	_ =	shalt  }
0x51: {  	_ =	shalt  }
0x52: {  	_ =	shalt  }
0x53: {  	_ =	shalt  }
0x54: {  	_ =	shalt  }
0x55: {  	_ =	shalt  }
0x56: {  	_ =	shalt  }
0x57: {  	_ =	shalt  }
0x58: {  	_ =	shalt  }
0x59: {  	_ =	shalt  }
0x5a: {  	_ =	shalt  }
0x5b: {  	_ =	shalt  }
0x5c: {  	_ =	shalt  }
0x5d: {  	_ =	shalt  }
0x5e: {  	_ =	shalt  }
0x5f: {  	_ =	shalt  }
0x60: {  	_ =	shalt  }
0x61: {  	_ =	shalt  }
0x62: {  	_ =	shalt  }
0x63: {  	_ =	shalt  }
0x64: {  	_ =	shalt  }
0x65: {  	_ =	shalt  }
0x66: {  	_ =	shalt  }
0x67: {  	_ =	shalt  }
0x68: {  	_ =	shalt  }
0x69: {  	_ =	shalt  }
0x6a: {  	_ =	shalt  }
0x6b: {  	_ =	shalt  }
0x6c: {  	_ =	shalt  }
0x6d: {  	_ =	shalt  }
0x6e: {  	_ =	shalt  }
0x6f: {  	_ =	shalt  }
0x70: {  	_ =	shalt  }
0x71: {  	_ =	shalt  }
0x72: {  	_ =	shalt  }
0x73: {  	_ =	shalt  }
0x74: {  	_ =	shalt  }
0x75: {  	_ =	shalt  }
0x76: {  	_ =	shalt  }
0x77: {  	_ =	shalt  }
0x78: {  	_ =	shalt  }
0x79: {  	_ =	shalt  }
0x7a: {  	_ =	shalt  }
0x7b: {  	_ =	shalt  }
0x7c: {  	_ =	shalt  }
0x7d: {  	_ =	shalt  }
0x7e: {  	_ =	shalt  }
0x7f: {  	_ =	shalt  }
0x80: {  	_ =	shalt  }
0x81: {  	_ =	shalt  }
0x82: {  	_ =	shalt  }
0x83: {  	_ =	shalt  }
0x84: {  	_ =	shalt  }
0x85: {  	_ =	shalt  }
0x86: {  	_ =	shalt  }
0x87: {  	_ =	shalt  }
.Lfunc_end0:
.L_simem_size_0:
called_computation_lowered:
.L_overlay_start_0:
0x88: {  	s2 =	sld [smem:$0x3FD9]  }
0x89: {  	s3 =	sld [smem:$0x3FFE];
	_ =	sdelay $0x1  }
0x8a: {  	s1 =	srdreg.scid  }
0x8b: {  	s0 =	sand.u32 $0x1, s1  }
0x8c: {  	s16 =	sshll.u32 s0, $0xA;
	s2 =	sadd.s32 s3, s2  }
0x8d: {  	s2 =	sadd.s32 s2, s16  }
0x8e: {  	[smem:$0x3FA8] =	sst s2  }
0x8f: {  	_ = 	snop  }
0x90: {  	(tm) =	ssettm $0x1  }
0x91: {  	s17 =	sld [smem:$0x3FFB];
	_ =	sdelay $0x3  }
0x92: {  	_ =	strace s17  }
0x93: {  	s2 =	sld [smem:$0x3FFC];
	_ =	sdelay $0x3  }
0x94: {  	_ =	strace s2  }
0x95: {  	s2 =	sld [smem:$0x3FFD];
	_ =	sdelay $0x3  }
0x96: {  	_ =	strace s2  }
0x97: {  	_ =	strace $0x8FFFFFFF  }
0x98: {  	s18 =	sld [smem:$0x3FDB];
	_ =	sdelay $0x1  }
0x99: {  	s19 =	simm.s32 $_scs_section_size  }
0x9a: {  	s4 =	simm.s32 $_size__tile_overlayer_lowered;
	s5 =	simm.s32 $_tile_overlayer_lowered  }
0x9b: {  	s22 =	simm.s32 $0x1BFF;
	s21 =	sshll.u32 s5, $0x1;
	s2 =	sadd.s32 s19, s18  }
0x9c: {  	s6 =	simm.s32 $0x0;
	s20 =	sshll.u32 s4, $0x1;
	s4 =	sadd.s32 s21, s2  }
0x9d: {  	[timem:s6], [sflag:s22] =	dma.local [hbm:s4], s20  }
0x9e: {  	_ =	swait.ge [sflag:s22], s20  }
0x9f: {  	s3 =	ssub.s32 $0x0, s20;
	[sflag:s22] =	ssyncset.done $0x0  }
0xa0: {  	[sflag:s22] =	ssyncadd.s32 s3;
	_ =	sdelay $0x1  }
0xa1: {  	s23 =	simm.s32 $0x1B8B  }
0xa2: {  	_ =	swait.ge [sflag:s23], $0x1  }
0xa3: {  	[sflag:s23] =	ssyncset.done $0x0  }
0xa4: {  	s25 =	simm.s32 $0x1B8E;
	s24 =	sld [smem:$0x3FFE];
	[sflag:s23] =	ssyncadd.s32 $0xFFFFFFFF  }
0xa5: {  	s26 =	simm.s32 $execute0_lowered;
	[smem:$0x3FD2] =	sst s25  }
0xa6: {  	s4 =	sshll.u32 s26, $0x1;
	_ =	strace $0x80000046;
	[dreg:$0x1] =	wrdreg $0xFFFFFFFF  }
0xa7: {  	s28 =	simm.s32 $_size_execute0_lowered;
	s2 =	sadd.s32 s2, s4;
	[dreg:$0x0] =	wrdreg $0x0  }
0xa8: {  	s4 =	sshll.u32 s28, $0x1;
	[dreg:$0x2] =	wrdreg s2  }
0xa9: {  	[dreg:$0x3] =	wrdreg s4  }
0xaa: {  	[dreg:$0x4] =	wrdreg $0xC0  }
0xab: {  	_ =	task [dreg:s6], $0x5FFFF  }
0xac: {  	[dreg:$0x1] =	wrdreg $0xFFFFFFFF  }
0xad: {  	[dreg:$0x0] =	wrdreg $0x60  }
0xae: {  	[dreg:$0x2] =	wrdreg s24  }
0xaf: {  	[dreg:$0x3] =	wrdreg $0x93000  }
0xb0: {  	[dreg:$0x4] =	wrdreg $0x9  }
0xb1: {  	_ =	task.clear_ibuf [dreg:s6], $0x5FFFF;
	_ =	strace $0x90000046  }
0xb2: {  	s29 =	simm.s32 $0x9;
	_ =	strace $0x80000048  }
0xb3: {  	_ =	swait.ge [sflag:s29], $0x1  }
0xb4: {  	[sflag:s29] =	ssyncadd.s32 $0xFFFFFFFF  }
0xb5: {  	_ =	strace $0x90000048  }
0xb6: {  	_ =	sfence  }
0xb7: {  	s30 =	sld [smem:$0x0];
	_ =	sdelay $0x2  }
0xb8: {  	s31 =	sshll.u32 s1, $0xD;
	s1 =	sshrl.u32 s1, $0x2  }
0xb9: {  	s3 =	sand.u32 $0x4000, s31;
	s1 =	sadd.s32 s1, s30  }
0xba: {  	s0 =	sor.u32 s3, s0;
	s1 =	sshll.u32 s1, $0x11  }
0xbb: {  	s0 =	sor.u32 s1, s0  }
0xbc: {  	s0 =	sadd.s32 $0x8F2B, s0  }
0xbd: {  	[sflag:s0] =	ssyncadd.remote.s32 $0x1  }
0xbe: {  	_ =	sfence.sel $0xFFFF  }
0xbf: {  	[dreg:$0x0] =	wrdreg $0xFFFFFFFF;
	(pc) =	sbr.abs _section_cstart, $3  }
0xc0: {  	[dreg:$0x1] =	wrdreg $0xFFFFFFFF  }
0xc1: {  	_ =	task.clear_ibuf [dreg:s6], $0x2FFFF;
	_ =	strace $0x9FFFFFFF  }
0xc2: {  	(tm) =	ssettm $0x7FFFFFFF  }
0xc3: {  	_ =	shalt  }
tec
execute0_lowered:
.L_overlay_start_1:
0x0: {  	(tag) =	ssettag $0x1  }
0x1: {  	v0 =	vlaneseq.u32;
	vm3 =	vmmov $0xff  }
0x2: {  	s0 =	stileid.u32;
	v17 =	vimm.f32 $1.000000000e+00;
	v2 =	vmul.u32 $0x281, v0;
	v3 =	vor.u32 $0x20, v0  }
0x3: {  	s1 =	smul.u32 $0x28, s0;
	v9 =	vor.u32 $0xC8010, v0;
	v11 =	vor.u32 $0xC80A0, v0;
	v23 =	vor.u32 $0xC8070, v0  }
0x4: {  	v24 =	vor.u32 $0xC80B0, v0;
	v25 =	vor.u32 $0xC80C0, v0;
	v26 =	vor.u32 $0xC80D0, v0  }
0x5: {  	v27 =	vor.u32 $0xC80E0, v0;
	v28 =	vor.u32 $0xC80F0, v0;
	v1 =	vmov s1  }
0x6: {  	s2 =	srdreg.scid;
	s4 =	rddreg [dreg:$0x0];
	s3 =	simm.s32 $0x0;
	v7 =	vadd.s32 $0x5020, v2;
	v5 =	vmul.u32 $0x281, v1;
	v1 =	vadd.s32 s1, v0  }
0x7: {  	s20 =	simm.s32 $0x1;
	s22 =	simm.s32 $0x7980;
	s23 =	simm.s32 $0x80;
	v4 =	vadd.s32 $0x2810, v2;
	vm0 =	vlt.u32 v1, $0x271;
	v1 =	vor.u32 $0x10, v0  }
0x8: {  	s5 =	sand.u32 $0x1, s2;
	s8 =	smul.u32 $0xC800, s0;
	s2 =	rddreg [dreg:$0x1];
	v6 =	vadd.s32 v2, v5;
	v2 =	vor.u32 $0xC8000, v0;
	v8 =	vadd.s32 s1, v1  }
0x9: {  	s24 =	simm.s32 $0x7900;
	[smem:$0x7FF] =	sst s3;
	s25 =	smul.u32 $0x4E2, s0;
	vm1 =	vlt.u32 v8, $0x271;
	v8 =	vadd.s32 v4, v5;
	v4 =	vadd.s32 s1, v3  }
0xa: {  	s29 =	smul.u32 $0x32200, s0;
	s7 =	ssub.s32 $0x2, s5;
	s28 =	sshll.u32 s5, $0x1;
	v7 =	vadd.s32 v7, v5;
	v2 =	vsel vm0, v6, v2;
	vm2 =	vlt.u32 v4, $0x271  }
0xb: {  	s6 =	smul.u32 $0xC8000, s5;
	s26 =	sshrl.u32 s7, $0x1;
	s9 =	sor.u32 $0x4, s28;
	v5 =	vor.u32 $0xC8020, v0;
	[tilespmem:$0x1FF60] =	vst v2;
	v2 =	vsel vm1, v8, v9;
	vm2 =	vmand vm2, vm3  }
0xc: {  	s10 =	sor.u32 $0x8, s28;
	s30 =	sshrl.u32 s29, $0x2;
	s31 =	sor.u32 $0xC, s28;
	v6 =	vadd.s32 $0x64000, v6;
	v9 =	vor.u32 $0xC8080, v0;
	[tilespmem:$0x1FF70] =	vst v2;
	v2 =	vsel vm2, v7, v5  }
0xd: {  	s6 =	sadd.s32 s8, s6;
	s12 =	ssub.s32 s7, s26;
	v8 =	vadd.s32 $0x64000, v8;
	_ =	strace $0x80000047;
	[tilespmem:$0x1FF80] =	vst v2;
	v2 =	vsel vm0, v6, v9;
	v9 =	vor.u32 $0xC8090, v0  }
0xe: {  	v29 =	vor.u32 $0x30, v0;
	s8 =	sadd.s32 s8, s2;
	s26 =	simm.s32 $0x7880;
	s6 =	sshrl.u32 s6, $0x3;
	v10 =	vadd.s32 $0x64000, v7;
	[tilespmem:$0x1FF90] =	vst v2;
	v2 =	vsel vm1, v8, v9  }
0xf: {  	v30 =	vor.u32 $0x40, v0;
	v31 =	vor.u32 $0x50, v0;
	s12 =	smax.u32 s12, $0x1;
	s11 =	sadd.s32 s6, s4;
	s6 =	sadd.s32 s30, s2;
	[tilespmem:$0x1FFA0] =	vst v2;
	v2 =	vsel vm2, v10, v11  }
0x10: {  	v32 =	vor.u32 $0x60, v0;
	v12 =	vmov s10;
	s1 =	sadd.s32 s25, s4;
	s7 =	sadd.s32 $0xE800, s11;
	s10 =	sadd.s32 $0x72800, s11;
	[tilespmem:$0x1FFB0] =	vst v2;
	v2 =	vor.u32 $0xC8030, v0  }
0x11: {  	v18 =	vimm.f32 $0.0e+00;
	v33 =	vor.u32 $0x70, v0;
	s13 =	sadd.s32 $0x1910, s6;
	s14 =	sadd.s32 $0x3220, s6;
	s15 =	sadd.s32 $0x4B30, s6;
	[tilespmem:$0x1FFC0] =	vst v2;
	v2 =	vor.u32 $0xC8040, v0  }
0x12: {  	v15 =	vmov s31;
	v14 =	vadd.s32 $0x2, v12;
	s16 =	sadd.s32 $0x6440, s6;
	s17 =	sadd.s32 $0x7D50, s6;
	s18 =	sadd.s32 $0x9660, s6;
	[tilespmem:$0x1FFD0] =	vst v2;
	v2 =	vor.u32 $0xC8050, v0  }
0x13: {  	s19 =	sadd.s32 $0xAF70, s6;
	s25 =	simm.s32 $0x7800;
	s4 =	sadd.s32 $0x9800, s1;
	v9 =	vmov s28;
	v11 =	vmov s9;
	[tilespmem:$0x1FFE0] =	vst v2;
	v2 =	vor.u32 $0xC8060, v0  }
0x14: {  	v16 =	vadd.s32 $0x2, v15;
	s5 =	sadd.s32 $0x4800, s1;
	v10 =	vadd.s32 $0x2, v9;
	s9 =	sadd.s32 $0x40800, s11;
	s11 =	sadd.s32 $0xA4800, s11;
	v13 =	vadd.s32 $0x2, v11;
	[tilespmem:$0x1FFF0] =	vst v2  }
.LBB2_1:
0x15: {  	[tilespmem:$0x7900] =	vst v17  }
0x16: {  	[tilespmem:$0x7910] =	vst v17  }
0x17: {  	[tilespmem:$0x7920] =	vst v17  }
0x18: {  	[tilespmem:$0x7930] =	vst v17  }
0x19: {  	[tilespmem:$0x7940] =	vst v17  }
0x1a: {  	[tilespmem:$0x7950] =	vst v17  }
0x1b: {  	[tilespmem:$0x7960] =	vst v17  }
0x1c: {  	[tilespmem:$0x7970] =	vst v17;
	s1 =	simm.s32 $0x40;
	s21 =	simm.s32 $0x0  }
.LBB2_2:
0x1d: {  	p0 =	sne.s32 s1, $0x6400;
	[tilespmem:s21+$0x7980] =	vst v18;
	s21 =	smov.u32 s1;
	s1 =	sadd.s32 $0x40, s1  }
.Ltmp0:
0x1e: {  	(pc) =	sbr.rel @p0 .LBB2_2-.Ltmp0, $2  }
0x1f: {  	_ =	sdelay $0x2  }
0x20: {  	s21 =	sshra.s32 s21, $0x2  }
0x21: {  	v2 =	vld [tilespmem:$0x1FF60];
	_ =	sdelay $0x3  }
0x22: {  	[tilespmem:s21+$0x7980] =	vst v18  }
0x23: {  	[tilespmem:$0x7800] =	vst v2;
	v2 =	vld [tilespmem:$0x1FF70];
	_ =	sdelay $0x4  }
0x24: {  	[tilespmem:$0x7810] =	vst v2;
	v2 =	vld [tilespmem:$0x1FF80];
	_ =	sdelay $0x4  }
0x25: {  	[tilespmem:$0x7820] =	vst v2;
	v2 =	vld [tilespmem:$0x1FFC0];
	_ =	sdelay $0x4  }
0x26: {  	[tilespmem:$0x7830] =	vst v2;
	v2 =	vld [tilespmem:$0x1FFD0];
	_ =	sdelay $0x4  }
0x27: {  	[tilespmem:$0x7840] =	vst v2;
	v2 =	vld [tilespmem:$0x1FFE0];
	_ =	sdelay $0x4  }
0x28: {  	[tilespmem:$0x7850] =	vst v2;
	v2 =	vld [tilespmem:$0x1FFF0];
	_ =	sdelay $0x4  }
0x29: {  	[tilespmem:$0x7860] =	vst v2;
	v2 =	vld [tilespmem:$0x1FF90];
	_ =	sdelay $0x4  }
0x2a: {  	[tilespmem:$0x7880] =	vst v2;
	v2 =	vld [tilespmem:$0x1FFA0];
	_ =	sdelay $0x2  }
0x2b: {  	[tilespmem:$0x7870] =	vst v23  }
0x2c: {  	[tilespmem:$0x78B0] =	vst v24  }
0x2d: {  	[tilespmem:$0x7890] =	vst v2;
	v2 =	vld [tilespmem:$0x1FFB0]  }
0x2e: {  	[tilespmem:$0x78C0] =	vst v25  }
0x2f: {  	[tilespmem:$0x78D0] =	vst v26  }
0x30: {  	[tilespmem:$0x78E0] =	vst v27  }
0x31: {  	[tilespmem:$0x78F0] =	vst v28  }
0x32: {  	s1 =	simm.s32 $0x0;
	[tilespmem:$0x78A0] =	vst v2  }
0x33: {  	[tilespmem:s1], [sflag:$0x1] =	stream.linear.gather [hbm4b:s4+s1], $0x2710, $0x38;
	[tilespmem:$0x15B80] =	vst v63  }
0x34: {  	_ =	swait.ge [sflag:s20], $0x2710  }
0x35: {  	[sflag:s20] =	ssyncset.done $0x0  }
0x36: {  	s31 =	simm.s32 $0x2800;
	[sflag:s20] =	ssyncadd.s32 $0xFFFFD8F0  }
0x37: {  	[tilespmem:s31], [sflag:$0x1] =	stream.linear.gather [hbm4b:s5+s1], $0x2710, $0x38;
	[tilespmem:$0x15B80] =	vst v63  }
0x38: {  	_ =	swait.ge [sflag:s20], $0x2710  }
0x39: {  	[sflag:s20] =	ssyncset.done $0x0  }
0x3a: {  	[sflag:s20] =	ssyncadd.s32 $0xFFFFD8F0  }
0x3b: {  	[spmem:s6] =	stream.linear.scatter [tilespmem:s22], [sflag:$0x1], $0x1910, $0x38;
	[tilespmem:$0x15B80] =	vst v63  }
0x3c: {  	_ =	swait.ge [sflag:s20], $0x1910  }
0x3d: {  	[sflag:s20] =	ssyncset.done $0x0  }
0x3e: {  	[sflag:s20] =	ssyncadd.s32 $0xFFFFE6F0  }
0x3f: {  	[spmem:s13] =	stream.linear.scatter [tilespmem:s22], [sflag:$0x1], $0x1910, $0x38;
	[tilespmem:$0x15B80] =	vst v63  }
0x40: {  	_ =	swait.ge [sflag:s20], $0x1910  }
0x41: {  	[sflag:s20] =	ssyncset.done $0x0  }
0x42: {  	[sflag:s20] =	ssyncadd.s32 $0xFFFFE6F0  }
0x43: {  	[spmem:s14] =	stream.linear.scatter [tilespmem:s22], [sflag:$0x1], $0x1910, $0x38;
	[tilespmem:$0x15B80] =	vst v63  }
0x44: {  	_ =	swait.ge [sflag:s20], $0x1910  }
0x45: {  	[sflag:s20] =	ssyncset.done $0x0  }
0x46: {  	[sflag:s20] =	ssyncadd.s32 $0xFFFFE6F0  }
0x47: {  	[spmem:s15] =	stream.linear.scatter [tilespmem:s22], [sflag:$0x1], $0x1910, $0x38;
	[tilespmem:$0x15B80] =	vst v63  }
0x48: {  	_ =	swait.ge [sflag:s20], $0x1910  }
0x49: {  	[sflag:s20] =	ssyncset.done $0x0  }
0x4a: {  	[sflag:s20] =	ssyncadd.s32 $0xFFFFE6F0  }
0x4b: {  	[spmem:s16] =	stream.linear.scatter [tilespmem:s22], [sflag:$0x1], $0x1910, $0x38;
	[tilespmem:$0x15B80] =	vst v63  }
0x4c: {  	_ =	swait.ge [sflag:s20], $0x1910  }
0x4d: {  	[sflag:s20] =	ssyncset.done $0x0  }
0x4e: {  	[sflag:s20] =	ssyncadd.s32 $0xFFFFE6F0  }
0x4f: {  	[spmem:s17] =	stream.linear.scatter [tilespmem:s22], [sflag:$0x1], $0x1910, $0x38;
	[tilespmem:$0x15B80] =	vst v63  }
0x50: {  	_ =	swait.ge [sflag:s20], $0x1910  }
0x51: {  	[sflag:s20] =	ssyncset.done $0x0  }
0x52: {  	[sflag:s20] =	ssyncadd.s32 $0xFFFFE6F0  }
0x53: {  	[spmem:s18] =	stream.linear.scatter [tilespmem:s22], [sflag:$0x1], $0x1910, $0x38;
	[tilespmem:$0x15B80] =	vst v63  }
0x54: {  	_ =	swait.ge [sflag:s20], $0x1910  }
0x55: {  	[sflag:s20] =	ssyncset.done $0x0  }
0x56: {  	[sflag:s20] =	ssyncadd.s32 $0xFFFFE6F0  }
0x57: {  	[spmem:s19] =	stream.linear.scatter [tilespmem:s22], [sflag:$0x1], $0x1910, $0x38;
	[tilespmem:$0x15B80] =	vst v63  }
0x58: {  	_ =	swait.ge [sflag:s20], $0x1910  }
0x59: {  	[sflag:s20] =	ssyncset.done $0x0  }
0x5a: {  	[sflag:s20] =	ssyncadd.s32 $0xFFFFE6F0  }
0x5b: {  	s28 =	simm.s32 $0x0;
	[bflag:$0x0] =	sbarrier.arrive $0xFFFF  }
0x5c: {  	v35 =	vld [tilespmem:s28+$0x70]  }
0x5d: {  	v36 =	vld [tilespmem:s28+$0x0]  }
0x5e: {  	v37 =	vld [tilespmem:s28+$0x10]  }
0x5f: {  	v38 =	vld [tilespmem:s28+$0x20]  }
0x60: {  	v39 =	vld [tilespmem:s28+$0x30]  }
0x61: {  	v44 =	vld [tilespmem:s28+$0x40]  }
0x62: {  	v34 =	vimm.s32 $0x0;
	v48 =	vld [tilespmem:s28+$0x50]  }
0x63: {  	v47 =	vor.u32 v33, v34;
	v51 =	vld [tilespmem:s28+$0x60]  }
0x64: {  	v56 =	vand.u32 $0x7FF, v47  }
0x65: {  	vm0 =	vlt.s32 v47, $0x2710;
	v57 =	vor.u32 $0xC8000, v56  }
0x66: {  	v40 =	vmul.u32 $0x1A37, v35;
	v42 =	vmul.u32 $0x1A37, v36;
	v43 =	vmul.u32 $0x1A37, v37  }
0x67: {  	v45 =	vmul.u32 $0x1A37, v38;
	v49 =	vmul.u32 $0x1A37, v39;
	v58 =	vmul.u32 $0x1A37, v44  }
0x68: {  	v59 =	vmul.u32 $0x1A37, v48;
	v60 =	vmul.u32 $0x1A37, v51;
	v40 =	vshrl.u32 v40, $0x16  }
0x69: {  	v46 =	vmul.u32 $0x271, v40;
	v50 =	vsub.s32 v40, v9;
	vm1 =	vge.u32 v40, v9  }
0x6a: {  	v41 =	vld [tilespmem:s28+$0x2870];
	vm2 =	vlt.u32 v40, v10;
	v40 =	vshrl.u32 v43, $0x16;
	v43 =	vshrl.u32 v45, $0x16  }
0x6b: {  	v45 =	vshrl.u32 v49, $0x16;
	v50 =	vmul.u32 $0x64000, v50;
	vm1 =	vmand vm1, vm2  }
0x6c: {  	v49 =	vmul.u32 $0x271, v40;
	v52 =	vmul.u32 $0x271, v43;
	v53 =	vmul.u32 $0x271, v45  }
0x6d: {  	v62 =	vsub.s32 v45, v9;
	vm2 =	vge.u32 v40, v9;
	vm3 =	vlt.u32 v40, v10  }
0x6e: {  	v61 =	vld [tilespmem:s28+$0x2810];
	vm4 =	vge.u32 v43, v9;
	vm5 =	vlt.u32 v43, v10;
	vm6 =	vge.u32 v45, v9  }
0x6f: {  	v4 =	vld [tilespmem:s28+$0x2820];
	vm7 =	vlt.u32 v45, v10;
	v35 =	vsub.s32 v35, v46;
	v41 =	vsub.s32 v41, v46  }
0x70: {  	v6 =	vld [tilespmem:s28+$0x2830];
	vm0 =	vmand vm0, vm1;
	v46 =	vshrl.u32 v59, $0x16;
	v59 =	vsub.s32 v40, v9  }
0x71: {  	v62 =	vmul.u32 $0x64000, v62;
	vm15 =	vmand vm2, vm3;
	vm2 =	vmand vm6, vm7  }
0x72: {  	v35 =	vmul.u32 $0x280, v35;
	v55 =	vadd.s32 v50, v41;
	v41 =	vshrl.u32 v58, $0x16  }
0x73: {  	v2 =	vsub.s32 v46, v9;
	v37 =	vsub.s32 v37, v49;
	v38 =	vsub.s32 v38, v52  }
0x74: {  	v39 =	vsub.s32 v39, v53;
	v59 =	vmul.u32 $0x64000, v59;
	v61 =	vsub.s32 v61, v49  }
0x75: {  	v4 =	vsub.s32 v4, v52;
	v6 =	vsub.s32 v6, v53;
	vm10 =	vge.u32 v46, v9  }
0x76: {  	vm11 =	vlt.u32 v46, v10;
	v52 =	vor.u32 v0, v34;
	v53 =	vor.u32 v1, v34  }
0x77: {  	v54 =	vmul.u32 $0x271, v41;
	v63 =	vsub.s32 v41, v9;
	v2 =	vmul.u32 $0x64000, v2  }
0x78: {  	v20 =	vmul.u32 $0x280, v37;
	v38 =	vmul.u32 $0x280, v38;
	v39 =	vmul.u32 $0x280, v39  }
0x79: {  	v7 =	vld [tilespmem:s28+$0x2840];
	vm8 =	vge.u32 v41, v9;
	vm9 =	vlt.u32 v41, v10;
	v6 =	vadd.s32 v62, v6  }
0x7a: {  	v37 =	vand.u32 $0x78F, v52;
	v35 =	vadd.s32 v35, v55;
	v55 =	vmul.u32 $0x271, v46  }
0x7b: {  	v63 =	vmul.u32 $0x64000, v63;
	v59 =	vadd.s32 v59, v61;
	v61 =	vor.u32 v32, v34  }
0x7c: {  	vm3 =	vmand vm8, vm9;
	v50 =	vsel vm0, v35, v57;
	v35 =	vshrl.u32 v42, $0x16  }
0x7d: {  	v8 =	vld [tilespmem:s28+$0x2850];
	v42 =	vshrl.u32 v60, $0x16;
	v60 =	vsub.s32 v43, v9;
	v44 =	vsub.s32 v44, v54  }
0x7e: {  	v7 =	vsub.s32 v7, v54;
	v54 =	vor.u32 v3, v34;
	vm9 =	vlt.s32 v61, $0x2710  }
0x7f: {  	v46 =	vadd.s32 v20, v59;
	v47 =	vmul.u32 $0x271, v35;
	v56 =	vmul.u32 $0x271, v42  }
0x80: {  	v58 =	vsub.s32 v35, v9;
	v5 =	vsub.s32 v42, v9;
	v48 =	vsub.s32 v48, v55  }
0x81: {  	v60 =	vmul.u32 $0x64000, v60;
	v21 =	vmul.u32 $0x280, v44;
	vm0 =	vge.u32 v35, v9  }
0x82: {  	v57 =	vld [tilespmem:s28+$0x2800];
	v8 =	vsub.s32 v8, v55;
	vm1 =	vlt.u32 v35, v10;
	vm12 =	vge.u32 v42, v9  }
0x83: {  	vm13 =	vlt.u32 v42, v10;
	v55 =	vor.u32 v29, v34;
	v7 =	vadd.s32 v63, v7  }
0x84: {  	v40 =	vand.u32 $0x7AF, v54;
	v58 =	vmul.u32 $0x64000, v58;
	v5 =	vmul.u32 $0x64000, v5  }
0x85: {  	v22 =	vmul.u32 $0x280, v48;
	v2 =	vadd.s32 v2, v8;
	vm14 =	vmand vm0, vm1  }
0x86: {  	vm1 =	vmand vm4, vm5;
	vm0 =	vmand vm10, vm11;
	vm10 =	vlt.s32 v52, $0x2710  }
0x87: {  	vm4 =	vmand vm12, vm13;
	v36 =	vsub.s32 v36, v47;
	v47 =	vsub.s32 v57, v47;
	v57 =	vld [tilespmem:s28+$0x2860]  }
0x88: {  	vm11 =	vlt.s32 v53, $0x2710;
	vm5 =	vlt.s32 v54, $0x2710;
	vm6 =	vlt.s32 v55, $0x2710  }
0x89: {  	v41 =	vand.u32 $0x7BF, v55;
	v48 =	vand.u32 $0x7EF, v61;
	v51 =	vsub.s32 v51, v56  }
0x8a: {  	v4 =	vadd.s32 v60, v4;
	vm10 =	vmand vm10, vm14;
	vm11 =	vmand vm11, vm15  }
0x8b: {  	v19 =	vmul.u32 $0x280, v36;
	v49 =	vmul.u32 $0x280, v51;
	v36 =	vand.u32 $0x79F, v53  }
0x8c: {  	v35 =	vadd.s32 v22, v2;
	v51 =	vsub.s32 v57, v56;
	v56 =	vor.u32 v30, v34  }
0x8d: {  	v57 =	vadd.s32 v58, v47;
	v58 =	vor.u32 v31, v34;
	v47 =	vadd.s32 v38, v4  }
0x8e: {  	v38 =	vadd.s32 v39, v6;
	v39 =	vadd.s32 v21, v7;
	v5 =	vadd.s32 v5, v51  }
0x8f: {  	vm8 =	vlt.s32 v56, $0x2710;
	v42 =	vand.u32 $0x7CF, v56;
	vm7 =	vlt.s32 v58, $0x2710  }
0x90: {  	s29 =	simm.s32 $0x200;
	s30 =	simm.s32 $0x80;
	s1 =	simm.s32 $0x400;
	[tilespmem:s28+$0x5070] =	vst v50;
	v44 =	vand.u32 $0x7DF, v58;
	v45 =	vadd.s32 v19, v57;
	v43 =	vadd.s32 v49, v5  }
.LBB2_4:
0x91: {  	p0 =	sne.s32 s1, $0x9E00;
	v2 =	vld [tilespmem:s30+$0x70];
	vm1 =	vmand vm5, vm1;
	vm2 =	vmand vm6, vm2;
	vm3 =	vmand vm8, vm3  }
0x92: {  	v5 =	vor.u32 $0xC8000, v37;
	vm0 =	vmand vm7, vm0;
	vm4 =	vmand vm9, vm4;
	v4 =	vld [tilespmem:s30+$0x0]  }
0x93: {  	v7 =	vor.u32 $0xC8000, v36;
	v8 =	vor.u32 $0xC8000, v40;
	v19 =	vor.u32 $0xC8000, v41;
	v6 =	vld [tilespmem:s30+$0x10]  }
0x94: {  	v21 =	vor.u32 $0xC8000, v42;
	v22 =	vor.u32 $0xC8000, v44;
	v36 =	vor.u32 $0xC8000, v48;
	v20 =	vld [tilespmem:s30+$0x20]  }
0x95: {  	v5 =	vsel vm10, v45, v5;
	v7 =	vsel vm11, v46, v7;
	v8 =	vsel vm1, v47, v8;
	v37 =	vld [tilespmem:s30+$0x30]  }
0x96: {  	v40 =	vld [tilespmem:s30+$0x40];
	v41 =	vmul.u32 $0x1A37, v2;
	[tilespmem:s28+$0x5000] =	vst v5;
	v5 =	vsel vm2, v38, v19;
	v19 =	vsel vm3, v39, v21  }
0x97: {  	v21 =	vmul.u32 $0x1A37, v4;
	v38 =	vld [tilespmem:s30+$0x2870];
	[tilespmem:s28+$0x5010] =	vst v7;
	v7 =	vsel vm0, v35, v22;
	v22 =	vsel vm4, v43, v36  }
0x98: {  	v34 =	vadd.s32 $0x80, v34;
	v35 =	vmul.u32 $0x1A37, v6;
	v36 =	vld [tilespmem:s30+$0x50];
	v39 =	vshrl.u32 v41, $0x16;
	[tilespmem:s28+$0x5020] =	vst v8  }
0x99: {  	v43 =	vor.u32 v33, v34;
	v8 =	vmul.u32 $0x1A37, v20;
	v41 =	vld [tilespmem:s30+$0x60];
	v42 =	vmul.u32 $0x271, v39;
	[tilespmem:s28+$0x5030] =	vst v5  }
0x9a: {  	vm0 =	vlt.s32 v43, $0x2710;
	v45 =	vsub.s32 v39, v9;
	v5 =	vld [tilespmem:s30+$0x2800];
	v44 =	vmul.u32 $0x1A37, v37;
	[tilespmem:s28+$0x5040] =	vst v19  }
0x9b: {  	vm1 =	vge.u32 v39, v9;
	v45 =	vmul.u32 $0x64000, v45;
	v19 =	vld [tilespmem:s30+$0x2810];
	v2 =	vsub.s32 v2, v42;
	[tilespmem:s28+$0x5050] =	vst v7  }
0x9c: {  	vm2 =	vlt.u32 v39, v10;
	v7 =	vld [tilespmem:s30+$0x2820];
	v2 =	vmul.u32 $0x280, v2;
	v38 =	vsub.s32 v38, v42;
	[tilespmem:s28+$0x5060] =	vst v22;
	s28 =	smov.u32 s30  }
0x9d: {  	v39 =	vand.u32 $0x7FF, v43;
	vm1 =	vmand vm1, vm2;
	v22 =	vld [tilespmem:s28+$0x2830];
	v38 =	vadd.s32 v45, v38  }
0x9e: {  	vm0 =	vmand vm0, vm1;
	v42 =	vld [tilespmem:s28+$0x2840];
	v2 =	vadd.s32 v2, v38;
	v38 =	vor.u32 $0xC8000, v39  }
0x9f: {  	v45 =	vmul.u32 $0x1A37, v36;
	v39 =	vmul.u32 $0x1A37, v40;
	v43 =	vld [tilespmem:s28+$0x2850];
	v2 =	vsel vm0, v2, v38  }
0xa0: {  	v21 =	vshrl.u32 v21, $0x16;
	v35 =	vshrl.u32 v35, $0x16;
	v46 =	vmul.u32 $0x1A37, v41;
	v38 =	vld [tilespmem:s28+$0x2860];
	[tilespmem:s28+$0x5070] =	vst v2  }
0xa1: {  	v2 =	vshrl.u32 v8, $0x16;
	v8 =	vshrl.u32 v44, $0x16;
	v39 =	vshrl.u32 v39, $0x16  }
0xa2: {  	v45 =	vshrl.u32 v45, $0x16;
	v44 =	vmul.u32 $0x271, v21;
	v46 =	vshrl.u32 v46, $0x16  }
0xa3: {  	v47 =	vmul.u32 $0x271, v35;
	v48 =	vmul.u32 $0x271, v2;
	v49 =	vmul.u32 $0x271, v8  }
0xa4: {  	v51 =	vmul.u32 $0x271, v45;
	v50 =	vmul.u32 $0x271, v39;
	v52 =	vmul.u32 $0x271, v46  }
0xa5: {  	v53 =	vsub.s32 v21, v9;
	v54 =	vsub.s32 v35, v9;
	v55 =	vsub.s32 v2, v9  }
0xa6: {  	v58 =	vsub.s32 v45, v9;
	v56 =	vsub.s32 v8, v9;
	v57 =	vsub.s32 v39, v9  }
0xa7: {  	v6 =	vsub.s32 v6, v47;
	v59 =	vsub.s32 v46, v9;
	v4 =	vsub.s32 v4, v44  }
0xa8: {  	v20 =	vsub.s32 v20, v48;
	v37 =	vsub.s32 v37, v49;
	v40 =	vsub.s32 v40, v50  }
0xa9: {  	v53 =	vmul.u32 $0x64000, v53;
	v36 =	vsub.s32 v36, v51;
	v41 =	vsub.s32 v41, v52  }
0xaa: {  	v54 =	vmul.u32 $0x64000, v54;
	v55 =	vmul.u32 $0x64000, v55;
	v56 =	vmul.u32 $0x64000, v56  }
0xab: {  	v58 =	vmul.u32 $0x64000, v58;
	v57 =	vmul.u32 $0x64000, v57;
	v59 =	vmul.u32 $0x64000, v59  }
0xac: {  	v6 =	vmul.u32 $0x280, v6;
	v4 =	vmul.u32 $0x280, v4;
	v20 =	vmul.u32 $0x280, v20  }
0xad: {  	v62 =	vmul.u32 $0x280, v36;
	v60 =	vmul.u32 $0x280, v37;
	v61 =	vmul.u32 $0x280, v40  }
0xae: {  	v19 =	vsub.s32 v19, v47;
	v5 =	vsub.s32 v5, v44;
	v63 =	vmul.u32 $0x280, v41  }
0xaf: {  	v7 =	vsub.s32 v7, v48;
	v22 =	vsub.s32 v22, v49;
	v36 =	vsub.s32 v42, v50  }
0xb0: {  	vm0 =	vge.u32 v21, v9;
	v37 =	vsub.s32 v43, v51;
	v38 =	vsub.s32 v38, v52  }
0xb1: {  	vm1 =	vlt.u32 v21, v10;
	vm2 =	vge.u32 v35, v9;
	vm3 =	vlt.u32 v35, v10  }
0xb2: {  	vm4 =	vge.u32 v2, v9;
	vm6 =	vlt.u32 v2, v10;
	vm5 =	vge.u32 v8, v9  }
0xb3: {  	vm7 =	vlt.u32 v8, v10;
	vm8 =	vge.u32 v39, v9;
	vm9 =	vlt.u32 v39, v10  }
0xb4: {  	vm12 =	vge.u32 v45, v9;
	vm13 =	vlt.u32 v45, v10;
	vm14 =	vge.u32 v46, v9  }
0xb5: {  	v2 =	vor.u32 v0, v34;
	v8 =	vor.u32 v1, v34;
	vm15 =	vlt.u32 v46, v10  }
0xb6: {  	v35 =	vor.u32 v29, v34;
	v21 =	vor.u32 v3, v34;
	v39 =	vor.u32 v30, v34  }
0xb7: {  	v45 =	vor.u32 v32, v34;
	v5 =	vadd.s32 v53, v5;
	v43 =	vor.u32 v31, v34  }
0xb8: {  	v19 =	vadd.s32 v54, v19;
	v7 =	vadd.s32 v55, v7;
	v22 =	vadd.s32 v56, v22  }
0xb9: {  	v49 =	vadd.s32 v57, v36;
	v50 =	vadd.s32 v58, v37;
	v51 =	vadd.s32 v59, v38  }
0xba: {  	vm11 =	vmand vm2, vm3;
	vm10 =	vmand vm0, vm1;
	vm1 =	vmand vm4, vm6  }
0xbb: {  	vm0 =	vmand vm12, vm13;
	vm2 =	vmand vm5, vm7;
	vm3 =	vmand vm8, vm9  }
0xbc: {  	vm12 =	vlt.s32 v2, $0x2710;
	vm4 =	vmand vm14, vm15;
	v37 =	vand.u32 $0x78F, v2  }
0xbd: {  	vm13 =	vlt.s32 v8, $0x2710;
	vm5 =	vlt.s32 v21, $0x2710;
	v36 =	vand.u32 $0x79F, v8  }
0xbe: {  	vm6 =	vlt.s32 v35, $0x2710;
	v40 =	vand.u32 $0x7AF, v21;
	v41 =	vand.u32 $0x7BF, v35  }
.Ltmp1:
0xbf: {  	vm8 =	vlt.s32 v39, $0x2710;
	v42 =	vand.u32 $0x7CF, v39;
	vm7 =	vlt.s32 v43, $0x2710;
	(pc) =	sbr.rel @p0 .LBB2_4-.Ltmp1, $4  }
0xc0: {  	vm9 =	vlt.s32 v45, $0x2710;
	v48 =	vand.u32 $0x7EF, v45;
	v44 =	vand.u32 $0x7DF, v43  }
0xc1: {  	v46 =	vadd.s32 v6, v19;
	v45 =	vadd.s32 v4, v5;
	v47 =	vadd.s32 v20, v7  }
0xc2: {  	v38 =	vadd.s32 v60, v22;
	v39 =	vadd.s32 v61, v49;
	v35 =	vadd.s32 v62, v50  }
0xc3: {  	s30 =	sshra.s32 s1, $0x2;
	s1 =	sadd.s32 $0x200, s1;
	vm10 =	vmand vm12, vm10;
	vm11 =	vmand vm13, vm11;
	v43 =	vadd.s32 v63, v51  }
0xc4: {  	v2 =	vld [tilespmem:s30+$0x70]  }
0xc5: {  	vm1 =	vmand vm5, vm1;
	vm2 =	vmand vm6, vm2;
	vm3 =	vmand vm8, vm3;
	v4 =	vld [tilespmem:s30+$0x0]  }
0xc6: {  	v5 =	vor.u32 $0xC8000, v37;
	vm0 =	vmand vm7, vm0;
	vm4 =	vmand vm9, vm4;
	v6 =	vld [tilespmem:s30+$0x10]  }
0xc7: {  	v7 =	vor.u32 $0xC8000, v36;
	v8 =	vor.u32 $0xC8000, v40;
	v19 =	vor.u32 $0xC8000, v41;
	v20 =	vld [tilespmem:s30+$0x20]  }
0xc8: {  	v21 =	vor.u32 $0xC8000, v42;
	v22 =	vor.u32 $0xC8000, v44;
	v44 =	vor.u32 $0xC8000, v48;
	v37 =	vld [tilespmem:s30+$0x30]  }
0xc9: {  	v40 =	vld [tilespmem:s30+$0x40];
	v34 =	vadd.s32 $0x80, v34;
	v5 =	vsel vm10, v45, v5;
	v7 =	vsel vm11, v46, v7  }
0xca: {  	v8 =	vsel vm1, v47, v8;
	v22 =	vsel vm0, v35, v22;
	v53 =	vor.u32 v33, v34  }
0xcb: {  	v35 =	vsel vm4, v43, v44;
	[tilespmem:s28+$0x5000] =	vst v5;
	v5 =	vsel vm2, v38, v19;
	v56 =	vand.u32 $0x7FF, v53  }
0xcc: {  	v19 =	vsel vm3, v39, v21;
	vm9 =	vlt.s32 v53, $0x2710;
	v57 =	vor.u32 $0xC8000, v56  }
0xcd: {  	v48 =	vld [tilespmem:s30+$0x2870];
	[tilespmem:s28+$0x5010] =	vst v7;
	v47 =	vmul.u32 $0x1A37, v2;
	v21 =	vmul.u32 $0x1A37, v4;
	v49 =	vmul.u32 $0x1A37, v6  }
0xce: {  	v39 =	vld [tilespmem:s30+$0x50];
	[tilespmem:s28+$0x5020] =	vst v8;
	v51 =	vmul.u32 $0x1A37, v20;
	v8 =	vmul.u32 $0x1A37, v37;
	v58 =	vmul.u32 $0x1A37, v40  }
0xcf: {  	v50 =	vshrl.u32 v47, $0x16;
	v21 =	vshrl.u32 v21, $0x16;
	v7 =	vshrl.u32 v49, $0x16  }
0xd0: {  	v45 =	vld [tilespmem:s30+$0x60];
	[tilespmem:s28+$0x5030] =	vst v5;
	v5 =	vshrl.u32 v51, $0x16;
	v8 =	vshrl.u32 v8, $0x16;
	v52 =	vmul.u32 $0x271, v50  }
0xd1: {  	v54 =	vsub.s32 v50, v9;
	vm10 =	vge.u32 v50, v9;
	vm11 =	vlt.u32 v50, v10  }
0xd2: {  	v41 =	vld [tilespmem:s30+$0x2800];
	[tilespmem:s28+$0x5040] =	vst v19;
	v61 =	vmul.u32 $0x271, v21;
	v19 =	vmul.u32 $0x271, v7;
	v46 =	vmul.u32 $0x271, v8  }
0xd3: {  	v62 =	vld [tilespmem:s30+$0x2810];
	[tilespmem:s28+$0x5050] =	vst v22;
	v22 =	vsub.s32 v21, v9;
	v51 =	vsub.s32 v7, v9;
	vm2 =	vge.u32 v7, v9  }
0xd4: {  	vm3 =	vlt.u32 v7, v10;
	vm4 =	vge.u32 v5, v9;
	vm5 =	vlt.u32 v5, v10  }
0xd5: {  	vm6 =	vge.u32 v8, v9;
	vm7 =	vlt.u32 v8, v10;
	v44 =	vmul.u32 $0x64000, v54  }
0xd6: {  	vm1 =	vmand vm10, vm11;
	v59 =	vmul.u32 $0x1A37, v39;
	v54 =	vsub.s32 v8, v9  }
0xd7: {  	v22 =	vmul.u32 $0x64000, v22;
	v51 =	vmul.u32 $0x64000, v51;
	v8 =	vor.u32 v3, v34  }
0xd8: {  	vm15 =	vmand vm2, vm3;
	vm4 =	vmand vm4, vm5;
	vm3 =	vmand vm6, vm7  }
0xd9: {  	v2 =	vsub.s32 v2, v52;
	v38 =	vsub.s32 v48, v52;
	vm0 =	vmand vm9, vm1  }
0xda: {  	v60 =	vmul.u32 $0x1A37, v45;
	v52 =	vsub.s32 v5, v9;
	v4 =	vsub.s32 v4, v61  }
0xdb: {  	v6 =	vsub.s32 v6, v19;
	v37 =	vsub.s32 v37, v46;
	v54 =	vmul.u32 $0x64000, v54  }
0xdc: {  	vm1 =	vlt.u32 v21, v10;
	vm7 =	vlt.s32 v8, $0x2710;
	v8 =	vand.u32 $0x7AF, v8  }
0xdd: {  	v2 =	vmul.u32 $0x280, v2;
	v55 =	vadd.s32 v44, v38;
	v38 =	vshrl.u32 v58, $0x16  }
0xde: {  	v42 =	vshrl.u32 v59, $0x16;
	v44 =	vmul.u32 $0x271, v5;
	v52 =	vmul.u32 $0x64000, v52  }
0xdf: {  	v41 =	vsub.s32 v41, v61;
	v4 =	vmul.u32 $0x280, v4;
	v6 =	vmul.u32 $0x280, v6  }
0xe0: {  	v37 =	vmul.u32 $0x280, v37;
	v5 =	vor.u32 v0, v34;
	vm4 =	vmand vm7, vm4  }
0xe1: {  	v36 =	vshrl.u32 v60, $0x16;
	v63 =	vmul.u32 $0x271, v38;
	v49 =	vmul.u32 $0x271, v42  }
0xe2: {  	v53 =	vld [tilespmem:s30+$0x2820];
	v56 =	vsub.s32 v42, v9;
	v19 =	vsub.s32 v62, v19;
	vm8 =	vge.u32 v38, v9  }
0xe3: {  	vm9 =	vlt.u32 v38, v10;
	vm10 =	vge.u32 v42, v9;
	vm11 =	vlt.u32 v42, v10  }
0xe4: {  	v22 =	vadd.s32 v22, v41;
	vm5 =	vlt.s32 v5, $0x2710;
	v5 =	vand.u32 $0x78F, v5  }
0xe5: {  	v2 =	vadd.s32 v2, v55;
	v50 =	vmul.u32 $0x271, v36;
	v55 =	vsub.s32 v38, v9  }
0xe6: {  	v60 =	vsub.s32 v36, v9;
	v20 =	vsub.s32 v20, v44;
	v56 =	vmul.u32 $0x64000, v56  }
0xe7: {  	v44 =	vsub.s32 v53, v44;
	vm12 =	vge.u32 v36, v9;
	vm13 =	vlt.u32 v36, v10  }
0xe8: {  	v53 =	vor.u32 v30, v34;
	v19 =	vadd.s32 v51, v19;
	vm2 =	vmand vm8, vm9  }
0xe9: {  	[tilespmem:s28+$0x5060] =	vst v35;
	v4 =	vadd.s32 v4, v22;
	v5 =	vor.u32 $0xC8000, v5;
	v2 =	vsel vm0, v2, v57  }
0xea: {  	v58 =	vld [tilespmem:s30+$0x2840];
	v40 =	vsub.s32 v40, v63;
	v39 =	vsub.s32 v39, v49;
	v55 =	vmul.u32 $0x64000, v55  }
0xeb: {  	v59 =	vld [tilespmem:s30+$0x2850];
	v35 =	vmul.u32 $0x64000, v60;
	v20 =	vmul.u32 $0x280, v20;
	vm0 =	vge.u32 v21, v9  }
0xec: {  	v61 =	vld [tilespmem:s30+$0x2860];
	v21 =	vor.u32 v29, v34;
	vm9 =	vlt.s32 v53, $0x2710;
	v36 =	vand.u32 $0x7CF, v53  }
0xed: {  	v6 =	vadd.s32 v6, v19;
	v45 =	vsub.s32 v45, v50;
	v40 =	vmul.u32 $0x280, v40  }
0xee: {  	v39 =	vmul.u32 $0x280, v39;
	vm14 =	vmand vm0, vm1;
	vm1 =	vmand vm10, vm11  }
0xef: {  	vm0 =	vmand vm12, vm13;
	vm8 =	vlt.s32 v21, $0x2710;
	v21 =	vand.u32 $0x7BF, v21  }
0xf0: {  	vm2 =	vmand vm9, vm2;
	v45 =	vmul.u32 $0x280, v45;
	v62 =	vsub.s32 v58, v63  }
0xf1: {  	v63 =	vsub.s32 v59, v49;
	v43 =	vsub.s32 v61, v50;
	v50 =	vor.u32 v1, v34  }
0xf2: {  	v58 =	vadd.s32 v52, v44;
	vm5 =	vmand vm5, vm14;
	vm3 =	vmand vm8, vm3  }
0xf3: {  	v57 =	vld [tilespmem:s30+$0x2830];
	v60 =	vadd.s32 v55, v62;
	v61 =	vadd.s32 v56, v63;
	v35 =	vadd.s32 v35, v43  }
0xf4: {  	vm6 =	vlt.s32 v50, $0x2710;
	v7 =	vand.u32 $0x79F, v50;
	v19 =	vadd.s32 v20, v58  }
0xf5: {  	v4 =	vsel vm5, v4, v5;
	v5 =	vor.u32 $0xC8000, v8;
	v63 =	vor.u32 $0xC8000, v36  }
0xf6: {  	[tilespmem:s30+$0x5070] =	vst v2;
	v22 =	vadd.s32 v40, v60;
	v62 =	vadd.s32 v39, v61;
	vm6 =	vmand vm6, vm15  }
0xf7: {  	v2 =	vadd.s32 v45, v35;
	v7 =	vor.u32 $0xC8000, v7;
	[tilespmem:s30+$0x5000] =	vst v4;
	v4 =	vor.u32 $0xC8000, v21  }
0xf8: {  	v5 =	vsel vm4, v19, v5;
	v46 =	vsub.s32 v57, v46;
	v57 =	vor.u32 v31, v34  }
0xf9: {  	v34 =	vor.u32 v32, v34;
	v6 =	vsel vm6, v6, v7;
	v59 =	vadd.s32 v54, v46  }
0xfa: {  	[tilespmem:s30+$0x5020] =	vst v5;
	vm12 =	vlt.s32 v57, $0x2710;
	v38 =	vand.u32 $0x7DF, v57;
	vm13 =	vlt.s32 v34, $0x2710  }
0xfb: {  	v34 =	vand.u32 $0x7EF, v34;
	[tilespmem:s30+$0x5010] =	vst v6;
	v6 =	vsel vm2, v22, v63;
	v20 =	vadd.s32 v37, v59  }
0xfc: {  	vm1 =	vmand vm12, vm1;
	v5 =	vor.u32 $0xC8000, v38;
	[tilespmem:s30+$0x5040] =	vst v6;
	v4 =	vsel vm3, v20, v4  }
0xfd: {  	vm0 =	vmand vm13, vm0;
	v5 =	vsel vm1, v62, v5;
	[tilespmem:s30+$0x5030] =	vst v4;
	v4 =	vor.u32 $0xC8000, v34  }
0xfe: {  	[tilespmem:s30+$0x5050] =	vst v5;
	v2 =	vsel vm0, v2, v4  }
0xff: {  	s1 =	simm.s32 $0x5000;
	[tilespmem:s30+$0x5060] =	vst v2  }
0x100: {  	[spmem:s2] =	stream.indirect.scatter.add.f32 [tilespmem:s24], [sflag:$0x1], $0x1, s1, s23, $0xb8;
	[tilespmem:$0x15B80] =	vst v63  }
0x101: {  	_ =	swait.ge [sflag:s20], $0x80  }
.LBB2_6:
0x102: {  	s1 =	sshra.s32 s29, $0x2;
	[sflag:s20] =	ssyncset.done $0x0;
	p0 =	sne.s32 s29, $0x9E00  }
.Ltmp2:
0x103: {  	s1 =	sadd.s32 $0x5000, s1;
	[sflag:s20] =	ssyncadd.s32 $0xFFFFFF80;
	(pc) =	sbr.rel @p0 .LBB2_6-.Ltmp2, $3  }
0x104: {  	[spmem:s2] =	stream.indirect.scatter.add.f32 [tilespmem:s24], [sflag:$0x1], $0x1, s1, s23, $0xb8;
	[tilespmem:$0x15B80] =	vst v63  }
0x105: {  	s29 =	sadd.s32 $0x200, s29;
	_ =	sdelay $0x1  }
0x106: {  	_ =	swait.ge [sflag:s20], $0x80  }
0x107: {  	[sflag:s20] =	ssyncset.done $0x0  }
0x108: {  	[sflag:s20] =	ssyncadd.s32 $0xFFFFFF80  }
0x109: {  	[spmem:s2] =	stream.indirect.scatter.add.f32 [tilespmem:s24], [sflag:$0x1], $0x1, s25, s23, $0xb8;
	[tilespmem:$0x15B80] =	vst v63  }
0x10a: {  	_ =	swait.ge [sflag:s20], $0x80  }
0x10b: {  	[sflag:s20] =	ssyncset.done $0x0  }
0x10c: {  	[sflag:s20] =	ssyncadd.s32 $0xFFFFFF80  }
0x10d: {  	[spmem:s2] =	stream.indirect.scatter.add.f32 [tilespmem:s24], [sflag:$0x1], $0x1, s26, s23, $0xb8;
	[tilespmem:$0x15B80] =	vst v63  }
0x10e: {  	_ =	swait.ge [sflag:s20], $0x80  }
0x10f: {  	[sflag:s20] =	ssyncset.done $0x0  }
0x110: {  	s1 =	sshll.u32 s0, $0x6;
	[sflag:s20] =	ssyncadd.s32 $0xFFFFFF80  }
0x111: {  	s29 =	sshrl.u32 s8, $0x3;
	s28 =	sor.u32 $0x1C01, s1;
	[bflag:$0x0] =	sbarrier.arrive $0xFFFF  }
0x112: {  	[hbm:s7], [sflag:s28] =	dma.local [spmem:s29], $0x1900  }
0x113: {  	_ =	swait.ge [sflag:s20], $0x1900  }
0x114: {  	[sflag:s20] =	ssyncset.done $0x0  }
0x115: {  	[sflag:s20] =	ssyncadd.s32 $0xFFFFE700  }
0x116: {  	[bflag:$0x0] =	sbarrier.arrive $0xFFFF  }
0x117: {  	[spmem:s6] =	stream.linear.scatter [tilespmem:s22], [sflag:$0x1], $0x1910, $0x38;
	[tilespmem:$0x15B80] =	vst v63  }
0x118: {  	_ =	swait.ge [sflag:s20], $0x1910  }
0x119: {  	[sflag:s20] =	ssyncset.done $0x0  }
0x11a: {  	[sflag:s20] =	ssyncadd.s32 $0xFFFFE6F0  }
0x11b: {  	[spmem:s13] =	stream.linear.scatter [tilespmem:s22], [sflag:$0x1], $0x1910, $0x38;
	[tilespmem:$0x15B80] =	vst v63  }
0x11c: {  	_ =	swait.ge [sflag:s20], $0x1910  }
0x11d: {  	[sflag:s20] =	ssyncset.done $0x0  }
0x11e: {  	[sflag:s20] =	ssyncadd.s32 $0xFFFFE6F0  }
0x11f: {  	[spmem:s14] =	stream.linear.scatter [tilespmem:s22], [sflag:$0x1], $0x1910, $0x38;
	[tilespmem:$0x15B80] =	vst v63  }
0x120: {  	_ =	swait.ge [sflag:s20], $0x1910  }
0x121: {  	[sflag:s20] =	ssyncset.done $0x0  }
0x122: {  	[sflag:s20] =	ssyncadd.s32 $0xFFFFE6F0  }
0x123: {  	[spmem:s15] =	stream.linear.scatter [tilespmem:s22], [sflag:$0x1], $0x1910, $0x38;
	[tilespmem:$0x15B80] =	vst v63  }
0x124: {  	_ =	swait.ge [sflag:s20], $0x1910  }
0x125: {  	[sflag:s20] =	ssyncset.done $0x0  }
0x126: {  	[sflag:s20] =	ssyncadd.s32 $0xFFFFE6F0  }
0x127: {  	[spmem:s16] =	stream.linear.scatter [tilespmem:s22], [sflag:$0x1], $0x1910, $0x38;
	[tilespmem:$0x15B80] =	vst v63  }
0x128: {  	_ =	swait.ge [sflag:s20], $0x1910  }
0x129: {  	[sflag:s20] =	ssyncset.done $0x0  }
0x12a: {  	[sflag:s20] =	ssyncadd.s32 $0xFFFFE6F0  }
0x12b: {  	[spmem:s17] =	stream.linear.scatter [tilespmem:s22], [sflag:$0x1], $0x1910, $0x38;
	[tilespmem:$0x15B80] =	vst v63  }
0x12c: {  	_ =	swait.ge [sflag:s20], $0x1910  }
0x12d: {  	[sflag:s20] =	ssyncset.done $0x0  }
0x12e: {  	[sflag:s20] =	ssyncadd.s32 $0xFFFFE6F0  }
0x12f: {  	[spmem:s18] =	stream.linear.scatter [tilespmem:s22], [sflag:$0x1], $0x1910, $0x38;
	[tilespmem:$0x15B80] =	vst v63  }
0x130: {  	_ =	swait.ge [sflag:s20], $0x1910  }
0x131: {  	[sflag:s20] =	ssyncset.done $0x0  }
0x132: {  	[sflag:s20] =	ssyncadd.s32 $0xFFFFE6F0  }
0x133: {  	[spmem:s19] =	stream.linear.scatter [tilespmem:s22], [sflag:$0x1], $0x1910, $0x38;
	[tilespmem:$0x15B80] =	vst v63  }
0x134: {  	_ =	swait.ge [sflag:s20], $0x1910  }
0x135: {  	[sflag:s20] =	ssyncset.done $0x0  }
0x136: {  	[sflag:s20] =	ssyncadd.s32 $0xFFFFE6F0  }
0x137: {  	s30 =	simm.s32 $0x0;
	[bflag:$0x0] =	sbarrier.arrive $0xFFFF  }
0x138: {  	v2 =	vld [tilespmem:s30+$0x70]  }
0x139: {  	v4 =	vld [tilespmem:s30+$0x0]  }
0x13a: {  	v5 =	vld [tilespmem:s30+$0x10]  }
0x13b: {  	v6 =	vld [tilespmem:s30+$0x20]  }
0x13c: {  	v7 =	vld [tilespmem:s30+$0x30]  }
0x13d: {  	v38 =	vld [tilespmem:s30+$0x50]  }
0x13e: {  	v34 =	vimm.s32 $0x0  }
0x13f: {  	v37 =	vor.u32 v33, v34  }
0x140: {  	vm0 =	vlt.s32 v37, $0x2710;
	v8 =	vmul.u32 $0x1A37, v2;
	v35 =	vmul.u32 $0x1A37, v6  }
0x141: {  	v20 =	vmul.u32 $0x1A37, v4;
	v21 =	vmul.u32 $0x1A37, v5;
	v39 =	vmul.u32 $0x1A37, v7  }
0x142: {  	v19 =	vld [tilespmem:s30+$0x2870];
	v59 =	vmul.u32 $0x1A37, v38;
	v8 =	vshrl.u32 v8, $0x16;
	v35 =	vshrl.u32 v35, $0x16  }
0x143: {  	v36 =	vmul.u32 $0x271, v8;
	v40 =	vsub.s32 v8, v11;
	vm1 =	vge.u32 v8, v11  }
0x144: {  	vm2 =	vlt.u32 v8, v13;
	v42 =	vmul.u32 $0x271, v35;
	v50 =	vsub.s32 v35, v11  }
0x145: {  	vm4 =	vge.u32 v35, v11;
	vm5 =	vlt.u32 v35, v13;
	v35 =	vor.u32 v30, v34  }
0x146: {  	v40 =	vmul.u32 $0x64000, v40;
	vm1 =	vmand vm1, vm2;
	v50 =	vmul.u32 $0x64000, v50  }
0x147: {  	v2 =	vsub.s32 v2, v36;
	v19 =	vsub.s32 v19, v36;
	vm0 =	vmand vm0, vm1  }
0x148: {  	v36 =	vshrl.u32 v59, $0x16;
	v6 =	vsub.s32 v6, v42;
	v2 =	vmul.u32 $0x280, v2  }
0x149: {  	v22 =	vld [tilespmem:s30+$0x40];
	v8 =	vadd.s32 v40, v19;
	v19 =	vand.u32 $0x7FF, v37;
	v37 =	vshrl.u32 v39, $0x16  }
0x14a: {  	v41 =	vld [tilespmem:s30+$0x60];
	v45 =	vmul.u32 $0x271, v36;
	v54 =	vsub.s32 v36, v11;
	v6 =	vmul.u32 $0x280, v6  }
0x14b: {  	v57 =	vld [tilespmem:s30+$0x2830];
	vm10 =	vge.u32 v36, v11;
	vm11 =	vlt.u32 v36, v13;
	v43 =	vmul.u32 $0x271, v37  }
0x14c: {  	v52 =	vsub.s32 v37, v11;
	v54 =	vmul.u32 $0x64000, v54;
	vm6 =	vge.u32 v37, v11  }
0x14d: {  	vm7 =	vlt.u32 v37, v13;
	v2 =	vadd.s32 v2, v8;
	v8 =	vor.u32 $0xC8000, v19  }
0x14e: {  	v59 =	vld [tilespmem:s30+$0x2850];
	v19 =	vmul.u32 $0x1A37, v22;
	v38 =	vsub.s32 v38, v45;
	v52 =	vmul.u32 $0x64000, v52  }
0x14f: {  	v2 =	vsel vm0, v2, v8;
	v8 =	vshrl.u32 v20, $0x16;
	v20 =	vshrl.u32 v21, $0x16  }
0x150: {  	v21 =	vmul.u32 $0x1A37, v41;
	v7 =	vsub.s32 v7, v43;
	v61 =	vsub.s32 v57, v43  }
0x151: {  	v57 =	vor.u32 v31, v34;
	v19 =	vshrl.u32 v19, $0x16;
	v60 =	vmul.u32 $0x271, v8  }
0x152: {  	v40 =	vmul.u32 $0x271, v20;
	v48 =	vsub.s32 v8, v11;
	v49 =	vsub.s32 v20, v11  }
0x153: {  	v7 =	vmul.u32 $0x280, v7;
	vm0 =	vge.u32 v8, v11;
	v63 =	vsub.s32 v59, v45  }
0x154: {  	vm1 =	vlt.u32 v8, v13;
	vm2 =	vge.u32 v20, v11;
	vm3 =	vlt.u32 v20, v13  }
0x155: {  	v8 =	vor.u32 v0, v34;
	v20 =	vor.u32 v3, v34;
	v61 =	vadd.s32 v52, v61  }
0x156: {  	v21 =	vshrl.u32 v21, $0x16;
	v44 =	vmul.u32 $0x271, v19;
	v53 =	vsub.s32 v19, v11  }
0x157: {  	v47 =	vld [tilespmem:s30+$0x2800];
	v48 =	vmul.u32 $0x64000, v48;
	v49 =	vmul.u32 $0x64000, v49;
	vm8 =	vge.u32 v19, v11  }
0x158: {  	v51 =	vld [tilespmem:s30+$0x2810];
	vm9 =	vlt.u32 v19, v13;
	v19 =	vor.u32 v1, v34;
	v43 =	vadd.s32 v54, v63  }
0x159: {  	v55 =	vld [tilespmem:s30+$0x2820];
	vm14 =	vmand vm0, vm1;
	vm15 =	vmand vm2, vm3;
	vm1 =	vmand vm4, vm5  }
0x15a: {  	vm2 =	vmand vm6, vm7;
	vm0 =	vmand vm10, vm11;
	vm10 =	vlt.s32 v8, $0x2710  }
0x15b: {  	v37 =	vand.u32 $0x78F, v8;
	vm5 =	vlt.s32 v20, $0x2710;
	vm7 =	vlt.s32 v57, $0x2710  }
0x15c: {  	v46 =	vmul.u32 $0x271, v21;
	v4 =	vsub.s32 v4, v60;
	v5 =	vsub.s32 v5, v40  }
0x15d: {  	v56 =	vsub.s32 v21, v11;
	v39 =	vsub.s32 v47, v60;
	v53 =	vmul.u32 $0x64000, v53  }
0x15e: {  	v58 =	vld [tilespmem:s30+$0x2840];
	v60 =	vmul.u32 $0x280, v38;
	v38 =	vsub.s32 v51, v40;
	v40 =	vsub.s32 v55, v42  }
0x15f: {  	vm12 =	vge.u32 v21, v11;
	vm13 =	vlt.u32 v21, v13;
	v21 =	vor.u32 v29, v34  }
0x160: {  	vm3 =	vmand vm8, vm9;
	vm11 =	vlt.s32 v19, $0x2710;
	v36 =	vand.u32 $0x79F, v19  }
0x161: {  	vm8 =	vlt.s32 v35, $0x2710;
	v42 =	vand.u32 $0x7CF, v35;
	vm10 =	vmand vm10, vm14  }
0x162: {  	v22 =	vsub.s32 v22, v44;
	v56 =	vmul.u32 $0x64000, v56;
	v4 =	vmul.u32 $0x280, v4  }
0x163: {  	v5 =	vmul.u32 $0x280, v5;
	v62 =	vsub.s32 v58, v44;
	v39 =	vadd.s32 v48, v39  }
0x164: {  	v47 =	vld [tilespmem:s30+$0x2860];
	v38 =	vadd.s32 v49, v38;
	v58 =	vor.u32 v32, v34;
	v59 =	vadd.s32 v50, v40  }
0x165: {  	vm4 =	vmand vm12, vm13;
	v40 =	vand.u32 $0x7AF, v20;
	vm6 =	vlt.s32 v21, $0x2710  }
0x166: {  	v44 =	vand.u32 $0x7DF, v57;
	vm11 =	vmand vm11, vm15;
	v41 =	vsub.s32 v41, v46  }
0x167: {  	v22 =	vmul.u32 $0x280, v22;
	v62 =	vadd.s32 v53, v62;
	vm9 =	vlt.s32 v58, $0x2710  }
0x168: {  	v48 =	vand.u32 $0x7EF, v58;
	v35 =	vadd.s32 v60, v43;
	v51 =	vmul.u32 $0x280, v41  }
0x169: {  	v41 =	vand.u32 $0x7BF, v21;
	v45 =	vadd.s32 v4, v39;
	v55 =	vsub.s32 v47, v46  }
0x16a: {  	v39 =	vadd.s32 v22, v62;
	v46 =	vadd.s32 v5, v38;
	v63 =	vadd.s32 v56, v55  }
0x16b: {  	s31 =	simm.s32 $0x200;
	s21 =	simm.s32 $0x400;
	s1 =	simm.s32 $0x80;
	[tilespmem:s30+$0x5070] =	vst v2;
	v47 =	vadd.s32 v6, v59;
	v38 =	vadd.s32 v7, v61;
	v43 =	vadd.s32 v51, v63  }
.LBB2_8:
0x16c: {  	p0 =	sne.s32 s21, $0x9E00;
	v2 =	vld [tilespmem:s1+$0x70];
	vm1 =	vmand vm5, vm1;
	vm2 =	vmand vm6, vm2;
	vm3 =	vmand vm8, vm3  }
0x16d: {  	v5 =	vor.u32 $0xC8000, v37;
	vm0 =	vmand vm7, vm0;
	vm4 =	vmand vm9, vm4;
	v4 =	vld [tilespmem:s1+$0x0]  }
0x16e: {  	v7 =	vor.u32 $0xC8000, v36;
	v8 =	vor.u32 $0xC8000, v40;
	v19 =	vor.u32 $0xC8000, v41;
	v6 =	vld [tilespmem:s1+$0x10]  }
0x16f: {  	v21 =	vor.u32 $0xC8000, v42;
	v22 =	vor.u32 $0xC8000, v44;
	v36 =	vor.u32 $0xC8000, v48;
	v20 =	vld [tilespmem:s1+$0x20]  }
0x170: {  	v5 =	vsel vm10, v45, v5;
	v7 =	vsel vm11, v46, v7;
	v8 =	vsel vm1, v47, v8;
	v37 =	vld [tilespmem:s1+$0x30]  }
0x171: {  	v40 =	vld [tilespmem:s1+$0x40];
	v41 =	vmul.u32 $0x1A37, v2;
	[tilespmem:s30+$0x5000] =	vst v5;
	v5 =	vsel vm2, v38, v19;
	v19 =	vsel vm3, v39, v21  }
0x172: {  	v21 =	vmul.u32 $0x1A37, v4;
	v38 =	vld [tilespmem:s1+$0x2870];
	[tilespmem:s30+$0x5010] =	vst v7;
	v7 =	vsel vm0, v35, v22;
	v22 =	vsel vm4, v43, v36  }
0x173: {  	v34 =	vadd.s32 $0x80, v34;
	v35 =	vmul.u32 $0x1A37, v6;
	v36 =	vld [tilespmem:s1+$0x50];
	v39 =	vshrl.u32 v41, $0x16;
	[tilespmem:s30+$0x5020] =	vst v8  }
0x174: {  	v43 =	vor.u32 v33, v34;
	v8 =	vmul.u32 $0x1A37, v20;
	v41 =	vld [tilespmem:s1+$0x60];
	v42 =	vmul.u32 $0x271, v39;
	[tilespmem:s30+$0x5030] =	vst v5  }
0x175: {  	vm0 =	vlt.s32 v43, $0x2710;
	v45 =	vsub.s32 v39, v11;
	v5 =	vld [tilespmem:s1+$0x2800];
	v44 =	vmul.u32 $0x1A37, v37;
	[tilespmem:s30+$0x5040] =	vst v19  }
0x176: {  	vm1 =	vge.u32 v39, v11;
	v45 =	vmul.u32 $0x64000, v45;
	v19 =	vld [tilespmem:s1+$0x2810];
	v2 =	vsub.s32 v2, v42;
	[tilespmem:s30+$0x5050] =	vst v7  }
0x177: {  	vm2 =	vlt.u32 v39, v13;
	v7 =	vld [tilespmem:s1+$0x2820];
	v2 =	vmul.u32 $0x280, v2;
	v38 =	vsub.s32 v38, v42;
	[tilespmem:s30+$0x5060] =	vst v22;
	s30 =	smov.u32 s1  }
0x178: {  	v39 =	vand.u32 $0x7FF, v43;
	vm1 =	vmand vm1, vm2;
	v22 =	vld [tilespmem:s30+$0x2830];
	v38 =	vadd.s32 v45, v38  }
0x179: {  	vm0 =	vmand vm0, vm1;
	v42 =	vld [tilespmem:s30+$0x2840];
	v2 =	vadd.s32 v2, v38;
	v38 =	vor.u32 $0xC8000, v39  }
0x17a: {  	v45 =	vmul.u32 $0x1A37, v36;
	v39 =	vmul.u32 $0x1A37, v40;
	v43 =	vld [tilespmem:s30+$0x2850];
	v2 =	vsel vm0, v2, v38  }
0x17b: {  	v21 =	vshrl.u32 v21, $0x16;
	v35 =	vshrl.u32 v35, $0x16;
	v46 =	vmul.u32 $0x1A37, v41;
	v38 =	vld [tilespmem:s30+$0x2860];
	[tilespmem:s30+$0x5070] =	vst v2  }
0x17c: {  	v2 =	vshrl.u32 v8, $0x16;
	v8 =	vshrl.u32 v44, $0x16;
	v39 =	vshrl.u32 v39, $0x16  }
0x17d: {  	v45 =	vshrl.u32 v45, $0x16;
	v44 =	vmul.u32 $0x271, v21;
	v46 =	vshrl.u32 v46, $0x16  }
0x17e: {  	v47 =	vmul.u32 $0x271, v35;
	v48 =	vmul.u32 $0x271, v2;
	v49 =	vmul.u32 $0x271, v8  }
0x17f: {  	v51 =	vmul.u32 $0x271, v45;
	v50 =	vmul.u32 $0x271, v39;
	v52 =	vmul.u32 $0x271, v46  }
0x180: {  	v53 =	vsub.s32 v21, v11;
	v54 =	vsub.s32 v35, v11;
	v55 =	vsub.s32 v2, v11  }
0x181: {  	v58 =	vsub.s32 v45, v11;
	v56 =	vsub.s32 v8, v11;
	v57 =	vsub.s32 v39, v11  }
0x182: {  	v6 =	vsub.s32 v6, v47;
	v59 =	vsub.s32 v46, v11;
	v4 =	vsub.s32 v4, v44  }
0x183: {  	v20 =	vsub.s32 v20, v48;
	v37 =	vsub.s32 v37, v49;
	v40 =	vsub.s32 v40, v50  }
0x184: {  	v53 =	vmul.u32 $0x64000, v53;
	v36 =	vsub.s32 v36, v51;
	v41 =	vsub.s32 v41, v52  }
0x185: {  	v54 =	vmul.u32 $0x64000, v54;
	v55 =	vmul.u32 $0x64000, v55;
	v56 =	vmul.u32 $0x64000, v56  }
0x186: {  	v58 =	vmul.u32 $0x64000, v58;
	v57 =	vmul.u32 $0x64000, v57;
	v59 =	vmul.u32 $0x64000, v59  }
0x187: {  	v6 =	vmul.u32 $0x280, v6;
	v4 =	vmul.u32 $0x280, v4;
	v20 =	vmul.u32 $0x280, v20  }
0x188: {  	v62 =	vmul.u32 $0x280, v36;
	v60 =	vmul.u32 $0x280, v37;
	v61 =	vmul.u32 $0x280, v40  }
0x189: {  	v19 =	vsub.s32 v19, v47;
	v5 =	vsub.s32 v5, v44;
	v63 =	vmul.u32 $0x280, v41  }
0x18a: {  	v7 =	vsub.s32 v7, v48;
	v22 =	vsub.s32 v22, v49;
	v36 =	vsub.s32 v42, v50  }
0x18b: {  	vm0 =	vge.u32 v21, v11;
	v37 =	vsub.s32 v43, v51;
	v38 =	vsub.s32 v38, v52  }
0x18c: {  	vm1 =	vlt.u32 v21, v13;
	vm2 =	vge.u32 v35, v11;
	vm3 =	vlt.u32 v35, v13  }
0x18d: {  	vm4 =	vge.u32 v2, v11;
	vm6 =	vlt.u32 v2, v13;
	vm5 =	vge.u32 v8, v11  }
0x18e: {  	vm7 =	vlt.u32 v8, v13;
	vm8 =	vge.u32 v39, v11;
	vm9 =	vlt.u32 v39, v13  }
0x18f: {  	vm12 =	vge.u32 v45, v11;
	vm13 =	vlt.u32 v45, v13;
	vm14 =	vge.u32 v46, v11  }
0x190: {  	v2 =	vor.u32 v0, v34;
	v8 =	vor.u32 v1, v34;
	vm15 =	vlt.u32 v46, v13  }
0x191: {  	v35 =	vor.u32 v29, v34;
	v21 =	vor.u32 v3, v34;
	v39 =	vor.u32 v30, v34  }
0x192: {  	v45 =	vor.u32 v32, v34;
	v5 =	vadd.s32 v53, v5;
	v43 =	vor.u32 v31, v34  }
0x193: {  	v19 =	vadd.s32 v54, v19;
	v7 =	vadd.s32 v55, v7;
	v22 =	vadd.s32 v56, v22  }
0x194: {  	v49 =	vadd.s32 v57, v36;
	v50 =	vadd.s32 v58, v37;
	v51 =	vadd.s32 v59, v38  }
0x195: {  	vm11 =	vmand vm2, vm3;
	vm10 =	vmand vm0, vm1;
	vm1 =	vmand vm4, vm6  }
0x196: {  	vm0 =	vmand vm12, vm13;
	vm2 =	vmand vm5, vm7;
	vm3 =	vmand vm8, vm9  }
0x197: {  	vm12 =	vlt.s32 v2, $0x2710;
	vm4 =	vmand vm14, vm15;
	v37 =	vand.u32 $0x78F, v2  }
0x198: {  	vm13 =	vlt.s32 v8, $0x2710;
	vm5 =	vlt.s32 v21, $0x2710;
	v36 =	vand.u32 $0x79F, v8  }
0x199: {  	vm6 =	vlt.s32 v35, $0x2710;
	v40 =	vand.u32 $0x7AF, v21;
	v41 =	vand.u32 $0x7BF, v35  }
.Ltmp3:
0x19a: {  	vm8 =	vlt.s32 v39, $0x2710;
	v42 =	vand.u32 $0x7CF, v39;
	vm7 =	vlt.s32 v43, $0x2710;
	(pc) =	sbr.rel @p0 .LBB2_8-.Ltmp3, $4  }
0x19b: {  	vm9 =	vlt.s32 v45, $0x2710;
	v48 =	vand.u32 $0x7EF, v45;
	v44 =	vand.u32 $0x7DF, v43  }
0x19c: {  	v46 =	vadd.s32 v6, v19;
	v45 =	vadd.s32 v4, v5;
	v47 =	vadd.s32 v20, v7  }
0x19d: {  	v38 =	vadd.s32 v60, v22;
	v39 =	vadd.s32 v61, v49;
	v35 =	vadd.s32 v62, v50  }
0x19e: {  	s1 =	sshra.s32 s21, $0x2;
	s21 =	sadd.s32 $0x200, s21;
	vm10 =	vmand vm12, vm10;
	vm11 =	vmand vm13, vm11;
	v43 =	vadd.s32 v63, v51  }
0x19f: {  	v2 =	vld [tilespmem:s1+$0x70]  }
0x1a0: {  	vm1 =	vmand vm5, vm1;
	vm2 =	vmand vm6, vm2;
	vm3 =	vmand vm8, vm3;
	v4 =	vld [tilespmem:s1+$0x0]  }
0x1a1: {  	v5 =	vor.u32 $0xC8000, v37;
	vm0 =	vmand vm7, vm0;
	vm4 =	vmand vm9, vm4;
	v6 =	vld [tilespmem:s1+$0x10]  }
0x1a2: {  	v7 =	vor.u32 $0xC8000, v36;
	v8 =	vor.u32 $0xC8000, v40;
	v19 =	vor.u32 $0xC8000, v41;
	v20 =	vld [tilespmem:s1+$0x20]  }
0x1a3: {  	v21 =	vor.u32 $0xC8000, v42;
	v22 =	vor.u32 $0xC8000, v44;
	v44 =	vor.u32 $0xC8000, v48;
	v37 =	vld [tilespmem:s1+$0x30]  }
0x1a4: {  	v40 =	vld [tilespmem:s1+$0x40];
	v34 =	vadd.s32 $0x80, v34;
	v5 =	vsel vm10, v45, v5;
	v7 =	vsel vm11, v46, v7  }
0x1a5: {  	v8 =	vsel vm1, v47, v8;
	v22 =	vsel vm0, v35, v22;
	v53 =	vor.u32 v33, v34  }
0x1a6: {  	v35 =	vsel vm4, v43, v44;
	[tilespmem:s30+$0x5000] =	vst v5;
	v5 =	vsel vm2, v38, v19;
	v56 =	vand.u32 $0x7FF, v53  }
0x1a7: {  	v19 =	vsel vm3, v39, v21;
	vm9 =	vlt.s32 v53, $0x2710;
	v57 =	vor.u32 $0xC8000, v56  }
0x1a8: {  	v48 =	vld [tilespmem:s1+$0x2870];
	[tilespmem:s30+$0x5010] =	vst v7;
	v47 =	vmul.u32 $0x1A37, v2;
	v21 =	vmul.u32 $0x1A37, v4;
	v49 =	vmul.u32 $0x1A37, v6  }
0x1a9: {  	v39 =	vld [tilespmem:s1+$0x50];
	[tilespmem:s30+$0x5020] =	vst v8;
	v51 =	vmul.u32 $0x1A37, v20;
	v8 =	vmul.u32 $0x1A37, v37;
	v58 =	vmul.u32 $0x1A37, v40  }
0x1aa: {  	v50 =	vshrl.u32 v47, $0x16;
	v21 =	vshrl.u32 v21, $0x16;
	v7 =	vshrl.u32 v49, $0x16  }
0x1ab: {  	v45 =	vld [tilespmem:s1+$0x60];
	[tilespmem:s30+$0x5030] =	vst v5;
	v5 =	vshrl.u32 v51, $0x16;
	v8 =	vshrl.u32 v8, $0x16;
	v52 =	vmul.u32 $0x271, v50  }
0x1ac: {  	v54 =	vsub.s32 v50, v11;
	vm10 =	vge.u32 v50, v11;
	vm11 =	vlt.u32 v50, v13  }
0x1ad: {  	v41 =	vld [tilespmem:s1+$0x2800];
	[tilespmem:s30+$0x5040] =	vst v19;
	v61 =	vmul.u32 $0x271, v21;
	v19 =	vmul.u32 $0x271, v7;
	v46 =	vmul.u32 $0x271, v8  }
0x1ae: {  	v62 =	vld [tilespmem:s1+$0x2810];
	[tilespmem:s30+$0x5050] =	vst v22;
	v22 =	vsub.s32 v21, v11;
	v51 =	vsub.s32 v7, v11;
	vm2 =	vge.u32 v7, v11  }
0x1af: {  	vm3 =	vlt.u32 v7, v13;
	vm4 =	vge.u32 v5, v11;
	vm5 =	vlt.u32 v5, v13  }
0x1b0: {  	vm6 =	vge.u32 v8, v11;
	vm7 =	vlt.u32 v8, v13;
	v44 =	vmul.u32 $0x64000, v54  }
0x1b1: {  	vm1 =	vmand vm10, vm11;
	v59 =	vmul.u32 $0x1A37, v39;
	v54 =	vsub.s32 v8, v11  }
0x1b2: {  	v22 =	vmul.u32 $0x64000, v22;
	v51 =	vmul.u32 $0x64000, v51;
	v8 =	vor.u32 v3, v34  }
0x1b3: {  	vm15 =	vmand vm2, vm3;
	vm4 =	vmand vm4, vm5;
	vm3 =	vmand vm6, vm7  }
0x1b4: {  	v2 =	vsub.s32 v2, v52;
	v38 =	vsub.s32 v48, v52;
	vm0 =	vmand vm9, vm1  }
0x1b5: {  	v60 =	vmul.u32 $0x1A37, v45;
	v52 =	vsub.s32 v5, v11;
	v4 =	vsub.s32 v4, v61  }
0x1b6: {  	v6 =	vsub.s32 v6, v19;
	v37 =	vsub.s32 v37, v46;
	v54 =	vmul.u32 $0x64000, v54  }
0x1b7: {  	vm1 =	vlt.u32 v21, v13;
	vm7 =	vlt.s32 v8, $0x2710;
	v8 =	vand.u32 $0x7AF, v8  }
0x1b8: {  	v2 =	vmul.u32 $0x280, v2;
	v55 =	vadd.s32 v44, v38;
	v38 =	vshrl.u32 v58, $0x16  }
0x1b9: {  	v42 =	vshrl.u32 v59, $0x16;
	v44 =	vmul.u32 $0x271, v5;
	v52 =	vmul.u32 $0x64000, v52  }
0x1ba: {  	v41 =	vsub.s32 v41, v61;
	v4 =	vmul.u32 $0x280, v4;
	v6 =	vmul.u32 $0x280, v6  }
0x1bb: {  	v37 =	vmul.u32 $0x280, v37;
	v5 =	vor.u32 v0, v34;
	vm4 =	vmand vm7, vm4  }
0x1bc: {  	v36 =	vshrl.u32 v60, $0x16;
	v63 =	vmul.u32 $0x271, v38;
	v49 =	vmul.u32 $0x271, v42  }
0x1bd: {  	v53 =	vld [tilespmem:s1+$0x2820];
	v56 =	vsub.s32 v42, v11;
	v19 =	vsub.s32 v62, v19;
	vm8 =	vge.u32 v38, v11  }
0x1be: {  	vm9 =	vlt.u32 v38, v13;
	vm10 =	vge.u32 v42, v11;
	vm11 =	vlt.u32 v42, v13  }
0x1bf: {  	v22 =	vadd.s32 v22, v41;
	vm5 =	vlt.s32 v5, $0x2710;
	v5 =	vand.u32 $0x78F, v5  }
0x1c0: {  	v2 =	vadd.s32 v2, v55;
	v50 =	vmul.u32 $0x271, v36;
	v55 =	vsub.s32 v38, v11  }
0x1c1: {  	v60 =	vsub.s32 v36, v11;
	v20 =	vsub.s32 v20, v44;
	v56 =	vmul.u32 $0x64000, v56  }
0x1c2: {  	v44 =	vsub.s32 v53, v44;
	vm12 =	vge.u32 v36, v11;
	vm13 =	vlt.u32 v36, v13  }
0x1c3: {  	v53 =	vor.u32 v30, v34;
	v19 =	vadd.s32 v51, v19;
	vm2 =	vmand vm8, vm9  }
0x1c4: {  	[tilespmem:s30+$0x5060] =	vst v35;
	v4 =	vadd.s32 v4, v22;
	v5 =	vor.u32 $0xC8000, v5;
	v2 =	vsel vm0, v2, v57  }
0x1c5: {  	v58 =	vld [tilespmem:s1+$0x2840];
	v40 =	vsub.s32 v40, v63;
	v39 =	vsub.s32 v39, v49;
	v55 =	vmul.u32 $0x64000, v55  }
0x1c6: {  	v59 =	vld [tilespmem:s1+$0x2850];
	v35 =	vmul.u32 $0x64000, v60;
	v20 =	vmul.u32 $0x280, v20;
	vm0 =	vge.u32 v21, v11  }
0x1c7: {  	v61 =	vld [tilespmem:s1+$0x2860];
	v21 =	vor.u32 v29, v34;
	vm9 =	vlt.s32 v53, $0x2710;
	v36 =	vand.u32 $0x7CF, v53  }
0x1c8: {  	v6 =	vadd.s32 v6, v19;
	v45 =	vsub.s32 v45, v50;
	v40 =	vmul.u32 $0x280, v40  }
0x1c9: {  	v39 =	vmul.u32 $0x280, v39;
	vm14 =	vmand vm0, vm1;
	vm1 =	vmand vm10, vm11  }
0x1ca: {  	vm0 =	vmand vm12, vm13;
	vm8 =	vlt.s32 v21, $0x2710;
	v21 =	vand.u32 $0x7BF, v21  }
0x1cb: {  	vm2 =	vmand vm9, vm2;
	v45 =	vmul.u32 $0x280, v45;
	v62 =	vsub.s32 v58, v63  }
0x1cc: {  	v63 =	vsub.s32 v59, v49;
	v43 =	vsub.s32 v61, v50;
	v50 =	vor.u32 v1, v34  }
0x1cd: {  	v58 =	vadd.s32 v52, v44;
	vm5 =	vmand vm5, vm14;
	vm3 =	vmand vm8, vm3  }
0x1ce: {  	v57 =	vld [tilespmem:s1+$0x2830];
	v60 =	vadd.s32 v55, v62;
	v61 =	vadd.s32 v56, v63;
	v35 =	vadd.s32 v35, v43  }
0x1cf: {  	vm6 =	vlt.s32 v50, $0x2710;
	v7 =	vand.u32 $0x79F, v50;
	v19 =	vadd.s32 v20, v58  }
0x1d0: {  	v4 =	vsel vm5, v4, v5;
	v5 =	vor.u32 $0xC8000, v8;
	v63 =	vor.u32 $0xC8000, v36  }
0x1d1: {  	[tilespmem:s1+$0x5070] =	vst v2;
	v22 =	vadd.s32 v40, v60;
	v62 =	vadd.s32 v39, v61;
	vm6 =	vmand vm6, vm15  }
0x1d2: {  	v2 =	vadd.s32 v45, v35;
	v7 =	vor.u32 $0xC8000, v7;
	[tilespmem:s1+$0x5000] =	vst v4;
	v4 =	vor.u32 $0xC8000, v21  }
0x1d3: {  	v5 =	vsel vm4, v19, v5;
	v46 =	vsub.s32 v57, v46;
	v57 =	vor.u32 v31, v34  }
0x1d4: {  	v34 =	vor.u32 v32, v34;
	v6 =	vsel vm6, v6, v7;
	v59 =	vadd.s32 v54, v46  }
0x1d5: {  	[tilespmem:s1+$0x5020] =	vst v5;
	vm12 =	vlt.s32 v57, $0x2710;
	v38 =	vand.u32 $0x7DF, v57;
	vm13 =	vlt.s32 v34, $0x2710  }
0x1d6: {  	v34 =	vand.u32 $0x7EF, v34;
	[tilespmem:s1+$0x5010] =	vst v6;
	v6 =	vsel vm2, v22, v63;
	v20 =	vadd.s32 v37, v59  }
0x1d7: {  	vm1 =	vmand vm12, vm1;
	v5 =	vor.u32 $0xC8000, v38;
	[tilespmem:s1+$0x5040] =	vst v6;
	v4 =	vsel vm3, v20, v4  }
0x1d8: {  	vm0 =	vmand vm13, vm0;
	v5 =	vsel vm1, v62, v5;
	[tilespmem:s1+$0x5030] =	vst v4;
	v4 =	vor.u32 $0xC8000, v34  }
0x1d9: {  	[tilespmem:s1+$0x5050] =	vst v5;
	v2 =	vsel vm0, v2, v4  }
0x1da: {  	s30 =	simm.s32 $0x5000;
	[tilespmem:s1+$0x5060] =	vst v2  }
0x1db: {  	[spmem:s2] =	stream.indirect.scatter.add.f32 [tilespmem:s24], [sflag:$0x1], $0x1, s30, s23, $0xb8;
	[tilespmem:$0x15B80] =	vst v63  }
0x1dc: {  	_ =	swait.ge [sflag:s20], $0x80  }
.LBB2_10:
0x1dd: {  	s1 =	sshra.s32 s31, $0x2;
	[sflag:s20] =	ssyncset.done $0x0;
	p0 =	sne.s32 s31, $0x9E00  }
.Ltmp4:
0x1de: {  	s1 =	sadd.s32 $0x5000, s1;
	[sflag:s20] =	ssyncadd.s32 $0xFFFFFF80;
	(pc) =	sbr.rel @p0 .LBB2_10-.Ltmp4, $3  }
0x1df: {  	[spmem:s2] =	stream.indirect.scatter.add.f32 [tilespmem:s24], [sflag:$0x1], $0x1, s1, s23, $0xb8;
	[tilespmem:$0x15B80] =	vst v63  }
0x1e0: {  	s31 =	sadd.s32 $0x200, s31;
	_ =	sdelay $0x1  }
0x1e1: {  	_ =	swait.ge [sflag:s20], $0x80  }
0x1e2: {  	[sflag:s20] =	ssyncset.done $0x0  }
0x1e3: {  	[sflag:s20] =	ssyncadd.s32 $0xFFFFFF80  }
0x1e4: {  	[spmem:s2] =	stream.indirect.scatter.add.f32 [tilespmem:s24], [sflag:$0x1], $0x1, s25, s23, $0xb8;
	[tilespmem:$0x15B80] =	vst v63  }
0x1e5: {  	_ =	swait.ge [sflag:s20], $0x80  }
0x1e6: {  	[sflag:s20] =	ssyncset.done $0x0  }
0x1e7: {  	[sflag:s20] =	ssyncadd.s32 $0xFFFFFF80  }
0x1e8: {  	[spmem:s2] =	stream.indirect.scatter.add.f32 [tilespmem:s24], [sflag:$0x1], $0x1, s26, s23, $0xb8;
	[tilespmem:$0x15B80] =	vst v63  }
0x1e9: {  	_ =	swait.ge [sflag:s20], $0x80  }
0x1ea: {  	[sflag:s20] =	ssyncset.done $0x0  }
0x1eb: {  	[sflag:s20] =	ssyncadd.s32 $0xFFFFFF80  }
0x1ec: {  	[bflag:$0x0] =	sbarrier.arrive $0xFFFF  }
0x1ed: {  	[hbm:s9], [sflag:s28] =	dma.local [spmem:s29], $0x1900  }
0x1ee: {  	_ =	swait.ge [sflag:s20], $0x1900  }
0x1ef: {  	[sflag:s20] =	ssyncset.done $0x0  }
0x1f0: {  	[sflag:s20] =	ssyncadd.s32 $0xFFFFE700  }
0x1f1: {  	[bflag:$0x0] =	sbarrier.arrive $0xFFFF  }
0x1f2: {  	[spmem:s6] =	stream.linear.scatter [tilespmem:s22], [sflag:$0x1], $0x1910, $0x38;
	[tilespmem:$0x15B80] =	vst v63  }
0x1f3: {  	_ =	swait.ge [sflag:s20], $0x1910  }
0x1f4: {  	[sflag:s20] =	ssyncset.done $0x0  }
0x1f5: {  	[sflag:s20] =	ssyncadd.s32 $0xFFFFE6F0  }
0x1f6: {  	[spmem:s13] =	stream.linear.scatter [tilespmem:s22], [sflag:$0x1], $0x1910, $0x38;
	[tilespmem:$0x15B80] =	vst v63  }
0x1f7: {  	_ =	swait.ge [sflag:s20], $0x1910  }
0x1f8: {  	[sflag:s20] =	ssyncset.done $0x0  }
0x1f9: {  	[sflag:s20] =	ssyncadd.s32 $0xFFFFE6F0  }
0x1fa: {  	[spmem:s14] =	stream.linear.scatter [tilespmem:s22], [sflag:$0x1], $0x1910, $0x38;
	[tilespmem:$0x15B80] =	vst v63  }
0x1fb: {  	_ =	swait.ge [sflag:s20], $0x1910  }
0x1fc: {  	[sflag:s20] =	ssyncset.done $0x0  }
0x1fd: {  	[sflag:s20] =	ssyncadd.s32 $0xFFFFE6F0  }
0x1fe: {  	[spmem:s15] =	stream.linear.scatter [tilespmem:s22], [sflag:$0x1], $0x1910, $0x38;
	[tilespmem:$0x15B80] =	vst v63  }
0x1ff: {  	_ =	swait.ge [sflag:s20], $0x1910  }
0x200: {  	[sflag:s20] =	ssyncset.done $0x0  }
0x201: {  	[sflag:s20] =	ssyncadd.s32 $0xFFFFE6F0  }
0x202: {  	[spmem:s16] =	stream.linear.scatter [tilespmem:s22], [sflag:$0x1], $0x1910, $0x38;
	[tilespmem:$0x15B80] =	vst v63  }
0x203: {  	_ =	swait.ge [sflag:s20], $0x1910  }
0x204: {  	[sflag:s20] =	ssyncset.done $0x0  }
0x205: {  	[sflag:s20] =	ssyncadd.s32 $0xFFFFE6F0  }
0x206: {  	[spmem:s17] =	stream.linear.scatter [tilespmem:s22], [sflag:$0x1], $0x1910, $0x38;
	[tilespmem:$0x15B80] =	vst v63  }
0x207: {  	_ =	swait.ge [sflag:s20], $0x1910  }
0x208: {  	[sflag:s20] =	ssyncset.done $0x0  }
0x209: {  	[sflag:s20] =	ssyncadd.s32 $0xFFFFE6F0  }
0x20a: {  	[spmem:s18] =	stream.linear.scatter [tilespmem:s22], [sflag:$0x1], $0x1910, $0x38;
	[tilespmem:$0x15B80] =	vst v63  }
0x20b: {  	_ =	swait.ge [sflag:s20], $0x1910  }
0x20c: {  	[sflag:s20] =	ssyncset.done $0x0  }
0x20d: {  	[sflag:s20] =	ssyncadd.s32 $0xFFFFE6F0  }
0x20e: {  	[spmem:s19] =	stream.linear.scatter [tilespmem:s22], [sflag:$0x1], $0x1910, $0x38;
	[tilespmem:$0x15B80] =	vst v63  }
0x20f: {  	_ =	swait.ge [sflag:s20], $0x1910  }
0x210: {  	[sflag:s20] =	ssyncset.done $0x0  }
0x211: {  	[sflag:s20] =	ssyncadd.s32 $0xFFFFE6F0  }
0x212: {  	s30 =	simm.s32 $0x0;
	[bflag:$0x0] =	sbarrier.arrive $0xFFFF  }
0x213: {  	v2 =	vld [tilespmem:s30+$0x70]  }
0x214: {  	v4 =	vld [tilespmem:s30+$0x0]  }
0x215: {  	v5 =	vld [tilespmem:s30+$0x10]  }
0x216: {  	v6 =	vld [tilespmem:s30+$0x20]  }
0x217: {  	v7 =	vld [tilespmem:s30+$0x30]  }
0x218: {  	v38 =	vld [tilespmem:s30+$0x50]  }
0x219: {  	v34 =	vimm.s32 $0x0  }
0x21a: {  	v37 =	vor.u32 v33, v34  }
0x21b: {  	vm0 =	vlt.s32 v37, $0x2710;
	v8 =	vmul.u32 $0x1A37, v2;
	v35 =	vmul.u32 $0x1A37, v6  }
0x21c: {  	v20 =	vmul.u32 $0x1A37, v4;
	v21 =	vmul.u32 $0x1A37, v5;
	v39 =	vmul.u32 $0x1A37, v7  }
0x21d: {  	v19 =	vld [tilespmem:s30+$0x2870];
	v59 =	vmul.u32 $0x1A37, v38;
	v8 =	vshrl.u32 v8, $0x16;
	v35 =	vshrl.u32 v35, $0x16  }
0x21e: {  	v36 =	vmul.u32 $0x271, v8;
	v40 =	vsub.s32 v8, v12;
	vm1 =	vge.u32 v8, v12  }
0x21f: {  	vm2 =	vlt.u32 v8, v14;
	v42 =	vmul.u32 $0x271, v35;
	v50 =	vsub.s32 v35, v12  }
0x220: {  	vm4 =	vge.u32 v35, v12;
	vm5 =	vlt.u32 v35, v14;
	v35 =	vor.u32 v30, v34  }
0x221: {  	v40 =	vmul.u32 $0x64000, v40;
	vm1 =	vmand vm1, vm2;
	v50 =	vmul.u32 $0x64000, v50  }
0x222: {  	v2 =	vsub.s32 v2, v36;
	v19 =	vsub.s32 v19, v36;
	vm0 =	vmand vm0, vm1  }
0x223: {  	v36 =	vshrl.u32 v59, $0x16;
	v6 =	vsub.s32 v6, v42;
	v2 =	vmul.u32 $0x280, v2  }
0x224: {  	v22 =	vld [tilespmem:s30+$0x40];
	v8 =	vadd.s32 v40, v19;
	v19 =	vand.u32 $0x7FF, v37;
	v37 =	vshrl.u32 v39, $0x16  }
0x225: {  	v41 =	vld [tilespmem:s30+$0x60];
	v45 =	vmul.u32 $0x271, v36;
	v54 =	vsub.s32 v36, v12;
	v6 =	vmul.u32 $0x280, v6  }
0x226: {  	v57 =	vld [tilespmem:s30+$0x2830];
	vm10 =	vge.u32 v36, v12;
	vm11 =	vlt.u32 v36, v14;
	v43 =	vmul.u32 $0x271, v37  }
0x227: {  	v52 =	vsub.s32 v37, v12;
	v54 =	vmul.u32 $0x64000, v54;
	vm6 =	vge.u32 v37, v12  }
0x228: {  	vm7 =	vlt.u32 v37, v14;
	v2 =	vadd.s32 v2, v8;
	v8 =	vor.u32 $0xC8000, v19  }
0x229: {  	v59 =	vld [tilespmem:s30+$0x2850];
	v19 =	vmul.u32 $0x1A37, v22;
	v38 =	vsub.s32 v38, v45;
	v52 =	vmul.u32 $0x64000, v52  }
0x22a: {  	v2 =	vsel vm0, v2, v8;
	v8 =	vshrl.u32 v20, $0x16;
	v20 =	vshrl.u32 v21, $0x16  }
0x22b: {  	v21 =	vmul.u32 $0x1A37, v41;
	v7 =	vsub.s32 v7, v43;
	v61 =	vsub.s32 v57, v43  }
0x22c: {  	v57 =	vor.u32 v31, v34;
	v19 =	vshrl.u32 v19, $0x16;
	v60 =	vmul.u32 $0x271, v8  }
0x22d: {  	v40 =	vmul.u32 $0x271, v20;
	v48 =	vsub.s32 v8, v12;
	v49 =	vsub.s32 v20, v12  }
0x22e: {  	v7 =	vmul.u32 $0x280, v7;
	vm0 =	vge.u32 v8, v12;
	v63 =	vsub.s32 v59, v45  }
0x22f: {  	vm1 =	vlt.u32 v8, v14;
	vm2 =	vge.u32 v20, v12;
	vm3 =	vlt.u32 v20, v14  }
0x230: {  	v8 =	vor.u32 v0, v34;
	v20 =	vor.u32 v3, v34;
	v61 =	vadd.s32 v52, v61  }
0x231: {  	v21 =	vshrl.u32 v21, $0x16;
	v44 =	vmul.u32 $0x271, v19;
	v53 =	vsub.s32 v19, v12  }
0x232: {  	v47 =	vld [tilespmem:s30+$0x2800];
	v48 =	vmul.u32 $0x64000, v48;
	v49 =	vmul.u32 $0x64000, v49;
	vm8 =	vge.u32 v19, v12  }
0x233: {  	v51 =	vld [tilespmem:s30+$0x2810];
	vm9 =	vlt.u32 v19, v14;
	v19 =	vor.u32 v1, v34;
	v43 =	vadd.s32 v54, v63  }
0x234: {  	v55 =	vld [tilespmem:s30+$0x2820];
	vm14 =	vmand vm0, vm1;
	vm15 =	vmand vm2, vm3;
	vm1 =	vmand vm4, vm5  }
0x235: {  	vm2 =	vmand vm6, vm7;
	vm0 =	vmand vm10, vm11;
	vm10 =	vlt.s32 v8, $0x2710  }
0x236: {  	v37 =	vand.u32 $0x78F, v8;
	vm5 =	vlt.s32 v20, $0x2710;
	vm7 =	vlt.s32 v57, $0x2710  }
0x237: {  	v46 =	vmul.u32 $0x271, v21;
	v4 =	vsub.s32 v4, v60;
	v5 =	vsub.s32 v5, v40  }
0x238: {  	v56 =	vsub.s32 v21, v12;
	v39 =	vsub.s32 v47, v60;
	v53 =	vmul.u32 $0x64000, v53  }
0x239: {  	v58 =	vld [tilespmem:s30+$0x2840];
	v60 =	vmul.u32 $0x280, v38;
	v38 =	vsub.s32 v51, v40;
	v40 =	vsub.s32 v55, v42  }
0x23a: {  	vm12 =	vge.u32 v21, v12;
	vm13 =	vlt.u32 v21, v14;
	v21 =	vor.u32 v29, v34  }
0x23b: {  	vm3 =	vmand vm8, vm9;
	vm11 =	vlt.s32 v19, $0x2710;
	v36 =	vand.u32 $0x79F, v19  }
0x23c: {  	vm8 =	vlt.s32 v35, $0x2710;
	v42 =	vand.u32 $0x7CF, v35;
	vm10 =	vmand vm10, vm14  }
0x23d: {  	v22 =	vsub.s32 v22, v44;
	v56 =	vmul.u32 $0x64000, v56;
	v4 =	vmul.u32 $0x280, v4  }
0x23e: {  	v5 =	vmul.u32 $0x280, v5;
	v62 =	vsub.s32 v58, v44;
	v39 =	vadd.s32 v48, v39  }
0x23f: {  	v47 =	vld [tilespmem:s30+$0x2860];
	v38 =	vadd.s32 v49, v38;
	v58 =	vor.u32 v32, v34;
	v59 =	vadd.s32 v50, v40  }
0x240: {  	vm4 =	vmand vm12, vm13;
	v40 =	vand.u32 $0x7AF, v20;
	vm6 =	vlt.s32 v21, $0x2710  }
0x241: {  	v44 =	vand.u32 $0x7DF, v57;
	vm11 =	vmand vm11, vm15;
	v41 =	vsub.s32 v41, v46  }
0x242: {  	v22 =	vmul.u32 $0x280, v22;
	v62 =	vadd.s32 v53, v62;
	vm9 =	vlt.s32 v58, $0x2710  }
0x243: {  	v48 =	vand.u32 $0x7EF, v58;
	v35 =	vadd.s32 v60, v43;
	v51 =	vmul.u32 $0x280, v41  }
0x244: {  	v41 =	vand.u32 $0x7BF, v21;
	v45 =	vadd.s32 v4, v39;
	v55 =	vsub.s32 v47, v46  }
0x245: {  	v39 =	vadd.s32 v22, v62;
	v46 =	vadd.s32 v5, v38;
	v63 =	vadd.s32 v56, v55  }
0x246: {  	s31 =	simm.s32 $0x200;
	s1 =	simm.s32 $0x80;
	s21 =	simm.s32 $0x400;
	[tilespmem:s30+$0x5070] =	vst v2;
	v47 =	vadd.s32 v6, v59;
	v38 =	vadd.s32 v7, v61;
	v43 =	vadd.s32 v51, v63  }
.LBB2_12:
0x247: {  	p0 =	sne.s32 s21, $0x9E00;
	v2 =	vld [tilespmem:s1+$0x70];
	vm1 =	vmand vm5, vm1;
	vm2 =	vmand vm6, vm2;
	vm3 =	vmand vm8, vm3  }
0x248: {  	v5 =	vor.u32 $0xC8000, v37;
	vm0 =	vmand vm7, vm0;
	vm4 =	vmand vm9, vm4;
	v4 =	vld [tilespmem:s1+$0x0]  }
0x249: {  	v7 =	vor.u32 $0xC8000, v36;
	v8 =	vor.u32 $0xC8000, v40;
	v19 =	vor.u32 $0xC8000, v41;
	v6 =	vld [tilespmem:s1+$0x10]  }
0x24a: {  	v21 =	vor.u32 $0xC8000, v42;
	v22 =	vor.u32 $0xC8000, v44;
	v36 =	vor.u32 $0xC8000, v48;
	v20 =	vld [tilespmem:s1+$0x20]  }
0x24b: {  	v5 =	vsel vm10, v45, v5;
	v7 =	vsel vm11, v46, v7;
	v8 =	vsel vm1, v47, v8;
	v37 =	vld [tilespmem:s1+$0x30]  }
0x24c: {  	v40 =	vld [tilespmem:s1+$0x40];
	v41 =	vmul.u32 $0x1A37, v2;
	[tilespmem:s30+$0x5000] =	vst v5;
	v5 =	vsel vm2, v38, v19;
	v19 =	vsel vm3, v39, v21  }
0x24d: {  	v21 =	vmul.u32 $0x1A37, v4;
	v38 =	vld [tilespmem:s1+$0x2870];
	[tilespmem:s30+$0x5010] =	vst v7;
	v7 =	vsel vm0, v35, v22;
	v22 =	vsel vm4, v43, v36  }
0x24e: {  	v34 =	vadd.s32 $0x80, v34;
	v35 =	vmul.u32 $0x1A37, v6;
	v36 =	vld [tilespmem:s1+$0x50];
	v39 =	vshrl.u32 v41, $0x16;
	[tilespmem:s30+$0x5020] =	vst v8  }
0x24f: {  	v43 =	vor.u32 v33, v34;
	v8 =	vmul.u32 $0x1A37, v20;
	v41 =	vld [tilespmem:s1+$0x60];
	v42 =	vmul.u32 $0x271, v39;
	[tilespmem:s30+$0x5030] =	vst v5  }
0x250: {  	vm0 =	vlt.s32 v43, $0x2710;
	v45 =	vsub.s32 v39, v12;
	v5 =	vld [tilespmem:s1+$0x2800];
	v44 =	vmul.u32 $0x1A37, v37;
	[tilespmem:s30+$0x5040] =	vst v19  }
0x251: {  	vm1 =	vge.u32 v39, v12;
	v45 =	vmul.u32 $0x64000, v45;
	v19 =	vld [tilespmem:s1+$0x2810];
	v2 =	vsub.s32 v2, v42;
	[tilespmem:s30+$0x5050] =	vst v7  }
0x252: {  	vm2 =	vlt.u32 v39, v14;
	v7 =	vld [tilespmem:s1+$0x2820];
	v2 =	vmul.u32 $0x280, v2;
	v38 =	vsub.s32 v38, v42;
	[tilespmem:s30+$0x5060] =	vst v22;
	s30 =	smov.u32 s1  }
0x253: {  	v39 =	vand.u32 $0x7FF, v43;
	vm1 =	vmand vm1, vm2;
	v22 =	vld [tilespmem:s30+$0x2830];
	v38 =	vadd.s32 v45, v38  }
0x254: {  	vm0 =	vmand vm0, vm1;
	v42 =	vld [tilespmem:s30+$0x2840];
	v2 =	vadd.s32 v2, v38;
	v38 =	vor.u32 $0xC8000, v39  }
0x255: {  	v45 =	vmul.u32 $0x1A37, v36;
	v39 =	vmul.u32 $0x1A37, v40;
	v43 =	vld [tilespmem:s30+$0x2850];
	v2 =	vsel vm0, v2, v38  }
0x256: {  	v21 =	vshrl.u32 v21, $0x16;
	v35 =	vshrl.u32 v35, $0x16;
	v46 =	vmul.u32 $0x1A37, v41;
	v38 =	vld [tilespmem:s30+$0x2860];
	[tilespmem:s30+$0x5070] =	vst v2  }
0x257: {  	v2 =	vshrl.u32 v8, $0x16;
	v8 =	vshrl.u32 v44, $0x16;
	v39 =	vshrl.u32 v39, $0x16  }
0x258: {  	v45 =	vshrl.u32 v45, $0x16;
	v44 =	vmul.u32 $0x271, v21;
	v46 =	vshrl.u32 v46, $0x16  }
0x259: {  	v47 =	vmul.u32 $0x271, v35;
	v48 =	vmul.u32 $0x271, v2;
	v49 =	vmul.u32 $0x271, v8  }
0x25a: {  	v51 =	vmul.u32 $0x271, v45;
	v50 =	vmul.u32 $0x271, v39;
	v52 =	vmul.u32 $0x271, v46  }
0x25b: {  	v53 =	vsub.s32 v21, v12;
	v54 =	vsub.s32 v35, v12;
	v55 =	vsub.s32 v2, v12  }
0x25c: {  	v58 =	vsub.s32 v45, v12;
	v56 =	vsub.s32 v8, v12;
	v57 =	vsub.s32 v39, v12  }
0x25d: {  	v6 =	vsub.s32 v6, v47;
	v59 =	vsub.s32 v46, v12;
	v4 =	vsub.s32 v4, v44  }
0x25e: {  	v20 =	vsub.s32 v20, v48;
	v37 =	vsub.s32 v37, v49;
	v40 =	vsub.s32 v40, v50  }
0x25f: {  	v53 =	vmul.u32 $0x64000, v53;
	v36 =	vsub.s32 v36, v51;
	v41 =	vsub.s32 v41, v52  }
0x260: {  	v54 =	vmul.u32 $0x64000, v54;
	v55 =	vmul.u32 $0x64000, v55;
	v56 =	vmul.u32 $0x64000, v56  }
0x261: {  	v58 =	vmul.u32 $0x64000, v58;
	v57 =	vmul.u32 $0x64000, v57;
	v59 =	vmul.u32 $0x64000, v59  }
0x262: {  	v6 =	vmul.u32 $0x280, v6;
	v4 =	vmul.u32 $0x280, v4;
	v20 =	vmul.u32 $0x280, v20  }
0x263: {  	v62 =	vmul.u32 $0x280, v36;
	v60 =	vmul.u32 $0x280, v37;
	v61 =	vmul.u32 $0x280, v40  }
0x264: {  	v19 =	vsub.s32 v19, v47;
	v5 =	vsub.s32 v5, v44;
	v63 =	vmul.u32 $0x280, v41  }
0x265: {  	v7 =	vsub.s32 v7, v48;
	v22 =	vsub.s32 v22, v49;
	v36 =	vsub.s32 v42, v50  }
0x266: {  	vm0 =	vge.u32 v21, v12;
	v37 =	vsub.s32 v43, v51;
	v38 =	vsub.s32 v38, v52  }
0x267: {  	vm1 =	vlt.u32 v21, v14;
	vm2 =	vge.u32 v35, v12;
	vm3 =	vlt.u32 v35, v14  }
0x268: {  	vm4 =	vge.u32 v2, v12;
	vm6 =	vlt.u32 v2, v14;
	vm5 =	vge.u32 v8, v12  }
0x269: {  	vm7 =	vlt.u32 v8, v14;
	vm8 =	vge.u32 v39, v12;
	vm9 =	vlt.u32 v39, v14  }
0x26a: {  	vm12 =	vge.u32 v45, v12;
	vm13 =	vlt.u32 v45, v14;
	vm14 =	vge.u32 v46, v12  }
0x26b: {  	v2 =	vor.u32 v0, v34;
	v8 =	vor.u32 v1, v34;
	vm15 =	vlt.u32 v46, v14  }
0x26c: {  	v35 =	vor.u32 v29, v34;
	v21 =	vor.u32 v3, v34;
	v39 =	vor.u32 v30, v34  }
0x26d: {  	v45 =	vor.u32 v32, v34;
	v5 =	vadd.s32 v53, v5;
	v43 =	vor.u32 v31, v34  }
0x26e: {  	v19 =	vadd.s32 v54, v19;
	v7 =	vadd.s32 v55, v7;
	v22 =	vadd.s32 v56, v22  }
0x26f: {  	v49 =	vadd.s32 v57, v36;
	v50 =	vadd.s32 v58, v37;
	v51 =	vadd.s32 v59, v38  }
0x270: {  	vm11 =	vmand vm2, vm3;
	vm10 =	vmand vm0, vm1;
	vm1 =	vmand vm4, vm6  }
0x271: {  	vm0 =	vmand vm12, vm13;
	vm2 =	vmand vm5, vm7;
	vm3 =	vmand vm8, vm9  }
0x272: {  	vm12 =	vlt.s32 v2, $0x2710;
	vm4 =	vmand vm14, vm15;
	v37 =	vand.u32 $0x78F, v2  }
0x273: {  	vm13 =	vlt.s32 v8, $0x2710;
	vm5 =	vlt.s32 v21, $0x2710;
	v36 =	vand.u32 $0x79F, v8  }
0x274: {  	vm6 =	vlt.s32 v35, $0x2710;
	v40 =	vand.u32 $0x7AF, v21;
	v41 =	vand.u32 $0x7BF, v35  }
.Ltmp5:
0x275: {  	vm8 =	vlt.s32 v39, $0x2710;
	v42 =	vand.u32 $0x7CF, v39;
	vm7 =	vlt.s32 v43, $0x2710;
	(pc) =	sbr.rel @p0 .LBB2_12-.Ltmp5, $4  }
0x276: {  	vm9 =	vlt.s32 v45, $0x2710;
	v48 =	vand.u32 $0x7EF, v45;
	v44 =	vand.u32 $0x7DF, v43  }
0x277: {  	v46 =	vadd.s32 v6, v19;
	v45 =	vadd.s32 v4, v5;
	v47 =	vadd.s32 v20, v7  }
0x278: {  	v38 =	vadd.s32 v60, v22;
	v39 =	vadd.s32 v61, v49;
	v35 =	vadd.s32 v62, v50  }
0x279: {  	s1 =	sshra.s32 s21, $0x2;
	s21 =	sadd.s32 $0x200, s21;
	vm10 =	vmand vm12, vm10;
	vm11 =	vmand vm13, vm11;
	v43 =	vadd.s32 v63, v51  }
0x27a: {  	v2 =	vld [tilespmem:s1+$0x70]  }
0x27b: {  	vm1 =	vmand vm5, vm1;
	vm2 =	vmand vm6, vm2;
	vm3 =	vmand vm8, vm3;
	v4 =	vld [tilespmem:s1+$0x0]  }
0x27c: {  	v5 =	vor.u32 $0xC8000, v37;
	vm0 =	vmand vm7, vm0;
	vm4 =	vmand vm9, vm4;
	v6 =	vld [tilespmem:s1+$0x10]  }
0x27d: {  	v7 =	vor.u32 $0xC8000, v36;
	v8 =	vor.u32 $0xC8000, v40;
	v19 =	vor.u32 $0xC8000, v41;
	v20 =	vld [tilespmem:s1+$0x20]  }
0x27e: {  	v21 =	vor.u32 $0xC8000, v42;
	v22 =	vor.u32 $0xC8000, v44;
	v44 =	vor.u32 $0xC8000, v48;
	v37 =	vld [tilespmem:s1+$0x30]  }
0x27f: {  	v40 =	vld [tilespmem:s1+$0x40];
	v34 =	vadd.s32 $0x80, v34;
	v5 =	vsel vm10, v45, v5;
	v7 =	vsel vm11, v46, v7  }
0x280: {  	v8 =	vsel vm1, v47, v8;
	v22 =	vsel vm0, v35, v22;
	v53 =	vor.u32 v33, v34  }
0x281: {  	v35 =	vsel vm4, v43, v44;
	[tilespmem:s30+$0x5000] =	vst v5;
	v5 =	vsel vm2, v38, v19;
	v56 =	vand.u32 $0x7FF, v53  }
0x282: {  	v19 =	vsel vm3, v39, v21;
	vm9 =	vlt.s32 v53, $0x2710;
	v57 =	vor.u32 $0xC8000, v56  }
0x283: {  	v48 =	vld [tilespmem:s1+$0x2870];
	[tilespmem:s30+$0x5010] =	vst v7;
	v47 =	vmul.u32 $0x1A37, v2;
	v21 =	vmul.u32 $0x1A37, v4;
	v49 =	vmul.u32 $0x1A37, v6  }
0x284: {  	v39 =	vld [tilespmem:s1+$0x50];
	[tilespmem:s30+$0x5020] =	vst v8;
	v51 =	vmul.u32 $0x1A37, v20;
	v8 =	vmul.u32 $0x1A37, v37;
	v58 =	vmul.u32 $0x1A37, v40  }
0x285: {  	v50 =	vshrl.u32 v47, $0x16;
	v21 =	vshrl.u32 v21, $0x16;
	v7 =	vshrl.u32 v49, $0x16  }
0x286: {  	v45 =	vld [tilespmem:s1+$0x60];
	[tilespmem:s30+$0x5030] =	vst v5;
	v5 =	vshrl.u32 v51, $0x16;
	v8 =	vshrl.u32 v8, $0x16;
	v52 =	vmul.u32 $0x271, v50  }
0x287: {  	v54 =	vsub.s32 v50, v12;
	vm10 =	vge.u32 v50, v12;
	vm11 =	vlt.u32 v50, v14  }
0x288: {  	v41 =	vld [tilespmem:s1+$0x2800];
	[tilespmem:s30+$0x5040] =	vst v19;
	v61 =	vmul.u32 $0x271, v21;
	v19 =	vmul.u32 $0x271, v7;
	v46 =	vmul.u32 $0x271, v8  }
0x289: {  	v62 =	vld [tilespmem:s1+$0x2810];
	[tilespmem:s30+$0x5050] =	vst v22;
	v22 =	vsub.s32 v21, v12;
	v51 =	vsub.s32 v7, v12;
	vm2 =	vge.u32 v7, v12  }
0x28a: {  	vm3 =	vlt.u32 v7, v14;
	vm4 =	vge.u32 v5, v12;
	vm5 =	vlt.u32 v5, v14  }
0x28b: {  	vm6 =	vge.u32 v8, v12;
	vm7 =	vlt.u32 v8, v14;
	v44 =	vmul.u32 $0x64000, v54  }
0x28c: {  	vm1 =	vmand vm10, vm11;
	v59 =	vmul.u32 $0x1A37, v39;
	v54 =	vsub.s32 v8, v12  }
0x28d: {  	v22 =	vmul.u32 $0x64000, v22;
	v51 =	vmul.u32 $0x64000, v51;
	v8 =	vor.u32 v3, v34  }
0x28e: {  	vm15 =	vmand vm2, vm3;
	vm4 =	vmand vm4, vm5;
	vm3 =	vmand vm6, vm7  }
0x28f: {  	v2 =	vsub.s32 v2, v52;
	v38 =	vsub.s32 v48, v52;
	vm0 =	vmand vm9, vm1  }
0x290: {  	v60 =	vmul.u32 $0x1A37, v45;
	v52 =	vsub.s32 v5, v12;
	v4 =	vsub.s32 v4, v61  }
0x291: {  	v6 =	vsub.s32 v6, v19;
	v37 =	vsub.s32 v37, v46;
	v54 =	vmul.u32 $0x64000, v54  }
0x292: {  	vm1 =	vlt.u32 v21, v14;
	vm7 =	vlt.s32 v8, $0x2710;
	v8 =	vand.u32 $0x7AF, v8  }
0x293: {  	v2 =	vmul.u32 $0x280, v2;
	v55 =	vadd.s32 v44, v38;
	v38 =	vshrl.u32 v58, $0x16  }
0x294: {  	v42 =	vshrl.u32 v59, $0x16;
	v44 =	vmul.u32 $0x271, v5;
	v52 =	vmul.u32 $0x64000, v52  }
0x295: {  	v41 =	vsub.s32 v41, v61;
	v4 =	vmul.u32 $0x280, v4;
	v6 =	vmul.u32 $0x280, v6  }
0x296: {  	v37 =	vmul.u32 $0x280, v37;
	v5 =	vor.u32 v0, v34;
	vm4 =	vmand vm7, vm4  }
0x297: {  	v36 =	vshrl.u32 v60, $0x16;
	v63 =	vmul.u32 $0x271, v38;
	v49 =	vmul.u32 $0x271, v42  }
0x298: {  	v53 =	vld [tilespmem:s1+$0x2820];
	v56 =	vsub.s32 v42, v12;
	v19 =	vsub.s32 v62, v19;
	vm8 =	vge.u32 v38, v12  }
0x299: {  	vm9 =	vlt.u32 v38, v14;
	vm10 =	vge.u32 v42, v12;
	vm11 =	vlt.u32 v42, v14  }
0x29a: {  	v22 =	vadd.s32 v22, v41;
	vm5 =	vlt.s32 v5, $0x2710;
	v5 =	vand.u32 $0x78F, v5  }
0x29b: {  	v2 =	vadd.s32 v2, v55;
	v50 =	vmul.u32 $0x271, v36;
	v55 =	vsub.s32 v38, v12  }
0x29c: {  	v60 =	vsub.s32 v36, v12;
	v20 =	vsub.s32 v20, v44;
	v56 =	vmul.u32 $0x64000, v56  }
0x29d: {  	v44 =	vsub.s32 v53, v44;
	vm12 =	vge.u32 v36, v12;
	vm13 =	vlt.u32 v36, v14  }
0x29e: {  	v53 =	vor.u32 v30, v34;
	v19 =	vadd.s32 v51, v19;
	vm2 =	vmand vm8, vm9  }
0x29f: {  	[tilespmem:s30+$0x5060] =	vst v35;
	v4 =	vadd.s32 v4, v22;
	v5 =	vor.u32 $0xC8000, v5;
	v2 =	vsel vm0, v2, v57  }
0x2a0: {  	v58 =	vld [tilespmem:s1+$0x2840];
	v40 =	vsub.s32 v40, v63;
	v39 =	vsub.s32 v39, v49;
	v55 =	vmul.u32 $0x64000, v55  }
0x2a1: {  	v59 =	vld [tilespmem:s1+$0x2850];
	v35 =	vmul.u32 $0x64000, v60;
	v20 =	vmul.u32 $0x280, v20;
	vm0 =	vge.u32 v21, v12  }
0x2a2: {  	v61 =	vld [tilespmem:s1+$0x2860];
	v21 =	vor.u32 v29, v34;
	vm9 =	vlt.s32 v53, $0x2710;
	v36 =	vand.u32 $0x7CF, v53  }
0x2a3: {  	v6 =	vadd.s32 v6, v19;
	v45 =	vsub.s32 v45, v50;
	v40 =	vmul.u32 $0x280, v40  }
0x2a4: {  	v39 =	vmul.u32 $0x280, v39;
	vm14 =	vmand vm0, vm1;
	vm1 =	vmand vm10, vm11  }
0x2a5: {  	vm0 =	vmand vm12, vm13;
	vm8 =	vlt.s32 v21, $0x2710;
	v21 =	vand.u32 $0x7BF, v21  }
0x2a6: {  	vm2 =	vmand vm9, vm2;
	v45 =	vmul.u32 $0x280, v45;
	v62 =	vsub.s32 v58, v63  }
0x2a7: {  	v63 =	vsub.s32 v59, v49;
	v43 =	vsub.s32 v61, v50;
	v50 =	vor.u32 v1, v34  }
0x2a8: {  	v58 =	vadd.s32 v52, v44;
	vm5 =	vmand vm5, vm14;
	vm3 =	vmand vm8, vm3  }
0x2a9: {  	v57 =	vld [tilespmem:s1+$0x2830];
	v60 =	vadd.s32 v55, v62;
	v61 =	vadd.s32 v56, v63;
	v35 =	vadd.s32 v35, v43  }
0x2aa: {  	vm6 =	vlt.s32 v50, $0x2710;
	v7 =	vand.u32 $0x79F, v50;
	v19 =	vadd.s32 v20, v58  }
0x2ab: {  	v4 =	vsel vm5, v4, v5;
	v5 =	vor.u32 $0xC8000, v8;
	v63 =	vor.u32 $0xC8000, v36  }
0x2ac: {  	[tilespmem:s1+$0x5070] =	vst v2;
	v22 =	vadd.s32 v40, v60;
	v62 =	vadd.s32 v39, v61;
	vm6 =	vmand vm6, vm15  }
0x2ad: {  	v2 =	vadd.s32 v45, v35;
	v7 =	vor.u32 $0xC8000, v7;
	[tilespmem:s1+$0x5000] =	vst v4;
	v4 =	vor.u32 $0xC8000, v21  }
0x2ae: {  	v5 =	vsel vm4, v19, v5;
	v46 =	vsub.s32 v57, v46;
	v57 =	vor.u32 v31, v34  }
0x2af: {  	v34 =	vor.u32 v32, v34;
	v6 =	vsel vm6, v6, v7;
	v59 =	vadd.s32 v54, v46  }
0x2b0: {  	[tilespmem:s1+$0x5020] =	vst v5;
	vm12 =	vlt.s32 v57, $0x2710;
	v38 =	vand.u32 $0x7DF, v57;
	vm13 =	vlt.s32 v34, $0x2710  }
0x2b1: {  	v34 =	vand.u32 $0x7EF, v34;
	[tilespmem:s1+$0x5010] =	vst v6;
	v6 =	vsel vm2, v22, v63;
	v20 =	vadd.s32 v37, v59  }
0x2b2: {  	vm1 =	vmand vm12, vm1;
	v5 =	vor.u32 $0xC8000, v38;
	[tilespmem:s1+$0x5040] =	vst v6;
	v4 =	vsel vm3, v20, v4  }
0x2b3: {  	vm0 =	vmand vm13, vm0;
	v5 =	vsel vm1, v62, v5;
	[tilespmem:s1+$0x5030] =	vst v4;
	v4 =	vor.u32 $0xC8000, v34  }
0x2b4: {  	[tilespmem:s1+$0x5050] =	vst v5;
	v2 =	vsel vm0, v2, v4  }
0x2b5: {  	s30 =	simm.s32 $0x5000;
	[tilespmem:s1+$0x5060] =	vst v2  }
0x2b6: {  	[spmem:s2] =	stream.indirect.scatter.add.f32 [tilespmem:s24], [sflag:$0x1], $0x1, s30, s23, $0xb8;
	[tilespmem:$0x15B80] =	vst v63  }
0x2b7: {  	_ =	swait.ge [sflag:s20], $0x80  }
.LBB2_14:
0x2b8: {  	s1 =	sshra.s32 s31, $0x2;
	[sflag:s20] =	ssyncset.done $0x0;
	p0 =	sne.s32 s31, $0x9E00  }
.Ltmp6:
0x2b9: {  	s1 =	sadd.s32 $0x5000, s1;
	[sflag:s20] =	ssyncadd.s32 $0xFFFFFF80;
	(pc) =	sbr.rel @p0 .LBB2_14-.Ltmp6, $3  }
0x2ba: {  	[spmem:s2] =	stream.indirect.scatter.add.f32 [tilespmem:s24], [sflag:$0x1], $0x1, s1, s23, $0xb8;
	[tilespmem:$0x15B80] =	vst v63  }
0x2bb: {  	s31 =	sadd.s32 $0x200, s31;
	_ =	sdelay $0x1  }
0x2bc: {  	_ =	swait.ge [sflag:s20], $0x80  }
0x2bd: {  	[sflag:s20] =	ssyncset.done $0x0  }
0x2be: {  	[sflag:s20] =	ssyncadd.s32 $0xFFFFFF80  }
0x2bf: {  	[spmem:s2] =	stream.indirect.scatter.add.f32 [tilespmem:s24], [sflag:$0x1], $0x1, s25, s23, $0xb8;
	[tilespmem:$0x15B80] =	vst v63  }
0x2c0: {  	_ =	swait.ge [sflag:s20], $0x80  }
0x2c1: {  	[sflag:s20] =	ssyncset.done $0x0  }
0x2c2: {  	[sflag:s20] =	ssyncadd.s32 $0xFFFFFF80  }
0x2c3: {  	[spmem:s2] =	stream.indirect.scatter.add.f32 [tilespmem:s24], [sflag:$0x1], $0x1, s26, s23, $0xb8;
	[tilespmem:$0x15B80] =	vst v63  }
0x2c4: {  	_ =	swait.ge [sflag:s20], $0x80  }
0x2c5: {  	[sflag:s20] =	ssyncset.done $0x0  }
0x2c6: {  	[sflag:s20] =	ssyncadd.s32 $0xFFFFFF80  }
0x2c7: {  	[bflag:$0x0] =	sbarrier.arrive $0xFFFF  }
0x2c8: {  	[hbm:s10], [sflag:s28] =	dma.local [spmem:s29], $0x1900  }
0x2c9: {  	_ =	swait.ge [sflag:s20], $0x1900  }
0x2ca: {  	[sflag:s20] =	ssyncset.done $0x0  }
0x2cb: {  	[sflag:s20] =	ssyncadd.s32 $0xFFFFE700  }
0x2cc: {  	[bflag:$0x0] =	sbarrier.arrive $0xFFFF  }
0x2cd: {  	[spmem:s6] =	stream.linear.scatter [tilespmem:s22], [sflag:$0x1], $0x1910, $0x38;
	[tilespmem:$0x15B80] =	vst v63  }
0x2ce: {  	_ =	swait.ge [sflag:s20], $0x1910  }
0x2cf: {  	[sflag:s20] =	ssyncset.done $0x0  }
0x2d0: {  	[sflag:s20] =	ssyncadd.s32 $0xFFFFE6F0  }
0x2d1: {  	[spmem:s13] =	stream.linear.scatter [tilespmem:s22], [sflag:$0x1], $0x1910, $0x38;
	[tilespmem:$0x15B80] =	vst v63  }
0x2d2: {  	_ =	swait.ge [sflag:s20], $0x1910  }
0x2d3: {  	[sflag:s20] =	ssyncset.done $0x0  }
0x2d4: {  	[sflag:s20] =	ssyncadd.s32 $0xFFFFE6F0  }
0x2d5: {  	[spmem:s14] =	stream.linear.scatter [tilespmem:s22], [sflag:$0x1], $0x1910, $0x38;
	[tilespmem:$0x15B80] =	vst v63  }
0x2d6: {  	_ =	swait.ge [sflag:s20], $0x1910  }
0x2d7: {  	[sflag:s20] =	ssyncset.done $0x0  }
0x2d8: {  	[sflag:s20] =	ssyncadd.s32 $0xFFFFE6F0  }
0x2d9: {  	[spmem:s15] =	stream.linear.scatter [tilespmem:s22], [sflag:$0x1], $0x1910, $0x38;
	[tilespmem:$0x15B80] =	vst v63  }
0x2da: {  	_ =	swait.ge [sflag:s20], $0x1910  }
0x2db: {  	[sflag:s20] =	ssyncset.done $0x0  }
0x2dc: {  	[sflag:s20] =	ssyncadd.s32 $0xFFFFE6F0  }
0x2dd: {  	[spmem:s16] =	stream.linear.scatter [tilespmem:s22], [sflag:$0x1], $0x1910, $0x38;
	[tilespmem:$0x15B80] =	vst v63  }
0x2de: {  	_ =	swait.ge [sflag:s20], $0x1910  }
0x2df: {  	[sflag:s20] =	ssyncset.done $0x0  }
0x2e0: {  	[sflag:s20] =	ssyncadd.s32 $0xFFFFE6F0  }
0x2e1: {  	[spmem:s17] =	stream.linear.scatter [tilespmem:s22], [sflag:$0x1], $0x1910, $0x38;
	[tilespmem:$0x15B80] =	vst v63  }
0x2e2: {  	_ =	swait.ge [sflag:s20], $0x1910  }
0x2e3: {  	[sflag:s20] =	ssyncset.done $0x0  }
0x2e4: {  	[sflag:s20] =	ssyncadd.s32 $0xFFFFE6F0  }
0x2e5: {  	[spmem:s18] =	stream.linear.scatter [tilespmem:s22], [sflag:$0x1], $0x1910, $0x38;
	[tilespmem:$0x15B80] =	vst v63  }
0x2e6: {  	_ =	swait.ge [sflag:s20], $0x1910  }
0x2e7: {  	[sflag:s20] =	ssyncset.done $0x0  }
0x2e8: {  	[sflag:s20] =	ssyncadd.s32 $0xFFFFE6F0  }
0x2e9: {  	[spmem:s19] =	stream.linear.scatter [tilespmem:s22], [sflag:$0x1], $0x1910, $0x38;
	[tilespmem:$0x15B80] =	vst v63  }
0x2ea: {  	_ =	swait.ge [sflag:s20], $0x1910  }
0x2eb: {  	[sflag:s20] =	ssyncset.done $0x0  }
0x2ec: {  	[sflag:s20] =	ssyncadd.s32 $0xFFFFE6F0  }
0x2ed: {  	s30 =	simm.s32 $0x0;
	[bflag:$0x0] =	sbarrier.arrive $0xFFFF  }
0x2ee: {  	v2 =	vld [tilespmem:s30+$0x70]  }
0x2ef: {  	v4 =	vld [tilespmem:s30+$0x0]  }
0x2f0: {  	v5 =	vld [tilespmem:s30+$0x10]  }
0x2f1: {  	v6 =	vld [tilespmem:s30+$0x20]  }
0x2f2: {  	v7 =	vld [tilespmem:s30+$0x30]  }
0x2f3: {  	v38 =	vld [tilespmem:s30+$0x50]  }
0x2f4: {  	v34 =	vimm.s32 $0x0  }
0x2f5: {  	v37 =	vor.u32 v33, v34  }
0x2f6: {  	vm0 =	vlt.s32 v37, $0x2710;
	v8 =	vmul.u32 $0x1A37, v2;
	v35 =	vmul.u32 $0x1A37, v6  }
0x2f7: {  	v20 =	vmul.u32 $0x1A37, v4;
	v21 =	vmul.u32 $0x1A37, v5;
	v39 =	vmul.u32 $0x1A37, v7  }
0x2f8: {  	v19 =	vld [tilespmem:s30+$0x2870];
	v59 =	vmul.u32 $0x1A37, v38;
	v8 =	vshrl.u32 v8, $0x16;
	v35 =	vshrl.u32 v35, $0x16  }
0x2f9: {  	v36 =	vmul.u32 $0x271, v8;
	v40 =	vsub.s32 v8, v15;
	vm1 =	vge.u32 v8, v15  }
0x2fa: {  	vm2 =	vlt.u32 v8, v16;
	v42 =	vmul.u32 $0x271, v35;
	v50 =	vsub.s32 v35, v15  }
0x2fb: {  	vm4 =	vge.u32 v35, v15;
	vm5 =	vlt.u32 v35, v16;
	v35 =	vor.u32 v30, v34  }
0x2fc: {  	v40 =	vmul.u32 $0x64000, v40;
	vm1 =	vmand vm1, vm2;
	v50 =	vmul.u32 $0x64000, v50  }
0x2fd: {  	v2 =	vsub.s32 v2, v36;
	v19 =	vsub.s32 v19, v36;
	vm0 =	vmand vm0, vm1  }
0x2fe: {  	v36 =	vshrl.u32 v59, $0x16;
	v6 =	vsub.s32 v6, v42;
	v2 =	vmul.u32 $0x280, v2  }
0x2ff: {  	v22 =	vld [tilespmem:s30+$0x40];
	v8 =	vadd.s32 v40, v19;
	v19 =	vand.u32 $0x7FF, v37;
	v37 =	vshrl.u32 v39, $0x16  }
0x300: {  	v41 =	vld [tilespmem:s30+$0x60];
	v45 =	vmul.u32 $0x271, v36;
	v54 =	vsub.s32 v36, v15;
	v6 =	vmul.u32 $0x280, v6  }
0x301: {  	v57 =	vld [tilespmem:s30+$0x2830];
	vm10 =	vge.u32 v36, v15;
	vm11 =	vlt.u32 v36, v16;
	v43 =	vmul.u32 $0x271, v37  }
0x302: {  	v52 =	vsub.s32 v37, v15;
	v54 =	vmul.u32 $0x64000, v54;
	vm6 =	vge.u32 v37, v15  }
0x303: {  	vm7 =	vlt.u32 v37, v16;
	v2 =	vadd.s32 v2, v8;
	v8 =	vor.u32 $0xC8000, v19  }
0x304: {  	v59 =	vld [tilespmem:s30+$0x2850];
	v19 =	vmul.u32 $0x1A37, v22;
	v38 =	vsub.s32 v38, v45;
	v52 =	vmul.u32 $0x64000, v52  }
0x305: {  	v2 =	vsel vm0, v2, v8;
	v8 =	vshrl.u32 v20, $0x16;
	v20 =	vshrl.u32 v21, $0x16  }
0x306: {  	v21 =	vmul.u32 $0x1A37, v41;
	v7 =	vsub.s32 v7, v43;
	v61 =	vsub.s32 v57, v43  }
0x307: {  	v57 =	vor.u32 v31, v34;
	v19 =	vshrl.u32 v19, $0x16;
	v60 =	vmul.u32 $0x271, v8  }
0x308: {  	v40 =	vmul.u32 $0x271, v20;
	v48 =	vsub.s32 v8, v15;
	v49 =	vsub.s32 v20, v15  }
0x309: {  	v7 =	vmul.u32 $0x280, v7;
	vm0 =	vge.u32 v8, v15;
	v63 =	vsub.s32 v59, v45  }
0x30a: {  	vm1 =	vlt.u32 v8, v16;
	vm2 =	vge.u32 v20, v15;
	vm3 =	vlt.u32 v20, v16  }
0x30b: {  	v8 =	vor.u32 v0, v34;
	v20 =	vor.u32 v3, v34;
	v61 =	vadd.s32 v52, v61  }
0x30c: {  	v21 =	vshrl.u32 v21, $0x16;
	v44 =	vmul.u32 $0x271, v19;
	v53 =	vsub.s32 v19, v15  }
0x30d: {  	v47 =	vld [tilespmem:s30+$0x2800];
	v48 =	vmul.u32 $0x64000, v48;
	v49 =	vmul.u32 $0x64000, v49;
	vm8 =	vge.u32 v19, v15  }
0x30e: {  	v51 =	vld [tilespmem:s30+$0x2810];
	vm9 =	vlt.u32 v19, v16;
	v19 =	vor.u32 v1, v34;
	v43 =	vadd.s32 v54, v63  }
0x30f: {  	v55 =	vld [tilespmem:s30+$0x2820];
	vm14 =	vmand vm0, vm1;
	vm15 =	vmand vm2, vm3;
	vm1 =	vmand vm4, vm5  }
0x310: {  	vm2 =	vmand vm6, vm7;
	vm0 =	vmand vm10, vm11;
	vm10 =	vlt.s32 v8, $0x2710  }
0x311: {  	v37 =	vand.u32 $0x78F, v8;
	vm5 =	vlt.s32 v20, $0x2710;
	vm7 =	vlt.s32 v57, $0x2710  }
0x312: {  	v46 =	vmul.u32 $0x271, v21;
	v4 =	vsub.s32 v4, v60;
	v5 =	vsub.s32 v5, v40  }
0x313: {  	v56 =	vsub.s32 v21, v15;
	v39 =	vsub.s32 v47, v60;
	v53 =	vmul.u32 $0x64000, v53  }
0x314: {  	v58 =	vld [tilespmem:s30+$0x2840];
	v60 =	vmul.u32 $0x280, v38;
	v38 =	vsub.s32 v51, v40;
	v40 =	vsub.s32 v55, v42  }
0x315: {  	vm12 =	vge.u32 v21, v15;
	vm13 =	vlt.u32 v21, v16;
	v21 =	vor.u32 v29, v34  }
0x316: {  	vm3 =	vmand vm8, vm9;
	vm11 =	vlt.s32 v19, $0x2710;
	v36 =	vand.u32 $0x79F, v19  }
0x317: {  	vm8 =	vlt.s32 v35, $0x2710;
	v42 =	vand.u32 $0x7CF, v35;
	vm10 =	vmand vm10, vm14  }
0x318: {  	v22 =	vsub.s32 v22, v44;
	v56 =	vmul.u32 $0x64000, v56;
	v4 =	vmul.u32 $0x280, v4  }
0x319: {  	v5 =	vmul.u32 $0x280, v5;
	v62 =	vsub.s32 v58, v44;
	v39 =	vadd.s32 v48, v39  }
0x31a: {  	v47 =	vld [tilespmem:s30+$0x2860];
	v38 =	vadd.s32 v49, v38;
	v58 =	vor.u32 v32, v34;
	v59 =	vadd.s32 v50, v40  }
0x31b: {  	vm4 =	vmand vm12, vm13;
	v40 =	vand.u32 $0x7AF, v20;
	vm6 =	vlt.s32 v21, $0x2710  }
0x31c: {  	v44 =	vand.u32 $0x7DF, v57;
	vm11 =	vmand vm11, vm15;
	v41 =	vsub.s32 v41, v46  }
0x31d: {  	v22 =	vmul.u32 $0x280, v22;
	v62 =	vadd.s32 v53, v62;
	vm9 =	vlt.s32 v58, $0x2710  }
0x31e: {  	v48 =	vand.u32 $0x7EF, v58;
	v35 =	vadd.s32 v60, v43;
	v51 =	vmul.u32 $0x280, v41  }
0x31f: {  	v41 =	vand.u32 $0x7BF, v21;
	v45 =	vadd.s32 v4, v39;
	v55 =	vsub.s32 v47, v46  }
0x320: {  	v39 =	vadd.s32 v22, v62;
	v46 =	vadd.s32 v5, v38;
	v63 =	vadd.s32 v56, v55  }
0x321: {  	s31 =	simm.s32 $0x200;
	s1 =	simm.s32 $0x80;
	s21 =	simm.s32 $0x400;
	[tilespmem:s30+$0x5070] =	vst v2;
	v47 =	vadd.s32 v6, v59;
	v38 =	vadd.s32 v7, v61;
	v43 =	vadd.s32 v51, v63  }
.LBB2_16:
0x322: {  	p0 =	sne.s32 s21, $0x9E00;
	v2 =	vld [tilespmem:s1+$0x70];
	vm1 =	vmand vm5, vm1;
	vm2 =	vmand vm6, vm2;
	vm3 =	vmand vm8, vm3  }
0x323: {  	v5 =	vor.u32 $0xC8000, v37;
	vm0 =	vmand vm7, vm0;
	vm4 =	vmand vm9, vm4;
	v4 =	vld [tilespmem:s1+$0x0]  }
0x324: {  	v7 =	vor.u32 $0xC8000, v36;
	v8 =	vor.u32 $0xC8000, v40;
	v19 =	vor.u32 $0xC8000, v41;
	v6 =	vld [tilespmem:s1+$0x10]  }
0x325: {  	v21 =	vor.u32 $0xC8000, v42;
	v22 =	vor.u32 $0xC8000, v44;
	v36 =	vor.u32 $0xC8000, v48;
	v20 =	vld [tilespmem:s1+$0x20]  }
0x326: {  	v5 =	vsel vm10, v45, v5;
	v7 =	vsel vm11, v46, v7;
	v8 =	vsel vm1, v47, v8;
	v37 =	vld [tilespmem:s1+$0x30]  }
0x327: {  	v40 =	vld [tilespmem:s1+$0x40];
	v41 =	vmul.u32 $0x1A37, v2;
	[tilespmem:s30+$0x5000] =	vst v5;
	v5 =	vsel vm2, v38, v19;
	v19 =	vsel vm3, v39, v21  }
0x328: {  	v21 =	vmul.u32 $0x1A37, v4;
	v38 =	vld [tilespmem:s1+$0x2870];
	[tilespmem:s30+$0x5010] =	vst v7;
	v7 =	vsel vm0, v35, v22;
	v22 =	vsel vm4, v43, v36  }
0x329: {  	v34 =	vadd.s32 $0x80, v34;
	v35 =	vmul.u32 $0x1A37, v6;
	v36 =	vld [tilespmem:s1+$0x50];
	v39 =	vshrl.u32 v41, $0x16;
	[tilespmem:s30+$0x5020] =	vst v8  }
0x32a: {  	v43 =	vor.u32 v33, v34;
	v8 =	vmul.u32 $0x1A37, v20;
	v41 =	vld [tilespmem:s1+$0x60];
	v42 =	vmul.u32 $0x271, v39;
	[tilespmem:s30+$0x5030] =	vst v5  }
0x32b: {  	vm0 =	vlt.s32 v43, $0x2710;
	v45 =	vsub.s32 v39, v15;
	v5 =	vld [tilespmem:s1+$0x2800];
	v44 =	vmul.u32 $0x1A37, v37;
	[tilespmem:s30+$0x5040] =	vst v19  }
0x32c: {  	vm1 =	vge.u32 v39, v15;
	v45 =	vmul.u32 $0x64000, v45;
	v19 =	vld [tilespmem:s1+$0x2810];
	v2 =	vsub.s32 v2, v42;
	[tilespmem:s30+$0x5050] =	vst v7  }
0x32d: {  	vm2 =	vlt.u32 v39, v16;
	v7 =	vld [tilespmem:s1+$0x2820];
	v2 =	vmul.u32 $0x280, v2;
	v38 =	vsub.s32 v38, v42;
	[tilespmem:s30+$0x5060] =	vst v22;
	s30 =	smov.u32 s1  }
0x32e: {  	v39 =	vand.u32 $0x7FF, v43;
	vm1 =	vmand vm1, vm2;
	v22 =	vld [tilespmem:s30+$0x2830];
	v38 =	vadd.s32 v45, v38  }
0x32f: {  	vm0 =	vmand vm0, vm1;
	v42 =	vld [tilespmem:s30+$0x2840];
	v2 =	vadd.s32 v2, v38;
	v38 =	vor.u32 $0xC8000, v39  }
0x330: {  	v45 =	vmul.u32 $0x1A37, v36;
	v39 =	vmul.u32 $0x1A37, v40;
	v43 =	vld [tilespmem:s30+$0x2850];
	v2 =	vsel vm0, v2, v38  }
0x331: {  	v21 =	vshrl.u32 v21, $0x16;
	v35 =	vshrl.u32 v35, $0x16;
	v46 =	vmul.u32 $0x1A37, v41;
	v38 =	vld [tilespmem:s30+$0x2860];
	[tilespmem:s30+$0x5070] =	vst v2  }
0x332: {  	v2 =	vshrl.u32 v8, $0x16;
	v8 =	vshrl.u32 v44, $0x16;
	v39 =	vshrl.u32 v39, $0x16  }
0x333: {  	v45 =	vshrl.u32 v45, $0x16;
	v44 =	vmul.u32 $0x271, v21;
	v46 =	vshrl.u32 v46, $0x16  }
0x334: {  	v47 =	vmul.u32 $0x271, v35;
	v48 =	vmul.u32 $0x271, v2;
	v49 =	vmul.u32 $0x271, v8  }
0x335: {  	v51 =	vmul.u32 $0x271, v45;
	v50 =	vmul.u32 $0x271, v39;
	v52 =	vmul.u32 $0x271, v46  }
0x336: {  	v53 =	vsub.s32 v21, v15;
	v54 =	vsub.s32 v35, v15;
	v55 =	vsub.s32 v2, v15  }
0x337: {  	v58 =	vsub.s32 v45, v15;
	v56 =	vsub.s32 v8, v15;
	v57 =	vsub.s32 v39, v15  }
0x338: {  	v6 =	vsub.s32 v6, v47;
	v59 =	vsub.s32 v46, v15;
	v4 =	vsub.s32 v4, v44  }
0x339: {  	v20 =	vsub.s32 v20, v48;
	v37 =	vsub.s32 v37, v49;
	v40 =	vsub.s32 v40, v50  }
0x33a: {  	v53 =	vmul.u32 $0x64000, v53;
	v36 =	vsub.s32 v36, v51;
	v41 =	vsub.s32 v41, v52  }
0x33b: {  	v54 =	vmul.u32 $0x64000, v54;
	v55 =	vmul.u32 $0x64000, v55;
	v56 =	vmul.u32 $0x64000, v56  }
0x33c: {  	v58 =	vmul.u32 $0x64000, v58;
	v57 =	vmul.u32 $0x64000, v57;
	v59 =	vmul.u32 $0x64000, v59  }
0x33d: {  	v6 =	vmul.u32 $0x280, v6;
	v4 =	vmul.u32 $0x280, v4;
	v20 =	vmul.u32 $0x280, v20  }
0x33e: {  	v62 =	vmul.u32 $0x280, v36;
	v60 =	vmul.u32 $0x280, v37;
	v61 =	vmul.u32 $0x280, v40  }
0x33f: {  	v19 =	vsub.s32 v19, v47;
	v5 =	vsub.s32 v5, v44;
	v63 =	vmul.u32 $0x280, v41  }
0x340: {  	v7 =	vsub.s32 v7, v48;
	v22 =	vsub.s32 v22, v49;
	v36 =	vsub.s32 v42, v50  }
0x341: {  	vm0 =	vge.u32 v21, v15;
	v37 =	vsub.s32 v43, v51;
	v38 =	vsub.s32 v38, v52  }
0x342: {  	vm1 =	vlt.u32 v21, v16;
	vm2 =	vge.u32 v35, v15;
	vm3 =	vlt.u32 v35, v16  }
0x343: {  	vm4 =	vge.u32 v2, v15;
	vm6 =	vlt.u32 v2, v16;
	vm5 =	vge.u32 v8, v15  }
0x344: {  	vm7 =	vlt.u32 v8, v16;
	vm8 =	vge.u32 v39, v15;
	vm9 =	vlt.u32 v39, v16  }
0x345: {  	vm12 =	vge.u32 v45, v15;
	vm13 =	vlt.u32 v45, v16;
	vm14 =	vge.u32 v46, v15  }
0x346: {  	v2 =	vor.u32 v0, v34;
	v8 =	vor.u32 v1, v34;
	vm15 =	vlt.u32 v46, v16  }
0x347: {  	v35 =	vor.u32 v29, v34;
	v21 =	vor.u32 v3, v34;
	v39 =	vor.u32 v30, v34  }
0x348: {  	v45 =	vor.u32 v32, v34;
	v5 =	vadd.s32 v53, v5;
	v43 =	vor.u32 v31, v34  }
0x349: {  	v19 =	vadd.s32 v54, v19;
	v7 =	vadd.s32 v55, v7;
	v22 =	vadd.s32 v56, v22  }
0x34a: {  	v49 =	vadd.s32 v57, v36;
	v50 =	vadd.s32 v58, v37;
	v51 =	vadd.s32 v59, v38  }
0x34b: {  	vm11 =	vmand vm2, vm3;
	vm10 =	vmand vm0, vm1;
	vm1 =	vmand vm4, vm6  }
0x34c: {  	vm0 =	vmand vm12, vm13;
	vm2 =	vmand vm5, vm7;
	vm3 =	vmand vm8, vm9  }
0x34d: {  	vm12 =	vlt.s32 v2, $0x2710;
	vm4 =	vmand vm14, vm15;
	v37 =	vand.u32 $0x78F, v2  }
0x34e: {  	vm13 =	vlt.s32 v8, $0x2710;
	vm5 =	vlt.s32 v21, $0x2710;
	v36 =	vand.u32 $0x79F, v8  }
0x34f: {  	vm6 =	vlt.s32 v35, $0x2710;
	v40 =	vand.u32 $0x7AF, v21;
	v41 =	vand.u32 $0x7BF, v35  }
.Ltmp7:
0x350: {  	vm8 =	vlt.s32 v39, $0x2710;
	v42 =	vand.u32 $0x7CF, v39;
	vm7 =	vlt.s32 v43, $0x2710;
	(pc) =	sbr.rel @p0 .LBB2_16-.Ltmp7, $4  }
0x351: {  	vm9 =	vlt.s32 v45, $0x2710;
	v48 =	vand.u32 $0x7EF, v45;
	v44 =	vand.u32 $0x7DF, v43  }
0x352: {  	v46 =	vadd.s32 v6, v19;
	v45 =	vadd.s32 v4, v5;
	v47 =	vadd.s32 v20, v7  }
0x353: {  	v38 =	vadd.s32 v60, v22;
	v39 =	vadd.s32 v61, v49;
	v35 =	vadd.s32 v62, v50  }
0x354: {  	s1 =	sshra.s32 s21, $0x2;
	s21 =	sadd.s32 $0x200, s21;
	vm10 =	vmand vm12, vm10;
	vm11 =	vmand vm13, vm11;
	v43 =	vadd.s32 v63, v51  }
0x355: {  	v2 =	vld [tilespmem:s1+$0x70]  }
0x356: {  	vm1 =	vmand vm5, vm1;
	vm2 =	vmand vm6, vm2;
	vm3 =	vmand vm8, vm3;
	v4 =	vld [tilespmem:s1+$0x0]  }
0x357: {  	v5 =	vor.u32 $0xC8000, v37;
	vm0 =	vmand vm7, vm0;
	vm4 =	vmand vm9, vm4;
	v6 =	vld [tilespmem:s1+$0x10]  }
0x358: {  	v7 =	vor.u32 $0xC8000, v36;
	v8 =	vor.u32 $0xC8000, v40;
	v19 =	vor.u32 $0xC8000, v41;
	v20 =	vld [tilespmem:s1+$0x20]  }
0x359: {  	v21 =	vor.u32 $0xC8000, v42;
	v22 =	vor.u32 $0xC8000, v44;
	v44 =	vor.u32 $0xC8000, v48;
	v37 =	vld [tilespmem:s1+$0x30]  }
0x35a: {  	v40 =	vld [tilespmem:s1+$0x40];
	v34 =	vadd.s32 $0x80, v34;
	v5 =	vsel vm10, v45, v5;
	v7 =	vsel vm11, v46, v7  }
0x35b: {  	v8 =	vsel vm1, v47, v8;
	v22 =	vsel vm0, v35, v22;
	v53 =	vor.u32 v33, v34  }
0x35c: {  	v35 =	vsel vm4, v43, v44;
	[tilespmem:s30+$0x5000] =	vst v5;
	v5 =	vsel vm2, v38, v19;
	v56 =	vand.u32 $0x7FF, v53  }
0x35d: {  	v19 =	vsel vm3, v39, v21;
	vm9 =	vlt.s32 v53, $0x2710;
	v57 =	vor.u32 $0xC8000, v56  }
0x35e: {  	v48 =	vld [tilespmem:s1+$0x2870];
	[tilespmem:s30+$0x5010] =	vst v7;
	v47 =	vmul.u32 $0x1A37, v2;
	v21 =	vmul.u32 $0x1A37, v4;
	v49 =	vmul.u32 $0x1A37, v6  }
0x35f: {  	v39 =	vld [tilespmem:s1+$0x50];
	[tilespmem:s30+$0x5020] =	vst v8;
	v51 =	vmul.u32 $0x1A37, v20;
	v8 =	vmul.u32 $0x1A37, v37;
	v58 =	vmul.u32 $0x1A37, v40  }
0x360: {  	v50 =	vshrl.u32 v47, $0x16;
	v21 =	vshrl.u32 v21, $0x16;
	v7 =	vshrl.u32 v49, $0x16  }
0x361: {  	v45 =	vld [tilespmem:s1+$0x60];
	[tilespmem:s30+$0x5030] =	vst v5;
	v5 =	vshrl.u32 v51, $0x16;
	v8 =	vshrl.u32 v8, $0x16;
	v52 =	vmul.u32 $0x271, v50  }
0x362: {  	v54 =	vsub.s32 v50, v15;
	vm10 =	vge.u32 v50, v15;
	vm11 =	vlt.u32 v50, v16  }
0x363: {  	v41 =	vld [tilespmem:s1+$0x2800];
	[tilespmem:s30+$0x5040] =	vst v19;
	v61 =	vmul.u32 $0x271, v21;
	v19 =	vmul.u32 $0x271, v7;
	v46 =	vmul.u32 $0x271, v8  }
0x364: {  	v62 =	vld [tilespmem:s1+$0x2810];
	[tilespmem:s30+$0x5050] =	vst v22;
	v22 =	vsub.s32 v21, v15;
	v51 =	vsub.s32 v7, v15;
	vm2 =	vge.u32 v7, v15  }
0x365: {  	vm3 =	vlt.u32 v7, v16;
	vm4 =	vge.u32 v5, v15;
	vm5 =	vlt.u32 v5, v16  }
0x366: {  	vm6 =	vge.u32 v8, v15;
	vm7 =	vlt.u32 v8, v16;
	v44 =	vmul.u32 $0x64000, v54  }
0x367: {  	vm1 =	vmand vm10, vm11;
	v59 =	vmul.u32 $0x1A37, v39;
	v54 =	vsub.s32 v8, v15  }
0x368: {  	v22 =	vmul.u32 $0x64000, v22;
	v51 =	vmul.u32 $0x64000, v51;
	v8 =	vor.u32 v3, v34  }
0x369: {  	vm15 =	vmand vm2, vm3;
	vm4 =	vmand vm4, vm5;
	vm3 =	vmand vm6, vm7  }
0x36a: {  	v2 =	vsub.s32 v2, v52;
	v38 =	vsub.s32 v48, v52;
	vm0 =	vmand vm9, vm1  }
0x36b: {  	v60 =	vmul.u32 $0x1A37, v45;
	v52 =	vsub.s32 v5, v15;
	v4 =	vsub.s32 v4, v61  }
0x36c: {  	v6 =	vsub.s32 v6, v19;
	v37 =	vsub.s32 v37, v46;
	v54 =	vmul.u32 $0x64000, v54  }
0x36d: {  	vm1 =	vlt.u32 v21, v16;
	vm7 =	vlt.s32 v8, $0x2710;
	v8 =	vand.u32 $0x7AF, v8  }
0x36e: {  	v2 =	vmul.u32 $0x280, v2;
	v55 =	vadd.s32 v44, v38;
	v38 =	vshrl.u32 v58, $0x16  }
0x36f: {  	v42 =	vshrl.u32 v59, $0x16;
	v44 =	vmul.u32 $0x271, v5;
	v52 =	vmul.u32 $0x64000, v52  }
0x370: {  	v41 =	vsub.s32 v41, v61;
	v4 =	vmul.u32 $0x280, v4;
	v6 =	vmul.u32 $0x280, v6  }
0x371: {  	v37 =	vmul.u32 $0x280, v37;
	v5 =	vor.u32 v0, v34;
	vm4 =	vmand vm7, vm4  }
0x372: {  	v36 =	vshrl.u32 v60, $0x16;
	v63 =	vmul.u32 $0x271, v38;
	v49 =	vmul.u32 $0x271, v42  }
0x373: {  	v53 =	vld [tilespmem:s1+$0x2820];
	v56 =	vsub.s32 v42, v15;
	v19 =	vsub.s32 v62, v19;
	vm8 =	vge.u32 v38, v15  }
0x374: {  	vm9 =	vlt.u32 v38, v16;
	vm10 =	vge.u32 v42, v15;
	vm11 =	vlt.u32 v42, v16  }
0x375: {  	v22 =	vadd.s32 v22, v41;
	vm5 =	vlt.s32 v5, $0x2710;
	v5 =	vand.u32 $0x78F, v5  }
0x376: {  	v2 =	vadd.s32 v2, v55;
	v50 =	vmul.u32 $0x271, v36;
	v55 =	vsub.s32 v38, v15  }
0x377: {  	v60 =	vsub.s32 v36, v15;
	v20 =	vsub.s32 v20, v44;
	v56 =	vmul.u32 $0x64000, v56  }
0x378: {  	v44 =	vsub.s32 v53, v44;
	vm12 =	vge.u32 v36, v15;
	vm13 =	vlt.u32 v36, v16  }
0x379: {  	v53 =	vor.u32 v30, v34;
	v19 =	vadd.s32 v51, v19;
	vm2 =	vmand vm8, vm9  }
0x37a: {  	[tilespmem:s30+$0x5060] =	vst v35;
	v4 =	vadd.s32 v4, v22;
	v5 =	vor.u32 $0xC8000, v5;
	v2 =	vsel vm0, v2, v57  }
0x37b: {  	v58 =	vld [tilespmem:s1+$0x2840];
	v40 =	vsub.s32 v40, v63;
	v39 =	vsub.s32 v39, v49;
	v55 =	vmul.u32 $0x64000, v55  }
0x37c: {  	v59 =	vld [tilespmem:s1+$0x2850];
	v35 =	vmul.u32 $0x64000, v60;
	v20 =	vmul.u32 $0x280, v20;
	vm0 =	vge.u32 v21, v15  }
0x37d: {  	v61 =	vld [tilespmem:s1+$0x2860];
	v21 =	vor.u32 v29, v34;
	vm9 =	vlt.s32 v53, $0x2710;
	v36 =	vand.u32 $0x7CF, v53  }
0x37e: {  	v6 =	vadd.s32 v6, v19;
	v45 =	vsub.s32 v45, v50;
	v40 =	vmul.u32 $0x280, v40  }
0x37f: {  	v39 =	vmul.u32 $0x280, v39;
	vm14 =	vmand vm0, vm1;
	vm1 =	vmand vm10, vm11  }
0x380: {  	vm0 =	vmand vm12, vm13;
	vm8 =	vlt.s32 v21, $0x2710;
	v21 =	vand.u32 $0x7BF, v21  }
0x381: {  	vm2 =	vmand vm9, vm2;
	v45 =	vmul.u32 $0x280, v45;
	v62 =	vsub.s32 v58, v63  }
0x382: {  	v63 =	vsub.s32 v59, v49;
	v43 =	vsub.s32 v61, v50;
	v50 =	vor.u32 v1, v34  }
0x383: {  	v58 =	vadd.s32 v52, v44;
	vm5 =	vmand vm5, vm14;
	vm3 =	vmand vm8, vm3  }
0x384: {  	v57 =	vld [tilespmem:s1+$0x2830];
	v60 =	vadd.s32 v55, v62;
	v61 =	vadd.s32 v56, v63;
	v35 =	vadd.s32 v35, v43  }
0x385: {  	vm6 =	vlt.s32 v50, $0x2710;
	v7 =	vand.u32 $0x79F, v50;
	v19 =	vadd.s32 v20, v58  }
0x386: {  	v4 =	vsel vm5, v4, v5;
	v5 =	vor.u32 $0xC8000, v8;
	v63 =	vor.u32 $0xC8000, v36  }
0x387: {  	[tilespmem:s1+$0x5070] =	vst v2;
	v22 =	vadd.s32 v40, v60;
	v62 =	vadd.s32 v39, v61;
	vm6 =	vmand vm6, vm15  }
0x388: {  	v2 =	vadd.s32 v45, v35;
	v7 =	vor.u32 $0xC8000, v7;
	[tilespmem:s1+$0x5000] =	vst v4;
	v4 =	vor.u32 $0xC8000, v21  }
0x389: {  	v5 =	vsel vm4, v19, v5;
	v46 =	vsub.s32 v57, v46;
	v57 =	vor.u32 v31, v34  }
0x38a: {  	v34 =	vor.u32 v32, v34;
	v6 =	vsel vm6, v6, v7;
	v59 =	vadd.s32 v54, v46  }
0x38b: {  	[tilespmem:s1+$0x5020] =	vst v5;
	vm12 =	vlt.s32 v57, $0x2710;
	v38 =	vand.u32 $0x7DF, v57;
	vm13 =	vlt.s32 v34, $0x2710  }
0x38c: {  	v34 =	vand.u32 $0x7EF, v34;
	[tilespmem:s1+$0x5010] =	vst v6;
	v6 =	vsel vm2, v22, v63;
	v20 =	vadd.s32 v37, v59  }
0x38d: {  	vm1 =	vmand vm12, vm1;
	v5 =	vor.u32 $0xC8000, v38;
	[tilespmem:s1+$0x5040] =	vst v6;
	v4 =	vsel vm3, v20, v4  }
0x38e: {  	vm0 =	vmand vm13, vm0;
	v5 =	vsel vm1, v62, v5;
	[tilespmem:s1+$0x5030] =	vst v4;
	v4 =	vor.u32 $0xC8000, v34  }
0x38f: {  	[tilespmem:s1+$0x5050] =	vst v5;
	v2 =	vsel vm0, v2, v4  }
0x390: {  	s30 =	simm.s32 $0x5000;
	[tilespmem:s1+$0x5060] =	vst v2  }
0x391: {  	[spmem:s2] =	stream.indirect.scatter.add.f32 [tilespmem:s24], [sflag:$0x1], $0x1, s30, s23, $0xb8;
	[tilespmem:$0x15B80] =	vst v63  }
0x392: {  	_ =	swait.ge [sflag:s20], $0x80  }
.LBB2_18:
0x393: {  	s1 =	sshra.s32 s31, $0x2;
	[sflag:s20] =	ssyncset.done $0x0;
	p0 =	sne.s32 s31, $0x9E00  }
.Ltmp8:
0x394: {  	s1 =	sadd.s32 $0x5000, s1;
	[sflag:s20] =	ssyncadd.s32 $0xFFFFFF80;
	(pc) =	sbr.rel @p0 .LBB2_18-.Ltmp8, $3  }
0x395: {  	[spmem:s2] =	stream.indirect.scatter.add.f32 [tilespmem:s24], [sflag:$0x1], $0x1, s1, s23, $0xb8;
	[tilespmem:$0x15B80] =	vst v63  }
0x396: {  	s31 =	sadd.s32 $0x200, s31;
	_ =	sdelay $0x1  }
0x397: {  	_ =	swait.ge [sflag:s20], $0x80  }
0x398: {  	[sflag:s20] =	ssyncset.done $0x0  }
0x399: {  	[sflag:s20] =	ssyncadd.s32 $0xFFFFFF80  }
0x39a: {  	[spmem:s2] =	stream.indirect.scatter.add.f32 [tilespmem:s24], [sflag:$0x1], $0x1, s25, s23, $0xb8;
	[tilespmem:$0x15B80] =	vst v63  }
0x39b: {  	_ =	swait.ge [sflag:s20], $0x80  }
0x39c: {  	[sflag:s20] =	ssyncset.done $0x0  }
0x39d: {  	[sflag:s20] =	ssyncadd.s32 $0xFFFFFF80  }
0x39e: {  	[spmem:s2] =	stream.indirect.scatter.add.f32 [tilespmem:s24], [sflag:$0x1], $0x1, s26, s23, $0xb8;
	[tilespmem:$0x15B80] =	vst v63  }
0x39f: {  	_ =	swait.ge [sflag:s20], $0x80  }
0x3a0: {  	[sflag:s20] =	ssyncset.done $0x0  }
0x3a1: {  	s3 =	sadd.s32 $0x1, s3;
	[sflag:s20] =	ssyncadd.s32 $0xFFFFFF80  }
0x3a2: {  	p0 =	sne.s32 s3, s12;
	[bflag:$0x0] =	sbarrier.arrive $0xFFFF  }
0x3a3: {  	[hbm:s11], [sflag:s28] =	dma.local [spmem:s29], $0x1900  }
.Ltmp9:
0x3a4: {  	_ =	swait.ge [sflag:s20], $0x1900;
	(pc) =	sbr.rel @p0 .LBB2_1-.Ltmp9, $3  }
0x3a5: {  	[sflag:s20] =	ssyncset.done $0x0  }
0x3a6: {  	[sflag:s20] =	ssyncadd.s32 $0xFFFFE700  }
0x3a7: {  	[bflag:$0x0] =	sbarrier.arrive $0xFFFF;
	_ =	sdelay $0x1  }
0x3a8: {  	_ =	sfence.sel $0x180000  }
0x3a9: {  	[bflag:$0x0] =	sbarrier.arrive $0xFFFF  }
0x3aa: {  	_ =	strace $0x90000047  }
0x3ab: {  	[bflag:$0x2] =	sbarrier.arrive $0xFFFF  }
0x3ac: {  	p0 =	sne.s32 s0, $0x0;
	s0 =	rddreg [dreg:$0x2]  }
0x3ad: {  	s0 =	sadd.s32 @!p0 $0x100000, s0  }
0x3ae: {  	[sflag:s0] =	ssyncadd.tile.s32 @!p0 $0x1;
	_ =	shalt  }
.Lfunc_end2:
_tile_overlayer_lowered:
.L_overlay_start_2:
0x3af: {  	(tag) =	ssettag $0x2  }
0x3b0: {  	s0 =	rddreg [dreg:$0x0];
	s2 =	stileid.u32  }
0x3b1: {  	s1 =	rddreg [dreg:$0x1];
	p0 =	sne.s32 s2, $0x0  }
0x3b2: {  	s3 =	rddreg [dreg:$0x2];
	[bflag:$0x3] =	sbarrier.arrive $0xFFFF;
	s2 =	simm.s32 @!p0 $0x1C01  }
0x3b3: {  	[timem:s3], [sflag:s2] =	dma.local @!p0 [hbm:s0], s1  }
0x3b4: {  	s0 =	simm.s32 @!p0 $0x1  }
0x3b5: {  	_ =	swait.ge @!p0 [sflag:s0], s1  }
0x3b6: {  	s1 =	ssub.s32 @!p0 $0x0, s1;
	[sflag:s0] =	ssyncset.done @!p0 $0x0  }
0x3b7: {  	[sflag:s0] =	ssyncadd.s32 @!p0 s1  }
0x3b8: {  	[bflag:$0x3] =	sbarrier.arrive $0xFFFF  }
0x3b9: {  	_ =	shalt  }

</sc_bundles>
